<compile_context>
chip_gen: v7x
topology: tpu7x:2x2x1
jax: 0.10.2.dev20260603
libtpu: 0.0.44.dev20260713+nightly
codegen_flags: <defaults>
</compile_context>

<pallas_src>
import functools

import numpy as np
import jax
import jax.numpy as jnp
from jax import lax
from jax.experimental import pallas as pl
from jax.experimental.pallas import tpu as pltpu
from jax.experimental.pallas import tpu_sc as plsc

_MIN_DISABLED = 4
_MAX_DISABLED = 16


def _disabled_tofs(tof_count, min_c, max_c, seed=0):
    rng = np.random.RandomState(seed)
    disabled_count = int(rng.randint(min_c, max_c + 1))
    initial = int(rng.randint(0, tof_count))
    disabled = [initial]
    tof_list = rng.permutation(tof_count)
    tof_list = tof_list[tof_list != initial]
    for _ in range(disabled_count - 1):
        perm = rng.permutation(len(disabled))
        permuted = [disabled[i] for i in perm]
        opposite_found = False
        for cur in permuted:
            new_opp = (cur + tof_count // 2) % tof_count
            if new_opp not in disabled:
                disabled.append(int(new_opp))
                tof_list = tof_list[tof_list != new_opp]
                opposite_found = True
                break
        if not opposite_found:
            new_el = int(tof_list[0])
            tof_list = tof_list[tof_list != new_el]
            disabled.append(new_el)
    return np.asarray(disabled, dtype=np.int64)


_N_ROWS, _N_COLS = 65536, 512
_NC, _NS, _LANES = 2, 16, 16
_NW = _NC * _NS
_RPW = _N_ROWS // _NW
_C = 64
_NBUF = 3
_NCHUNK = _RPW // _C
_NLOOP = (_NCHUNK // _NBUF) * _NBUF

_dis_np = _disabled_tofs(_N_COLS, _MIN_DISABLED, _MAX_DISABLED, 0)
_DIS16 = np.full((_LANES,), _dis_np[0], np.int32)
_DIS16[: len(_dis_np)] = _dis_np.astype(np.int32)


def _sc_body(img, dis, out, buf, dis_v, *sems):
    wid = lax.axis_index("s") * _NC + lax.axis_index("c")
    base = wid * _RPW
    pltpu.sync_copy(dis, dis_v)
    dvec = dis_v[...]
    zeros = jnp.zeros((_LANES,), jnp.float32)
    s_in = sems[:_NBUF]
    s_out = sems[_NBUF:]

    def start_in(b, chunk):
        pltpu.async_copy(img.at[pl.ds(base + chunk * _C, _C)], buf.at[b], s_in[b])

    def wait_in(b):
        pltpu.make_async_copy(img.at[pl.ds(0, _C)], buf.at[b], s_in[b]).wait()

    def start_out(b, chunk):
        pltpu.async_copy(buf.at[b], out.at[pl.ds(base + chunk * _C, _C)], s_out[b])

    def wait_out(b):
        pltpu.make_async_copy(buf.at[b], out.at[pl.ds(0, _C)], s_out[b]).wait()

    def do_chunk(b, i):
        bp = (b + 1) % _NBUF

        @pl.when(jnp.logical_and(i >= 2, i + 1 < _NCHUNK))
        def _():
            wait_out(bp)
            start_in(bp, i + 1)

        @pl.when(jnp.logical_and(jnp.logical_and(i >= 1, i < 2), i + 1 < _NCHUNK))
        def _():
            start_in(bp, i + 1)

        wait_in(b)
        for r in range(_C):
            plsc.store_scatter(
                buf.at[b], [jnp.full((_LANES,), r, jnp.int32), dvec], zeros
            )
        start_out(b, i)

    start_in(0, 0)
    start_in(1, 1)

    def group(g, carry):
        for b in range(_NBUF):
            do_chunk(b, g * _NBUF + b)
        return carry

    lax.fori_loop(0, _NLOOP // _NBUF, group, 0)
    for i in range(_NLOOP, _NCHUNK):
        do_chunk(i % _NBUF, jnp.int32(i))
    for b in range(_NBUF):
        wait_out(b)


@jax.jit
def _disable_tofs_sc(img, dis):
    mesh = plsc.VectorSubcoreMesh(core_axis_name="c", subcore_axis_name="s")
    return pl.kernel(
        _sc_body,
        out_type=jax.ShapeDtypeStruct((_N_ROWS, _N_COLS), jnp.float32),
        mesh=mesh,
        compiler_params=pltpu.CompilerParams(needs_layout_passes=False),
        scratch_types=[
            pltpu.VMEM((_NBUF, _C, _N_COLS), jnp.float32),
            pltpu.VMEM((_LANES,), jnp.int32),
        ]
        + [pltpu.SemaphoreType.DMA] * (2 * _NBUF),
    )(img, dis)


def kernel(img):
    return _disable_tofs_sc(img, jnp.asarray(_DIS16))

# --- scband reference (transcript-rebuilt; emitter-appended) ---
"""Pipeline reference for scband-disable-opposite-tofs-25494925869705 (READ-ONLY COPY).

The authoritative reference and input builder live on the scoring server;
editing this copy changes nothing except your own understanding.
"""

import jax, jax.numpy as jnp
import numpy as np

MIN_DISABLED = 4
MAX_DISABLED = 16


def _compute_disabled_tofs(tof_count, min_c, max_c, seed=0):
    # Deterministic replica of the torch module's randomized selection logic.
    rng = np.random.RandomState(seed)
    disabled_count = int(rng.randint(min_c, max_c + 1))
    initial = int(rng.randint(0, tof_count))
    disabled = [initial]
    tof_list = rng.permutation(tof_count)
    tof_list = tof_list[tof_list != initial]
    for _ in range(disabled_count - 1):
        perm = rng.permutation(len(disabled))
        permuted = [disabled[i] for i in perm]
        opposite_found = False
        for cur in permuted:
            new_opp = (cur + tof_count // 2) % tof_count
            if new_opp not in disabled:
                disabled.append(int(new_opp))
                tof_list = tof_list[tof_list != new_opp]
                opposite_found = True
                break
        if not opposite_found:
            new_el = int(tof_list[0])
            tof_list = tof_list[tof_list != new_el]
            disabled.append(new_el)
    assert min_c <= len(disabled) <= max_c
    return np.asarray(disabled, dtype=np.int64)


def setup_inputs(seed: int = 0) -> dict:
    key = jax.random.key(seed)
    img = jax.random.normal(key, (65536, 512), dtype=jnp.float32)
    return {"img": img}


def reference(img) -> jnp.ndarray:
    tof_count = img.shape[-1]
    disabled = _compute_disabled_tofs(tof_count, MIN_DISABLED, MAX_DISABLED, seed=0)
    disabled = jnp.asarray(disabled, dtype=jnp.int32)
    # img_copy[:, disabled_tofs] = 0.0  -> scatter-overwrite of whole columns
    out = img.at[:, disabled].set(0.0)
    return out

if __name__ == "__main__":
    import jax
    _d = setup_inputs()
    print(jax.jit(kernel)(*tuple(_d.values())))

</pallas_src>

<mosaic_0001>
#map = affine_map<(d0, d1) -> (0, 0)>
#map1 = affine_map<(d0, d1) -> (0)>
module attributes {stable_mosaic.version = 14 : i64} {
  func.func @_sc_body(%arg0: i32, %arg1: i32, %arg2: memref<65536x512xf32, #tpu.memory_space<hbm>>, %arg3: memref<16xi32, #tpu.memory_space<hbm>>, %arg4: memref<65536x512xf32, #tpu.memory_space<hbm>>, %arg5: memref<3x64x512xf32, #tpu.memory_space<vmem>>, %arg6: memref<16xi32, #tpu.memory_space<vmem>>, %arg7: memref<!tpu.dma_semaphore, #tpu.memory_space<semaphore_mem>>, %arg8: memref<!tpu.dma_semaphore, #tpu.memory_space<semaphore_mem>>, %arg9: memref<!tpu.dma_semaphore, #tpu.memory_space<semaphore_mem>>, %arg10: memref<!tpu.dma_semaphore, #tpu.memory_space<semaphore_mem>>, %arg11: memref<!tpu.dma_semaphore, #tpu.memory_space<semaphore_mem>>, %arg12: memref<!tpu.dma_semaphore, #tpu.memory_space<semaphore_mem>>) attributes {dimension_semantics = [#tpu.dimension_semantics<core_parallel>, #tpu.dimension_semantics<subcore_parallel>], iteration_bounds = array<i64: 2, 16>, scalar_prefetch = 0 : i64, scratch_operands = 8 : i64, tpu.core_type = #tpu.core_type<sc_vector_subcore>, window_params = [{transform_indices = #map}, {transform_indices = #map1}, {transform_indices = #map}]} {
    %mul3A = arith.constant 2 : i32
    %mul3A_0 = arith.muli %arg1, %mul3A : i32
    %add3A = arith.addi %mul3A_0, %arg0 : i32
    %mul3A_1 = arith.constant 2048 : i32
    %mul3A_2 = arith.muli %add3A, %mul3A_1 : i32
    "tpu.region"() ({
      %run_scoped3A = tpu.sem_alloc : memref<!tpu.dma_semaphore, #tpu.memory_space<semaphore_mem>>
      tpu.enqueue_dma source(%arg3 : memref<16xi32, #tpu.memory_space<hbm>>) target(%arg6 : memref<16xi32, #tpu.memory_space<vmem>>) target_semaphore(%run_scoped3A : memref<!tpu.dma_semaphore, #tpu.memory_space<semaphore_mem>>)
      tpu.wait_dma2 semaphore(%run_scoped3A : memref<!tpu.dma_semaphore, #tpu.memory_space<semaphore_mem>>) src(%arg3 : memref<16xi32, #tpu.memory_space<hbm>>) dst(%arg6 : memref<16xi32, #tpu.memory_space<vmem>>)
      tpu.yield
    }) : () -> ()
    %get3A = arith.constant 0 : index
    %get3A_3 = tpu.vector_load %arg6[%get3A] {strides = array<i32>} : memref<16xi32, #tpu.memory_space<vmem>>, vector<16xi32>,
    %broadcast_in_dim3A = arith.constant 0.000000e+00 : f32
    %broadcast_in_dim3A_4 = vector.broadcast %broadcast_in_dim3A : f32 to vector<16xf32>
    %add3A_5 = arith.constant 0 : i32
    %add3A_6 = arith.addi %mul3A_2, %add3A_5 : i32
    %dma_start3A = arith.constant 0 : i32
    %dma_start3A_7 = arith.constant 0 : i32
    %dma_start3A_8 = arith.constant 0 : i32
    %dma_start3A_9 = tpu.memref_slice %arg5[%dma_start3A, %dma_start3A_7, %dma_start3A_8] : memref<3x64x512xf32, #tpu.memory_space<vmem>> -> memref<1x64x512xf32, #tpu.memory_space<vmem>>
    %dma_start3A_10 = tpu.memref_squeeze %dma_start3A_9 : memref<1x64x512xf32, #tpu.memory_space<vmem>> -> memref<64x512xf32, #tpu.memory_space<vmem>>
    %dma_start3A_11 = arith.constant 0 : i32
    %dma_start3A_12 = tpu.memref_slice %arg2[%add3A_6, %dma_start3A_11] : memref<65536x512xf32, #tpu.memory_space<hbm>> -> memref<64x512xf32, #tpu.memory_space<hbm>>
    %dma_start3A_13 = arith.constant 0 : i32
    %dma_start3A_14 = arith.constant 0 : i32
    %dma_start3A_15 = tpu.memref_slice %arg5[%dma_start3A, %dma_start3A_13, %dma_start3A_14] : memref<3x64x512xf32, #tpu.memory_space<vmem>> -> memref<1x64x512xf32, #tpu.memory_space<vmem>>
    %dma_start3A_16 = tpu.memref_squeeze %dma_start3A_15 : memref<1x64x512xf32, #tpu.memory_space<vmem>> -> memref<64x512xf32, #tpu.memory_space<vmem>>
    %dma_start3A_17 = arith.constant 0 : i32
    %dma_start3A_18 = tpu.memref_slice %arg2[%add3A_6, %dma_start3A_17] : memref<65536x512xf32, #tpu.memory_space<hbm>> -> memref<64x512xf32, #tpu.memory_space<hbm>>
    tpu.enqueue_dma source(%dma_start3A_18 : memref<64x512xf32, #tpu.memory_space<hbm>>) target(%dma_start3A_16 : memref<64x512xf32, #tpu.memory_space<vmem>>) target_semaphore(%arg7 : memref<!tpu.dma_semaphore, #tpu.memory_space<semaphore_mem>>)
    %add3A_19 = arith.constant 64 : i32
    %add3A_20 = arith.addi %mul3A_2, %add3A_19 : i32
    %dma_start3A_21 = arith.constant 1 : i32
    %dma_start3A_22 = arith.constant 0 : i32
    %dma_start3A_23 = arith.constant 0 : i32
    %dma_start3A_24 = tpu.memref_slice %arg5[%dma_start3A_21, %dma_start3A_22, %dma_start3A_23] : memref<3x64x512xf32, #tpu.memory_space<vmem>> -> memref<1x64x512xf32, #tpu.memory_space<vmem>>
    %dma_start3A_25 = tpu.memref_squeeze %dma_start3A_24 : memref<1x64x512xf32, #tpu.memory_space<vmem>> -> memref<64x512xf32, #tpu.memory_space<vmem>>
    %dma_start3A_26 = arith.constant 0 : i32
    %dma_start3A_27 = tpu.memref_slice %arg2[%add3A_20, %dma_start3A_26] : memref<65536x512xf32, #tpu.memory_space<hbm>> -> memref<64x512xf32, #tpu.memory_space<hbm>>
    %dma_start3A_28 = arith.constant 0 : i32
    %dma_start3A_29 = arith.constant 0 : i32
    %dma_start3A_30 = tpu.memref_slice %arg5[%dma_start3A_21, %dma_start3A_28, %dma_start3A_29] : memref<3x64x512xf32, #tpu.memory_space<vmem>> -> memref<1x64x512xf32, #tpu.memory_space<vmem>>
    %dma_start3A_31 = tpu.memref_squeeze %dma_start3A_30 : memref<1x64x512xf32, #tpu.memory_space<vmem>> -> memref<64x512xf32, #tpu.memory_space<vmem>>
    %dma_start3A_32 = arith.constant 0 : i32
    %dma_start3A_33 = tpu.memref_slice %arg2[%add3A_20, %dma_start3A_32] : memref<65536x512xf32, #tpu.memory_space<hbm>> -> memref<64x512xf32, #tpu.memory_space<hbm>>
    tpu.enqueue_dma source(%dma_start3A_33 : memref<64x512xf32, #tpu.memory_space<hbm>>) target(%dma_start3A_31 : memref<64x512xf32, #tpu.memory_space<vmem>>) target_semaphore(%arg8 : memref<!tpu.dma_semaphore, #tpu.memory_space<semaphore_mem>>)
    %scan3A = arith.constant 0 : i32
    %scan3A_34 = arith.constant 0 : i32
    %scan3A_35 = arith.constant 10 : i32
    %scan3A_36 = arith.addi %scan3A_34, %scan3A_35 : i32
    %scan3A_37 = arith.constant 1 : i32
    scf.for %scan3A_1097 = %scan3A_34 to %scan3A_36 step %scan3A_37  : i32 {
      %mul3A_1098 = arith.constant 3 : i32
      %mul3A_1099 = arith.muli %scan3A_1097, %mul3A_1098 : i32
      %add3A_1100 = arith.constant 0 : i32
      %add3A_1101 = arith.addi %mul3A_1099, %add3A_1100 : i32
      %ge3A_1102 = arith.constant 2 : i32
      %ge3A_1103 = arith.cmpi sge, %add3A_1101, %ge3A_1102 : i32
      %add3A_1104 = arith.constant 1 : i32
      %add3A_1105 = arith.addi %add3A_1101, %add3A_1104 : i32
      %lt3A_1106 = arith.constant 32 : i32
      %lt3A_1107 = arith.cmpi slt, %add3A_1105, %lt3A_1106 : i32
      %and3A_1108 = arith.andi %ge3A_1103, %lt3A_1107 : i1
      %convert_element_type3A_1109 = arith.extui %and3A_1108 : i1 to i32
      %cond3A_1110 = arith.constant 0 : i32
      %cond3A_1111 = arith.cmpi ne, %convert_element_type3A_1109, %cond3A_1110 : i32
      scf.if %cond3A_1111 {
        %dma_wait3A_2616 = arith.constant 1 : i32
        %dma_wait3A_2617 = arith.constant 0 : i32
        %dma_wait3A_2618 = arith.constant 0 : i32
        %dma_wait3A_2619 = tpu.memref_slice %arg5[%dma_wait3A_2616, %dma_wait3A_2617, %dma_wait3A_2618] : memref<3x64x512xf32, #tpu.memory_space<vmem>> -> memref<1x64x512xf32, #tpu.memory_space<vmem>>
        %dma_wait3A_2620 = tpu.memref_squeeze %dma_wait3A_2619 : memref<1x64x512xf32, #tpu.memory_space<vmem>> -> memref<64x512xf32, #tpu.memory_space<vmem>>
        %dma_wait3A_2621 = arith.constant 0 : i32
        %dma_wait3A_2622 = arith.constant 0 : i32
        %dma_wait3A_2623 = tpu.memref_slice %arg4[%dma_wait3A_2621, %dma_wait3A_2622] : memref<65536x512xf32, #tpu.memory_space<hbm>> -> memref<64x512xf32, #tpu.memory_space<hbm>>
        %dma_wait3A_2624 = arith.constant 0 : i32
        %dma_wait3A_2625 = arith.constant 0 : i32
        %dma_wait3A_2626 = tpu.memref_slice %arg4[%dma_wait3A_2624, %dma_wait3A_2625] : memref<65536x512xf32, #tpu.memory_space<hbm>> -> memref<64x512xf32, #tpu.memory_space<hbm>>
        %dma_wait3A_2627 = arith.constant 0 : i32
        %dma_wait3A_2628 = arith.constant 0 : i32
        %dma_wait3A_2629 = tpu.memref_slice %arg5[%dma_wait3A_2616, %dma_wait3A_2627, %dma_wait3A_2628] : memref<3x64x512xf32, #tpu.memory_space<vmem>> -> memref<1x64x512xf32, #tpu.memory_space<vmem>>
        %dma_wait3A_2630 = tpu.memref_squeeze %dma_wait3A_2629 : memref<1x64x512xf32, #tpu.memory_space<vmem>> -> memref<64x512xf32, #tpu.memory_space<vmem>>
        tpu.wait_dma2 semaphore(%arg11 : memref<!tpu.dma_semaphore, #tpu.memory_space<semaphore_mem>>) src(%dma_wait3A_2630 : memref<64x512xf32, #tpu.memory_space<vmem>>) dst(%dma_wait3A_2626 : memref<64x512xf32, #tpu.memory_space<hbm>>)
        %add3A_2631 = arith.constant 1 : i32
        %add3A_2632 = arith.addi %add3A_1101, %add3A_2631 : i32
        %mul3A_2633 = arith.constant 64 : i32
        %mul3A_2634 = arith.muli %add3A_2632, %mul3A_2633 : i32
        %add3A_2635 = arith.addi %mul3A_2, %mul3A_2634 : i32
        %dma_start3A_2636 = arith.constant 1 : i32
        %dma_start3A_2637 = arith.constant 0 : i32
        %dma_start3A_2638 = arith.constant 0 : i32
        %dma_start3A_2639 = tpu.memref_slice %arg5[%dma_start3A_2636, %dma_start3A_2637, %dma_start3A_2638] : memref<3x64x512xf32, #tpu.memory_space<vmem>> -> memref<1x64x512xf32, #tpu.memory_space<vmem>>
        %dma_start3A_2640 = tpu.memref_squeeze %dma_start3A_2639 : memref<1x64x512xf32, #tpu.memory_space<vmem>> -> memref<64x512xf32, #tpu.memory_space<vmem>>
        %dma_start3A_2641 = arith.constant 0 : i32
        %dma_start3A_2642 = tpu.memref_slice %arg2[%add3A_2635, %dma_start3A_2641] : memref<65536x512xf32, #tpu.memory_space<hbm>> -> memref<64x512xf32, #tpu.memory_space<hbm>>
        %dma_start3A_2643 = arith.constant 0 : i32
        %dma_start3A_2644 = arith.constant 0 : i32
        %dma_start3A_2645 = tpu.memref_slice %arg5[%dma_start3A_2636, %dma_start3A_2643, %dma_start3A_2644] : memref<3x64x512xf32, #tpu.memory_space<vmem>> -> memref<1x64x512xf32, #tpu.memory_space<vmem>>
        %dma_start3A_2646 = tpu.memref_squeeze %dma_start3A_2645 : memref<1x64x512xf32, #tpu.memory_space<vmem>> -> memref<64x512xf32, #tpu.memory_space<vmem>>
        %dma_start3A_2647 = arith.constant 0 : i32
        %dma_start3A_2648 = tpu.memref_slice %arg2[%add3A_2635, %dma_start3A_2647] : memref<65536x512xf32, #tpu.memory_space<hbm>> -> memref<64x512xf32, #tpu.memory_space<hbm>>
        tpu.enqueue_dma source(%dma_start3A_2648 : memref<64x512xf32, #tpu.memory_space<hbm>>) target(%dma_start3A_2646 : memref<64x512xf32, #tpu.memory_space<vmem>>) target_semaphore(%arg8 : memref<!tpu.dma_semaphore, #tpu.memory_space<semaphore_mem>>)
      } else {
      }
      %ge3A_1112 = arith.constant 1 : i32
      %ge3A_1113 = arith.cmpi sge, %add3A_1101, %ge3A_1112 : i32
      %lt3A_1114 = arith.constant 2 : i32
      %lt3A_1115 = arith.cmpi slt, %add3A_1101, %lt3A_1114 : i32
      %and3A_1116 = arith.andi %ge3A_1113, %lt3A_1115 : i1
      %add3A_1117 = arith.constant 1 : i32
      %add3A_1118 = arith.addi %add3A_1101, %add3A_1117 : i32
      %lt3A_1119 = arith.constant 32 : i32
      %lt3A_1120 = arith.cmpi slt, %add3A_1118, %lt3A_1119 : i32
      %and3A_1121 = arith.andi %and3A_1116, %lt3A_1120 : i1
      %convert_element_type3A_1122 = arith.extui %and3A_1121 : i1 to i32
      %cond3A_1123 = arith.constant 0 : i32
      %cond3A_1124 = arith.cmpi ne, %convert_element_type3A_1122, %cond3A_1123 : i32
      scf.if %cond3A_1124 {
        %add3A_2616 = arith.constant 1 : i32
        %add3A_2617 = arith.addi %add3A_1101, %add3A_2616 : i32
        %mul3A_2618 = arith.constant 64 : i32
        %mul3A_2619 = arith.muli %add3A_2617, %mul3A_2618 : i32
        %add3A_2620 = arith.addi %mul3A_2, %mul3A_2619 : i32
        %dma_start3A_2621 = arith.constant 1 : i32
        %dma_start3A_2622 = arith.constant 0 : i32
        %dma_start3A_2623 = arith.constant 0 : i32
        %dma_start3A_2624 = tpu.memref_slice %arg5[%dma_start3A_2621, %dma_start3A_2622, %dma_start3A_2623] : memref<3x64x512xf32, #tpu.memory_space<vmem>> -> memref<1x64x512xf32, #tpu.memory_space<vmem>>
        %dma_start3A_2625 = tpu.memref_squeeze %dma_start3A_2624 : memref<1x64x512xf32, #tpu.memory_space<vmem>> -> memref<64x512xf32, #tpu.memory_space<vmem>>
        %dma_start3A_2626 = arith.constant 0 : i32
        %dma_start3A_2627 = tpu.memref_slice %arg2[%add3A_2620, %dma_start3A_2626] : memref<65536x512xf32, #tpu.memory_space<hbm>> -> memref<64x512xf32, #tpu.memory_space<hbm>>
        %dma_start3A_2628 = arith.constant 0 : i32
        %dma_start3A_2629 = arith.constant 0 : i32
        %dma_start3A_2630 = tpu.memref_slice %arg5[%dma_start3A_2621, %dma_start3A_2628, %dma_start3A_2629] : memref<3x64x512xf32, #tpu.memory_space<vmem>> -> memref<1x64x512xf32, #tpu.memory_space<vmem>>
        %dma_start3A_2631 = tpu.memref_squeeze %dma_start3A_2630 : memref<1x64x512xf32, #tpu.memory_space<vmem>> -> memref<64x512xf32, #tpu.memory_space<vmem>>
        %dma_start3A_2632 = arith.constant 0 : i32
        %dma_start3A_2633 = tpu.memref_slice %arg2[%add3A_2620, %dma_start3A_2632] : memref<65536x512xf32, #tpu.memory_space<hbm>> -> memref<64x512xf32, #tpu.memory_space<hbm>>
        tpu.enqueue_dma source(%dma_start3A_2633 : memref<64x512xf32, #tpu.memory_space<hbm>>) target(%dma_start3A_2631 : memref<64x512xf32, #tpu.memory_space<vmem>>) target_semaphore(%arg8 : memref<!tpu.dma_semaphore, #tpu.memory_space<semaphore_mem>>)
      } else {
      }
      %dma_wait3A_1125 = arith.constant 0 : i32
      %dma_wait3A_1126 = arith.constant 0 : i32
      %dma_wait3A_1127 = arith.constant 0 : i32
      %dma_wait3A_1128 = tpu.memref_slice %arg5[%dma_wait3A_1125, %dma_wait3A_1126, %dma_wait3A_1127] : memref<3x64x512xf32, #tpu.memory_space<vmem>> -> memref<1x64x512xf32, #tpu.memory_space<vmem>>
      %dma_wait3A_1129 = tpu.memref_squeeze %dma_wait3A_1128 : memref<1x64x512xf32, #tpu.memory_space<vmem>> -> memref<64x512xf32, #tpu.memory_space<vmem>>
      %dma_wait3A_1130 = arith.constant 0 : i32
      %dma_wait3A_1131 = arith.constant 0 : i32
      %dma_wait3A_1132 = tpu.memref_slice %arg2[%dma_wait3A_1130, %dma_wait3A_1131] : memref<65536x512xf32, #tpu.memory_space<hbm>> -> memref<64x512xf32, #tpu.memory_space<hbm>>
      %dma_wait3A_1133 = arith.constant 0 : i32
      %dma_wait3A_1134 = arith.constant 0 : i32
      %dma_wait3A_1135 = tpu.memref_slice %arg5[%dma_wait3A_1125, %dma_wait3A_1133, %dma_wait3A_1134] : memref<3x64x512xf32, #tpu.memory_space<vmem>> -> memref<1x64x512xf32, #tpu.memory_space<vmem>>
      %dma_wait3A_1136 = tpu.memref_squeeze %dma_wait3A_1135 : memref<1x64x512xf32, #tpu.memory_space<vmem>> -> memref<64x512xf32, #tpu.memory_space<vmem>>
      %dma_wait3A_1137 = arith.constant 0 : i32
      %dma_wait3A_1138 = arith.constant 0 : i32
      %dma_wait3A_1139 = tpu.memref_slice %arg2[%dma_wait3A_1137, %dma_wait3A_1138] : memref<65536x512xf32, #tpu.memory_space<hbm>> -> memref<64x512xf32, #tpu.memory_space<hbm>>
      tpu.wait_dma2 semaphore(%arg7 : memref<!tpu.dma_semaphore, #tpu.memory_space<semaphore_mem>>) src(%dma_wait3A_1139 : memref<64x512xf32, #tpu.memory_space<hbm>>) dst(%dma_wait3A_1136 : memref<64x512xf32, #tpu.memory_space<vmem>>)
      %broadcast_in_dim3A_1140 = arith.constant 0 : i32
      %broadcast_in_dim3A_1141 = vector.broadcast %broadcast_in_dim3A_1140 : i32 to vector<16xi32>
      %scatter3A_1142 = arith.constant 0 : i32
      %scatter3A_1143 = arith.constant 0 : i32
      %scatter3A_1144 = arith.constant 0 : i32
      %scatter3A_1145 = tpu.memref_slice %arg5[%scatter3A_1142, %scatter3A_1143, %scatter3A_1144] : memref<3x64x512xf32, #tpu.memory_space<vmem>> -> memref<1x64x512xf32, #tpu.memory_space<vmem>>
      %scatter3A_1146 = tpu.memref_squeeze %scatter3A_1145 : memref<1x64x512xf32, #tpu.memory_space<vmem>> -> memref<64x512xf32, #tpu.memory_space<vmem>>
      tpu.vector_store_idx %scatter3A_1146[%broadcast_in_dim3A_1141, %get3A_3], %broadcast_in_dim3A_4 : memref<64x512xf32, #tpu.memory_space<vmem>>[vector<16xi32>, vector<16xi32>], vector<16xf32>,
      %broadcast_in_dim3A_1147 = arith.constant 1 : i32
      %broadcast_in_dim3A_1148 = vector.broadcast %broadcast_in_dim3A_1147 : i32 to vector<16xi32>
      %scatter3A_1149 = arith.constant 0 : i32
      %scatter3A_1150 = arith.constant 0 : i32
      %scatter3A_1151 = arith.constant 0 : i32
      %scatter3A_1152 = tpu.memref_slice %arg5[%scatter3A_1149, %scatter3A_1150, %scatter3A_1151] : memref<3x64x512xf32, #tpu.memory_space<vmem>> -> memref<1x64x512xf32, #tpu.memory_space<vmem>>
      %scatter3A_1153 = tpu.memref_squeeze %scatter3A_1152 : memref<1x64x512xf32, #tpu.memory_space<vmem>> -> memref<64x512xf32, #tpu.memory_space<vmem>>
      tpu.vector_store_idx %scatter3A_1153[%broadcast_in_dim3A_1148, %get3A_3], %broadcast_in_dim3A_4 : memref<64x512xf32, #tpu.memory_space<vmem>>[vector<16xi32>, vector<16xi32>], vector<16xf32>,
      %broadcast_in_dim3A_1154 = arith.constant 2 : i32
      %broadcast_in_dim3A_1155 = vector.broadcast %broadcast_in_dim3A_1154 : i32 to vector<16xi32>
      %scatter3A_1156 = arith.constant 0 : i32
      %scatter3A_1157 = arith.constant 0 : i32
      %scatter3A_1158 = arith.constant 0 : i32
      %scatter3A_1159 = tpu.memref_slice %arg5[%scatter3A_1156, %scatter3A_1157, %scatter3A_1158] : memref<3x64x512xf32, #tpu.memory_space<vmem>> -> memref<1x64x512xf32, #tpu.memory_space<vmem>>
      %scatter3A_1160 = tpu.memref_squeeze %scatter3A_1159 : memref<1x64x512xf32, #tpu.memory_space<vmem>> -> memref<64x512xf32, #tpu.memory_space<vmem>>
      tpu.vector_store_idx %scatter3A_1160[%broadcast_in_dim3A_1155, %get3A_3], %broadcast_in_dim3A_4 : memref<64x512xf32, #tpu.memory_space<vmem>>[vector<16xi32>, vector<16xi32>], vector<16xf32>,
      %broadcast_in_dim3A_1161 = arith.constant 3 : i32
      %broadcast_in_dim3A_1162 = vector.broadcast %broadcast_in_dim3A_1161 : i32 to vector<16xi32>
      %scatter3A_1163 = arith.constant 0 : i32
      %scatter3A_1164 = arith.constant 0 : i32
      %scatter3A_1165 = arith.constant 0 : i32
      %scatter3A_1166 = tpu.memref_slice %arg5[%scatter3A_1163, %scatter3A_1164, %scatter3A_1165] : memref<3x64x512xf32, #tpu.memory_space<vmem>> -> memref<1x64x512xf32, #tpu.memory_space<vmem>>
      %scatter3A_1167 = tpu.memref_squeeze %scatter3A_1166 : memref<1x64x512xf32, #tpu.memory_space<vmem>> -> memref<64x512xf32, #tpu.memory_space<vmem>>
      tpu.vector_store_idx %scatter3A_1167[%broadcast_in_dim3A_1162, %get3A_3], %broadcast_in_dim3A_4 : memref<64x512xf32, #tpu.memory_space<vmem>>[vector<16xi32>, vector<16xi32>], vector<16xf32>,
      %broadcast_in_dim3A_1168 = arith.constant 4 : i32
      %broadcast_in_dim3A_1169 = vector.broadcast %broadcast_in_dim3A_1168 : i32 to vector<16xi32>
      %scatter3A_1170 = arith.constant 0 : i32
      %scatter3A_1171 = arith.constant 0 : i32
      %scatter3A_1172 = arith.constant 0 : i32
      %scatter3A_1173 = tpu.memref_slice %arg5[%scatter3A_1170, %scatter3A_1171, %scatter3A_1172] : memref<3x64x512xf32, #tpu.memory_space<vmem>> -> memref<1x64x512xf32, #tpu.memory_space<vmem>>
      %scatter3A_1174 = tpu.memref_squeeze %scatter3A_1173 : memref<1x64x512xf32, #tpu.memory_space<vmem>> -> memref<64x512xf32, #tpu.memory_space<vmem>>
      tpu.vector_store_idx %scatter3A_1174[%broadcast_in_dim3A_1169, %get3A_3], %broadcast_in_dim3A_4 : memref<64x512xf32, #tpu.memory_space<vmem>>[vector<16xi32>, vector<16xi32>], vector<16xf32>,
      %broadcast_in_dim3A_1175 = arith.constant 5 : i32
      %broadcast_in_dim3A_1176 = vector.broadcast %broadcast_in_dim3A_1175 : i32 to vector<16xi32>
      %scatter3A_1177 = arith.constant 0 : i32
      %scatter3A_1178 = arith.constant 0 : i32
      %scatter3A_1179 = arith.constant 0 : i32
      %scatter3A_1180 = tpu.memref_slice %arg5[%scatter3A_1177, %scatter3A_1178, %scatter3A_1179] : memref<3x64x512xf32, #tpu.memory_space<vmem>> -> memref<1x64x512xf32, #tpu.memory_space<vmem>>
      %scatter3A_1181 = tpu.memref_squeeze %scatter3A_1180 : memref<1x64x512xf32, #tpu.memory_space<vmem>> -> memref<64x512xf32, #tpu.memory_space<vmem>>
      tpu.vector_store_idx %scatter3A_1181[%broadcast_in_dim3A_1176, %get3A_3], %broadcast_in_dim3A_4 : memref<64x512xf32, #tpu.memory_space<vmem>>[vector<16xi32>, vector<16xi32>], vector<16xf32>,
      %broadcast_in_dim3A_1182 = arith.constant 6 : i32
      %broadcast_in_dim3A_1183 = vector.broadcast %broadcast_in_dim3A_1182 : i32 to vector<16xi32>
      %scatter3A_1184 = arith.constant 0 : i32
      %scatter3A_1185 = arith.constant 0 : i32
      %scatter3A_1186 = arith.constant 0 : i32
      %scatter3A_1187 = tpu.memref_slice %arg5[%scatter3A_1184, %scatter3A_1185, %scatter3A_1186] : memref<3x64x512xf32, #tpu.memory_space<vmem>> -> memref<1x64x512xf32, #tpu.memory_space<vmem>>
      %scatter3A_1188 = tpu.memref_squeeze %scatter3A_1187 : memref<1x64x512xf32, #tpu.memory_space<vmem>> -> memref<64x512xf32, #tpu.memory_space<vmem>>
      tpu.vector_store_idx %scatter3A_1188[%broadcast_in_dim3A_1183, %get3A_3], %broadcast_in_dim3A_4 : memref<64x512xf32, #tpu.memory_space<vmem>>[vector<16xi32>, vector<16xi32>], vector<16xf32>,
      %broadcast_in_dim3A_1189 = arith.constant 7 : i32
      %broadcast_in_dim3A_1190 = vector.broadcast %broadcast_in_dim3A_1189 : i32 to vector<16xi32>
      %scatter3A_1191 = arith.constant 0 : i32
      %scatter3A_1192 = arith.constant 0 : i32
      %scatter3A_1193 = arith.constant 0 : i32
      %scatter3A_1194 = tpu.memref_slice %arg5[%scatter3A_1191, %scatter3A_1192, %scatter3A_1193] : memref<3x64x512xf32, #tpu.memory_space<vmem>> -> memref<1x64x512xf32, #tpu.memory_space<vmem>>
      %scatter3A_1195 = tpu.memref_squeeze %scatter3A_1194 : memref<1x64x512xf32, #tpu.memory_space<vmem>> -> memref<64x512xf32, #tpu.memory_space<vmem>>
      tpu.vector_store_idx %scatter3A_1195[%broadcast_in_dim3A_1190, %get3A_3], %broadcast_in_dim3A_4 : memref<64x512xf32, #tpu.memory_space<vmem>>[vector<16xi32>, vector<16xi32>], vector<16xf32>,
      %broadcast_in_dim3A_1196 = arith.constant 8 : i32
      %broadcast_in_dim3A_1197 = vector.broadcast %broadcast_in_dim3A_1196 : i32 to vector<16xi32>
      %scatter3A_1198 = arith.constant 0 : i32
      %scatter3A_1199 = arith.constant 0 : i32
      %scatter3A_1200 = arith.constant 0 : i32
      %scatter3A_1201 = tpu.memref_slice %arg5[%scatter3A_1198, %scatter3A_1199, %scatter3A_1200] : memref<3x64x512xf32, #tpu.memory_space<vmem>> -> memref<1x64x512xf32, #tpu.memory_space<vmem>>
      %scatter3A_1202 = tpu.memref_squeeze %scatter3A_1201 : memref<1x64x512xf32, #tpu.memory_space<vmem>> -> memref<64x512xf32, #tpu.memory_space<vmem>>
      tpu.vector_store_idx %scatter3A_1202[%broadcast_in_dim3A_1197, %get3A_3], %broadcast_in_dim3A_4 : memref<64x512xf32, #tpu.memory_space<vmem>>[vector<16xi32>, vector<16xi32>], vector<16xf32>,
      %broadcast_in_dim3A_1203 = arith.constant 9 : i32
      %broadcast_in_dim3A_1204 = vector.broadcast %broadcast_in_dim3A_1203 : i32 to vector<16xi32>
      %scatter3A_1205 = arith.constant 0 : i32
      %scatter3A_1206 = arith.constant 0 : i32
      %scatter3A_1207 = arith.constant 0 : i32
      %scatter3A_1208 = tpu.memref_slice %arg5[%scatter3A_1205, %scatter3A_1206, %scatter3A_1207] : memref<3x64x512xf32, #tpu.memory_space<vmem>> -> memref<1x64x512xf32, #tpu.memory_space<vmem>>
      %scatter3A_1209 = tpu.memref_squeeze %scatter3A_1208 : memref<1x64x512xf32, #tpu.memory_space<vmem>> -> memref<64x512xf32, #tpu.memory_space<vmem>>
      tpu.vector_store_idx %scatter3A_1209[%broadcast_in_dim3A_1204, %get3A_3], %broadcast_in_dim3A_4 : memref<64x512xf32, #tpu.memory_space<vmem>>[vector<16xi32>, vector<16xi32>], vector<16xf32>,
      %broadcast_in_dim3A_1210 = arith.constant 10 : i32
      %broadcast_in_dim3A_1211 = vector.broadcast %broadcast_in_dim3A_1210 : i32 to vector<16xi32>
      %scatter3A_1212 = arith.constant 0 : i32
      %scatter3A_1213 = arith.constant 0 : i32
      %scatter3A_1214 = arith.constant 0 : i32
      %scatter3A_1215 = tpu.memref_slice %arg5[%scatter3A_1212, %scatter3A_1213, %scatter3A_1214] : memref<3x64x512xf32, #tpu.memory_space<vmem>> -> memref<1x64x512xf32, #tpu.memory_space<vmem>>
      %scatter3A_1216 = tpu.memref_squeeze %scatter3A_1215 : memref<1x64x512xf32, #tpu.memory_space<vmem>> -> memref<64x512xf32, #tpu.memory_space<vmem>>
      tpu.vector_store_idx %scatter3A_1216[%broadcast_in_dim3A_1211, %get3A_3], %broadcast_in_dim3A_4 : memref<64x512xf32, #tpu.memory_space<vmem>>[vector<16xi32>, vector<16xi32>], vector<16xf32>,
      %broadcast_in_dim3A_1217 = arith.constant 11 : i32
      %broadcast_in_dim3A_1218 = vector.broadcast %broadcast_in_dim3A_1217 : i32 to vector<16xi32>
      %scatter3A_1219 = arith.constant 0 : i32
      %scatter3A_1220 = arith.constant 0 : i32
      %scatter3A_1221 = arith.constant 0 : i32
      %scatter3A_1222 = tpu.memref_slice %arg5[%scatter3A_1219, %scatter3A_1220, %scatter3A_1221] : memref<3x64x512xf32, #tpu.memory_space<vmem>> -> memref<1x64x512xf32, #tpu.memory_space<vmem>>
      %scatter3A_1223 = tpu.memref_squeeze %scatter3A_1222 : memref<1x64x512xf32, #tpu.memory_space<vmem>> -> memref<64x512xf32, #tpu.memory_space<vmem>>
      tpu.vector_store_idx %scatter3A_1223[%broadcast_in_dim3A_1218, %get3A_3], %broadcast_in_dim3A_4 : memref<64x512xf32, #tpu.memory_space<vmem>>[vector<16xi32>, vector<16xi32>], vector<16xf32>,
      %broadcast_in_dim3A_1224 = arith.constant 12 : i32
      %broadcast_in_dim3A_1225 = vector.broadcast %broadcast_in_dim3A_1224 : i32 to vector<16xi32>
      %scatter3A_1226 = arith.constant 0 : i32
      %scatter3A_1227 = arith.constant 0 : i32
      %scatter3A_1228 = arith.constant 0 : i32
      %scatter3A_1229 = tpu.memref_slice %arg5[%scatter3A_1226, %scatter3A_1227, %scatter3A_1228] : memref<3x64x512xf32, #tpu.memory_space<vmem>> -> memref<1x64x512xf32, #tpu.memory_space<vmem>>
      %scatter3A_1230 = tpu.memref_squeeze %scatter3A_1229 : memref<1x64x512xf32, #tpu.memory_space<vmem>> -> memref<64x512xf32, #tpu.memory_space<vmem>>
      tpu.vector_store_idx %scatter3A_1230[%broadcast_in_dim3A_1225, %get3A_3], %broadcast_in_dim3A_4 : memref<64x512xf32, #tpu.memory_space<vmem>>[vector<16xi32>, vector<16xi32>], vector<16xf32>,
      %broadcast_in_dim3A_1231 = arith.constant 13 : i32
      %broadcast_in_dim3A_1232 = vector.broadcast %broadcast_in_dim3A_1231 : i32 to vector<16xi32>
      %scatter3A_1233 = arith.constant 0 : i32
      %scatter3A_1234 = arith.constant 0 : i32
      %scatter3A_1235 = arith.constant 0 : i32
      %scatter3A_1236 = tpu.memref_slice %arg5[%scatter3A_1233, %scatter3A_1234, %scatter3A_1235] : memref<3x64x512xf32, #tpu.memory_space<vmem>> -> memref<1x64x512xf32, #tpu.memory_space<vmem>>
      %scatter3A_1237 = tpu.memref_squeeze %scatter3A_1236 : memref<1x64x512xf32, #tpu.memory_space<vmem>> -> memref<64x512xf32, #tpu.memory_space<vmem>>
      tpu.vector_store_idx %scatter3A_1237[%broadcast_in_dim3A_1232, %get3A_3], %broadcast_in_dim3A_4 : memref<64x512xf32, #tpu.memory_space<vmem>>[vector<16xi32>, vector<16xi32>], vector<16xf32>,
      %broadcast_in_dim3A_1238 = arith.constant 14 : i32
      %broadcast_in_dim3A_1239 = vector.broadcast %broadcast_in_dim3A_1238 : i32 to vector<16xi32>
      %scatter3A_1240 = arith.constant 0 : i32
      %scatter3A_1241 = arith.constant 0 : i32
      %scatter3A_1242 = arith.constant 0 : i32
      %scatter3A_1243 = tpu.memref_slice %arg5[%scatter3A_1240, %scatter3A_1241, %scatter3A_1242] : memref<3x64x512xf32, #tpu.memory_space<vmem>> -> memref<1x64x512xf32, #tpu.memory_space<vmem>>
      %scatter3A_1244 = tpu.memref_squeeze %scatter3A_1243 : memref<1x64x512xf32, #tpu.memory_space<vmem>> -> memref<64x512xf32, #tpu.memory_space<vmem>>
      tpu.vector_store_idx %scatter3A_1244[%broadcast_in_dim3A_1239, %get3A_3], %broadcast_in_dim3A_4 : memref<64x512xf32, #tpu.memory_space<vmem>>[vector<16xi32>, vector<16xi32>], vector<16xf32>,
      %broadcast_in_dim3A_1245 = arith.constant 15 : i32
      %broadcast_in_dim3A_1246 = vector.broadcast %broadcast_in_dim3A_1245 : i32 to vector<16xi32>
      %scatter3A_1247 = arith.constant 0 : i32
      %scatter3A_1248 = arith.constant 0 : i32
      %scatter3A_1249 = arith.constant 0 : i32
      %scatter3A_1250 = tpu.memref_slice %arg5[%scatter3A_1247, %scatter3A_1248, %scatter3A_1249] : memref<3x64x512xf32, #tpu.memory_space<vmem>> -> memref<1x64x512xf32, #tpu.memory_space<vmem>>
      %scatter3A_1251 = tpu.memref_squeeze %scatter3A_1250 : memref<1x64x512xf32, #tpu.memory_space<vmem>> -> memref<64x512xf32, #tpu.memory_space<vmem>>
      tpu.vector_store_idx %scatter3A_1251[%broadcast_in_dim3A_1246, %get3A_3], %broadcast_in_dim3A_4 : memref<64x512xf32, #tpu.memory_space<vmem>>[vector<16xi32>, vector<16xi32>], vector<16xf32>,
      %broadcast_in_dim3A_1252 = arith.constant 16 : i32
      %broadcast_in_dim3A_1253 = vector.broadcast %broadcast_in_dim3A_1252 : i32 to vector<16xi32>
      %scatter3A_1254 = arith.constant 0 : i32
      %scatter3A_1255 = arith.constant 0 : i32
      %scatter3A_1256 = arith.constant 0 : i32
      %scatter3A_1257 = tpu.memref_slice %arg5[%scatter3A_1254, %scatter3A_1255, %scatter3A_1256] : memref<3x64x512xf32, #tpu.memory_space<vmem>> -> memref<1x64x512xf32, #tpu.memory_space<vmem>>
      %scatter3A_1258 = tpu.memref_squeeze %scatter3A_1257 : memref<1x64x512xf32, #tpu.memory_space<vmem>> -> memref<64x512xf32, #tpu.memory_space<vmem>>
      tpu.vector_store_idx %scatter3A_1258[%broadcast_in_dim3A_1253, %get3A_3], %broadcast_in_dim3A_4 : memref<64x512xf32, #tpu.memory_space<vmem>>[vector<16xi32>, vector<16xi32>], vector<16xf32>,
      %broadcast_in_dim3A_1259 = arith.constant 17 : i32
      %broadcast_in_dim3A_1260 = vector.broadcast %broadcast_in_dim3A_1259 : i32 to vector<16xi32>
      %scatter3A_1261 = arith.constant 0 : i32
      %scatter3A_1262 = arith.constant 0 : i32
      %scatter3A_1263 = arith.constant 0 : i32
      %scatter3A_1264 = tpu.memref_slice %arg5[%scatter3A_1261, %scatter3A_1262, %scatter3A_1263] : memref<3x64x512xf32, #tpu.memory_space<vmem>> -> memref<1x64x512xf32, #tpu.memory_space<vmem>>
      %scatter3A_1265 = tpu.memref_squeeze %scatter3A_1264 : memref<1x64x512xf32, #tpu.memory_space<vmem>> -> memref<64x512xf32, #tpu.memory_space<vmem>>
      tpu.vector_store_idx %scatter3A_1265[%broadcast_in_dim3A_1260, %get3A_3], %broadcast_in_dim3A_4 : memref<64x512xf32, #tpu.memory_space<vmem>>[vector<16xi32>, vector<16xi32>], vector<16xf32>,
      %broadcast_in_dim3A_1266 = arith.constant 18 : i32
      %broadcast_in_dim3A_1267 = vector.broadcast %broadcast_in_dim3A_1266 : i32 to vector<16xi32>
      %scatter3A_1268 = arith.constant 0 : i32
      %scatter3A_1269 = arith.constant 0 : i32
      %scatter3A_1270 = arith.constant 0 : i32
      %scatter3A_1271 = tpu.memref_slice %arg5[%scatter3A_1268, %scatter3A_1269, %scatter3A_1270] : memref<3x64x512xf32, #tpu.memory_space<vmem>> -> memref<1x64x512xf32, #tpu.memory_space<vmem>>
      %scatter3A_1272 = tpu.memref_squeeze %scatter3A_1271 : memref<1x64x512xf32, #tpu.memory_space<vmem>> -> memref<64x512xf32, #tpu.memory_space<vmem>>
      tpu.vector_store_idx %scatter3A_1272[%broadcast_in_dim3A_1267, %get3A_3], %broadcast_in_dim3A_4 : memref<64x512xf32, #tpu.memory_space<vmem>>[vector<16xi32>, vector<16xi32>], vector<16xf32>,
      %broadcast_in_dim3A_1273 = arith.constant 19 : i32
      %broadcast_in_dim3A_1274 = vector.broadcast %broadcast_in_dim3A_1273 : i32 to vector<16xi32>
      %scatter3A_1275 = arith.constant 0 : i32
      %scatter3A_1276 = arith.constant 0 : i32
      %scatter3A_1277 = arith.constant 0 : i32
      %scatter3A_1278 = tpu.memref_slice %arg5[%scatter3A_1275, %scatter3A_1276, %scatter3A_1277] : memref<3x64x512xf32, #tpu.memory_space<vmem>> -> memref<1x64x512xf32, #tpu.memory_space<vmem>>
      %scatter3A_1279 = tpu.memref_squeeze %scatter3A_1278 : memref<1x64x512xf32, #tpu.memory_space<vmem>> -> memref<64x512xf32, #tpu.memory_space<vmem>>
      tpu.vector_store_idx %scatter3A_1279[%broadcast_in_dim3A_1274, %get3A_3], %broadcast_in_dim3A_4 : memref<64x512xf32, #tpu.memory_space<vmem>>[vector<16xi32>, vector<16xi32>], vector<16xf32>,
      %broadcast_in_dim3A_1280 = arith.constant 20 : i32
      %broadcast_in_dim3A_1281 = vector.broadcast %broadcast_in_dim3A_1280 : i32 to vector<16xi32>
      %scatter3A_1282 = arith.constant 0 : i32
      %scatter3A_1283 = arith.constant 0 : i32
      %scatter3A_1284 = arith.constant 0 : i32
      %scatter3A_1285 = tpu.memref_slice %arg5[%scatter3A_1282, %scatter3A_1283, %scatter3A_1284] : memref<3x64x512xf32, #tpu.memory_space<vmem>> -> memref<1x64x512xf32, #tpu.memory_space<vmem>>
      %scatter3A_1286 = tpu.memref_squeeze %scatter3A_1285 : memref<1x64x512xf32, #tpu.memory_space<vmem>> -> memref<64x512xf32, #tpu.memory_space<vmem>>
      tpu.vector_store_idx %scatter3A_1286[%broadcast_in_dim3A_1281, %get3A_3], %broadcast_in_dim3A_4 : memref<64x512xf32, #tpu.memory_space<vmem>>[vector<16xi32>, vector<16xi32>], vector<16xf32>,
      %broadcast_in_dim3A_1287 = arith.constant 21 : i32
      %broadcast_in_dim3A_1288 = vector.broadcast %broadcast_in_dim3A_1287 : i32 to vector<16xi32>
      %scatter3A_1289 = arith.constant 0 : i32
      %scatter3A_1290 = arith.constant 0 : i32
      %scatter3A_1291 = arith.constant 0 : i32
      %scatter3A_1292 = tpu.memref_slice %arg5[%scatter3A_1289, %scatter3A_1290, %scatter3A_1291] : memref<3x64x512xf32, #tpu.memory_space<vmem>> -> memref<1x64x512xf32, #tpu.memory_space<vmem>>
      %scatter3A_1293 = tpu.memref_squeeze %scatter3A_1292 : memref<1x64x512xf32, #tpu.memory_space<vmem>> -> memref<64x512xf32, #tpu.memory_space<vmem>>
      tpu.vector_store_idx %scatter3A_1293[%broadcast_in_dim3A_1288, %get3A_3], %broadcast_in_dim3A_4 : memref<64x512xf32, #tpu.memory_space<vmem>>[vector<16xi32>, vector<16xi32>], vector<16xf32>,
      %broadcast_in_dim3A_1294 = arith.constant 22 : i32
      %broadcast_in_dim3A_1295 = vector.broadcast %broadcast_in_dim3A_1294 : i32 to vector<16xi32>
      %scatter3A_1296 = arith.constant 0 : i32
      %scatter3A_1297 = arith.constant 0 : i32
      %scatter3A_1298 = arith.constant 0 : i32
      %scatter3A_1299 = tpu.memref_slice %arg5[%scatter3A_1296, %scatter3A_1297, %scatter3A_1298] : memref<3x64x512xf32, #tpu.memory_space<vmem>> -> memref<1x64x512xf32, #tpu.memory_space<vmem>>
      %scatter3A_1300 = tpu.memref_squeeze %scatter3A_1299 : memref<1x64x512xf32, #tpu.memory_space<vmem>> -> memref<64x512xf32, #tpu.memory_space<vmem>>
      tpu.vector_store_idx %scatter3A_1300[%broadcast_in_dim3A_1295, %get3A_3], %broadcast_in_dim3A_4 : memref<64x512xf32, #tpu.memory_space<vmem>>[vector<16xi32>, vector<16xi32>], vector<16xf32>,
      %broadcast_in_dim3A_1301 = arith.constant 23 : i32
      %broadcast_in_dim3A_1302 = vector.broadcast %broadcast_in_dim3A_1301 : i32 to vector<16xi32>
      %scatter3A_1303 = arith.constant 0 : i32
      %scatter3A_1304 = arith.constant 0 : i32
      %scatter3A_1305 = arith.constant 0 : i32
      %scatter3A_1306 = tpu.memref_slice %arg5[%scatter3A_1303, %scatter3A_1304, %scatter3A_1305] : memref<3x64x512xf32, #tpu.memory_space<vmem>> -> memref<1x64x512xf32, #tpu.memory_space<vmem>>
      %scatter3A_1307 = tpu.memref_squeeze %scatter3A_1306 : memref<1x64x512xf32, #tpu.memory_space<vmem>> -> memref<64x512xf32, #tpu.memory_space<vmem>>
      tpu.vector_store_idx %scatter3A_1307[%broadcast_in_dim3A_1302, %get3A_3], %broadcast_in_dim3A_4 : memref<64x512xf32, #tpu.memory_space<vmem>>[vector<16xi32>, vector<16xi32>], vector<16xf32>,
      %broadcast_in_dim3A_1308 = arith.constant 24 : i32
      %broadcast_in_dim3A_1309 = vector.broadcast %broadcast_in_dim3A_1308 : i32 to vector<16xi32>
      %scatter3A_1310 = arith.constant 0 : i32
      %scatter3A_1311 = arith.constant 0 : i32
      %scatter3A_1312 = arith.constant 0 : i32
      %scatter3A_1313 = tpu.memref_slice %arg5[%scatter3A_1310, %scatter3A_1311, %scatter3A_1312] : memref<3x64x512xf32, #tpu.memory_space<vmem>> -> memref<1x64x512xf32, #tpu.memory_space<vmem>>
      %scatter3A_1314 = tpu.memref_squeeze %scatter3A_1313 : memref<1x64x512xf32, #tpu.memory_space<vmem>> -> memref<64x512xf32, #tpu.memory_space<vmem>>
      tpu.vector_store_idx %scatter3A_1314[%broadcast_in_dim3A_1309, %get3A_3], %broadcast_in_dim3A_4 : memref<64x512xf32, #tpu.memory_space<vmem>>[vector<16xi32>, vector<16xi32>], vector<16xf32>,
      %broadcast_in_dim3A_1315 = arith.constant 25 : i32
      %broadcast_in_dim3A_1316 = vector.broadcast %broadcast_in_dim3A_1315 : i32 to vector<16xi32>
      %scatter3A_1317 = arith.constant 0 : i32
      %scatter3A_1318 = arith.constant 0 : i32
      %scatter3A_1319 = arith.constant 0 : i32
      %scatter3A_1320 = tpu.memref_slice %arg5[%scatter3A_1317, %scatter3A_1318, %scatter3A_1319] : memref<3x64x512xf32, #tpu.memory_space<vmem>> -> memref<1x64x512xf32, #tpu.memory_space<vmem>>
      %scatter3A_1321 = tpu.memref_squeeze %scatter3A_1320 : memref<1x64x512xf32, #tpu.memory_space<vmem>> -> memref<64x512xf32, #tpu.memory_space<vmem>>
      tpu.vector_store_idx %scatter3A_1321[%broadcast_in_dim3A_1316, %get3A_3], %broadcast_in_dim3A_4 : memref<64x512xf32, #tpu.memory_space<vmem>>[vector<16xi32>, vector<16xi32>], vector<16xf32>,
      %broadcast_in_dim3A_1322 = arith.constant 26 : i32
      %broadcast_in_dim3A_1323 = vector.broadcast %broadcast_in_dim3A_1322 : i32 to vector<16xi32>
      %scatter3A_1324 = arith.constant 0 : i32
      %scatter3A_1325 = arith.constant 0 : i32
      %scatter3A_1326 = arith.constant 0 : i32
      %scatter3A_1327 = tpu.memref_slice %arg5[%scatter3A_1324, %scatter3A_1325, %scatter3A_1326] : memref<3x64x512xf32, #tpu.memory_space<vmem>> -> memref<1x64x512xf32, #tpu.memory_space<vmem>>
      %scatter3A_1328 = tpu.memref_squeeze %scatter3A_1327 : memref<1x64x512xf32, #tpu.memory_space<vmem>> -> memref<64x512xf32, #tpu.memory_space<vmem>>
      tpu.vector_store_idx %scatter3A_1328[%broadcast_in_dim3A_1323, %get3A_3], %broadcast_in_dim3A_4 : memref<64x512xf32, #tpu.memory_space<vmem>>[vector<16xi32>, vector<16xi32>], vector<16xf32>,
      %broadcast_in_dim3A_1329 = arith.constant 27 : i32
      %broadcast_in_dim3A_1330 = vector.broadcast %broadcast_in_dim3A_1329 : i32 to vector<16xi32>
      %scatter3A_1331 = arith.constant 0 : i32
      %scatter3A_1332 = arith.constant 0 : i32
      %scatter3A_1333 = arith.constant 0 : i32
      %scatter3A_1334 = tpu.memref_slice %arg5[%scatter3A_1331, %scatter3A_1332, %scatter3A_1333] : memref<3x64x512xf32, #tpu.memory_space<vmem>> -> memref<1x64x512xf32, #tpu.memory_space<vmem>>
      %scatter3A_1335 = tpu.memref_squeeze %scatter3A_1334 : memref<1x64x512xf32, #tpu.memory_space<vmem>> -> memref<64x512xf32, #tpu.memory_space<vmem>>
      tpu.vector_store_idx %scatter3A_1335[%broadcast_in_dim3A_1330, %get3A_3], %broadcast_in_dim3A_4 : memref<64x512xf32, #tpu.memory_space<vmem>>[vector<16xi32>, vector<16xi32>], vector<16xf32>,
      %broadcast_in_dim3A_1336 = arith.constant 28 : i32
      %broadcast_in_dim3A_1337 = vector.broadcast %broadcast_in_dim3A_1336 : i32 to vector<16xi32>
      %scatter3A_1338 = arith.constant 0 : i32
      %scatter3A_1339 = arith.constant 0 : i32
      %scatter3A_1340 = arith.constant 0 : i32
      %scatter3A_1341 = tpu.memref_slice %arg5[%scatter3A_1338, %scatter3A_1339, %scatter3A_1340] : memref<3x64x512xf32, #tpu.memory_space<vmem>> -> memref<1x64x512xf32, #tpu.memory_space<vmem>>
      %scatter3A_1342 = tpu.memref_squeeze %scatter3A_1341 : memref<1x64x512xf32, #tpu.memory_space<vmem>> -> memref<64x512xf32, #tpu.memory_space<vmem>>
      tpu.vector_store_idx %scatter3A_1342[%broadcast_in_dim3A_1337, %get3A_3], %broadcast_in_dim3A_4 : memref<64x512xf32, #tpu.memory_space<vmem>>[vector<16xi32>, vector<16xi32>], vector<16xf32>,
      %broadcast_in_dim3A_1343 = arith.constant 29 : i32
      %broadcast_in_dim3A_1344 = vector.broadcast %broadcast_in_dim3A_1343 : i32 to vector<16xi32>
      %scatter3A_1345 = arith.constant 0 : i32
      %scatter3A_1346 = arith.constant 0 : i32
      %scatter3A_1347 = arith.constant 0 : i32
      %scatter3A_1348 = tpu.memref_slice %arg5[%scatter3A_1345, %scatter3A_1346, %scatter3A_1347] : memref<3x64x512xf32, #tpu.memory_space<vmem>> -> memref<1x64x512xf32, #tpu.memory_space<vmem>>
      %scatter3A_1349 = tpu.memref_squeeze %scatter3A_1348 : memref<1x64x512xf32, #tpu.memory_space<vmem>> -> memref<64x512xf32, #tpu.memory_space<vmem>>
      tpu.vector_store_idx %scatter3A_1349[%broadcast_in_dim3A_1344, %get3A_3], %broadcast_in_dim3A_4 : memref<64x512xf32, #tpu.memory_space<vmem>>[vector<16xi32>, vector<16xi32>], vector<16xf32>,
      %broadcast_in_dim3A_1350 = arith.constant 30 : i32
      %broadcast_in_dim3A_1351 = vector.broadcast %broadcast_in_dim3A_1350 : i32 to vector<16xi32>
      %scatter3A_1352 = arith.constant 0 : i32
      %scatter3A_1353 = arith.constant 0 : i32
      %scatter3A_1354 = arith.constant 0 : i32
      %scatter3A_1355 = tpu.memref_slice %arg5[%scatter3A_1352, %scatter3A_1353, %scatter3A_1354] : memref<3x64x512xf32, #tpu.memory_space<vmem>> -> memref<1x64x512xf32, #tpu.memory_space<vmem>>
      %scatter3A_1356 = tpu.memref_squeeze %scatter3A_1355 : memref<1x64x512xf32, #tpu.memory_space<vmem>> -> memref<64x512xf32, #tpu.memory_space<vmem>>
      tpu.vector_store_idx %scatter3A_1356[%broadcast_in_dim3A_1351, %get3A_3], %broadcast_in_dim3A_4 : memref<64x512xf32, #tpu.memory_space<vmem>>[vector<16xi32>, vector<16xi32>], vector<16xf32>,
      %broadcast_in_dim3A_1357 = arith.constant 31 : i32
      %broadcast_in_dim3A_1358 = vector.broadcast %broadcast_in_dim3A_1357 : i32 to vector<16xi32>
      %scatter3A_1359 = arith.constant 0 : i32
      %scatter3A_1360 = arith.constant 0 : i32
      %scatter3A_1361 = arith.constant 0 : i32
      %scatter3A_1362 = tpu.memref_slice %arg5[%scatter3A_1359, %scatter3A_1360, %scatter3A_1361] : memref<3x64x512xf32, #tpu.memory_space<vmem>> -> memref<1x64x512xf32, #tpu.memory_space<vmem>>
      %scatter3A_1363 = tpu.memref_squeeze %scatter3A_1362 : memref<1x64x512xf32, #tpu.memory_space<vmem>> -> memref<64x512xf32, #tpu.memory_space<vmem>>
      tpu.vector_store_idx %scatter3A_1363[%broadcast_in_dim3A_1358, %get3A_3], %broadcast_in_dim3A_4 : memref<64x512xf32, #tpu.memory_space<vmem>>[vector<16xi32>, vector<16xi32>], vector<16xf32>,
      %broadcast_in_dim3A_1364 = arith.constant 32 : i32
      %broadcast_in_dim3A_1365 = vector.broadcast %broadcast_in_dim3A_1364 : i32 to vector<16xi32>
      %scatter3A_1366 = arith.constant 0 : i32
      %scatter3A_1367 = arith.constant 0 : i32
      %scatter3A_1368 = arith.constant 0 : i32
      %scatter3A_1369 = tpu.memref_slice %arg5[%scatter3A_1366, %scatter3A_1367, %scatter3A_1368] : memref<3x64x512xf32, #tpu.memory_space<vmem>> -> memref<1x64x512xf32, #tpu.memory_space<vmem>>
      %scatter3A_1370 = tpu.memref_squeeze %scatter3A_1369 : memref<1x64x512xf32, #tpu.memory_space<vmem>> -> memref<64x512xf32, #tpu.memory_space<vmem>>
      tpu.vector_store_idx %scatter3A_1370[%broadcast_in_dim3A_1365, %get3A_3], %broadcast_in_dim3A_4 : memref<64x512xf32, #tpu.memory_space<vmem>>[vector<16xi32>, vector<16xi32>], vector<16xf32>,
      %broadcast_in_dim3A_1371 = arith.constant 33 : i32
      %broadcast_in_dim3A_1372 = vector.broadcast %broadcast_in_dim3A_1371 : i32 to vector<16xi32>
      %scatter3A_1373 = arith.constant 0 : i32
      %scatter3A_1374 = arith.constant 0 : i32
      %scatter3A_1375 = arith.constant 0 : i32
      %scatter3A_1376 = tpu.memref_slice %arg5[%scatter3A_1373, %scatter3A_1374, %scatter3A_1375] : memref<3x64x512xf32, #tpu.memory_space<vmem>> -> memref<1x64x512xf32, #tpu.memory_space<vmem>>
      %scatter3A_1377 = tpu.memref_squeeze %scatter3A_1376 : memref<1x64x512xf32, #tpu.memory_space<vmem>> -> memref<64x512xf32, #tpu.memory_space<vmem>>
      tpu.vector_store_idx %scatter3A_1377[%broadcast_in_dim3A_1372, %get3A_3], %broadcast_in_dim3A_4 : memref<64x512xf32, #tpu.memory_space<vmem>>[vector<16xi32>, vector<16xi32>], vector<16xf32>,
      %broadcast_in_dim3A_1378 = arith.constant 34 : i32
      %broadcast_in_dim3A_1379 = vector.broadcast %broadcast_in_dim3A_1378 : i32 to vector<16xi32>
      %scatter3A_1380 = arith.constant 0 : i32
      %scatter3A_1381 = arith.constant 0 : i32
      %scatter3A_1382 = arith.constant 0 : i32
      %scatter3A_1383 = tpu.memref_slice %arg5[%scatter3A_1380, %scatter3A_1381, %scatter3A_1382] : memref<3x64x512xf32, #tpu.memory_space<vmem>> -> memref<1x64x512xf32, #tpu.memory_space<vmem>>
      %scatter3A_1384 = tpu.memref_squeeze %scatter3A_1383 : memref<1x64x512xf32, #tpu.memory_space<vmem>> -> memref<64x512xf32, #tpu.memory_space<vmem>>
      tpu.vector_store_idx %scatter3A_1384[%broadcast_in_dim3A_1379, %get3A_3], %broadcast_in_dim3A_4 : memref<64x512xf32, #tpu.memory_space<vmem>>[vector<16xi32>, vector<16xi32>], vector<16xf32>,
      %broadcast_in_dim3A_1385 = arith.constant 35 : i32
      %broadcast_in_dim3A_1386 = vector.broadcast %broadcast_in_dim3A_1385 : i32 to vector<16xi32>
      %scatter3A_1387 = arith.constant 0 : i32
      %scatter3A_1388 = arith.constant 0 : i32
      %scatter3A_1389 = arith.constant 0 : i32
      %scatter3A_1390 = tpu.memref_slice %arg5[%scatter3A_1387, %scatter3A_1388, %scatter3A_1389] : memref<3x64x512xf32, #tpu.memory_space<vmem>> -> memref<1x64x512xf32, #tpu.memory_space<vmem>>
      %scatter3A_1391 = tpu.memref_squeeze %scatter3A_1390 : memref<1x64x512xf32, #tpu.memory_space<vmem>> -> memref<64x512xf32, #tpu.memory_space<vmem>>
      tpu.vector_store_idx %scatter3A_1391[%broadcast_in_dim3A_1386, %get3A_3], %broadcast_in_dim3A_4 : memref<64x512xf32, #tpu.memory_space<vmem>>[vector<16xi32>, vector<16xi32>], vector<16xf32>,
      %broadcast_in_dim3A_1392 = arith.constant 36 : i32
      %broadcast_in_dim3A_1393 = vector.broadcast %broadcast_in_dim3A_1392 : i32 to vector<16xi32>
      %scatter3A_1394 = arith.constant 0 : i32
      %scatter3A_1395 = arith.constant 0 : i32
      %scatter3A_1396 = arith.constant 0 : i32
      %scatter3A_1397 = tpu.memref_slice %arg5[%scatter3A_1394, %scatter3A_1395, %scatter3A_1396] : memref<3x64x512xf32, #tpu.memory_space<vmem>> -> memref<1x64x512xf32, #tpu.memory_space<vmem>>
      %scatter3A_1398 = tpu.memref_squeeze %scatter3A_1397 : memref<1x64x512xf32, #tpu.memory_space<vmem>> -> memref<64x512xf32, #tpu.memory_space<vmem>>
      tpu.vector_store_idx %scatter3A_1398[%broadcast_in_dim3A_1393, %get3A_3], %broadcast_in_dim3A_4 : memref<64x512xf32, #tpu.memory_space<vmem>>[vector<16xi32>, vector<16xi32>], vector<16xf32>,
      %broadcast_in_dim3A_1399 = arith.constant 37 : i32
      %broadcast_in_dim3A_1400 = vector.broadcast %broadcast_in_dim3A_1399 : i32 to vector<16xi32>
      %scatter3A_1401 = arith.constant 0 : i32
      %scatter3A_1402 = arith.constant 0 : i32
      %scatter3A_1403 = arith.constant 0 : i32
      %scatter3A_1404 = tpu.memref_slice %arg5[%scatter3A_1401, %scatter3A_1402, %scatter3A_1403] : memref<3x64x512xf32, #tpu.memory_space<vmem>> -> memref<1x64x512xf32, #tpu.memory_space<vmem>>
      %scatter3A_1405 = tpu.memref_squeeze %scatter3A_1404 : memref<1x64x512xf32, #tpu.memory_space<vmem>> -> memref<64x512xf32, #tpu.memory_space<vmem>>
      tpu.vector_store_idx %scatter3A_1405[%broadcast_in_dim3A_1400, %get3A_3], %broadcast_in_dim3A_4 : memref<64x512xf32, #tpu.memory_space<vmem>>[vector<16xi32>, vector<16xi32>], vector<16xf32>,
      %broadcast_in_dim3A_1406 = arith.constant 38 : i32
      %broadcast_in_dim3A_1407 = vector.broadcast %broadcast_in_dim3A_1406 : i32 to vector<16xi32>
      %scatter3A_1408 = arith.constant 0 : i32
      %scatter3A_1409 = arith.constant 0 : i32
      %scatter3A_1410 = arith.constant 0 : i32
      %scatter3A_1411 = tpu.memref_slice %arg5[%scatter3A_1408, %scatter3A_1409, %scatter3A_1410] : memref<3x64x512xf32, #tpu.memory_space<vmem>> -> memref<1x64x512xf32, #tpu.memory_space<vmem>>
      %scatter3A_1412 = tpu.memref_squeeze %scatter3A_1411 : memref<1x64x512xf32, #tpu.memory_space<vmem>> -> memref<64x512xf32, #tpu.memory_space<vmem>>
      tpu.vector_store_idx %scatter3A_1412[%broadcast_in_dim3A_1407, %get3A_3], %broadcast_in_dim3A_4 : memref<64x512xf32, #tpu.memory_space<vmem>>[vector<16xi32>, vector<16xi32>], vector<16xf32>,
      %broadcast_in_dim3A_1413 = arith.constant 39 : i32
      %broadcast_in_dim3A_1414 = vector.broadcast %broadcast_in_dim3A_1413 : i32 to vector<16xi32>
      %scatter3A_1415 = arith.constant 0 : i32
      %scatter3A_1416 = arith.constant 0 : i32
      %scatter3A_1417 = arith.constant 0 : i32
      %scatter3A_1418 = tpu.memref_slice %arg5[%scatter3A_1415, %scatter3A_1416, %scatter3A_1417] : memref<3x64x512xf32, #tpu.memory_space<vmem>> -> memref<1x64x512xf32, #tpu.memory_space<vmem>>
      %scatter3A_1419 = tpu.memref_squeeze %scatter3A_1418 : memref<1x64x512xf32, #tpu.memory_space<vmem>> -> memref<64x512xf32, #tpu.memory_space<vmem>>
      tpu.vector_store_idx %scatter3A_1419[%broadcast_in_dim3A_1414, %get3A_3], %broadcast_in_dim3A_4 : memref<64x512xf32, #tpu.memory_space<vmem>>[vector<16xi32>, vector<16xi32>], vector<16xf32>,
      %broadcast_in_dim3A_1420 = arith.constant 40 : i32
      %broadcast_in_dim3A_1421 = vector.broadcast %broadcast_in_dim3A_1420 : i32 to vector<16xi32>
      %scatter3A_1422 = arith.constant 0 : i32
      %scatter3A_1423 = arith.constant 0 : i32
      %scatter3A_1424 = arith.constant 0 : i32
      %scatter3A_1425 = tpu.memref_slice %arg5[%scatter3A_1422, %scatter3A_1423, %scatter3A_1424] : memref<3x64x512xf32, #tpu.memory_space<vmem>> -> memref<1x64x512xf32, #tpu.memory_space<vmem>>
      %scatter3A_1426 = tpu.memref_squeeze %scatter3A_1425 : memref<1x64x512xf32, #tpu.memory_space<vmem>> -> memref<64x512xf32, #tpu.memory_space<vmem>>
      tpu.vector_store_idx %scatter3A_1426[%broadcast_in_dim3A_1421, %get3A_3], %broadcast_in_dim3A_4 : memref<64x512xf32, #tpu.memory_space<vmem>>[vector<16xi32>, vector<16xi32>], vector<16xf32>,
      %broadcast_in_dim3A_1427 = arith.constant 41 : i32
      %broadcast_in_dim3A_1428 = vector.broadcast %broadcast_in_dim3A_1427 : i32 to vector<16xi32>
      %scatter3A_1429 = arith.constant 0 : i32
      %scatter3A_1430 = arith.constant 0 : i32
      %scatter3A_1431 = arith.constant 0 : i32
      %scatter3A_1432 = tpu.memref_slice %arg5[%scatter3A_1429, %scatter3A_1430, %scatter3A_1431] : memref<3x64x512xf32, #tpu.memory_space<vmem>> -> memref<1x64x512xf32, #tpu.memory_space<vmem>>
      %scatter3A_1433 = tpu.memref_squeeze %scatter3A_1432 : memref<1x64x512xf32, #tpu.memory_space<vmem>> -> memref<64x512xf32, #tpu.memory_space<vmem>>
      tpu.vector_store_idx %scatter3A_1433[%broadcast_in_dim3A_1428, %get3A_3], %broadcast_in_dim3A_4 : memref<64x512xf32, #tpu.memory_space<vmem>>[vector<16xi32>, vector<16xi32>], vector<16xf32>,
      %broadcast_in_dim3A_1434 = arith.constant 42 : i32
      %broadcast_in_dim3A_1435 = vector.broadcast %broadcast_in_dim3A_1434 : i32 to vector<16xi32>
      %scatter3A_1436 = arith.constant 0 : i32
      %scatter3A_1437 = arith.constant 0 : i32
      %scatter3A_1438 = arith.constant 0 : i32
      %scatter3A_1439 = tpu.memref_slice %arg5[%scatter3A_1436, %scatter3A_1437, %scatter3A_1438] : memref<3x64x512xf32, #tpu.memory_space<vmem>> -> memref<1x64x512xf32, #tpu.memory_space<vmem>>
      %scatter3A_1440 = tpu.memref_squeeze %scatter3A_1439 : memref<1x64x512xf32, #tpu.memory_space<vmem>> -> memref<64x512xf32, #tpu.memory_space<vmem>>
      tpu.vector_store_idx %scatter3A_1440[%broadcast_in_dim3A_1435, %get3A_3], %broadcast_in_dim3A_4 : memref<64x512xf32, #tpu.memory_space<vmem>>[vector<16xi32>, vector<16xi32>], vector<16xf32>,
      %broadcast_in_dim3A_1441 = arith.constant 43 : i32
      %broadcast_in_dim3A_1442 = vector.broadcast %broadcast_in_dim3A_1441 : i32 to vector<16xi32>
      %scatter3A_1443 = arith.constant 0 : i32
      %scatter3A_1444 = arith.constant 0 : i32
      %scatter3A_1445 = arith.constant 0 : i32
      %scatter3A_1446 = tpu.memref_slice %arg5[%scatter3A_1443, %scatter3A_1444, %scatter3A_1445] : memref<3x64x512xf32, #tpu.memory_space<vmem>> -> memref<1x64x512xf32, #tpu.memory_space<vmem>>
      %scatter3A_1447 = tpu.memref_squeeze %scatter3A_1446 : memref<1x64x512xf32, #tpu.memory_space<vmem>> -> memref<64x512xf32, #tpu.memory_space<vmem>>
      tpu.vector_store_idx %scatter3A_1447[%broadcast_in_dim3A_1442, %get3A_3], %broadcast_in_dim3A_4 : memref<64x512xf32, #tpu.memory_space<vmem>>[vector<16xi32>, vector<16xi32>], vector<16xf32>,
      %broadcast_in_dim3A_1448 = arith.constant 44 : i32
      %broadcast_in_dim3A_1449 = vector.broadcast %broadcast_in_dim3A_1448 : i32 to vector<16xi32>
      %scatter3A_1450 = arith.constant 0 : i32
      %scatter3A_1451 = arith.constant 0 : i32
      %scatter3A_1452 = arith.constant 0 : i32
      %scatter3A_1453 = tpu.memref_slice %arg5[%scatter3A_1450, %scatter3A_1451, %scatter3A_1452] : memref<3x64x512xf32, #tpu.memory_space<vmem>> -> memref<1x64x512xf32, #tpu.memory_space<vmem>>
      %scatter3A_1454 = tpu.memref_squeeze %scatter3A_1453 : memref<1x64x512xf32, #tpu.memory_space<vmem>> -> memref<64x512xf32, #tpu.memory_space<vmem>>
      tpu.vector_store_idx %scatter3A_1454[%broadcast_in_dim3A_1449, %get3A_3], %broadcast_in_dim3A_4 : memref<64x512xf32, #tpu.memory_space<vmem>>[vector<16xi32>, vector<16xi32>], vector<16xf32>,
      %broadcast_in_dim3A_1455 = arith.constant 45 : i32
      %broadcast_in_dim3A_1456 = vector.broadcast %broadcast_in_dim3A_1455 : i32 to vector<16xi32>
      %scatter3A_1457 = arith.constant 0 : i32
      %scatter3A_1458 = arith.constant 0 : i32
      %scatter3A_1459 = arith.constant 0 : i32
      %scatter3A_1460 = tpu.memref_slice %arg5[%scatter3A_1457, %scatter3A_1458, %scatter3A_1459] : memref<3x64x512xf32, #tpu.memory_space<vmem>> -> memref<1x64x512xf32, #tpu.memory_space<vmem>>
      %scatter3A_1461 = tpu.memref_squeeze %scatter3A_1460 : memref<1x64x512xf32, #tpu.memory_space<vmem>> -> memref<64x512xf32, #tpu.memory_space<vmem>>
      tpu.vector_store_idx %scatter3A_1461[%broadcast_in_dim3A_1456, %get3A_3], %broadcast_in_dim3A_4 : memref<64x512xf32, #tpu.memory_space<vmem>>[vector<16xi32>, vector<16xi32>], vector<16xf32>,
      %broadcast_in_dim3A_1462 = arith.constant 46 : i32
      %broadcast_in_dim3A_1463 = vector.broadcast %broadcast_in_dim3A_1462 : i32 to vector<16xi32>
      %scatter3A_1464 = arith.constant 0 : i32
      %scatter3A_1465 = arith.constant 0 : i32
      %scatter3A_1466 = arith.constant 0 : i32
      %scatter3A_1467 = tpu.memref_slice %arg5[%scatter3A_1464, %scatter3A_1465, %scatter3A_1466] : memref<3x64x512xf32, #tpu.memory_space<vmem>> -> memref<1x64x512xf32, #tpu.memory_space<vmem>>
      %scatter3A_1468 = tpu.memref_squeeze %scatter3A_1467 : memref<1x64x512xf32, #tpu.memory_space<vmem>> -> memref<64x512xf32, #tpu.memory_space<vmem>>
      tpu.vector_store_idx %scatter3A_1468[%broadcast_in_dim3A_1463, %get3A_3], %broadcast_in_dim3A_4 : memref<64x512xf32, #tpu.memory_space<vmem>>[vector<16xi32>, vector<16xi32>], vector<16xf32>,
      %broadcast_in_dim3A_1469 = arith.constant 47 : i32
      %broadcast_in_dim3A_1470 = vector.broadcast %broadcast_in_dim3A_1469 : i32 to vector<16xi32>
      %scatter3A_1471 = arith.constant 0 : i32
      %scatter3A_1472 = arith.constant 0 : i32
      %scatter3A_1473 = arith.constant 0 : i32
      %scatter3A_1474 = tpu.memref_slice %arg5[%scatter3A_1471, %scatter3A_1472, %scatter3A_1473] : memref<3x64x512xf32, #tpu.memory_space<vmem>> -> memref<1x64x512xf32, #tpu.memory_space<vmem>>
      %scatter3A_1475 = tpu.memref_squeeze %scatter3A_1474 : memref<1x64x512xf32, #tpu.memory_space<vmem>> -> memref<64x512xf32, #tpu.memory_space<vmem>>
      tpu.vector_store_idx %scatter3A_1475[%broadcast_in_dim3A_1470, %get3A_3], %broadcast_in_dim3A_4 : memref<64x512xf32, #tpu.memory_space<vmem>>[vector<16xi32>, vector<16xi32>], vector<16xf32>,
      %broadcast_in_dim3A_1476 = arith.constant 48 : i32
      %broadcast_in_dim3A_1477 = vector.broadcast %broadcast_in_dim3A_1476 : i32 to vector<16xi32>
      %scatter3A_1478 = arith.constant 0 : i32
      %scatter3A_1479 = arith.constant 0 : i32
      %scatter3A_1480 = arith.constant 0 : i32
      %scatter3A_1481 = tpu.memref_slice %arg5[%scatter3A_1478, %scatter3A_1479, %scatter3A_1480] : memref<3x64x512xf32, #tpu.memory_space<vmem>> -> memref<1x64x512xf32, #tpu.memory_space<vmem>>
      %scatter3A_1482 = tpu.memref_squeeze %scatter3A_1481 : memref<1x64x512xf32, #tpu.memory_space<vmem>> -> memref<64x512xf32, #tpu.memory_space<vmem>>
      tpu.vector_store_idx %scatter3A_1482[%broadcast_in_dim3A_1477, %get3A_3], %broadcast_in_dim3A_4 : memref<64x512xf32, #tpu.memory_space<vmem>>[vector<16xi32>, vector<16xi32>], vector<16xf32>,
      %broadcast_in_dim3A_1483 = arith.constant 49 : i32
      %broadcast_in_dim3A_1484 = vector.broadcast %broadcast_in_dim3A_1483 : i32 to vector<16xi32>
      %scatter3A_1485 = arith.constant 0 : i32
      %scatter3A_1486 = arith.constant 0 : i32
      %scatter3A_1487 = arith.constant 0 : i32
      %scatter3A_1488 = tpu.memref_slice %arg5[%scatter3A_1485, %scatter3A_1486, %scatter3A_1487] : memref<3x64x512xf32, #tpu.memory_space<vmem>> -> memref<1x64x512xf32, #tpu.memory_space<vmem>>
      %scatter3A_1489 = tpu.memref_squeeze %scatter3A_1488 : memref<1x64x512xf32, #tpu.memory_space<vmem>> -> memref<64x512xf32, #tpu.memory_space<vmem>>
      tpu.vector_store_idx %scatter3A_1489[%broadcast_in_dim3A_1484, %get3A_3], %broadcast_in_dim3A_4 : memref<64x512xf32, #tpu.memory_space<vmem>>[vector<16xi32>, vector<16xi32>], vector<16xf32>,
      %broadcast_in_dim3A_1490 = arith.constant 50 : i32
      %broadcast_in_dim3A_1491 = vector.broadcast %broadcast_in_dim3A_1490 : i32 to vector<16xi32>
      %scatter3A_1492 = arith.constant 0 : i32
      %scatter3A_1493 = arith.constant 0 : i32
      %scatter3A_1494 = arith.constant 0 : i32
      %scatter3A_1495 = tpu.memref_slice %arg5[%scatter3A_1492, %scatter3A_1493, %scatter3A_1494] : memref<3x64x512xf32, #tpu.memory_space<vmem>> -> memref<1x64x512xf32, #tpu.memory_space<vmem>>
      %scatter3A_1496 = tpu.memref_squeeze %scatter3A_1495 : memref<1x64x512xf32, #tpu.memory_space<vmem>> -> memref<64x512xf32, #tpu.memory_space<vmem>>
      tpu.vector_store_idx %scatter3A_1496[%broadcast_in_dim3A_1491, %get3A_3], %broadcast_in_dim3A_4 : memref<64x512xf32, #tpu.memory_space<vmem>>[vector<16xi32>, vector<16xi32>], vector<16xf32>,
      %broadcast_in_dim3A_1497 = arith.constant 51 : i32
      %broadcast_in_dim3A_1498 = vector.broadcast %broadcast_in_dim3A_1497 : i32 to vector<16xi32>
      %scatter3A_1499 = arith.constant 0 : i32
      %scatter3A_1500 = arith.constant 0 : i32
      %scatter3A_1501 = arith.constant 0 : i32
      %scatter3A_1502 = tpu.memref_slice %arg5[%scatter3A_1499, %scatter3A_1500, %scatter3A_1501] : memref<3x64x512xf32, #tpu.memory_space<vmem>> -> memref<1x64x512xf32, #tpu.memory_space<vmem>>
      %scatter3A_1503 = tpu.memref_squeeze %scatter3A_1502 : memref<1x64x512xf32, #tpu.memory_space<vmem>> -> memref<64x512xf32, #tpu.memory_space<vmem>>
      tpu.vector_store_idx %scatter3A_1503[%broadcast_in_dim3A_1498, %get3A_3], %broadcast_in_dim3A_4 : memref<64x512xf32, #tpu.memory_space<vmem>>[vector<16xi32>, vector<16xi32>], vector<16xf32>,
      %broadcast_in_dim3A_1504 = arith.constant 52 : i32
      %broadcast_in_dim3A_1505 = vector.broadcast %broadcast_in_dim3A_1504 : i32 to vector<16xi32>
      %scatter3A_1506 = arith.constant 0 : i32
      %scatter3A_1507 = arith.constant 0 : i32
      %scatter3A_1508 = arith.constant 0 : i32
      %scatter3A_1509 = tpu.memref_slice %arg5[%scatter3A_1506, %scatter3A_1507, %scatter3A_1508] : memref<3x64x512xf32, #tpu.memory_space<vmem>> -> memref<1x64x512xf32, #tpu.memory_space<vmem>>
      %scatter3A_1510 = tpu.memref_squeeze %scatter3A_1509 : memref<1x64x512xf32, #tpu.memory_space<vmem>> -> memref<64x512xf32, #tpu.memory_space<vmem>>
      tpu.vector_store_idx %scatter3A_1510[%broadcast_in_dim3A_1505, %get3A_3], %broadcast_in_dim3A_4 : memref<64x512xf32, #tpu.memory_space<vmem>>[vector<16xi32>, vector<16xi32>], vector<16xf32>,
      %broadcast_in_dim3A_1511 = arith.constant 53 : i32
      %broadcast_in_dim3A_1512 = vector.broadcast %broadcast_in_dim3A_1511 : i32 to vector<16xi32>
      %scatter3A_1513 = arith.constant 0 : i32
      %scatter3A_1514 = arith.constant 0 : i32
      %scatter3A_1515 = arith.constant 0 : i32
      %scatter3A_1516 = tpu.memref_slice %arg5[%scatter3A_1513, %scatter3A_1514, %scatter3A_1515] : memref<3x64x512xf32, #tpu.memory_space<vmem>> -> memref<1x64x512xf32, #tpu.memory_space<vmem>>
      %scatter3A_1517 = tpu.memref_squeeze %scatter3A_1516 : memref<1x64x512xf32, #tpu.memory_space<vmem>> -> memref<64x512xf32, #tpu.memory_space<vmem>>
      tpu.vector_store_idx %scatter3A_1517[%broadcast_in_dim3A_1512, %get3A_3], %broadcast_in_dim3A_4 : memref<64x512xf32, #tpu.memory_space<vmem>>[vector<16xi32>, vector<16xi32>], vector<16xf32>,
      %broadcast_in_dim3A_1518 = arith.constant 54 : i32
      %broadcast_in_dim3A_1519 = vector.broadcast %broadcast_in_dim3A_1518 : i32 to vector<16xi32>
      %scatter3A_1520 = arith.constant 0 : i32
      %scatter3A_1521 = arith.constant 0 : i32
      %scatter3A_1522 = arith.constant 0 : i32
      %scatter3A_1523 = tpu.memref_slice %arg5[%scatter3A_1520, %scatter3A_1521, %scatter3A_1522] : memref<3x64x512xf32, #tpu.memory_space<vmem>> -> memref<1x64x512xf32, #tpu.memory_space<vmem>>
      %scatter3A_1524 = tpu.memref_squeeze %scatter3A_1523 : memref<1x64x512xf32, #tpu.memory_space<vmem>> -> memref<64x512xf32, #tpu.memory_space<vmem>>
      tpu.vector_store_idx %scatter3A_1524[%broadcast_in_dim3A_1519, %get3A_3], %broadcast_in_dim3A_4 : memref<64x512xf32, #tpu.memory_space<vmem>>[vector<16xi32>, vector<16xi32>], vector<16xf32>,
      %broadcast_in_dim3A_1525 = arith.constant 55 : i32
      %broadcast_in_dim3A_1526 = vector.broadcast %broadcast_in_dim3A_1525 : i32 to vector<16xi32>
      %scatter3A_1527 = arith.constant 0 : i32
      %scatter3A_1528 = arith.constant 0 : i32
      %scatter3A_1529 = arith.constant 0 : i32
      %scatter3A_1530 = tpu.memref_slice %arg5[%scatter3A_1527, %scatter3A_1528, %scatter3A_1529] : memref<3x64x512xf32, #tpu.memory_space<vmem>> -> memref<1x64x512xf32, #tpu.memory_space<vmem>>
      %scatter3A_1531 = tpu.memref_squeeze %scatter3A_1530 : memref<1x64x512xf32, #tpu.memory_space<vmem>> -> memref<64x512xf32, #tpu.memory_space<vmem>>
      tpu.vector_store_idx %scatter3A_1531[%broadcast_in_dim3A_1526, %get3A_3], %broadcast_in_dim3A_4 : memref<64x512xf32, #tpu.memory_space<vmem>>[vector<16xi32>, vector<16xi32>], vector<16xf32>,
      %broadcast_in_dim3A_1532 = arith.constant 56 : i32
      %broadcast_in_dim3A_1533 = vector.broadcast %broadcast_in_dim3A_1532 : i32 to vector<16xi32>
      %scatter3A_1534 = arith.constant 0 : i32
      %scatter3A_1535 = arith.constant 0 : i32
      %scatter3A_1536 = arith.constant 0 : i32
      %scatter3A_1537 = tpu.memref_slice %arg5[%scatter3A_1534, %scatter3A_1535, %scatter3A_1536] : memref<3x64x512xf32, #tpu.memory_space<vmem>> -> memref<1x64x512xf32, #tpu.memory_space<vmem>>
      %scatter3A_1538 = tpu.memref_squeeze %scatter3A_1537 : memref<1x64x512xf32, #tpu.memory_space<vmem>> -> memref<64x512xf32, #tpu.memory_space<vmem>>
      tpu.vector_store_idx %scatter3A_1538[%broadcast_in_dim3A_1533, %get3A_3], %broadcast_in_dim3A_4 : memref<64x512xf32, #tpu.memory_space<vmem>>[vector<16xi32>, vector<16xi32>], vector<16xf32>,
      %broadcast_in_dim3A_1539 = arith.constant 57 : i32
      %broadcast_in_dim3A_1540 = vector.broadcast %broadcast_in_dim3A_1539 : i32 to vector<16xi32>
      %scatter3A_1541 = arith.constant 0 : i32
      %scatter3A_1542 = arith.constant 0 : i32
      %scatter3A_1543 = arith.constant 0 : i32
      %scatter3A_1544 = tpu.memref_slice %arg5[%scatter3A_1541, %scatter3A_1542, %scatter3A_1543] : memref<3x64x512xf32, #tpu.memory_space<vmem>> -> memref<1x64x512xf32, #tpu.memory_space<vmem>>
      %scatter3A_1545 = tpu.memref_squeeze %scatter3A_1544 : memref<1x64x512xf32, #tpu.memory_space<vmem>> -> memref<64x512xf32, #tpu.memory_space<vmem>>
      tpu.vector_store_idx %scatter3A_1545[%broadcast_in_dim3A_1540, %get3A_3], %broadcast_in_dim3A_4 : memref<64x512xf32, #tpu.memory_space<vmem>>[vector<16xi32>, vector<16xi32>], vector<16xf32>,
      %broadcast_in_dim3A_1546 = arith.constant 58 : i32
      %broadcast_in_dim3A_1547 = vector.broadcast %broadcast_in_dim3A_1546 : i32 to vector<16xi32>
      %scatter3A_1548 = arith.constant 0 : i32
      %scatter3A_1549 = arith.constant 0 : i32
      %scatter3A_1550 = arith.constant 0 : i32
      %scatter3A_1551 = tpu.memref_slice %arg5[%scatter3A_1548, %scatter3A_1549, %scatter3A_1550] : memref<3x64x512xf32, #tpu.memory_space<vmem>> -> memref<1x64x512xf32, #tpu.memory_space<vmem>>
      %scatter3A_1552 = tpu.memref_squeeze %scatter3A_1551 : memref<1x64x512xf32, #tpu.memory_space<vmem>> -> memref<64x512xf32, #tpu.memory_space<vmem>>
      tpu.vector_store_idx %scatter3A_1552[%broadcast_in_dim3A_1547, %get3A_3], %broadcast_in_dim3A_4 : memref<64x512xf32, #tpu.memory_space<vmem>>[vector<16xi32>, vector<16xi32>], vector<16xf32>,
      %broadcast_in_dim3A_1553 = arith.constant 59 : i32
      %broadcast_in_dim3A_1554 = vector.broadcast %broadcast_in_dim3A_1553 : i32 to vector<16xi32>
      %scatter3A_1555 = arith.constant 0 : i32
      %scatter3A_1556 = arith.constant 0 : i32
      %scatter3A_1557 = arith.constant 0 : i32
      %scatter3A_1558 = tpu.memref_slice %arg5[%scatter3A_1555, %scatter3A_1556, %scatter3A_1557] : memref<3x64x512xf32, #tpu.memory_space<vmem>> -> memref<1x64x512xf32, #tpu.memory_space<vmem>>
      %scatter3A_1559 = tpu.memref_squeeze %scatter3A_1558 : memref<1x64x512xf32, #tpu.memory_space<vmem>> -> memref<64x512xf32, #tpu.memory_space<vmem>>
      tpu.vector_store_idx %scatter3A_1559[%broadcast_in_dim3A_1554, %get3A_3], %broadcast_in_dim3A_4 : memref<64x512xf32, #tpu.memory_space<vmem>>[vector<16xi32>, vector<16xi32>], vector<16xf32>,
      %broadcast_in_dim3A_1560 = arith.constant 60 : i32
      %broadcast_in_dim3A_1561 = vector.broadcast %broadcast_in_dim3A_1560 : i32 to vector<16xi32>
      %scatter3A_1562 = arith.constant 0 : i32
      %scatter3A_1563 = arith.constant 0 : i32
      %scatter3A_1564 = arith.constant 0 : i32
      %scatter3A_1565 = tpu.memref_slice %arg5[%scatter3A_1562, %scatter3A_1563, %scatter3A_1564] : memref<3x64x512xf32, #tpu.memory_space<vmem>> -> memref<1x64x512xf32, #tpu.memory_space<vmem>>
      %scatter3A_1566 = tpu.memref_squeeze %scatter3A_1565 : memref<1x64x512xf32, #tpu.memory_space<vmem>> -> memref<64x512xf32, #tpu.memory_space<vmem>>
      tpu.vector_store_idx %scatter3A_1566[%broadcast_in_dim3A_1561, %get3A_3], %broadcast_in_dim3A_4 : memref<64x512xf32, #tpu.memory_space<vmem>>[vector<16xi32>, vector<16xi32>], vector<16xf32>,
      %broadcast_in_dim3A_1567 = arith.constant 61 : i32
      %broadcast_in_dim3A_1568 = vector.broadcast %broadcast_in_dim3A_1567 : i32 to vector<16xi32>
      %scatter3A_1569 = arith.constant 0 : i32
      %scatter3A_1570 = arith.constant 0 : i32
      %scatter3A_1571 = arith.constant 0 : i32
      %scatter3A_1572 = tpu.memref_slice %arg5[%scatter3A_1569, %scatter3A_1570, %scatter3A_1571] : memref<3x64x512xf32, #tpu.memory_space<vmem>> -> memref<1x64x512xf32, #tpu.memory_space<vmem>>
      %scatter3A_1573 = tpu.memref_squeeze %scatter3A_1572 : memref<1x64x512xf32, #tpu.memory_space<vmem>> -> memref<64x512xf32, #tpu.memory_space<vmem>>
      tpu.vector_store_idx %scatter3A_1573[%broadcast_in_dim3A_1568, %get3A_3], %broadcast_in_dim3A_4 : memref<64x512xf32, #tpu.memory_space<vmem>>[vector<16xi32>, vector<16xi32>], vector<16xf32>,
      %broadcast_in_dim3A_1574 = arith.constant 62 : i32
      %broadcast_in_dim3A_1575 = vector.broadcast %broadcast_in_dim3A_1574 : i32 to vector<16xi32>
      %scatter3A_1576 = arith.constant 0 : i32
      %scatter3A_1577 = arith.constant 0 : i32
      %scatter3A_1578 = arith.constant 0 : i32
      %scatter3A_1579 = tpu.memref_slice %arg5[%scatter3A_1576, %scatter3A_1577, %scatter3A_1578] : memref<3x64x512xf32, #tpu.memory_space<vmem>> -> memref<1x64x512xf32, #tpu.memory_space<vmem>>
      %scatter3A_1580 = tpu.memref_squeeze %scatter3A_1579 : memref<1x64x512xf32, #tpu.memory_space<vmem>> -> memref<64x512xf32, #tpu.memory_space<vmem>>
      tpu.vector_store_idx %scatter3A_1580[%broadcast_in_dim3A_1575, %get3A_3], %broadcast_in_dim3A_4 : memref<64x512xf32, #tpu.memory_space<vmem>>[vector<16xi32>, vector<16xi32>], vector<16xf32>,
      %broadcast_in_dim3A_1581 = arith.constant 63 : i32
      %broadcast_in_dim3A_1582 = vector.broadcast %broadcast_in_dim3A_1581 : i32 to vector<16xi32>
      %scatter3A_1583 = arith.constant 0 : i32
      %scatter3A_1584 = arith.constant 0 : i32
      %scatter3A_1585 = arith.constant 0 : i32
      %scatter3A_1586 = tpu.memref_slice %arg5[%scatter3A_1583, %scatter3A_1584, %scatter3A_1585] : memref<3x64x512xf32, #tpu.memory_space<vmem>> -> memref<1x64x512xf32, #tpu.memory_space<vmem>>
      %scatter3A_1587 = tpu.memref_squeeze %scatter3A_1586 : memref<1x64x512xf32, #tpu.memory_space<vmem>> -> memref<64x512xf32, #tpu.memory_space<vmem>>
      tpu.vector_store_idx %scatter3A_1587[%broadcast_in_dim3A_1582, %get3A_3], %broadcast_in_dim3A_4 : memref<64x512xf32, #tpu.memory_space<vmem>>[vector<16xi32>, vector<16xi32>], vector<16xf32>,
      %mul3A_1588 = arith.constant 64 : i32
      %mul3A_1589 = arith.muli %add3A_1101, %mul3A_1588 : i32
      %add3A_1590 = arith.addi %mul3A_2, %mul3A_1589 : i32
      %dma_start3A_1591 = arith.constant 0 : i32
      %dma_start3A_1592 = arith.constant 0 : i32
      %dma_start3A_1593 = arith.constant 0 : i32
      %dma_start3A_1594 = tpu.memref_slice %arg5[%dma_start3A_1591, %dma_start3A_1592, %dma_start3A_1593] : memref<3x64x512xf32, #tpu.memory_space<vmem>> -> memref<1x64x512xf32, #tpu.memory_space<vmem>>
      %dma_start3A_1595 = tpu.memref_squeeze %dma_start3A_1594 : memref<1x64x512xf32, #tpu.memory_space<vmem>> -> memref<64x512xf32, #tpu.memory_space<vmem>>
      %dma_start3A_1596 = arith.constant 0 : i32
      %dma_start3A_1597 = tpu.memref_slice %arg4[%add3A_1590, %dma_start3A_1596] : memref<65536x512xf32, #tpu.memory_space<hbm>> -> memref<64x512xf32, #tpu.memory_space<hbm>>
      %dma_start3A_1598 = arith.constant 0 : i32
      %dma_start3A_1599 = tpu.memref_slice %arg4[%add3A_1590, %dma_start3A_1598] : memref<65536x512xf32, #tpu.memory_space<hbm>> -> memref<64x512xf32, #tpu.memory_space<hbm>>
      %dma_start3A_1600 = arith.constant 0 : i32
      %dma_start3A_1601 = arith.constant 0 : i32
      %dma_start3A_1602 = tpu.memref_slice %arg5[%dma_start3A_1591, %dma_start3A_1600, %dma_start3A_1601] : memref<3x64x512xf32, #tpu.memory_space<vmem>> -> memref<1x64x512xf32, #tpu.memory_space<vmem>>
      %dma_start3A_1603 = tpu.memref_squeeze %dma_start3A_1602 : memref<1x64x512xf32, #tpu.memory_space<vmem>> -> memref<64x512xf32, #tpu.memory_space<vmem>>
      tpu.enqueue_dma source(%dma_start3A_1603 : memref<64x512xf32, #tpu.memory_space<vmem>>) target(%dma_start3A_1599 : memref<64x512xf32, #tpu.memory_space<hbm>>) target_semaphore(%arg10 : memref<!tpu.dma_semaphore, #tpu.memory_space<semaphore_mem>>)
      %mul3A_1604 = arith.constant 3 : i32
      %mul3A_1605 = arith.muli %scan3A_1097, %mul3A_1604 : i32
      %add3A_1606 = arith.constant 1 : i32
      %add3A_1607 = arith.addi %mul3A_1605, %add3A_1606 : i32
      %ge3A_1608 = arith.constant 2 : i32
      %ge3A_1609 = arith.cmpi sge, %add3A_1607, %ge3A_1608 : i32
      %add3A_1610 = arith.constant 1 : i32
      %add3A_1611 = arith.addi %add3A_1607, %add3A_1610 : i32
      %lt3A_1612 = arith.constant 32 : i32
      %lt3A_1613 = arith.cmpi slt, %add3A_1611, %lt3A_1612 : i32
      %and3A_1614 = arith.andi %ge3A_1609, %lt3A_1613 : i1
      %convert_element_type3A_1615 = arith.extui %and3A_1614 : i1 to i32
      %cond3A_1616 = arith.constant 0 : i32
      %cond3A_1617 = arith.cmpi ne, %convert_element_type3A_1615, %cond3A_1616 : i32
      scf.if %cond3A_1617 {
        %dma_wait3A_2616 = arith.constant 2 : i32
        %dma_wait3A_2617 = arith.constant 0 : i32
        %dma_wait3A_2618 = arith.constant 0 : i32
        %dma_wait3A_2619 = tpu.memref_slice %arg5[%dma_wait3A_2616, %dma_wait3A_2617, %dma_wait3A_2618] : memref<3x64x512xf32, #tpu.memory_space<vmem>> -> memref<1x64x512xf32, #tpu.memory_space<vmem>>
        %dma_wait3A_2620 = tpu.memref_squeeze %dma_wait3A_2619 : memref<1x64x512xf32, #tpu.memory_space<vmem>> -> memref<64x512xf32, #tpu.memory_space<vmem>>
        %dma_wait3A_2621 = arith.constant 0 : i32
        %dma_wait3A_2622 = arith.constant 0 : i32
        %dma_wait3A_2623 = tpu.memref_slice %arg4[%dma_wait3A_2621, %dma_wait3A_2622] : memref<65536x512xf32, #tpu.memory_space<hbm>> -> memref<64x512xf32, #tpu.memory_space<hbm>>
        %dma_wait3A_2624 = arith.constant 0 : i32
        %dma_wait3A_2625 = arith.constant 0 : i32
        %dma_wait3A_2626 = tpu.memref_slice %arg4[%dma_wait3A_2624, %dma_wait3A_2625] : memref<65536x512xf32, #tpu.memory_space<hbm>> -> memref<64x512xf32, #tpu.memory_space<hbm>>
        %dma_wait3A_2627 = arith.constant 0 : i32
        %dma_wait3A_2628 = arith.constant 0 : i32
        %dma_wait3A_2629 = tpu.memref_slice %arg5[%dma_wait3A_2616, %dma_wait3A_2627, %dma_wait3A_2628] : memref<3x64x512xf32, #tpu.memory_space<vmem>> -> memref<1x64x512xf32, #tpu.memory_space<vmem>>
        %dma_wait3A_2630 = tpu.memref_squeeze %dma_wait3A_2629 : memref<1x64x512xf32, #tpu.memory_space<vmem>> -> memref<64x512xf32, #tpu.memory_space<vmem>>
        tpu.wait_dma2 semaphore(%arg12 : memref<!tpu.dma_semaphore, #tpu.memory_space<semaphore_mem>>) src(%dma_wait3A_2630 : memref<64x512xf32, #tpu.memory_space<vmem>>) dst(%dma_wait3A_2626 : memref<64x512xf32, #tpu.memory_space<hbm>>)
        %add3A_2631 = arith.constant 1 : i32
        %add3A_2632 = arith.addi %add3A_1607, %add3A_2631 : i32
        %mul3A_2633 = arith.constant 64 : i32
        %mul3A_2634 = arith.muli %add3A_2632, %mul3A_2633 : i32
        %add3A_2635 = arith.addi %mul3A_2, %mul3A_2634 : i32
        %dma_start3A_2636 = arith.constant 2 : i32
        %dma_start3A_2637 = arith.constant 0 : i32
        %dma_start3A_2638 = arith.constant 0 : i32
        %dma_start3A_2639 = tpu.memref_slice %arg5[%dma_start3A_2636, %dma_start3A_2637, %dma_start3A_2638] : memref<3x64x512xf32, #tpu.memory_space<vmem>> -> memref<1x64x512xf32, #tpu.memory_space<vmem>>
        %dma_start3A_2640 = tpu.memref_squeeze %dma_start3A_2639 : memref<1x64x512xf32, #tpu.memory_space<vmem>> -> memref<64x512xf32, #tpu.memory_space<vmem>>
        %dma_start3A_2641 = arith.constant 0 : i32
        %dma_start3A_2642 = tpu.memref_slice %arg2[%add3A_2635, %dma_start3A_2641] : memref<65536x512xf32, #tpu.memory_space<hbm>> -> memref<64x512xf32, #tpu.memory_space<hbm>>
        %dma_start3A_2643 = arith.constant 0 : i32
        %dma_start3A_2644 = arith.constant 0 : i32
        %dma_start3A_2645 = tpu.memref_slice %arg5[%dma_start3A_2636, %dma_start3A_2643, %dma_start3A_2644] : memref<3x64x512xf32, #tpu.memory_space<vmem>> -> memref<1x64x512xf32, #tpu.memory_space<vmem>>
        %dma_start3A_2646 = tpu.memref_squeeze %dma_start3A_2645 : memref<1x64x512xf32, #tpu.memory_space<vmem>> -> memref<64x512xf32, #tpu.memory_space<vmem>>
        %dma_start3A_2647 = arith.constant 0 : i32
        %dma_start3A_2648 = tpu.memref_slice %arg2[%add3A_2635, %dma_start3A_2647] : memref<65536x512xf32, #tpu.memory_space<hbm>> -> memref<64x512xf32, #tpu.memory_space<hbm>>
        tpu.enqueue_dma source(%dma_start3A_2648 : memref<64x512xf32, #tpu.memory_space<hbm>>) target(%dma_start3A_2646 : memref<64x512xf32, #tpu.memory_space<vmem>>) target_semaphore(%arg9 : memref<!tpu.dma_semaphore, #tpu.memory_space<semaphore_mem>>)
      } else {
      }
      %ge3A_1618 = arith.constant 1 : i32
      %ge3A_1619 = arith.cmpi sge, %add3A_1607, %ge3A_1618 : i32
      %lt3A_1620 = arith.constant 2 : i32
      %lt3A_1621 = arith.cmpi slt, %add3A_1607, %lt3A_1620 : i32
      %and3A_1622 = arith.andi %ge3A_1619, %lt3A_1621 : i1
      %add3A_1623 = arith.constant 1 : i32
      %add3A_1624 = arith.addi %add3A_1607, %add3A_1623 : i32
      %lt3A_1625 = arith.constant 32 : i32
      %lt3A_1626 = arith.cmpi slt, %add3A_1624, %lt3A_1625 : i32
      %and3A_1627 = arith.andi %and3A_1622, %lt3A_1626 : i1
      %convert_element_type3A_1628 = arith.extui %and3A_1627 : i1 to i32
      %cond3A_1629 = arith.constant 0 : i32
      %cond3A_1630 = arith.cmpi ne, %convert_element_type3A_1628, %cond3A_1629 : i32
      scf.if %cond3A_1630 {
        %add3A_2616 = arith.constant 1 : i32
        %add3A_2617 = arith.addi %add3A_1607, %add3A_2616 : i32
        %mul3A_2618 = arith.constant 64 : i32
        %mul3A_2619 = arith.muli %add3A_2617, %mul3A_2618 : i32
        %add3A_2620 = arith.addi %mul3A_2, %mul3A_2619 : i32
        %dma_start3A_2621 = arith.constant 2 : i32
        %dma_start3A_2622 = arith.constant 0 : i32
        %dma_start3A_2623 = arith.constant 0 : i32
        %dma_start3A_2624 = tpu.memref_slice %arg5[%dma_start3A_2621, %dma_start3A_2622, %dma_start3A_2623] : memref<3x64x512xf32, #tpu.memory_space<vmem>> -> memref<1x64x512xf32, #tpu.memory_space<vmem>>
        %dma_start3A_2625 = tpu.memref_squeeze %dma_start3A_2624 : memref<1x64x512xf32, #tpu.memory_space<vmem>> -> memref<64x512xf32, #tpu.memory_space<vmem>>
        %dma_start3A_2626 = arith.constant 0 : i32
        %dma_start3A_2627 = tpu.memref_slice %arg2[%add3A_2620, %dma_start3A_2626] : memref<65536x512xf32, #tpu.memory_space<hbm>> -> memref<64x512xf32, #tpu.memory_space<hbm>>
        %dma_start3A_2628 = arith.constant 0 : i32
        %dma_start3A_2629 = arith.constant 0 : i32
        %dma_start3A_2630 = tpu.memref_slice %arg5[%dma_start3A_2621, %dma_start3A_2628, %dma_start3A_2629] : memref<3x64x512xf32, #tpu.memory_space<vmem>> -> memref<1x64x512xf32, #tpu.memory_space<vmem>>
        %dma_start3A_2631 = tpu.memref_squeeze %dma_start3A_2630 : memref<1x64x512xf32, #tpu.memory_space<vmem>> -> memref<64x512xf32, #tpu.memory_space<vmem>>
        %dma_start3A_2632 = arith.constant 0 : i32
        %dma_start3A_2633 = tpu.memref_slice %arg2[%add3A_2620, %dma_start3A_2632] : memref<65536x512xf32, #tpu.memory_space<hbm>> -> memref<64x512xf32, #tpu.memory_space<hbm>>
        tpu.enqueue_dma source(%dma_start3A_2633 : memref<64x512xf32, #tpu.memory_space<hbm>>) target(%dma_start3A_2631 : memref<64x512xf32, #tpu.memory_space<vmem>>) target_semaphore(%arg9 : memref<!tpu.dma_semaphore, #tpu.memory_space<semaphore_mem>>)
      } else {
      }
      %dma_wait3A_1631 = arith.constant 1 : i32
      %dma_wait3A_1632 = arith.constant 0 : i32
      %dma_wait3A_1633 = arith.constant 0 : i32
      %dma_wait3A_1634 = tpu.memref_slice %arg5[%dma_wait3A_1631, %dma_wait3A_1632, %dma_wait3A_1633] : memref<3x64x512xf32, #tpu.memory_space<vmem>> -> memref<1x64x512xf32, #tpu.memory_space<vmem>>
      %dma_wait3A_1635 = tpu.memref_squeeze %dma_wait3A_1634 : memref<1x64x512xf32, #tpu.memory_space<vmem>> -> memref<64x512xf32, #tpu.memory_space<vmem>>
      %dma_wait3A_1636 = arith.constant 0 : i32
      %dma_wait3A_1637 = arith.constant 0 : i32
      %dma_wait3A_1638 = tpu.memref_slice %arg2[%dma_wait3A_1636, %dma_wait3A_1637] : memref<65536x512xf32, #tpu.memory_space<hbm>> -> memref<64x512xf32, #tpu.memory_space<hbm>>
      %dma_wait3A_1639 = arith.constant 0 : i32
      %dma_wait3A_1640 = arith.constant 0 : i32
      %dma_wait3A_1641 = tpu.memref_slice %arg5[%dma_wait3A_1631, %dma_wait3A_1639, %dma_wait3A_1640] : memref<3x64x512xf32, #tpu.memory_space<vmem>> -> memref<1x64x512xf32, #tpu.memory_space<vmem>>
      %dma_wait3A_1642 = tpu.memref_squeeze %dma_wait3A_1641 : memref<1x64x512xf32, #tpu.memory_space<vmem>> -> memref<64x512xf32, #tpu.memory_space<vmem>>
      %dma_wait3A_1643 = arith.constant 0 : i32
      %dma_wait3A_1644 = arith.constant 0 : i32
      %dma_wait3A_1645 = tpu.memref_slice %arg2[%dma_wait3A_1643, %dma_wait3A_1644] : memref<65536x512xf32, #tpu.memory_space<hbm>> -> memref<64x512xf32, #tpu.memory_space<hbm>>
      tpu.wait_dma2 semaphore(%arg8 : memref<!tpu.dma_semaphore, #tpu.memory_space<semaphore_mem>>) src(%dma_wait3A_1645 : memref<64x512xf32, #tpu.memory_space<hbm>>) dst(%dma_wait3A_1642 : memref<64x512xf32, #tpu.memory_space<vmem>>)
      %broadcast_in_dim3A_1646 = arith.constant 0 : i32
      %broadcast_in_dim3A_1647 = vector.broadcast %broadcast_in_dim3A_1646 : i32 to vector<16xi32>
      %scatter3A_1648 = arith.constant 1 : i32
      %scatter3A_1649 = arith.constant 0 : i32
      %scatter3A_1650 = arith.constant 0 : i32
      %scatter3A_1651 = tpu.memref_slice %arg5[%scatter3A_1648, %scatter3A_1649, %scatter3A_1650] : memref<3x64x512xf32, #tpu.memory_space<vmem>> -> memref<1x64x512xf32, #tpu.memory_space<vmem>>
      %scatter3A_1652 = tpu.memref_squeeze %scatter3A_1651 : memref<1x64x512xf32, #tpu.memory_space<vmem>> -> memref<64x512xf32, #tpu.memory_space<vmem>>
      tpu.vector_store_idx %scatter3A_1652[%broadcast_in_dim3A_1647, %get3A_3], %broadcast_in_dim3A_4 : memref<64x512xf32, #tpu.memory_space<vmem>>[vector<16xi32>, vector<16xi32>], vector<16xf32>,
      %broadcast_in_dim3A_1653 = arith.constant 1 : i32
      %broadcast_in_dim3A_1654 = vector.broadcast %broadcast_in_dim3A_1653 : i32 to vector<16xi32>
      %scatter3A_1655 = arith.constant 1 : i32
      %scatter3A_1656 = arith.constant 0 : i32
      %scatter3A_1657 = arith.constant 0 : i32
      %scatter3A_1658 = tpu.memref_slice %arg5[%scatter3A_1655, %scatter3A_1656, %scatter3A_1657] : memref<3x64x512xf32, #tpu.memory_space<vmem>> -> memref<1x64x512xf32, #tpu.memory_space<vmem>>
      %scatter3A_1659 = tpu.memref_squeeze %scatter3A_1658 : memref<1x64x512xf32, #tpu.memory_space<vmem>> -> memref<64x512xf32, #tpu.memory_space<vmem>>
      tpu.vector_store_idx %scatter3A_1659[%broadcast_in_dim3A_1654, %get3A_3], %broadcast_in_dim3A_4 : memref<64x512xf32, #tpu.memory_space<vmem>>[vector<16xi32>, vector<16xi32>], vector<16xf32>,
      %broadcast_in_dim3A_1660 = arith.constant 2 : i32
      %broadcast_in_dim3A_1661 = vector.broadcast %broadcast_in_dim3A_1660 : i32 to vector<16xi32>
      %scatter3A_1662 = arith.constant 1 : i32
      %scatter3A_1663 = arith.constant 0 : i32
      %scatter3A_1664 = arith.constant 0 : i32
      %scatter3A_1665 = tpu.memref_slice %arg5[%scatter3A_1662, %scatter3A_1663, %scatter3A_1664] : memref<3x64x512xf32, #tpu.memory_space<vmem>> -> memref<1x64x512xf32, #tpu.memory_space<vmem>>
      %scatter3A_1666 = tpu.memref_squeeze %scatter3A_1665 : memref<1x64x512xf32, #tpu.memory_space<vmem>> -> memref<64x512xf32, #tpu.memory_space<vmem>>
      tpu.vector_store_idx %scatter3A_1666[%broadcast_in_dim3A_1661, %get3A_3], %broadcast_in_dim3A_4 : memref<64x512xf32, #tpu.memory_space<vmem>>[vector<16xi32>, vector<16xi32>], vector<16xf32>,
      %broadcast_in_dim3A_1667 = arith.constant 3 : i32
      %broadcast_in_dim3A_1668 = vector.broadcast %broadcast_in_dim3A_1667 : i32 to vector<16xi32>
      %scatter3A_1669 = arith.constant 1 : i32
      %scatter3A_1670 = arith.constant 0 : i32
      %scatter3A_1671 = arith.constant 0 : i32
      %scatter3A_1672 = tpu.memref_slice %arg5[%scatter3A_1669, %scatter3A_1670, %scatter3A_1671] : memref<3x64x512xf32, #tpu.memory_space<vmem>> -> memref<1x64x512xf32, #tpu.memory_space<vmem>>
      %scatter3A_1673 = tpu.memref_squeeze %scatter3A_1672 : memref<1x64x512xf32, #tpu.memory_space<vmem>> -> memref<64x512xf32, #tpu.memory_space<vmem>>
      tpu.vector_store_idx %scatter3A_1673[%broadcast_in_dim3A_1668, %get3A_3], %broadcast_in_dim3A_4 : memref<64x512xf32, #tpu.memory_space<vmem>>[vector<16xi32>, vector<16xi32>], vector<16xf32>,
      %broadcast_in_dim3A_1674 = arith.constant 4 : i32
      %broadcast_in_dim3A_1675 = vector.broadcast %broadcast_in_dim3A_1674 : i32 to vector<16xi32>
      %scatter3A_1676 = arith.constant 1 : i32
      %scatter3A_1677 = arith.constant 0 : i32
      %scatter3A_1678 = arith.constant 0 : i32
      %scatter3A_1679 = tpu.memref_slice %arg5[%scatter3A_1676, %scatter3A_1677, %scatter3A_1678] : memref<3x64x512xf32, #tpu.memory_space<vmem>> -> memref<1x64x512xf32, #tpu.memory_space<vmem>>
      %scatter3A_1680 = tpu.memref_squeeze %scatter3A_1679 : memref<1x64x512xf32, #tpu.memory_space<vmem>> -> memref<64x512xf32, #tpu.memory_space<vmem>>
      tpu.vector_store_idx %scatter3A_1680[%broadcast_in_dim3A_1675, %get3A_3], %broadcast_in_dim3A_4 : memref<64x512xf32, #tpu.memory_space<vmem>>[vector<16xi32>, vector<16xi32>], vector<16xf32>,
      %broadcast_in_dim3A_1681 = arith.constant 5 : i32
      %broadcast_in_dim3A_1682 = vector.broadcast %broadcast_in_dim3A_1681 : i32 to vector<16xi32>
      %scatter3A_1683 = arith.constant 1 : i32
      %scatter3A_1684 = arith.constant 0 : i32
      %scatter3A_1685 = arith.constant 0 : i32
      %scatter3A_1686 = tpu.memref_slice %arg5[%scatter3A_1683, %scatter3A_1684, %scatter3A_1685] : memref<3x64x512xf32, #tpu.memory_space<vmem>> -> memref<1x64x512xf32, #tpu.memory_space<vmem>>
      %scatter3A_1687 = tpu.memref_squeeze %scatter3A_1686 : memref<1x64x512xf32, #tpu.memory_space<vmem>> -> memref<64x512xf32, #tpu.memory_space<vmem>>
      tpu.vector_store_idx %scatter3A_1687[%broadcast_in_dim3A_1682, %get3A_3], %broadcast_in_dim3A_4 : memref<64x512xf32, #tpu.memory_space<vmem>>[vector<16xi32>, vector<16xi32>], vector<16xf32>,
      %broadcast_in_dim3A_1688 = arith.constant 6 : i32
      %broadcast_in_dim3A_1689 = vector.broadcast %broadcast_in_dim3A_1688 : i32 to vector<16xi32>
      %scatter3A_1690 = arith.constant 1 : i32
      %scatter3A_1691 = arith.constant 0 : i32
      %scatter3A_1692 = arith.constant 0 : i32
      %scatter3A_1693 = tpu.memref_slice %arg5[%scatter3A_1690, %scatter3A_1691, %scatter3A_1692] : memref<3x64x512xf32, #tpu.memory_space<vmem>> -> memref<1x64x512xf32, #tpu.memory_space<vmem>>
      %scatter3A_1694 = tpu.memref_squeeze %scatter3A_1693 : memref<1x64x512xf32, #tpu.memory_space<vmem>> -> memref<64x512xf32, #tpu.memory_space<vmem>>
      tpu.vector_store_idx %scatter3A_1694[%broadcast_in_dim3A_1689, %get3A_3], %broadcast_in_dim3A_4 : memref<64x512xf32, #tpu.memory_space<vmem>>[vector<16xi32>, vector<16xi32>], vector<16xf32>,
      %broadcast_in_dim3A_1695 = arith.constant 7 : i32
      %broadcast_in_dim3A_1696 = vector.broadcast %broadcast_in_dim3A_1695 : i32 to vector<16xi32>
      %scatter3A_1697 = arith.constant 1 : i32
      %scatter3A_1698 = arith.constant 0 : i32
      %scatter3A_1699 = arith.constant 0 : i32
      %scatter3A_1700 = tpu.memref_slice %arg5[%scatter3A_1697, %scatter3A_1698, %scatter3A_1699] : memref<3x64x512xf32, #tpu.memory_space<vmem>> -> memref<1x64x512xf32, #tpu.memory_space<vmem>>
      %scatter3A_1701 = tpu.memref_squeeze %scatter3A_1700 : memref<1x64x512xf32, #tpu.memory_space<vmem>> -> memref<64x512xf32, #tpu.memory_space<vmem>>
      tpu.vector_store_idx %scatter3A_1701[%broadcast_in_dim3A_1696, %get3A_3], %broadcast_in_dim3A_4 : memref<64x512xf32, #tpu.memory_space<vmem>>[vector<16xi32>, vector<16xi32>], vector<16xf32>,
      %broadcast_in_dim3A_1702 = arith.constant 8 : i32
      %broadcast_in_dim3A_1703 = vector.broadcast %broadcast_in_dim3A_1702 : i32 to vector<16xi32>
      %scatter3A_1704 = arith.constant 1 : i32
      %scatter3A_1705 = arith.constant 0 : i32
      %scatter3A_1706 = arith.constant 0 : i32
      %scatter3A_1707 = tpu.memref_slice %arg5[%scatter3A_1704, %scatter3A_1705, %scatter3A_1706] : memref<3x64x512xf32, #tpu.memory_space<vmem>> -> memref<1x64x512xf32, #tpu.memory_space<vmem>>
      %scatter3A_1708 = tpu.memref_squeeze %scatter3A_1707 : memref<1x64x512xf32, #tpu.memory_space<vmem>> -> memref<64x512xf32, #tpu.memory_space<vmem>>
      tpu.vector_store_idx %scatter3A_1708[%broadcast_in_dim3A_1703, %get3A_3], %broadcast_in_dim3A_4 : memref<64x512xf32, #tpu.memory_space<vmem>>[vector<16xi32>, vector<16xi32>], vector<16xf32>,
      %broadcast_in_dim3A_1709 = arith.constant 9 : i32
      %broadcast_in_dim3A_1710 = vector.broadcast %broadcast_in_dim3A_1709 : i32 to vector<16xi32>
      %scatter3A_1711 = arith.constant 1 : i32
      %scatter3A_1712 = arith.constant 0 : i32
      %scatter3A_1713 = arith.constant 0 : i32
      %scatter3A_1714 = tpu.memref_slice %arg5[%scatter3A_1711, %scatter3A_1712, %scatter3A_1713] : memref<3x64x512xf32, #tpu.memory_space<vmem>> -> memref<1x64x512xf32, #tpu.memory_space<vmem>>
      %scatter3A_1715 = tpu.memref_squeeze %scatter3A_1714 : memref<1x64x512xf32, #tpu.memory_space<vmem>> -> memref<64x512xf32, #tpu.memory_space<vmem>>
      tpu.vector_store_idx %scatter3A_1715[%broadcast_in_dim3A_1710, %get3A_3], %broadcast_in_dim3A_4 : memref<64x512xf32, #tpu.memory_space<vmem>>[vector<16xi32>, vector<16xi32>], vector<16xf32>,
      %broadcast_in_dim3A_1716 = arith.constant 10 : i32
      %broadcast_in_dim3A_1717 = vector.broadcast %broadcast_in_dim3A_1716 : i32 to vector<16xi32>
      %scatter3A_1718 = arith.constant 1 : i32
      %scatter3A_1719 = arith.constant 0 : i32
      %scatter3A_1720 = arith.constant 0 : i32
      %scatter3A_1721 = tpu.memref_slice %arg5[%scatter3A_1718, %scatter3A_1719, %scatter3A_1720] : memref<3x64x512xf32, #tpu.memory_space<vmem>> -> memref<1x64x512xf32, #tpu.memory_space<vmem>>
      %scatter3A_1722 = tpu.memref_squeeze %scatter3A_1721 : memref<1x64x512xf32, #tpu.memory_space<vmem>> -> memref<64x512xf32, #tpu.memory_space<vmem>>
      tpu.vector_store_idx %scatter3A_1722[%broadcast_in_dim3A_1717, %get3A_3], %broadcast_in_dim3A_4 : memref<64x512xf32, #tpu.memory_space<vmem>>[vector<16xi32>, vector<16xi32>], vector<16xf32>,
      %broadcast_in_dim3A_1723 = arith.constant 11 : i32
      %broadcast_in_dim3A_1724 = vector.broadcast %broadcast_in_dim3A_1723 : i32 to vector<16xi32>
      %scatter3A_1725 = arith.constant 1 : i32
      %scatter3A_1726 = arith.constant 0 : i32
      %scatter3A_1727 = arith.constant 0 : i32
      %scatter3A_1728 = tpu.memref_slice %arg5[%scatter3A_1725, %scatter3A_1726, %scatter3A_1727] : memref<3x64x512xf32, #tpu.memory_space<vmem>> -> memref<1x64x512xf32, #tpu.memory_space<vmem>>
      %scatter3A_1729 = tpu.memref_squeeze %scatter3A_1728 : memref<1x64x512xf32, #tpu.memory_space<vmem>> -> memref<64x512xf32, #tpu.memory_space<vmem>>
      tpu.vector_store_idx %scatter3A_1729[%broadcast_in_dim3A_1724, %get3A_3], %broadcast_in_dim3A_4 : memref<64x512xf32, #tpu.memory_space<vmem>>[vector<16xi32>, vector<16xi32>], vector<16xf32>,
      %broadcast_in_dim3A_1730 = arith.constant 12 : i32
      %broadcast_in_dim3A_1731 = vector.broadcast %broadcast_in_dim3A_1730 : i32 to vector<16xi32>
      %scatter3A_1732 = arith.constant 1 : i32
      %scatter3A_1733 = arith.constant 0 : i32
      %scatter3A_1734 = arith.constant 0 : i32
      %scatter3A_1735 = tpu.memref_slice %arg5[%scatter3A_1732, %scatter3A_1733, %scatter3A_1734] : memref<3x64x512xf32, #tpu.memory_space<vmem>> -> memref<1x64x512xf32, #tpu.memory_space<vmem>>
      %scatter3A_1736 = tpu.memref_squeeze %scatter3A_1735 : memref<1x64x512xf32, #tpu.memory_space<vmem>> -> memref<64x512xf32, #tpu.memory_space<vmem>>
      tpu.vector_store_idx %scatter3A_1736[%broadcast_in_dim3A_1731, %get3A_3], %broadcast_in_dim3A_4 : memref<64x512xf32, #tpu.memory_space<vmem>>[vector<16xi32>, vector<16xi32>], vector<16xf32>,
      %broadcast_in_dim3A_1737 = arith.constant 13 : i32
      %broadcast_in_dim3A_1738 = vector.broadcast %broadcast_in_dim3A_1737 : i32 to vector<16xi32>
      %scatter3A_1739 = arith.constant 1 : i32
      %scatter3A_1740 = arith.constant 0 : i32
      %scatter3A_1741 = arith.constant 0 : i32
      %scatter3A_1742 = tpu.memref_slice %arg5[%scatter3A_1739, %scatter3A_1740, %scatter3A_1741] : memref<3x64x512xf32, #tpu.memory_space<vmem>> -> memref<1x64x512xf32, #tpu.memory_space<vmem>>
      %scatter3A_1743 = tpu.memref_squeeze %scatter3A_1742 : memref<1x64x512xf32, #tpu.memory_space<vmem>> -> memref<64x512xf32, #tpu.memory_space<vmem>>
      tpu.vector_store_idx %scatter3A_1743[%broadcast_in_dim3A_1738, %get3A_3], %broadcast_in_dim3A_4 : memref<64x512xf32, #tpu.memory_space<vmem>>[vector<16xi32>, vector<16xi32>], vector<16xf32>,
      %broadcast_in_dim3A_1744 = arith.constant 14 : i32
      %broadcast_in_dim3A_1745 = vector.broadcast %broadcast_in_dim3A_1744 : i32 to vector<16xi32>
      %scatter3A_1746 = arith.constant 1 : i32
      %scatter3A_1747 = arith.constant 0 : i32
      %scatter3A_1748 = arith.constant 0 : i32
      %scatter3A_1749 = tpu.memref_slice %arg5[%scatter3A_1746, %scatter3A_1747, %scatter3A_1748] : memref<3x64x512xf32, #tpu.memory_space<vmem>> -> memref<1x64x512xf32, #tpu.memory_space<vmem>>
      %scatter3A_1750 = tpu.memref_squeeze %scatter3A_1749 : memref<1x64x512xf32, #tpu.memory_space<vmem>> -> memref<64x512xf32, #tpu.memory_space<vmem>>
      tpu.vector_store_idx %scatter3A_1750[%broadcast_in_dim3A_1745, %get3A_3], %broadcast_in_dim3A_4 : memref<64x512xf32, #tpu.memory_space<vmem>>[vector<16xi32>, vector<16xi32>], vector<16xf32>,
      %broadcast_in_dim3A_1751 = arith.constant 15 : i32
      %broadcast_in_dim3A_1752 = vector.broadcast %broadcast_in_dim3A_1751 : i32 to vector<16xi32>
      %scatter3A_1753 = arith.constant 1 : i32
      %scatter3A_1754 = arith.constant 0 : i32
      %scatter3A_1755 = arith.constant 0 : i32
      %scatter3A_1756 = tpu.memref_slice %arg5[%scatter3A_1753, %scatter3A_1754, %scatter3A_1755] : memref<3x64x512xf32, #tpu.memory_space<vmem>> -> memref<1x64x512xf32, #tpu.memory_space<vmem>>
      %scatter3A_1757 = tpu.memref_squeeze %scatter3A_1756 : memref<1x64x512xf32, #tpu.memory_space<vmem>> -> memref<64x512xf32, #tpu.memory_space<vmem>>
      tpu.vector_store_idx %scatter3A_1757[%broadcast_in_dim3A_1752, %get3A_3], %broadcast_in_dim3A_4 : memref<64x512xf32, #tpu.memory_space<vmem>>[vector<16xi32>, vector<16xi32>], vector<16xf32>,
      %broadcast_in_dim3A_1758 = arith.constant 16 : i32
      %broadcast_in_dim3A_1759 = vector.broadcast %broadcast_in_dim3A_1758 : i32 to vector<16xi32>
      %scatter3A_1760 = arith.constant 1 : i32
      %scatter3A_1761 = arith.constant 0 : i32
      %scatter3A_1762 = arith.constant 0 : i32
      %scatter3A_1763 = tpu.memref_slice %arg5[%scatter3A_1760, %scatter3A_1761, %scatter3A_1762] : memref<3x64x512xf32, #tpu.memory_space<vmem>> -> memref<1x64x512xf32, #tpu.memory_space<vmem>>
      %scatter3A_1764 = tpu.memref_squeeze %scatter3A_1763 : memref<1x64x512xf32, #tpu.memory_space<vmem>> -> memref<64x512xf32, #tpu.memory_space<vmem>>
      tpu.vector_store_idx %scatter3A_1764[%broadcast_in_dim3A_1759, %get3A_3], %broadcast_in_dim3A_4 : memref<64x512xf32, #tpu.memory_space<vmem>>[vector<16xi32>, vector<16xi32>], vector<16xf32>,
      %broadcast_in_dim3A_1765 = arith.constant 17 : i32
      %broadcast_in_dim3A_1766 = vector.broadcast %broadcast_in_dim3A_1765 : i32 to vector<16xi32>
      %scatter3A_1767 = arith.constant 1 : i32
      %scatter3A_1768 = arith.constant 0 : i32
      %scatter3A_1769 = arith.constant 0 : i32
      %scatter3A_1770 = tpu.memref_slice %arg5[%scatter3A_1767, %scatter3A_1768, %scatter3A_1769] : memref<3x64x512xf32, #tpu.memory_space<vmem>> -> memref<1x64x512xf32, #tpu.memory_space<vmem>>
      %scatter3A_1771 = tpu.memref_squeeze %scatter3A_1770 : memref<1x64x512xf32, #tpu.memory_space<vmem>> -> memref<64x512xf32, #tpu.memory_space<vmem>>
      tpu.vector_store_idx %scatter3A_1771[%broadcast_in_dim3A_1766, %get3A_3], %broadcast_in_dim3A_4 : memref<64x512xf32, #tpu.memory_space<vmem>>[vector<16xi32>, vector<16xi32>], vector<16xf32>,
      %broadcast_in_dim3A_1772 = arith.constant 18 : i32
      %broadcast_in_dim3A_1773 = vector.broadcast %broadcast_in_dim3A_1772 : i32 to vector<16xi32>
      %scatter3A_1774 = arith.constant 1 : i32
      %scatter3A_1775 = arith.constant 0 : i32
      %scatter3A_1776 = arith.constant 0 : i32
      %scatter3A_1777 = tpu.memref_slice %arg5[%scatter3A_1774, %scatter3A_1775, %scatter3A_1776] : memref<3x64x512xf32, #tpu.memory_space<vmem>> -> memref<1x64x512xf32, #tpu.memory_space<vmem>>
      %scatter3A_1778 = tpu.memref_squeeze %scatter3A_1777 : memref<1x64x512xf32, #tpu.memory_space<vmem>> -> memref<64x512xf32, #tpu.memory_space<vmem>>
      tpu.vector_store_idx %scatter3A_1778[%broadcast_in_dim3A_1773, %get3A_3], %broadcast_in_dim3A_4 : memref<64x512xf32, #tpu.memory_space<vmem>>[vector<16xi32>, vector<16xi32>], vector<16xf32>,
      %broadcast_in_dim3A_1779 = arith.constant 19 : i32
      %broadcast_in_dim3A_1780 = vector.broadcast %broadcast_in_dim3A_1779 : i32 to vector<16xi32>
      %scatter3A_1781 = arith.constant 1 : i32
      %scatter3A_1782 = arith.constant 0 : i32
      %scatter3A_1783 = arith.constant 0 : i32
      %scatter3A_1784 = tpu.memref_slice %arg5[%scatter3A_1781, %scatter3A_1782, %scatter3A_1783] : memref<3x64x512xf32, #tpu.memory_space<vmem>> -> memref<1x64x512xf32, #tpu.memory_space<vmem>>
      %scatter3A_1785 = tpu.memref_squeeze %scatter3A_1784 : memref<1x64x512xf32, #tpu.memory_space<vmem>> -> memref<64x512xf32, #tpu.memory_space<vmem>>
      tpu.vector_store_idx %scatter3A_1785[%broadcast_in_dim3A_1780, %get3A_3], %broadcast_in_dim3A_4 : memref<64x512xf32, #tpu.memory_space<vmem>>[vector<16xi32>, vector<16xi32>], vector<16xf32>,
      %broadcast_in_dim3A_1786 = arith.constant 20 : i32
      %broadcast_in_dim3A_1787 = vector.broadcast %broadcast_in_dim3A_1786 : i32 to vector<16xi32>
      %scatter3A_1788 = arith.constant 1 : i32
      %scatter3A_1789 = arith.constant 0 : i32
      %scatter3A_1790 = arith.constant 0 : i32
      %scatter3A_1791 = tpu.memref_slice %arg5[%scatter3A_1788, %scatter3A_1789, %scatter3A_1790] : memref<3x64x512xf32, #tpu.memory_space<vmem>> -> memref<1x64x512xf32, #tpu.memory_space<vmem>>
      %scatter3A_1792 = tpu.memref_squeeze %scatter3A_1791 : memref<1x64x512xf32, #tpu.memory_space<vmem>> -> memref<64x512xf32, #tpu.memory_space<vmem>>
      tpu.vector_store_idx %scatter3A_1792[%broadcast_in_dim3A_1787, %get3A_3], %broadcast_in_dim3A_4 : memref<64x512xf32, #tpu.memory_space<vmem>>[vector<16xi32>, vector<16xi32>], vector<16xf32>,
      %broadcast_in_dim3A_1793 = arith.constant 21 : i32
      %broadcast_in_dim3A_1794 = vector.broadcast %broadcast_in_dim3A_1793 : i32 to vector<16xi32>
      %scatter3A_1795 = arith.constant 1 : i32
      %scatter3A_1796 = arith.constant 0 : i32
      %scatter3A_1797 = arith.constant 0 : i32
      %scatter3A_1798 = tpu.memref_slice %arg5[%scatter3A_1795, %scatter3A_1796, %scatter3A_1797] : memref<3x64x512xf32, #tpu.memory_space<vmem>> -> memref<1x64x512xf32, #tpu.memory_space<vmem>>
      %scatter3A_1799 = tpu.memref_squeeze %scatter3A_1798 : memref<1x64x512xf32, #tpu.memory_space<vmem>> -> memref<64x512xf32, #tpu.memory_space<vmem>>
      tpu.vector_store_idx %scatter3A_1799[%broadcast_in_dim3A_1794, %get3A_3], %broadcast_in_dim3A_4 : memref<64x512xf32, #tpu.memory_space<vmem>>[vector<16xi32>, vector<16xi32>], vector<16xf32>,
      %broadcast_in_dim3A_1800 = arith.constant 22 : i32
      %broadcast_in_dim3A_1801 = vector.broadcast %broadcast_in_dim3A_1800 : i32 to vector<16xi32>
      %scatter3A_1802 = arith.constant 1 : i32
      %scatter3A_1803 = arith.constant 0 : i32
      %scatter3A_1804 = arith.constant 0 : i32
      %scatter3A_1805 = tpu.memref_slice %arg5[%scatter3A_1802, %scatter3A_1803, %scatter3A_1804] : memref<3x64x512xf32, #tpu.memory_space<vmem>> -> memref<1x64x512xf32, #tpu.memory_space<vmem>>
      %scatter3A_1806 = tpu.memref_squeeze %scatter3A_1805 : memref<1x64x512xf32, #tpu.memory_space<vmem>> -> memref<64x512xf32, #tpu.memory_space<vmem>>
      tpu.vector_store_idx %scatter3A_1806[%broadcast_in_dim3A_1801, %get3A_3], %broadcast_in_dim3A_4 : memref<64x512xf32, #tpu.memory_space<vmem>>[vector<16xi32>, vector<16xi32>], vector<16xf32>,
      %broadcast_in_dim3A_1807 = arith.constant 23 : i32
      %broadcast_in_dim3A_1808 = vector.broadcast %broadcast_in_dim3A_1807 : i32 to vector<16xi32>
      %scatter3A_1809 = arith.constant 1 : i32
      %scatter3A_1810 = arith.constant 0 : i32
      %scatter3A_1811 = arith.constant 0 : i32
      %scatter3A_1812 = tpu.memref_slice %arg5[%scatter3A_1809, %scatter3A_1810, %scatter3A_1811] : memref<3x64x512xf32, #tpu.memory_space<vmem>> -> memref<1x64x512xf32, #tpu.memory_space<vmem>>
      %scatter3A_1813 = tpu.memref_squeeze %scatter3A_1812 : memref<1x64x512xf32, #tpu.memory_space<vmem>> -> memref<64x512xf32, #tpu.memory_space<vmem>>
      tpu.vector_store_idx %scatter3A_1813[%broadcast_in_dim3A_1808, %get3A_3], %broadcast_in_dim3A_4 : memref<64x512xf32, #tpu.memory_space<vmem>>[vector<16xi32>, vector<16xi32>], vector<16xf32>,
      %broadcast_in_dim3A_1814 = arith.constant 24 : i32
      %broadcast_in_dim3A_1815 = vector.broadcast %broadcast_in_dim3A_1814 : i32 to vector<16xi32>
      %scatter3A_1816 = arith.constant 1 : i32
      %scatter3A_1817 = arith.constant 0 : i32
      %scatter3A_1818 = arith.constant 0 : i32
      %scatter3A_1819 = tpu.memref_slice %arg5[%scatter3A_1816, %scatter3A_1817, %scatter3A_1818] : memref<3x64x512xf32, #tpu.memory_space<vmem>> -> memref<1x64x512xf32, #tpu.memory_space<vmem>>
      %scatter3A_1820 = tpu.memref_squeeze %scatter3A_1819 : memref<1x64x512xf32, #tpu.memory_space<vmem>> -> memref<64x512xf32, #tpu.memory_space<vmem>>
      tpu.vector_store_idx %scatter3A_1820[%broadcast_in_dim3A_1815, %get3A_3], %broadcast_in_dim3A_4 : memref<64x512xf32, #tpu.memory_space<vmem>>[vector<16xi32>, vector<16xi32>], vector<16xf32>,
      %broadcast_in_dim3A_1821 = arith.constant 25 : i32
      %broadcast_in_dim3A_1822 = vector.broadcast %broadcast_in_dim3A_1821 : i32 to vector<16xi32>
      %scatter3A_1823 = arith.constant 1 : i32
      %scatter3A_1824 = arith.constant 0 : i32
      %scatter3A_1825 = arith.constant 0 : i32
      %scatter3A_1826 = tpu.memref_slice %arg5[%scatter3A_1823, %scatter3A_1824, %scatter3A_1825] : memref<3x64x512xf32, #tpu.memory_space<vmem>> -> memref<1x64x512xf32, #tpu.memory_space<vmem>>
      %scatter3A_1827 = tpu.memref_squeeze %scatter3A_1826 : memref<1x64x512xf32, #tpu.memory_space<vmem>> -> memref<64x512xf32, #tpu.memory_space<vmem>>
      tpu.vector_store_idx %scatter3A_1827[%broadcast_in_dim3A_1822, %get3A_3], %broadcast_in_dim3A_4 : memref<64x512xf32, #tpu.memory_space<vmem>>[vector<16xi32>, vector<16xi32>], vector<16xf32>,
      %broadcast_in_dim3A_1828 = arith.constant 26 : i32
      %broadcast_in_dim3A_1829 = vector.broadcast %broadcast_in_dim3A_1828 : i32 to vector<16xi32>
      %scatter3A_1830 = arith.constant 1 : i32
      %scatter3A_1831 = arith.constant 0 : i32
      %scatter3A_1832 = arith.constant 0 : i32
      %scatter3A_1833 = tpu.memref_slice %arg5[%scatter3A_1830, %scatter3A_1831, %scatter3A_1832] : memref<3x64x512xf32, #tpu.memory_space<vmem>> -> memref<1x64x512xf32, #tpu.memory_space<vmem>>
      %scatter3A_1834 = tpu.memref_squeeze %scatter3A_1833 : memref<1x64x512xf32, #tpu.memory_space<vmem>> -> memref<64x512xf32, #tpu.memory_space<vmem>>
      tpu.vector_store_idx %scatter3A_1834[%broadcast_in_dim3A_1829, %get3A_3], %broadcast_in_dim3A_4 : memref<64x512xf32, #tpu.memory_space<vmem>>[vector<16xi32>, vector<16xi32>], vector<16xf32>,
      %broadcast_in_dim3A_1835 = arith.constant 27 : i32
      %broadcast_in_dim3A_1836 = vector.broadcast %broadcast_in_dim3A_1835 : i32 to vector<16xi32>
      %scatter3A_1837 = arith.constant 1 : i32
      %scatter3A_1838 = arith.constant 0 : i32
      %scatter3A_1839 = arith.constant 0 : i32
      %scatter3A_1840 = tpu.memref_slice %arg5[%scatter3A_1837, %scatter3A_1838, %scatter3A_1839] : memref<3x64x512xf32, #tpu.memory_space<vmem>> -> memref<1x64x512xf32, #tpu.memory_space<vmem>>
      %scatter3A_1841 = tpu.memref_squeeze %scatter3A_1840 : memref<1x64x512xf32, #tpu.memory_space<vmem>> -> memref<64x512xf32, #tpu.memory_space<vmem>>
      tpu.vector_store_idx %scatter3A_1841[%broadcast_in_dim3A_1836, %get3A_3], %broadcast_in_dim3A_4 : memref<64x512xf32, #tpu.memory_space<vmem>>[vector<16xi32>, vector<16xi32>], vector<16xf32>,
      %broadcast_in_dim3A_1842 = arith.constant 28 : i32
      %broadcast_in_dim3A_1843 = vector.broadcast %broadcast_in_dim3A_1842 : i32 to vector<16xi32>
      %scatter3A_1844 = arith.constant 1 : i32
      %scatter3A_1845 = arith.constant 0 : i32
      %scatter3A_1846 = arith.constant 0 : i32
      %scatter3A_1847 = tpu.memref_slice %arg5[%scatter3A_1844, %scatter3A_1845, %scatter3A_1846] : memref<3x64x512xf32, #tpu.memory_space<vmem>> -> memref<1x64x512xf32, #tpu.memory_space<vmem>>
      %scatter3A_1848 = tpu.memref_squeeze %scatter3A_1847 : memref<1x64x512xf32, #tpu.memory_space<vmem>> -> memref<64x512xf32, #tpu.memory_space<vmem>>
      tpu.vector_store_idx %scatter3A_1848[%broadcast_in_dim3A_1843, %get3A_3], %broadcast_in_dim3A_4 : memref<64x512xf32, #tpu.memory_space<vmem>>[vector<16xi32>, vector<16xi32>], vector<16xf32>,
      %broadcast_in_dim3A_1849 = arith.constant 29 : i32
      %broadcast_in_dim3A_1850 = vector.broadcast %broadcast_in_dim3A_1849 : i32 to vector<16xi32>
      %scatter3A_1851 = arith.constant 1 : i32
      %scatter3A_1852 = arith.constant 0 : i32
      %scatter3A_1853 = arith.constant 0 : i32
      %scatter3A_1854 = tpu.memref_slice %arg5[%scatter3A_1851, %scatter3A_1852, %scatter3A_1853] : memref<3x64x512xf32, #tpu.memory_space<vmem>> -> memref<1x64x512xf32, #tpu.memory_space<vmem>>
      %scatter3A_1855 = tpu.memref_squeeze %scatter3A_1854 : memref<1x64x512xf32, #tpu.memory_space<vmem>> -> memref<64x512xf32, #tpu.memory_space<vmem>>
      tpu.vector_store_idx %scatter3A_1855[%broadcast_in_dim3A_1850, %get3A_3], %broadcast_in_dim3A_4 : memref<64x512xf32, #tpu.memory_space<vmem>>[vector<16xi32>, vector<16xi32>], vector<16xf32>,
      %broadcast_in_dim3A_1856 = arith.constant 30 : i32
      %broadcast_in_dim3A_1857 = vector.broadcast %broadcast_in_dim3A_1856 : i32 to vector<16xi32>
      %scatter3A_1858 = arith.constant 1 : i32
      %scatter3A_1859 = arith.constant 0 : i32
      %scatter3A_1860 = arith.constant 0 : i32
      %scatter3A_1861 = tpu.memref_slice %arg5[%scatter3A_1858, %scatter3A_1859, %scatter3A_1860] : memref<3x64x512xf32, #tpu.memory_space<vmem>> -> memref<1x64x512xf32, #tpu.memory_space<vmem>>
      %scatter3A_1862 = tpu.memref_squeeze %scatter3A_1861 : memref<1x64x512xf32, #tpu.memory_space<vmem>> -> memref<64x512xf32, #tpu.memory_space<vmem>>
      tpu.vector_store_idx %scatter3A_1862[%broadcast_in_dim3A_1857, %get3A_3], %broadcast_in_dim3A_4 : memref<64x512xf32, #tpu.memory_space<vmem>>[vector<16xi32>, vector<16xi32>], vector<16xf32>,
      %broadcast_in_dim3A_1863 = arith.constant 31 : i32
      %broadcast_in_dim3A_1864 = vector.broadcast %broadcast_in_dim3A_1863 : i32 to vector<16xi32>
      %scatter3A_1865 = arith.constant 1 : i32
      %scatter3A_1866 = arith.constant 0 : i32
      %scatter3A_1867 = arith.constant 0 : i32
      %scatter3A_1868 = tpu.memref_slice %arg5[%scatter3A_1865, %scatter3A_1866, %scatter3A_1867] : memref<3x64x512xf32, #tpu.memory_space<vmem>> -> memref<1x64x512xf32, #tpu.memory_space<vmem>>
      %scatter3A_1869 = tpu.memref_squeeze %scatter3A_1868 : memref<1x64x512xf32, #tpu.memory_space<vmem>> -> memref<64x512xf32, #tpu.memory_space<vmem>>
      tpu.vector_store_idx %scatter3A_1869[%broadcast_in_dim3A_1864, %get3A_3], %broadcast_in_dim3A_4 : memref<64x512xf32, #tpu.memory_space<vmem>>[vector<16xi32>, vector<16xi32>], vector<16xf32>,
      %broadcast_in_dim3A_1870 = arith.constant 32 : i32
      %broadcast_in_dim3A_1871 = vector.broadcast %broadcast_in_dim3A_1870 : i32 to vector<16xi32>
      %scatter3A_1872 = arith.constant 1 : i32
      %scatter3A_1873 = arith.constant 0 : i32
      %scatter3A_1874 = arith.constant 0 : i32
      %scatter3A_1875 = tpu.memref_slice %arg5[%scatter3A_1872, %scatter3A_1873, %scatter3A_1874] : memref<3x64x512xf32, #tpu.memory_space<vmem>> -> memref<1x64x512xf32, #tpu.memory_space<vmem>>
      %scatter3A_1876 = tpu.memref_squeeze %scatter3A_1875 : memref<1x64x512xf32, #tpu.memory_space<vmem>> -> memref<64x512xf32, #tpu.memory_space<vmem>>
      tpu.vector_store_idx %scatter3A_1876[%broadcast_in_dim3A_1871, %get3A_3], %broadcast_in_dim3A_4 : memref<64x512xf32, #tpu.memory_space<vmem>>[vector<16xi32>, vector<16xi32>], vector<16xf32>,
      %broadcast_in_dim3A_1877 = arith.constant 33 : i32
      %broadcast_in_dim3A_1878 = vector.broadcast %broadcast_in_dim3A_1877 : i32 to vector<16xi32>
      %scatter3A_1879 = arith.constant 1 : i32
      %scatter3A_1880 = arith.constant 0 : i32
      %scatter3A_1881 = arith.constant 0 : i32
      %scatter3A_1882 = tpu.memref_slice %arg5[%scatter3A_1879, %scatter3A_1880, %scatter3A_1881] : memref<3x64x512xf32, #tpu.memory_space<vmem>> -> memref<1x64x512xf32, #tpu.memory_space<vmem>>
      %scatter3A_1883 = tpu.memref_squeeze %scatter3A_1882 : memref<1x64x512xf32, #tpu.memory_space<vmem>> -> memref<64x512xf32, #tpu.memory_space<vmem>>
      tpu.vector_store_idx %scatter3A_1883[%broadcast_in_dim3A_1878, %get3A_3], %broadcast_in_dim3A_4 : memref<64x512xf32, #tpu.memory_space<vmem>>[vector<16xi32>, vector<16xi32>], vector<16xf32>,
      %broadcast_in_dim3A_1884 = arith.constant 34 : i32
      %broadcast_in_dim3A_1885 = vector.broadcast %broadcast_in_dim3A_1884 : i32 to vector<16xi32>
      %scatter3A_1886 = arith.constant 1 : i32
      %scatter3A_1887 = arith.constant 0 : i32
      %scatter3A_1888 = arith.constant 0 : i32
      %scatter3A_1889 = tpu.memref_slice %arg5[%scatter3A_1886, %scatter3A_1887, %scatter3A_1888] : memref<3x64x512xf32, #tpu.memory_space<vmem>> -> memref<1x64x512xf32, #tpu.memory_space<vmem>>
      %scatter3A_1890 = tpu.memref_squeeze %scatter3A_1889 : memref<1x64x512xf32, #tpu.memory_space<vmem>> -> memref<64x512xf32, #tpu.memory_space<vmem>>
      tpu.vector_store_idx %scatter3A_1890[%broadcast_in_dim3A_1885, %get3A_3], %broadcast_in_dim3A_4 : memref<64x512xf32, #tpu.memory_space<vmem>>[vector<16xi32>, vector<16xi32>], vector<16xf32>,
      %broadcast_in_dim3A_1891 = arith.constant 35 : i32
      %broadcast_in_dim3A_1892 = vector.broadcast %broadcast_in_dim3A_1891 : i32 to vector<16xi32>
      %scatter3A_1893 = arith.constant 1 : i32
      %scatter3A_1894 = arith.constant 0 : i32
      %scatter3A_1895 = arith.constant 0 : i32
      %scatter3A_1896 = tpu.memref_slice %arg5[%scatter3A_1893, %scatter3A_1894, %scatter3A_1895] : memref<3x64x512xf32, #tpu.memory_space<vmem>> -> memref<1x64x512xf32, #tpu.memory_space<vmem>>
      %scatter3A_1897 = tpu.memref_squeeze %scatter3A_1896 : memref<1x64x512xf32, #tpu.memory_space<vmem>> -> memref<64x512xf32, #tpu.memory_space<vmem>>
      tpu.vector_store_idx %scatter3A_1897[%broadcast_in_dim3A_1892, %get3A_3], %broadcast_in_dim3A_4 : memref<64x512xf32, #tpu.memory_space<vmem>>[vector<16xi32>, vector<16xi32>], vector<16xf32>,
      %broadcast_in_dim3A_1898 = arith.constant 36 : i32
      %broadcast_in_dim3A_1899 = vector.broadcast %broadcast_in_dim3A_1898 : i32 to vector<16xi32>
      %scatter3A_1900 = arith.constant 1 : i32
      %scatter3A_1901 = arith.constant 0 : i32
      %scatter3A_1902 = arith.constant 0 : i32
      %scatter3A_1903 = tpu.memref_slice %arg5[%scatter3A_1900, %scatter3A_1901, %scatter3A_1902] : memref<3x64x512xf32, #tpu.memory_space<vmem>> -> memref<1x64x512xf32, #tpu.memory_space<vmem>>
      %scatter3A_1904 = tpu.memref_squeeze %scatter3A_1903 : memref<1x64x512xf32, #tpu.memory_space<vmem>> -> memref<64x512xf32, #tpu.memory_space<vmem>>
      tpu.vector_store_idx %scatter3A_1904[%broadcast_in_dim3A_1899, %get3A_3], %broadcast_in_dim3A_4 : memref<64x512xf32, #tpu.memory_space<vmem>>[vector<16xi32>, vector<16xi32>], vector<16xf32>,
      %broadcast_in_dim3A_1905 = arith.constant 37 : i32
      %broadcast_in_dim3A_1906 = vector.broadcast %broadcast_in_dim3A_1905 : i32 to vector<16xi32>
      %scatter3A_1907 = arith.constant 1 : i32
      %scatter3A_1908 = arith.constant 0 : i32
      %scatter3A_1909 = arith.constant 0 : i32
      %scatter3A_1910 = tpu.memref_slice %arg5[%scatter3A_1907, %scatter3A_1908, %scatter3A_1909] : memref<3x64x512xf32, #tpu.memory_space<vmem>> -> memref<1x64x512xf32, #tpu.memory_space<vmem>>
      %scatter3A_1911 = tpu.memref_squeeze %scatter3A_1910 : memref<1x64x512xf32, #tpu.memory_space<vmem>> -> memref<64x512xf32, #tpu.memory_space<vmem>>
      tpu.vector_store_idx %scatter3A_1911[%broadcast_in_dim3A_1906, %get3A_3], %broadcast_in_dim3A_4 : memref<64x512xf32, #tpu.memory_space<vmem>>[vector<16xi32>, vector<16xi32>], vector<16xf32>,
      %broadcast_in_dim3A_1912 = arith.constant 38 : i32
      %broadcast_in_dim3A_1913 = vector.broadcast %broadcast_in_dim3A_1912 : i32 to vector<16xi32>
      %scatter3A_1914 = arith.constant 1 : i32
      %scatter3A_1915 = arith.constant 0 : i32
      %scatter3A_1916 = arith.constant 0 : i32
      %scatter3A_1917 = tpu.memref_slice %arg5[%scatter3A_1914, %scatter3A_1915, %scatter3A_1916] : memref<3x64x512xf32, #tpu.memory_space<vmem>> -> memref<1x64x512xf32, #tpu.memory_space<vmem>>
      %scatter3A_1918 = tpu.memref_squeeze %scatter3A_1917 : memref<1x64x512xf32, #tpu.memory_space<vmem>> -> memref<64x512xf32, #tpu.memory_space<vmem>>
      tpu.vector_store_idx %scatter3A_1918[%broadcast_in_dim3A_1913, %get3A_3], %broadcast_in_dim3A_4 : memref<64x512xf32, #tpu.memory_space<vmem>>[vector<16xi32>, vector<16xi32>], vector<16xf32>,
      %broadcast_in_dim3A_1919 = arith.constant 39 : i32
      %broadcast_in_dim3A_1920 = vector.broadcast %broadcast_in_dim3A_1919 : i32 to vector<16xi32>
      %scatter3A_1921 = arith.constant 1 : i32
      %scatter3A_1922 = arith.constant 0 : i32
      %scatter3A_1923 = arith.constant 0 : i32
      %scatter3A_1924 = tpu.memref_slice %arg5[%scatter3A_1921, %scatter3A_1922, %scatter3A_1923] : memref<3x64x512xf32, #tpu.memory_space<vmem>> -> memref<1x64x512xf32, #tpu.memory_space<vmem>>
      %scatter3A_1925 = tpu.memref_squeeze %scatter3A_1924 : memref<1x64x512xf32, #tpu.memory_space<vmem>> -> memref<64x512xf32, #tpu.memory_space<vmem>>
      tpu.vector_store_idx %scatter3A_1925[%broadcast_in_dim3A_1920, %get3A_3], %broadcast_in_dim3A_4 : memref<64x512xf32, #tpu.memory_space<vmem>>[vector<16xi32>, vector<16xi32>], vector<16xf32>,
      %broadcast_in_dim3A_1926 = arith.constant 40 : i32
      %broadcast_in_dim3A_1927 = vector.broadcast %broadcast_in_dim3A_1926 : i32 to vector<16xi32>
      %scatter3A_1928 = arith.constant 1 : i32
      %scatter3A_1929 = arith.constant 0 : i32
      %scatter3A_1930 = arith.constant 0 : i32
      %scatter3A_1931 = tpu.memref_slice %arg5[%scatter3A_1928, %scatter3A_1929, %scatter3A_1930] : memref<3x64x512xf32, #tpu.memory_space<vmem>> -> memref<1x64x512xf32, #tpu.memory_space<vmem>>
      %scatter3A_1932 = tpu.memref_squeeze %scatter3A_1931 : memref<1x64x512xf32, #tpu.memory_space<vmem>> -> memref<64x512xf32, #tpu.memory_space<vmem>>
      tpu.vector_store_idx %scatter3A_1932[%broadcast_in_dim3A_1927, %get3A_3], %broadcast_in_dim3A_4 : memref<64x512xf32, #tpu.memory_space<vmem>>[vector<16xi32>, vector<16xi32>], vector<16xf32>,
      %broadcast_in_dim3A_1933 = arith.constant 41 : i32
      %broadcast_in_dim3A_1934 = vector.broadcast %broadcast_in_dim3A_1933 : i32 to vector<16xi32>
      %scatter3A_1935 = arith.constant 1 : i32
      %scatter3A_1936 = arith.constant 0 : i32
      %scatter3A_1937 = arith.constant 0 : i32
      %scatter3A_1938 = tpu.memref_slice %arg5[%scatter3A_1935, %scatter3A_1936, %scatter3A_1937] : memref<3x64x512xf32, #tpu.memory_space<vmem>> -> memref<1x64x512xf32, #tpu.memory_space<vmem>>
      %scatter3A_1939 = tpu.memref_squeeze %scatter3A_1938 : memref<1x64x512xf32, #tpu.memory_space<vmem>> -> memref<64x512xf32, #tpu.memory_space<vmem>>
      tpu.vector_store_idx %scatter3A_1939[%broadcast_in_dim3A_1934, %get3A_3], %broadcast_in_dim3A_4 : memref<64x512xf32, #tpu.memory_space<vmem>>[vector<16xi32>, vector<16xi32>], vector<16xf32>,
      %broadcast_in_dim3A_1940 = arith.constant 42 : i32
      %broadcast_in_dim3A_1941 = vector.broadcast %broadcast_in_dim3A_1940 : i32 to vector<16xi32>
      %scatter3A_1942 = arith.constant 1 : i32
      %scatter3A_1943 = arith.constant 0 : i32
      %scatter3A_1944 = arith.constant 0 : i32
      %scatter3A_1945 = tpu.memref_slice %arg5[%scatter3A_1942, %scatter3A_1943, %scatter3A_1944] : memref<3x64x512xf32, #tpu.memory_space<vmem>> -> memref<1x64x512xf32, #tpu.memory_space<vmem>>
      %scatter3A_1946 = tpu.memref_squeeze %scatter3A_1945 : memref<1x64x512xf32, #tpu.memory_space<vmem>> -> memref<64x512xf32, #tpu.memory_space<vmem>>
      tpu.vector_store_idx %scatter3A_1946[%broadcast_in_dim3A_1941, %get3A_3], %broadcast_in_dim3A_4 : memref<64x512xf32, #tpu.memory_space<vmem>>[vector<16xi32>, vector<16xi32>], vector<16xf32>,
      %broadcast_in_dim3A_1947 = arith.constant 43 : i32
      %broadcast_in_dim3A_1948 = vector.broadcast %broadcast_in_dim3A_1947 : i32 to vector<16xi32>
      %scatter3A_1949 = arith.constant 1 : i32
      %scatter3A_1950 = arith.constant 0 : i32
      %scatter3A_1951 = arith.constant 0 : i32
      %scatter3A_1952 = tpu.memref_slice %arg5[%scatter3A_1949, %scatter3A_1950, %scatter3A_1951] : memref<3x64x512xf32, #tpu.memory_space<vmem>> -> memref<1x64x512xf32, #tpu.memory_space<vmem>>
      %scatter3A_1953 = tpu.memref_squeeze %scatter3A_1952 : memref<1x64x512xf32, #tpu.memory_space<vmem>> -> memref<64x512xf32, #tpu.memory_space<vmem>>
      tpu.vector_store_idx %scatter3A_1953[%broadcast_in_dim3A_1948, %get3A_3], %broadcast_in_dim3A_4 : memref<64x512xf32, #tpu.memory_space<vmem>>[vector<16xi32>, vector<16xi32>], vector<16xf32>,
      %broadcast_in_dim3A_1954 = arith.constant 44 : i32
      %broadcast_in_dim3A_1955 = vector.broadcast %broadcast_in_dim3A_1954 : i32 to vector<16xi32>
      %scatter3A_1956 = arith.constant 1 : i32
      %scatter3A_1957 = arith.constant 0 : i32
      %scatter3A_1958 = arith.constant 0 : i32
      %scatter3A_1959 = tpu.memref_slice %arg5[%scatter3A_1956, %scatter3A_1957, %scatter3A_1958] : memref<3x64x512xf32, #tpu.memory_space<vmem>> -> memref<1x64x512xf32, #tpu.memory_space<vmem>>
      %scatter3A_1960 = tpu.memref_squeeze %scatter3A_1959 : memref<1x64x512xf32, #tpu.memory_space<vmem>> -> memref<64x512xf32, #tpu.memory_space<vmem>>
      tpu.vector_store_idx %scatter3A_1960[%broadcast_in_dim3A_1955, %get3A_3], %broadcast_in_dim3A_4 : memref<64x512xf32, #tpu.memory_space<vmem>>[vector<16xi32>, vector<16xi32>], vector<16xf32>,
      %broadcast_in_dim3A_1961 = arith.constant 45 : i32
      %broadcast_in_dim3A_1962 = vector.broadcast %broadcast_in_dim3A_1961 : i32 to vector<16xi32>
      %scatter3A_1963 = arith.constant 1 : i32
      %scatter3A_1964 = arith.constant 0 : i32
      %scatter3A_1965 = arith.constant 0 : i32
      %scatter3A_1966 = tpu.memref_slice %arg5[%scatter3A_1963, %scatter3A_1964, %scatter3A_1965] : memref<3x64x512xf32, #tpu.memory_space<vmem>> -> memref<1x64x512xf32, #tpu.memory_space<vmem>>
      %scatter3A_1967 = tpu.memref_squeeze %scatter3A_1966 : memref<1x64x512xf32, #tpu.memory_space<vmem>> -> memref<64x512xf32, #tpu.memory_space<vmem>>
      tpu.vector_store_idx %scatter3A_1967[%broadcast_in_dim3A_1962, %get3A_3], %broadcast_in_dim3A_4 : memref<64x512xf32, #tpu.memory_space<vmem>>[vector<16xi32>, vector<16xi32>], vector<16xf32>,
      %broadcast_in_dim3A_1968 = arith.constant 46 : i32
      %broadcast_in_dim3A_1969 = vector.broadcast %broadcast_in_dim3A_1968 : i32 to vector<16xi32>
      %scatter3A_1970 = arith.constant 1 : i32
      %scatter3A_1971 = arith.constant 0 : i32
      %scatter3A_1972 = arith.constant 0 : i32
      %scatter3A_1973 = tpu.memref_slice %arg5[%scatter3A_1970, %scatter3A_1971, %scatter3A_1972] : memref<3x64x512xf32, #tpu.memory_space<vmem>> -> memref<1x64x512xf32, #tpu.memory_space<vmem>>
      %scatter3A_1974 = tpu.memref_squeeze %scatter3A_1973 : memref<1x64x512xf32, #tpu.memory_space<vmem>> -> memref<64x512xf32, #tpu.memory_space<vmem>>
      tpu.vector_store_idx %scatter3A_1974[%broadcast_in_dim3A_1969, %get3A_3], %broadcast_in_dim3A_4 : memref<64x512xf32, #tpu.memory_space<vmem>>[vector<16xi32>, vector<16xi32>], vector<16xf32>,
      %broadcast_in_dim3A_1975 = arith.constant 47 : i32
      %broadcast_in_dim3A_1976 = vector.broadcast %broadcast_in_dim3A_1975 : i32 to vector<16xi32>
      %scatter3A_1977 = arith.constant 1 : i32
      %scatter3A_1978 = arith.constant 0 : i32
      %scatter3A_1979 = arith.constant 0 : i32
      %scatter3A_1980 = tpu.memref_slice %arg5[%scatter3A_1977, %scatter3A_1978, %scatter3A_1979] : memref<3x64x512xf32, #tpu.memory_space<vmem>> -> memref<1x64x512xf32, #tpu.memory_space<vmem>>
      %scatter3A_1981 = tpu.memref_squeeze %scatter3A_1980 : memref<1x64x512xf32, #tpu.memory_space<vmem>> -> memref<64x512xf32, #tpu.memory_space<vmem>>
      tpu.vector_store_idx %scatter3A_1981[%broadcast_in_dim3A_1976, %get3A_3], %broadcast_in_dim3A_4 : memref<64x512xf32, #tpu.memory_space<vmem>>[vector<16xi32>, vector<16xi32>], vector<16xf32>,
      %broadcast_in_dim3A_1982 = arith.constant 48 : i32
      %broadcast_in_dim3A_1983 = vector.broadcast %broadcast_in_dim3A_1982 : i32 to vector<16xi32>
      %scatter3A_1984 = arith.constant 1 : i32
      %scatter3A_1985 = arith.constant 0 : i32
      %scatter3A_1986 = arith.constant 0 : i32
      %scatter3A_1987 = tpu.memref_slice %arg5[%scatter3A_1984, %scatter3A_1985, %scatter3A_1986] : memref<3x64x512xf32, #tpu.memory_space<vmem>> -> memref<1x64x512xf32, #tpu.memory_space<vmem>>
      %scatter3A_1988 = tpu.memref_squeeze %scatter3A_1987 : memref<1x64x512xf32, #tpu.memory_space<vmem>> -> memref<64x512xf32, #tpu.memory_space<vmem>>
      tpu.vector_store_idx %scatter3A_1988[%broadcast_in_dim3A_1983, %get3A_3], %broadcast_in_dim3A_4 : memref<64x512xf32, #tpu.memory_space<vmem>>[vector<16xi32>, vector<16xi32>], vector<16xf32>,
      %broadcast_in_dim3A_1989 = arith.constant 49 : i32
      %broadcast_in_dim3A_1990 = vector.broadcast %broadcast_in_dim3A_1989 : i32 to vector<16xi32>
      %scatter3A_1991 = arith.constant 1 : i32
      %scatter3A_1992 = arith.constant 0 : i32
      %scatter3A_1993 = arith.constant 0 : i32
      %scatter3A_1994 = tpu.memref_slice %arg5[%scatter3A_1991, %scatter3A_1992, %scatter3A_1993] : memref<3x64x512xf32, #tpu.memory_space<vmem>> -> memref<1x64x512xf32, #tpu.memory_space<vmem>>
      %scatter3A_1995 = tpu.memref_squeeze %scatter3A_1994 : memref<1x64x512xf32, #tpu.memory_space<vmem>> -> memref<64x512xf32, #tpu.memory_space<vmem>>
      tpu.vector_store_idx %scatter3A_1995[%broadcast_in_dim3A_1990, %get3A_3], %broadcast_in_dim3A_4 : memref<64x512xf32, #tpu.memory_space<vmem>>[vector<16xi32>, vector<16xi32>], vector<16xf32>,
      %broadcast_in_dim3A_1996 = arith.constant 50 : i32
      %broadcast_in_dim3A_1997 = vector.broadcast %broadcast_in_dim3A_1996 : i32 to vector<16xi32>
      %scatter3A_1998 = arith.constant 1 : i32
      %scatter3A_1999 = arith.constant 0 : i32
      %scatter3A_2000 = arith.constant 0 : i32
      %scatter3A_2001 = tpu.memref_slice %arg5[%scatter3A_1998, %scatter3A_1999, %scatter3A_2000] : memref<3x64x512xf32, #tpu.memory_space<vmem>> -> memref<1x64x512xf32, #tpu.memory_space<vmem>>
      %scatter3A_2002 = tpu.memref_squeeze %scatter3A_2001 : memref<1x64x512xf32, #tpu.memory_space<vmem>> -> memref<64x512xf32, #tpu.memory_space<vmem>>
      tpu.vector_store_idx %scatter3A_2002[%broadcast_in_dim3A_1997, %get3A_3], %broadcast_in_dim3A_4 : memref<64x512xf32, #tpu.memory_space<vmem>>[vector<16xi32>, vector<16xi32>], vector<16xf32>,
      %broadcast_in_dim3A_2003 = arith.constant 51 : i32
      %broadcast_in_dim3A_2004 = vector.broadcast %broadcast_in_dim3A_2003 : i32 to vector<16xi32>
      %scatter3A_2005 = arith.constant 1 : i32
      %scatter3A_2006 = arith.constant 0 : i32
      %scatter3A_2007 = arith.constant 0 : i32
      %scatter3A_2008 = tpu.memref_slice %arg5[%scatter3A_2005, %scatter3A_2006, %scatter3A_2007] : memref<3x64x512xf32, #tpu.memory_space<vmem>> -> memref<1x64x512xf32, #tpu.memory_space<vmem>>
      %scatter3A_2009 = tpu.memref_squeeze %scatter3A_2008 : memref<1x64x512xf32, #tpu.memory_space<vmem>> -> memref<64x512xf32, #tpu.memory_space<vmem>>
      tpu.vector_store_idx %scatter3A_2009[%broadcast_in_dim3A_2004, %get3A_3], %broadcast_in_dim3A_4 : memref<64x512xf32, #tpu.memory_space<vmem>>[vector<16xi32>, vector<16xi32>], vector<16xf32>,
      %broadcast_in_dim3A_2010 = arith.constant 52 : i32
      %broadcast_in_dim3A_2011 = vector.broadcast %broadcast_in_dim3A_2010 : i32 to vector<16xi32>
      %scatter3A_2012 = arith.constant 1 : i32
      %scatter3A_2013 = arith.constant 0 : i32
      %scatter3A_2014 = arith.constant 0 : i32
      %scatter3A_2015 = tpu.memref_slice %arg5[%scatter3A_2012, %scatter3A_2013, %scatter3A_2014] : memref<3x64x512xf32, #tpu.memory_space<vmem>> -> memref<1x64x512xf32, #tpu.memory_space<vmem>>
      %scatter3A_2016 = tpu.memref_squeeze %scatter3A_2015 : memref<1x64x512xf32, #tpu.memory_space<vmem>> -> memref<64x512xf32, #tpu.memory_space<vmem>>
      tpu.vector_store_idx %scatter3A_2016[%broadcast_in_dim3A_2011, %get3A_3], %broadcast_in_dim3A_4 : memref<64x512xf32, #tpu.memory_space<vmem>>[vector<16xi32>, vector<16xi32>], vector<16xf32>,
      %broadcast_in_dim3A_2017 = arith.constant 53 : i32
      %broadcast_in_dim3A_2018 = vector.broadcast %broadcast_in_dim3A_2017 : i32 to vector<16xi32>
      %scatter3A_2019 = arith.constant 1 : i32
      %scatter3A_2020 = arith.constant 0 : i32
      %scatter3A_2021 = arith.constant 0 : i32
      %scatter3A_2022 = tpu.memref_slice %arg5[%scatter3A_2019, %scatter3A_2020, %scatter3A_2021] : memref<3x64x512xf32, #tpu.memory_space<vmem>> -> memref<1x64x512xf32, #tpu.memory_space<vmem>>
      %scatter3A_2023 = tpu.memref_squeeze %scatter3A_2022 : memref<1x64x512xf32, #tpu.memory_space<vmem>> -> memref<64x512xf32, #tpu.memory_space<vmem>>
      tpu.vector_store_idx %scatter3A_2023[%broadcast_in_dim3A_2018, %get3A_3], %broadcast_in_dim3A_4 : memref<64x512xf32, #tpu.memory_space<vmem>>[vector<16xi32>, vector<16xi32>], vector<16xf32>,
      %broadcast_in_dim3A_2024 = arith.constant 54 : i32
      %broadcast_in_dim3A_2025 = vector.broadcast %broadcast_in_dim3A_2024 : i32 to vector<16xi32>
      %scatter3A_2026 = arith.constant 1 : i32
      %scatter3A_2027 = arith.constant 0 : i32
      %scatter3A_2028 = arith.constant 0 : i32
      %scatter3A_2029 = tpu.memref_slice %arg5[%scatter3A_2026, %scatter3A_2027, %scatter3A_2028] : memref<3x64x512xf32, #tpu.memory_space<vmem>> -> memref<1x64x512xf32, #tpu.memory_space<vmem>>
      %scatter3A_2030 = tpu.memref_squeeze %scatter3A_2029 : memref<1x64x512xf32, #tpu.memory_space<vmem>> -> memref<64x512xf32, #tpu.memory_space<vmem>>
      tpu.vector_store_idx %scatter3A_2030[%broadcast_in_dim3A_2025, %get3A_3], %broadcast_in_dim3A_4 : memref<64x512xf32, #tpu.memory_space<vmem>>[vector<16xi32>, vector<16xi32>], vector<16xf32>,
      %broadcast_in_dim3A_2031 = arith.constant 55 : i32
      %broadcast_in_dim3A_2032 = vector.broadcast %broadcast_in_dim3A_2031 : i32 to vector<16xi32>
      %scatter3A_2033 = arith.constant 1 : i32
      %scatter3A_2034 = arith.constant 0 : i32
      %scatter3A_2035 = arith.constant 0 : i32
      %scatter3A_2036 = tpu.memref_slice %arg5[%scatter3A_2033, %scatter3A_2034, %scatter3A_2035] : memref<3x64x512xf32, #tpu.memory_space<vmem>> -> memref<1x64x512xf32, #tpu.memory_space<vmem>>
      %scatter3A_2037 = tpu.memref_squeeze %scatter3A_2036 : memref<1x64x512xf32, #tpu.memory_space<vmem>> -> memref<64x512xf32, #tpu.memory_space<vmem>>
      tpu.vector_store_idx %scatter3A_2037[%broadcast_in_dim3A_2032, %get3A_3], %broadcast_in_dim3A_4 : memref<64x512xf32, #tpu.memory_space<vmem>>[vector<16xi32>, vector<16xi32>], vector<16xf32>,
      %broadcast_in_dim3A_2038 = arith.constant 56 : i32
      %broadcast_in_dim3A_2039 = vector.broadcast %broadcast_in_dim3A_2038 : i32 to vector<16xi32>
      %scatter3A_2040 = arith.constant 1 : i32
      %scatter3A_2041 = arith.constant 0 : i32
      %scatter3A_2042 = arith.constant 0 : i32
      %scatter3A_2043 = tpu.memref_slice %arg5[%scatter3A_2040, %scatter3A_2041, %scatter3A_2042] : memref<3x64x512xf32, #tpu.memory_space<vmem>> -> memref<1x64x512xf32, #tpu.memory_space<vmem>>
      %scatter3A_2044 = tpu.memref_squeeze %scatter3A_2043 : memref<1x64x512xf32, #tpu.memory_space<vmem>> -> memref<64x512xf32, #tpu.memory_space<vmem>>
      tpu.vector_store_idx %scatter3A_2044[%broadcast_in_dim3A_2039, %get3A_3], %broadcast_in_dim3A_4 : memref<64x512xf32, #tpu.memory_space<vmem>>[vector<16xi32>, vector<16xi32>], vector<16xf32>,
      %broadcast_in_dim3A_2045 = arith.constant 57 : i32
      %broadcast_in_dim3A_2046 = vector.broadcast %broadcast_in_dim3A_2045 : i32 to vector<16xi32>
      %scatter3A_2047 = arith.constant 1 : i32
      %scatter3A_2048 = arith.constant 0 : i32
      %scatter3A_2049 = arith.constant 0 : i32
      %scatter3A_2050 = tpu.memref_slice %arg5[%scatter3A_2047, %scatter3A_2048, %scatter3A_2049] : memref<3x64x512xf32, #tpu.memory_space<vmem>> -> memref<1x64x512xf32, #tpu.memory_space<vmem>>
      %scatter3A_2051 = tpu.memref_squeeze %scatter3A_2050 : memref<1x64x512xf32, #tpu.memory_space<vmem>> -> memref<64x512xf32, #tpu.memory_space<vmem>>
      tpu.vector_store_idx %scatter3A_2051[%broadcast_in_dim3A_2046, %get3A_3], %broadcast_in_dim3A_4 : memref<64x512xf32, #tpu.memory_space<vmem>>[vector<16xi32>, vector<16xi32>], vector<16xf32>,
      %broadcast_in_dim3A_2052 = arith.constant 58 : i32
      %broadcast_in_dim3A_2053 = vector.broadcast %broadcast_in_dim3A_2052 : i32 to vector<16xi32>
      %scatter3A_2054 = arith.constant 1 : i32
      %scatter3A_2055 = arith.constant 0 : i32
      %scatter3A_2056 = arith.constant 0 : i32
      %scatter3A_2057 = tpu.memref_slice %arg5[%scatter3A_2054, %scatter3A_2055, %scatter3A_2056] : memref<3x64x512xf32, #tpu.memory_space<vmem>> -> memref<1x64x512xf32, #tpu.memory_space<vmem>>
      %scatter3A_2058 = tpu.memref_squeeze %scatter3A_2057 : memref<1x64x512xf32, #tpu.memory_space<vmem>> -> memref<64x512xf32, #tpu.memory_space<vmem>>
      tpu.vector_store_idx %scatter3A_2058[%broadcast_in_dim3A_2053, %get3A_3], %broadcast_in_dim3A_4 : memref<64x512xf32, #tpu.memory_space<vmem>>[vector<16xi32>, vector<16xi32>], vector<16xf32>,
      %broadcast_in_dim3A_2059 = arith.constant 59 : i32
      %broadcast_in_dim3A_2060 = vector.broadcast %broadcast_in_dim3A_2059 : i32 to vector<16xi32>
      %scatter3A_2061 = arith.constant 1 : i32
      %scatter3A_2062 = arith.constant 0 : i32
      %scatter3A_2063 = arith.constant 0 : i32
      %scatter3A_2064 = tpu.memref_slice %arg5[%scatter3A_2061, %scatter3A_2062, %scatter3A_2063] : memref<3x64x512xf32, #tpu.memory_space<vmem>> -> memref<1x64x512xf32, #tpu.memory_space<vmem>>
      %scatter3A_2065 = tpu.memref_squeeze %scatter3A_2064 : memref<1x64x512xf32, #tpu.memory_space<vmem>> -> memref<64x512xf32, #tpu.memory_space<vmem>>
      tpu.vector_store_idx %scatter3A_2065[%broadcast_in_dim3A_2060, %get3A_3], %broadcast_in_dim3A_4 : memref<64x512xf32, #tpu.memory_space<vmem>>[vector<16xi32>, vector<16xi32>], vector<16xf32>,
      %broadcast_in_dim3A_2066 = arith.constant 60 : i32
      %broadcast_in_dim3A_2067 = vector.broadcast %broadcast_in_dim3A_2066 : i32 to vector<16xi32>
      %scatter3A_2068 = arith.constant 1 : i32
      %scatter3A_2069 = arith.constant 0 : i32
      %scatter3A_2070 = arith.constant 0 : i32
      %scatter3A_2071 = tpu.memref_slice %arg5[%scatter3A_2068, %scatter3A_2069, %scatter3A_2070] : memref<3x64x512xf32, #tpu.memory_space<vmem>> -> memref<1x64x512xf32, #tpu.memory_space<vmem>>
      %scatter3A_2072 = tpu.memref_squeeze %scatter3A_2071 : memref<1x64x512xf32, #tpu.memory_space<vmem>> -> memref<64x512xf32, #tpu.memory_space<vmem>>
      tpu.vector_store_idx %scatter3A_2072[%broadcast_in_dim3A_2067, %get3A_3], %broadcast_in_dim3A_4 : memref<64x512xf32, #tpu.memory_space<vmem>>[vector<16xi32>, vector<16xi32>], vector<16xf32>,
      %broadcast_in_dim3A_2073 = arith.constant 61 : i32
      %broadcast_in_dim3A_2074 = vector.broadcast %broadcast_in_dim3A_2073 : i32 to vector<16xi32>
      %scatter3A_2075 = arith.constant 1 : i32
      %scatter3A_2076 = arith.constant 0 : i32
      %scatter3A_2077 = arith.constant 0 : i32
      %scatter3A_2078 = tpu.memref_slice %arg5[%scatter3A_2075, %scatter3A_2076, %scatter3A_2077] : memref<3x64x512xf32, #tpu.memory_space<vmem>> -> memref<1x64x512xf32, #tpu.memory_space<vmem>>
      %scatter3A_2079 = tpu.memref_squeeze %scatter3A_2078 : memref<1x64x512xf32, #tpu.memory_space<vmem>> -> memref<64x512xf32, #tpu.memory_space<vmem>>
      tpu.vector_store_idx %scatter3A_2079[%broadcast_in_dim3A_2074, %get3A_3], %broadcast_in_dim3A_4 : memref<64x512xf32, #tpu.memory_space<vmem>>[vector<16xi32>, vector<16xi32>], vector<16xf32>,
      %broadcast_in_dim3A_2080 = arith.constant 62 : i32
      %broadcast_in_dim3A_2081 = vector.broadcast %broadcast_in_dim3A_2080 : i32 to vector<16xi32>
      %scatter3A_2082 = arith.constant 1 : i32
      %scatter3A_2083 = arith.constant 0 : i32
      %scatter3A_2084 = arith.constant 0 : i32
      %scatter3A_2085 = tpu.memref_slice %arg5[%scatter3A_2082, %scatter3A_2083, %scatter3A_2084] : memref<3x64x512xf32, #tpu.memory_space<vmem>> -> memref<1x64x512xf32, #tpu.memory_space<vmem>>
      %scatter3A_2086 = tpu.memref_squeeze %scatter3A_2085 : memref<1x64x512xf32, #tpu.memory_space<vmem>> -> memref<64x512xf32, #tpu.memory_space<vmem>>
      tpu.vector_store_idx %scatter3A_2086[%broadcast_in_dim3A_2081, %get3A_3], %broadcast_in_dim3A_4 : memref<64x512xf32, #tpu.memory_space<vmem>>[vector<16xi32>, vector<16xi32>], vector<16xf32>,
      %broadcast_in_dim3A_2087 = arith.constant 63 : i32
      %broadcast_in_dim3A_2088 = vector.broadcast %broadcast_in_dim3A_2087 : i32 to vector<16xi32>
      %scatter3A_2089 = arith.constant 1 : i32
      %scatter3A_2090 = arith.constant 0 : i32
      %scatter3A_2091 = arith.constant 0 : i32
      %scatter3A_2092 = tpu.memref_slice %arg5[%scatter3A_2089, %scatter3A_2090, %scatter3A_2091] : memref<3x64x512xf32, #tpu.memory_space<vmem>> -> memref<1x64x512xf32, #tpu.memory_space<vmem>>
      %scatter3A_2093 = tpu.memref_squeeze %scatter3A_2092 : memref<1x64x512xf32, #tpu.memory_space<vmem>> -> memref<64x512xf32, #tpu.memory_space<vmem>>
      tpu.vector_store_idx %scatter3A_2093[%broadcast_in_dim3A_2088, %get3A_3], %broadcast_in_dim3A_4 : memref<64x512xf32, #tpu.memory_space<vmem>>[vector<16xi32>, vector<16xi32>], vector<16xf32>,
      %mul3A_2094 = arith.constant 64 : i32
      %mul3A_2095 = arith.muli %add3A_1607, %mul3A_2094 : i32
      %add3A_2096 = arith.addi %mul3A_2, %mul3A_2095 : i32
      %dma_start3A_2097 = arith.constant 1 : i32
      %dma_start3A_2098 = arith.constant 0 : i32
      %dma_start3A_2099 = arith.constant 0 : i32
      %dma_start3A_2100 = tpu.memref_slice %arg5[%dma_start3A_2097, %dma_start3A_2098, %dma_start3A_2099] : memref<3x64x512xf32, #tpu.memory_space<vmem>> -> memref<1x64x512xf32, #tpu.memory_space<vmem>>
      %dma_start3A_2101 = tpu.memref_squeeze %dma_start3A_2100 : memref<1x64x512xf32, #tpu.memory_space<vmem>> -> memref<64x512xf32, #tpu.memory_space<vmem>>
      %dma_start3A_2102 = arith.constant 0 : i32
      %dma_start3A_2103 = tpu.memref_slice %arg4[%add3A_2096, %dma_start3A_2102] : memref<65536x512xf32, #tpu.memory_space<hbm>> -> memref<64x512xf32, #tpu.memory_space<hbm>>
      %dma_start3A_2104 = arith.constant 0 : i32
      %dma_start3A_2105 = tpu.memref_slice %arg4[%add3A_2096, %dma_start3A_2104] : memref<65536x512xf32, #tpu.memory_space<hbm>> -> memref<64x512xf32, #tpu.memory_space<hbm>>
      %dma_start3A_2106 = arith.constant 0 : i32
      %dma_start3A_2107 = arith.constant 0 : i32
      %dma_start3A_2108 = tpu.memref_slice %arg5[%dma_start3A_2097, %dma_start3A_2106, %dma_start3A_2107] : memref<3x64x512xf32, #tpu.memory_space<vmem>> -> memref<1x64x512xf32, #tpu.memory_space<vmem>>
      %dma_start3A_2109 = tpu.memref_squeeze %dma_start3A_2108 : memref<1x64x512xf32, #tpu.memory_space<vmem>> -> memref<64x512xf32, #tpu.memory_space<vmem>>
      tpu.enqueue_dma source(%dma_start3A_2109 : memref<64x512xf32, #tpu.memory_space<vmem>>) target(%dma_start3A_2105 : memref<64x512xf32, #tpu.memory_space<hbm>>) target_semaphore(%arg11 : memref<!tpu.dma_semaphore, #tpu.memory_space<semaphore_mem>>)
      %mul3A_2110 = arith.constant 3 : i32
      %mul3A_2111 = arith.muli %scan3A_1097, %mul3A_2110 : i32
      %add3A_2112 = arith.constant 2 : i32
      %add3A_2113 = arith.addi %mul3A_2111, %add3A_2112 : i32
      %ge3A_2114 = arith.constant 2 : i32
      %ge3A_2115 = arith.cmpi sge, %add3A_2113, %ge3A_2114 : i32
      %add3A_2116 = arith.constant 1 : i32
      %add3A_2117 = arith.addi %add3A_2113, %add3A_2116 : i32
      %lt3A_2118 = arith.constant 32 : i32
      %lt3A_2119 = arith.cmpi slt, %add3A_2117, %lt3A_2118 : i32
      %and3A_2120 = arith.andi %ge3A_2115, %lt3A_2119 : i1
      %convert_element_type3A_2121 = arith.extui %and3A_2120 : i1 to i32
      %cond3A_2122 = arith.constant 0 : i32
      %cond3A_2123 = arith.cmpi ne, %convert_element_type3A_2121, %cond3A_2122 : i32
      scf.if %cond3A_2123 {
        %dma_wait3A_2616 = arith.constant 0 : i32
        %dma_wait3A_2617 = arith.constant 0 : i32
        %dma_wait3A_2618 = arith.constant 0 : i32
        %dma_wait3A_2619 = tpu.memref_slice %arg5[%dma_wait3A_2616, %dma_wait3A_2617, %dma_wait3A_2618] : memref<3x64x512xf32, #tpu.memory_space<vmem>> -> memref<1x64x512xf32, #tpu.memory_space<vmem>>
        %dma_wait3A_2620 = tpu.memref_squeeze %dma_wait3A_2619 : memref<1x64x512xf32, #tpu.memory_space<vmem>> -> memref<64x512xf32, #tpu.memory_space<vmem>>
        %dma_wait3A_2621 = arith.constant 0 : i32
        %dma_wait3A_2622 = arith.constant 0 : i32
        %dma_wait3A_2623 = tpu.memref_slice %arg4[%dma_wait3A_2621, %dma_wait3A_2622] : memref<65536x512xf32, #tpu.memory_space<hbm>> -> memref<64x512xf32, #tpu.memory_space<hbm>>
        %dma_wait3A_2624 = arith.constant 0 : i32
        %dma_wait3A_2625 = arith.constant 0 : i32
        %dma_wait3A_2626 = tpu.memref_slice %arg4[%dma_wait3A_2624, %dma_wait3A_2625] : memref<65536x512xf32, #tpu.memory_space<hbm>> -> memref<64x512xf32, #tpu.memory_space<hbm>>
        %dma_wait3A_2627 = arith.constant 0 : i32
        %dma_wait3A_2628 = arith.constant 0 : i32
        %dma_wait3A_2629 = tpu.memref_slice %arg5[%dma_wait3A_2616, %dma_wait3A_2627, %dma_wait3A_2628] : memref<3x64x512xf32, #tpu.memory_space<vmem>> -> memref<1x64x512xf32, #tpu.memory_space<vmem>>
        %dma_wait3A_2630 = tpu.memref_squeeze %dma_wait3A_2629 : memref<1x64x512xf32, #tpu.memory_space<vmem>> -> memref<64x512xf32, #tpu.memory_space<vmem>>
        tpu.wait_dma2 semaphore(%arg10 : memref<!tpu.dma_semaphore, #tpu.memory_space<semaphore_mem>>) src(%dma_wait3A_2630 : memref<64x512xf32, #tpu.memory_space<vmem>>) dst(%dma_wait3A_2626 : memref<64x512xf32, #tpu.memory_space<hbm>>)
        %add3A_2631 = arith.constant 1 : i32
        %add3A_2632 = arith.addi %add3A_2113, %add3A_2631 : i32
        %mul3A_2633 = arith.constant 64 : i32
        %mul3A_2634 = arith.muli %add3A_2632, %mul3A_2633 : i32
        %add3A_2635 = arith.addi %mul3A_2, %mul3A_2634 : i32
        %dma_start3A_2636 = arith.constant 0 : i32
        %dma_start3A_2637 = arith.constant 0 : i32
        %dma_start3A_2638 = arith.constant 0 : i32
        %dma_start3A_2639 = tpu.memref_slice %arg5[%dma_start3A_2636, %dma_start3A_2637, %dma_start3A_2638] : memref<3x64x512xf32, #tpu.memory_space<vmem>> -> memref<1x64x512xf32, #tpu.memory_space<vmem>>
        %dma_start3A_2640 = tpu.memref_squeeze %dma_start3A_2639 : memref<1x64x512xf32, #tpu.memory_space<vmem>> -> memref<64x512xf32, #tpu.memory_space<vmem>>
        %dma_start3A_2641 = arith.constant 0 : i32
        %dma_start3A_2642 = tpu.memref_slice %arg2[%add3A_2635, %dma_start3A_2641] : memref<65536x512xf32, #tpu.memory_space<hbm>> -> memref<64x512xf32, #tpu.memory_space<hbm>>
        %dma_start3A_2643 = arith.constant 0 : i32
        %dma_start3A_2644 = arith.constant 0 : i32
        %dma_start3A_2645 = tpu.memref_slice %arg5[%dma_start3A_2636, %dma_start3A_2643, %dma_start3A_2644] : memref<3x64x512xf32, #tpu.memory_space<vmem>> -> memref<1x64x512xf32, #tpu.memory_space<vmem>>
        %dma_start3A_2646 = tpu.memref_squeeze %dma_start3A_2645 : memref<1x64x512xf32, #tpu.memory_space<vmem>> -> memref<64x512xf32, #tpu.memory_space<vmem>>
        %dma_start3A_2647 = arith.constant 0 : i32
        %dma_start3A_2648 = tpu.memref_slice %arg2[%add3A_2635, %dma_start3A_2647] : memref<65536x512xf32, #tpu.memory_space<hbm>> -> memref<64x512xf32, #tpu.memory_space<hbm>>
        tpu.enqueue_dma source(%dma_start3A_2648 : memref<64x512xf32, #tpu.memory_space<hbm>>) target(%dma_start3A_2646 : memref<64x512xf32, #tpu.memory_space<vmem>>) target_semaphore(%arg7 : memref<!tpu.dma_semaphore, #tpu.memory_space<semaphore_mem>>)
      } else {
      }
      %ge3A_2124 = arith.constant 1 : i32
      %ge3A_2125 = arith.cmpi sge, %add3A_2113, %ge3A_2124 : i32
      %lt3A_2126 = arith.constant 2 : i32
      %lt3A_2127 = arith.cmpi slt, %add3A_2113, %lt3A_2126 : i32
      %and3A_2128 = arith.andi %ge3A_2125, %lt3A_2127 : i1
      %add3A_2129 = arith.constant 1 : i32
      %add3A_2130 = arith.addi %add3A_2113, %add3A_2129 : i32
      %lt3A_2131 = arith.constant 32 : i32
      %lt3A_2132 = arith.cmpi slt, %add3A_2130, %lt3A_2131 : i32
      %and3A_2133 = arith.andi %and3A_2128, %lt3A_2132 : i1
      %convert_element_type3A_2134 = arith.extui %and3A_2133 : i1 to i32
      %cond3A_2135 = arith.constant 0 : i32
      %cond3A_2136 = arith.cmpi ne, %convert_element_type3A_2134, %cond3A_2135 : i32
      scf.if %cond3A_2136 {
        %add3A_2616 = arith.constant 1 : i32
        %add3A_2617 = arith.addi %add3A_2113, %add3A_2616 : i32
        %mul3A_2618 = arith.constant 64 : i32
        %mul3A_2619 = arith.muli %add3A_2617, %mul3A_2618 : i32
        %add3A_2620 = arith.addi %mul3A_2, %mul3A_2619 : i32
        %dma_start3A_2621 = arith.constant 0 : i32
        %dma_start3A_2622 = arith.constant 0 : i32
        %dma_start3A_2623 = arith.constant 0 : i32
        %dma_start3A_2624 = tpu.memref_slice %arg5[%dma_start3A_2621, %dma_start3A_2622, %dma_start3A_2623] : memref<3x64x512xf32, #tpu.memory_space<vmem>> -> memref<1x64x512xf32, #tpu.memory_space<vmem>>
        %dma_start3A_2625 = tpu.memref_squeeze %dma_start3A_2624 : memref<1x64x512xf32, #tpu.memory_space<vmem>> -> memref<64x512xf32, #tpu.memory_space<vmem>>
        %dma_start3A_2626 = arith.constant 0 : i32
        %dma_start3A_2627 = tpu.memref_slice %arg2[%add3A_2620, %dma_start3A_2626] : memref<65536x512xf32, #tpu.memory_space<hbm>> -> memref<64x512xf32, #tpu.memory_space<hbm>>
        %dma_start3A_2628 = arith.constant 0 : i32
        %dma_start3A_2629 = arith.constant 0 : i32
        %dma_start3A_2630 = tpu.memref_slice %arg5[%dma_start3A_2621, %dma_start3A_2628, %dma_start3A_2629] : memref<3x64x512xf32, #tpu.memory_space<vmem>> -> memref<1x64x512xf32, #tpu.memory_space<vmem>>
        %dma_start3A_2631 = tpu.memref_squeeze %dma_start3A_2630 : memref<1x64x512xf32, #tpu.memory_space<vmem>> -> memref<64x512xf32, #tpu.memory_space<vmem>>
        %dma_start3A_2632 = arith.constant 0 : i32
        %dma_start3A_2633 = tpu.memref_slice %arg2[%add3A_2620, %dma_start3A_2632] : memref<65536x512xf32, #tpu.memory_space<hbm>> -> memref<64x512xf32, #tpu.memory_space<hbm>>
        tpu.enqueue_dma source(%dma_start3A_2633 : memref<64x512xf32, #tpu.memory_space<hbm>>) target(%dma_start3A_2631 : memref<64x512xf32, #tpu.memory_space<vmem>>) target_semaphore(%arg7 : memref<!tpu.dma_semaphore, #tpu.memory_space<semaphore_mem>>)
      } else {
      }
      %dma_wait3A_2137 = arith.constant 2 : i32
      %dma_wait3A_2138 = arith.constant 0 : i32
      %dma_wait3A_2139 = arith.constant 0 : i32
      %dma_wait3A_2140 = tpu.memref_slice %arg5[%dma_wait3A_2137, %dma_wait3A_2138, %dma_wait3A_2139] : memref<3x64x512xf32, #tpu.memory_space<vmem>> -> memref<1x64x512xf32, #tpu.memory_space<vmem>>
      %dma_wait3A_2141 = tpu.memref_squeeze %dma_wait3A_2140 : memref<1x64x512xf32, #tpu.memory_space<vmem>> -> memref<64x512xf32, #tpu.memory_space<vmem>>
      %dma_wait3A_2142 = arith.constant 0 : i32
      %dma_wait3A_2143 = arith.constant 0 : i32
      %dma_wait3A_2144 = tpu.memref_slice %arg2[%dma_wait3A_2142, %dma_wait3A_2143] : memref<65536x512xf32, #tpu.memory_space<hbm>> -> memref<64x512xf32, #tpu.memory_space<hbm>>
      %dma_wait3A_2145 = arith.constant 0 : i32
      %dma_wait3A_2146 = arith.constant 0 : i32
      %dma_wait3A_2147 = tpu.memref_slice %arg5[%dma_wait3A_2137, %dma_wait3A_2145, %dma_wait3A_2146] : memref<3x64x512xf32, #tpu.memory_space<vmem>> -> memref<1x64x512xf32, #tpu.memory_space<vmem>>
      %dma_wait3A_2148 = tpu.memref_squeeze %dma_wait3A_2147 : memref<1x64x512xf32, #tpu.memory_space<vmem>> -> memref<64x512xf32, #tpu.memory_space<vmem>>
      %dma_wait3A_2149 = arith.constant 0 : i32
      %dma_wait3A_2150 = arith.constant 0 : i32
      %dma_wait3A_2151 = tpu.memref_slice %arg2[%dma_wait3A_2149, %dma_wait3A_2150] : memref<65536x512xf32, #tpu.memory_space<hbm>> -> memref<64x512xf32, #tpu.memory_space<hbm>>
      tpu.wait_dma2 semaphore(%arg9 : memref<!tpu.dma_semaphore, #tpu.memory_space<semaphore_mem>>) src(%dma_wait3A_2151 : memref<64x512xf32, #tpu.memory_space<hbm>>) dst(%dma_wait3A_2148 : memref<64x512xf32, #tpu.memory_space<vmem>>)
      %broadcast_in_dim3A_2152 = arith.constant 0 : i32
      %broadcast_in_dim3A_2153 = vector.broadcast %broadcast_in_dim3A_2152 : i32 to vector<16xi32>
      %scatter3A_2154 = arith.constant 2 : i32
      %scatter3A_2155 = arith.constant 0 : i32
      %scatter3A_2156 = arith.constant 0 : i32
      %scatter3A_2157 = tpu.memref_slice %arg5[%scatter3A_2154, %scatter3A_2155, %scatter3A_2156] : memref<3x64x512xf32, #tpu.memory_space<vmem>> -> memref<1x64x512xf32, #tpu.memory_space<vmem>>
      %scatter3A_2158 = tpu.memref_squeeze %scatter3A_2157 : memref<1x64x512xf32, #tpu.memory_space<vmem>> -> memref<64x512xf32, #tpu.memory_space<vmem>>
      tpu.vector_store_idx %scatter3A_2158[%broadcast_in_dim3A_2153, %get3A_3], %broadcast_in_dim3A_4 : memref<64x512xf32, #tpu.memory_space<vmem>>[vector<16xi32>, vector<16xi32>], vector<16xf32>,
      %broadcast_in_dim3A_2159 = arith.constant 1 : i32
      %broadcast_in_dim3A_2160 = vector.broadcast %broadcast_in_dim3A_2159 : i32 to vector<16xi32>
      %scatter3A_2161 = arith.constant 2 : i32
      %scatter3A_2162 = arith.constant 0 : i32
      %scatter3A_2163 = arith.constant 0 : i32
      %scatter3A_2164 = tpu.memref_slice %arg5[%scatter3A_2161, %scatter3A_2162, %scatter3A_2163] : memref<3x64x512xf32, #tpu.memory_space<vmem>> -> memref<1x64x512xf32, #tpu.memory_space<vmem>>
      %scatter3A_2165 = tpu.memref_squeeze %scatter3A_2164 : memref<1x64x512xf32, #tpu.memory_space<vmem>> -> memref<64x512xf32, #tpu.memory_space<vmem>>
      tpu.vector_store_idx %scatter3A_2165[%broadcast_in_dim3A_2160, %get3A_3], %broadcast_in_dim3A_4 : memref<64x512xf32, #tpu.memory_space<vmem>>[vector<16xi32>, vector<16xi32>], vector<16xf32>,
      %broadcast_in_dim3A_2166 = arith.constant 2 : i32
      %broadcast_in_dim3A_2167 = vector.broadcast %broadcast_in_dim3A_2166 : i32 to vector<16xi32>
      %scatter3A_2168 = arith.constant 2 : i32
      %scatter3A_2169 = arith.constant 0 : i32
      %scatter3A_2170 = arith.constant 0 : i32
      %scatter3A_2171 = tpu.memref_slice %arg5[%scatter3A_2168, %scatter3A_2169, %scatter3A_2170] : memref<3x64x512xf32, #tpu.memory_space<vmem>> -> memref<1x64x512xf32, #tpu.memory_space<vmem>>
      %scatter3A_2172 = tpu.memref_squeeze %scatter3A_2171 : memref<1x64x512xf32, #tpu.memory_space<vmem>> -> memref<64x512xf32, #tpu.memory_space<vmem>>
      tpu.vector_store_idx %scatter3A_2172[%broadcast_in_dim3A_2167, %get3A_3], %broadcast_in_dim3A_4 : memref<64x512xf32, #tpu.memory_space<vmem>>[vector<16xi32>, vector<16xi32>], vector<16xf32>,
      %broadcast_in_dim3A_2173 = arith.constant 3 : i32
      %broadcast_in_dim3A_2174 = vector.broadcast %broadcast_in_dim3A_2173 : i32 to vector<16xi32>
      %scatter3A_2175 = arith.constant 2 : i32
      %scatter3A_2176 = arith.constant 0 : i32
      %scatter3A_2177 = arith.constant 0 : i32
      %scatter3A_2178 = tpu.memref_slice %arg5[%scatter3A_2175, %scatter3A_2176, %scatter3A_2177] : memref<3x64x512xf32, #tpu.memory_space<vmem>> -> memref<1x64x512xf32, #tpu.memory_space<vmem>>
      %scatter3A_2179 = tpu.memref_squeeze %scatter3A_2178 : memref<1x64x512xf32, #tpu.memory_space<vmem>> -> memref<64x512xf32, #tpu.memory_space<vmem>>
      tpu.vector_store_idx %scatter3A_2179[%broadcast_in_dim3A_2174, %get3A_3], %broadcast_in_dim3A_4 : memref<64x512xf32, #tpu.memory_space<vmem>>[vector<16xi32>, vector<16xi32>], vector<16xf32>,
      %broadcast_in_dim3A_2180 = arith.constant 4 : i32
      %broadcast_in_dim3A_2181 = vector.broadcast %broadcast_in_dim3A_2180 : i32 to vector<16xi32>
      %scatter3A_2182 = arith.constant 2 : i32
      %scatter3A_2183 = arith.constant 0 : i32
      %scatter3A_2184 = arith.constant 0 : i32
      %scatter3A_2185 = tpu.memref_slice %arg5[%scatter3A_2182, %scatter3A_2183, %scatter3A_2184] : memref<3x64x512xf32, #tpu.memory_space<vmem>> -> memref<1x64x512xf32, #tpu.memory_space<vmem>>
      %scatter3A_2186 = tpu.memref_squeeze %scatter3A_2185 : memref<1x64x512xf32, #tpu.memory_space<vmem>> -> memref<64x512xf32, #tpu.memory_space<vmem>>
      tpu.vector_store_idx %scatter3A_2186[%broadcast_in_dim3A_2181, %get3A_3], %broadcast_in_dim3A_4 : memref<64x512xf32, #tpu.memory_space<vmem>>[vector<16xi32>, vector<16xi32>], vector<16xf32>,
      %broadcast_in_dim3A_2187 = arith.constant 5 : i32
      %broadcast_in_dim3A_2188 = vector.broadcast %broadcast_in_dim3A_2187 : i32 to vector<16xi32>
      %scatter3A_2189 = arith.constant 2 : i32
      %scatter3A_2190 = arith.constant 0 : i32
      %scatter3A_2191 = arith.constant 0 : i32
      %scatter3A_2192 = tpu.memref_slice %arg5[%scatter3A_2189, %scatter3A_2190, %scatter3A_2191] : memref<3x64x512xf32, #tpu.memory_space<vmem>> -> memref<1x64x512xf32, #tpu.memory_space<vmem>>
      %scatter3A_2193 = tpu.memref_squeeze %scatter3A_2192 : memref<1x64x512xf32, #tpu.memory_space<vmem>> -> memref<64x512xf32, #tpu.memory_space<vmem>>
      tpu.vector_store_idx %scatter3A_2193[%broadcast_in_dim3A_2188, %get3A_3], %broadcast_in_dim3A_4 : memref<64x512xf32, #tpu.memory_space<vmem>>[vector<16xi32>, vector<16xi32>], vector<16xf32>,
      %broadcast_in_dim3A_2194 = arith.constant 6 : i32
      %broadcast_in_dim3A_2195 = vector.broadcast %broadcast_in_dim3A_2194 : i32 to vector<16xi32>
      %scatter3A_2196 = arith.constant 2 : i32
      %scatter3A_2197 = arith.constant 0 : i32
      %scatter3A_2198 = arith.constant 0 : i32
      %scatter3A_2199 = tpu.memref_slice %arg5[%scatter3A_2196, %scatter3A_2197, %scatter3A_2198] : memref<3x64x512xf32, #tpu.memory_space<vmem>> -> memref<1x64x512xf32, #tpu.memory_space<vmem>>
      %scatter3A_2200 = tpu.memref_squeeze %scatter3A_2199 : memref<1x64x512xf32, #tpu.memory_space<vmem>> -> memref<64x512xf32, #tpu.memory_space<vmem>>
      tpu.vector_store_idx %scatter3A_2200[%broadcast_in_dim3A_2195, %get3A_3], %broadcast_in_dim3A_4 : memref<64x512xf32, #tpu.memory_space<vmem>>[vector<16xi32>, vector<16xi32>], vector<16xf32>,
      %broadcast_in_dim3A_2201 = arith.constant 7 : i32
      %broadcast_in_dim3A_2202 = vector.broadcast %broadcast_in_dim3A_2201 : i32 to vector<16xi32>
      %scatter3A_2203 = arith.constant 2 : i32
      %scatter3A_2204 = arith.constant 0 : i32
      %scatter3A_2205 = arith.constant 0 : i32
      %scatter3A_2206 = tpu.memref_slice %arg5[%scatter3A_2203, %scatter3A_2204, %scatter3A_2205] : memref<3x64x512xf32, #tpu.memory_space<vmem>> -> memref<1x64x512xf32, #tpu.memory_space<vmem>>
      %scatter3A_2207 = tpu.memref_squeeze %scatter3A_2206 : memref<1x64x512xf32, #tpu.memory_space<vmem>> -> memref<64x512xf32, #tpu.memory_space<vmem>>
      tpu.vector_store_idx %scatter3A_2207[%broadcast_in_dim3A_2202, %get3A_3], %broadcast_in_dim3A_4 : memref<64x512xf32, #tpu.memory_space<vmem>>[vector<16xi32>, vector<16xi32>], vector<16xf32>,
      %broadcast_in_dim3A_2208 = arith.constant 8 : i32
      %broadcast_in_dim3A_2209 = vector.broadcast %broadcast_in_dim3A_2208 : i32 to vector<16xi32>
      %scatter3A_2210 = arith.constant 2 : i32
      %scatter3A_2211 = arith.constant 0 : i32
      %scatter3A_2212 = arith.constant 0 : i32
      %scatter3A_2213 = tpu.memref_slice %arg5[%scatter3A_2210, %scatter3A_2211, %scatter3A_2212] : memref<3x64x512xf32, #tpu.memory_space<vmem>> -> memref<1x64x512xf32, #tpu.memory_space<vmem>>
      %scatter3A_2214 = tpu.memref_squeeze %scatter3A_2213 : memref<1x64x512xf32, #tpu.memory_space<vmem>> -> memref<64x512xf32, #tpu.memory_space<vmem>>
      tpu.vector_store_idx %scatter3A_2214[%broadcast_in_dim3A_2209, %get3A_3], %broadcast_in_dim3A_4 : memref<64x512xf32, #tpu.memory_space<vmem>>[vector<16xi32>, vector<16xi32>], vector<16xf32>,
      %broadcast_in_dim3A_2215 = arith.constant 9 : i32
      %broadcast_in_dim3A_2216 = vector.broadcast %broadcast_in_dim3A_2215 : i32 to vector<16xi32>
      %scatter3A_2217 = arith.constant 2 : i32
      %scatter3A_2218 = arith.constant 0 : i32
      %scatter3A_2219 = arith.constant 0 : i32
      %scatter3A_2220 = tpu.memref_slice %arg5[%scatter3A_2217, %scatter3A_2218, %scatter3A_2219] : memref<3x64x512xf32, #tpu.memory_space<vmem>> -> memref<1x64x512xf32, #tpu.memory_space<vmem>>
      %scatter3A_2221 = tpu.memref_squeeze %scatter3A_2220 : memref<1x64x512xf32, #tpu.memory_space<vmem>> -> memref<64x512xf32, #tpu.memory_space<vmem>>
      tpu.vector_store_idx %scatter3A_2221[%broadcast_in_dim3A_2216, %get3A_3], %broadcast_in_dim3A_4 : memref<64x512xf32, #tpu.memory_space<vmem>>[vector<16xi32>, vector<16xi32>], vector<16xf32>,
      %broadcast_in_dim3A_2222 = arith.constant 10 : i32
      %broadcast_in_dim3A_2223 = vector.broadcast %broadcast_in_dim3A_2222 : i32 to vector<16xi32>
      %scatter3A_2224 = arith.constant 2 : i32
      %scatter3A_2225 = arith.constant 0 : i32
      %scatter3A_2226 = arith.constant 0 : i32
      %scatter3A_2227 = tpu.memref_slice %arg5[%scatter3A_2224, %scatter3A_2225, %scatter3A_2226] : memref<3x64x512xf32, #tpu.memory_space<vmem>> -> memref<1x64x512xf32, #tpu.memory_space<vmem>>
      %scatter3A_2228 = tpu.memref_squeeze %scatter3A_2227 : memref<1x64x512xf32, #tpu.memory_space<vmem>> -> memref<64x512xf32, #tpu.memory_space<vmem>>
      tpu.vector_store_idx %scatter3A_2228[%broadcast_in_dim3A_2223, %get3A_3], %broadcast_in_dim3A_4 : memref<64x512xf32, #tpu.memory_space<vmem>>[vector<16xi32>, vector<16xi32>], vector<16xf32>,
      %broadcast_in_dim3A_2229 = arith.constant 11 : i32
      %broadcast_in_dim3A_2230 = vector.broadcast %broadcast_in_dim3A_2229 : i32 to vector<16xi32>
      %scatter3A_2231 = arith.constant 2 : i32
      %scatter3A_2232 = arith.constant 0 : i32
      %scatter3A_2233 = arith.constant 0 : i32
      %scatter3A_2234 = tpu.memref_slice %arg5[%scatter3A_2231, %scatter3A_2232, %scatter3A_2233] : memref<3x64x512xf32, #tpu.memory_space<vmem>> -> memref<1x64x512xf32, #tpu.memory_space<vmem>>
      %scatter3A_2235 = tpu.memref_squeeze %scatter3A_2234 : memref<1x64x512xf32, #tpu.memory_space<vmem>> -> memref<64x512xf32, #tpu.memory_space<vmem>>
      tpu.vector_store_idx %scatter3A_2235[%broadcast_in_dim3A_2230, %get3A_3], %broadcast_in_dim3A_4 : memref<64x512xf32, #tpu.memory_space<vmem>>[vector<16xi32>, vector<16xi32>], vector<16xf32>,
      %broadcast_in_dim3A_2236 = arith.constant 12 : i32
      %broadcast_in_dim3A_2237 = vector.broadcast %broadcast_in_dim3A_2236 : i32 to vector<16xi32>
      %scatter3A_2238 = arith.constant 2 : i32
      %scatter3A_2239 = arith.constant 0 : i32
      %scatter3A_2240 = arith.constant 0 : i32
      %scatter3A_2241 = tpu.memref_slice %arg5[%scatter3A_2238, %scatter3A_2239, %scatter3A_2240] : memref<3x64x512xf32, #tpu.memory_space<vmem>> -> memref<1x64x512xf32, #tpu.memory_space<vmem>>
      %scatter3A_2242 = tpu.memref_squeeze %scatter3A_2241 : memref<1x64x512xf32, #tpu.memory_space<vmem>> -> memref<64x512xf32, #tpu.memory_space<vmem>>
      tpu.vector_store_idx %scatter3A_2242[%broadcast_in_dim3A_2237, %get3A_3], %broadcast_in_dim3A_4 : memref<64x512xf32, #tpu.memory_space<vmem>>[vector<16xi32>, vector<16xi32>], vector<16xf32>,
      %broadcast_in_dim3A_2243 = arith.constant 13 : i32
      %broadcast_in_dim3A_2244 = vector.broadcast %broadcast_in_dim3A_2243 : i32 to vector<16xi32>
      %scatter3A_2245 = arith.constant 2 : i32
      %scatter3A_2246 = arith.constant 0 : i32
      %scatter3A_2247 = arith.constant 0 : i32
      %scatter3A_2248 = tpu.memref_slice %arg5[%scatter3A_2245, %scatter3A_2246, %scatter3A_2247] : memref<3x64x512xf32, #tpu.memory_space<vmem>> -> memref<1x64x512xf32, #tpu.memory_space<vmem>>
      %scatter3A_2249 = tpu.memref_squeeze %scatter3A_2248 : memref<1x64x512xf32, #tpu.memory_space<vmem>> -> memref<64x512xf32, #tpu.memory_space<vmem>>
      tpu.vector_store_idx %scatter3A_2249[%broadcast_in_dim3A_2244, %get3A_3], %broadcast_in_dim3A_4 : memref<64x512xf32, #tpu.memory_space<vmem>>[vector<16xi32>, vector<16xi32>], vector<16xf32>,
      %broadcast_in_dim3A_2250 = arith.constant 14 : i32
      %broadcast_in_dim3A_2251 = vector.broadcast %broadcast_in_dim3A_2250 : i32 to vector<16xi32>
      %scatter3A_2252 = arith.constant 2 : i32
      %scatter3A_2253 = arith.constant 0 : i32
      %scatter3A_2254 = arith.constant 0 : i32
      %scatter3A_2255 = tpu.memref_slice %arg5[%scatter3A_2252, %scatter3A_2253, %scatter3A_2254] : memref<3x64x512xf32, #tpu.memory_space<vmem>> -> memref<1x64x512xf32, #tpu.memory_space<vmem>>
      %scatter3A_2256 = tpu.memref_squeeze %scatter3A_2255 : memref<1x64x512xf32, #tpu.memory_space<vmem>> -> memref<64x512xf32, #tpu.memory_space<vmem>>
      tpu.vector_store_idx %scatter3A_2256[%broadcast_in_dim3A_2251, %get3A_3], %broadcast_in_dim3A_4 : memref<64x512xf32, #tpu.memory_space<vmem>>[vector<16xi32>, vector<16xi32>], vector<16xf32>,
      %broadcast_in_dim3A_2257 = arith.constant 15 : i32
      %broadcast_in_dim3A_2258 = vector.broadcast %broadcast_in_dim3A_2257 : i32 to vector<16xi32>
      %scatter3A_2259 = arith.constant 2 : i32
      %scatter3A_2260 = arith.constant 0 : i32
      %scatter3A_2261 = arith.constant 0 : i32
      %scatter3A_2262 = tpu.memref_slice %arg5[%scatter3A_2259, %scatter3A_2260, %scatter3A_2261] : memref<3x64x512xf32, #tpu.memory_space<vmem>> -> memref<1x64x512xf32, #tpu.memory_space<vmem>>
      %scatter3A_2263 = tpu.memref_squeeze %scatter3A_2262 : memref<1x64x512xf32, #tpu.memory_space<vmem>> -> memref<64x512xf32, #tpu.memory_space<vmem>>
      tpu.vector_store_idx %scatter3A_2263[%broadcast_in_dim3A_2258, %get3A_3], %broadcast_in_dim3A_4 : memref<64x512xf32, #tpu.memory_space<vmem>>[vector<16xi32>, vector<16xi32>], vector<16xf32>,
      %broadcast_in_dim3A_2264 = arith.constant 16 : i32
      %broadcast_in_dim3A_2265 = vector.broadcast %broadcast_in_dim3A_2264 : i32 to vector<16xi32>
      %scatter3A_2266 = arith.constant 2 : i32
      %scatter3A_2267 = arith.constant 0 : i32
      %scatter3A_2268 = arith.constant 0 : i32
      %scatter3A_2269 = tpu.memref_slice %arg5[%scatter3A_2266, %scatter3A_2267, %scatter3A_2268] : memref<3x64x512xf32, #tpu.memory_space<vmem>> -> memref<1x64x512xf32, #tpu.memory_space<vmem>>
      %scatter3A_2270 = tpu.memref_squeeze %scatter3A_2269 : memref<1x64x512xf32, #tpu.memory_space<vmem>> -> memref<64x512xf32, #tpu.memory_space<vmem>>
      tpu.vector_store_idx %scatter3A_2270[%broadcast_in_dim3A_2265, %get3A_3], %broadcast_in_dim3A_4 : memref<64x512xf32, #tpu.memory_space<vmem>>[vector<16xi32>, vector<16xi32>], vector<16xf32>,
      %broadcast_in_dim3A_2271 = arith.constant 17 : i32
      %broadcast_in_dim3A_2272 = vector.broadcast %broadcast_in_dim3A_2271 : i32 to vector<16xi32>
      %scatter3A_2273 = arith.constant 2 : i32
      %scatter3A_2274 = arith.constant 0 : i32
      %scatter3A_2275 = arith.constant 0 : i32
      %scatter3A_2276 = tpu.memref_slice %arg5[%scatter3A_2273, %scatter3A_2274, %scatter3A_2275] : memref<3x64x512xf32, #tpu.memory_space<vmem>> -> memref<1x64x512xf32, #tpu.memory_space<vmem>>
      %scatter3A_2277 = tpu.memref_squeeze %scatter3A_2276 : memref<1x64x512xf32, #tpu.memory_space<vmem>> -> memref<64x512xf32, #tpu.memory_space<vmem>>
      tpu.vector_store_idx %scatter3A_2277[%broadcast_in_dim3A_2272, %get3A_3], %broadcast_in_dim3A_4 : memref<64x512xf32, #tpu.memory_space<vmem>>[vector<16xi32>, vector<16xi32>], vector<16xf32>,
      %broadcast_in_dim3A_2278 = arith.constant 18 : i32
      %broadcast_in_dim3A_2279 = vector.broadcast %broadcast_in_dim3A_2278 : i32 to vector<16xi32>
      %scatter3A_2280 = arith.constant 2 : i32
      %scatter3A_2281 = arith.constant 0 : i32
      %scatter3A_2282 = arith.constant 0 : i32
      %scatter3A_2283 = tpu.memref_slice %arg5[%scatter3A_2280, %scatter3A_2281, %scatter3A_2282] : memref<3x64x512xf32, #tpu.memory_space<vmem>> -> memref<1x64x512xf32, #tpu.memory_space<vmem>>
      %scatter3A_2284 = tpu.memref_squeeze %scatter3A_2283 : memref<1x64x512xf32, #tpu.memory_space<vmem>> -> memref<64x512xf32, #tpu.memory_space<vmem>>
      tpu.vector_store_idx %scatter3A_2284[%broadcast_in_dim3A_2279, %get3A_3], %broadcast_in_dim3A_4 : memref<64x512xf32, #tpu.memory_space<vmem>>[vector<16xi32>, vector<16xi32>], vector<16xf32>,
      %broadcast_in_dim3A_2285 = arith.constant 19 : i32
      %broadcast_in_dim3A_2286 = vector.broadcast %broadcast_in_dim3A_2285 : i32 to vector<16xi32>
      %scatter3A_2287 = arith.constant 2 : i32
      %scatter3A_2288 = arith.constant 0 : i32
      %scatter3A_2289 = arith.constant 0 : i32
      %scatter3A_2290 = tpu.memref_slice %arg5[%scatter3A_2287, %scatter3A_2288, %scatter3A_2289] : memref<3x64x512xf32, #tpu.memory_space<vmem>> -> memref<1x64x512xf32, #tpu.memory_space<vmem>>
      %scatter3A_2291 = tpu.memref_squeeze %scatter3A_2290 : memref<1x64x512xf32, #tpu.memory_space<vmem>> -> memref<64x512xf32, #tpu.memory_space<vmem>>
      tpu.vector_store_idx %scatter3A_2291[%broadcast_in_dim3A_2286, %get3A_3], %broadcast_in_dim3A_4 : memref<64x512xf32, #tpu.memory_space<vmem>>[vector<16xi32>, vector<16xi32>], vector<16xf32>,
      %broadcast_in_dim3A_2292 = arith.constant 20 : i32
      %broadcast_in_dim3A_2293 = vector.broadcast %broadcast_in_dim3A_2292 : i32 to vector<16xi32>
      %scatter3A_2294 = arith.constant 2 : i32
      %scatter3A_2295 = arith.constant 0 : i32
      %scatter3A_2296 = arith.constant 0 : i32
      %scatter3A_2297 = tpu.memref_slice %arg5[%scatter3A_2294, %scatter3A_2295, %scatter3A_2296] : memref<3x64x512xf32, #tpu.memory_space<vmem>> -> memref<1x64x512xf32, #tpu.memory_space<vmem>>
      %scatter3A_2298 = tpu.memref_squeeze %scatter3A_2297 : memref<1x64x512xf32, #tpu.memory_space<vmem>> -> memref<64x512xf32, #tpu.memory_space<vmem>>
      tpu.vector_store_idx %scatter3A_2298[%broadcast_in_dim3A_2293, %get3A_3], %broadcast_in_dim3A_4 : memref<64x512xf32, #tpu.memory_space<vmem>>[vector<16xi32>, vector<16xi32>], vector<16xf32>,
      %broadcast_in_dim3A_2299 = arith.constant 21 : i32
      %broadcast_in_dim3A_2300 = vector.broadcast %broadcast_in_dim3A_2299 : i32 to vector<16xi32>
      %scatter3A_2301 = arith.constant 2 : i32
      %scatter3A_2302 = arith.constant 0 : i32
      %scatter3A_2303 = arith.constant 0 : i32
      %scatter3A_2304 = tpu.memref_slice %arg5[%scatter3A_2301, %scatter3A_2302, %scatter3A_2303] : memref<3x64x512xf32, #tpu.memory_space<vmem>> -> memref<1x64x512xf32, #tpu.memory_space<vmem>>
      %scatter3A_2305 = tpu.memref_squeeze %scatter3A_2304 : memref<1x64x512xf32, #tpu.memory_space<vmem>> -> memref<64x512xf32, #tpu.memory_space<vmem>>
      tpu.vector_store_idx %scatter3A_2305[%broadcast_in_dim3A_2300, %get3A_3], %broadcast_in_dim3A_4 : memref<64x512xf32, #tpu.memory_space<vmem>>[vector<16xi32>, vector<16xi32>], vector<16xf32>,
      %broadcast_in_dim3A_2306 = arith.constant 22 : i32
      %broadcast_in_dim3A_2307 = vector.broadcast %broadcast_in_dim3A_2306 : i32 to vector<16xi32>
      %scatter3A_2308 = arith.constant 2 : i32
      %scatter3A_2309 = arith.constant 0 : i32
      %scatter3A_2310 = arith.constant 0 : i32
      %scatter3A_2311 = tpu.memref_slice %arg5[%scatter3A_2308, %scatter3A_2309, %scatter3A_2310] : memref<3x64x512xf32, #tpu.memory_space<vmem>> -> memref<1x64x512xf32, #tpu.memory_space<vmem>>
      %scatter3A_2312 = tpu.memref_squeeze %scatter3A_2311 : memref<1x64x512xf32, #tpu.memory_space<vmem>> -> memref<64x512xf32, #tpu.memory_space<vmem>>
      tpu.vector_store_idx %scatter3A_2312[%broadcast_in_dim3A_2307, %get3A_3], %broadcast_in_dim3A_4 : memref<64x512xf32, #tpu.memory_space<vmem>>[vector<16xi32>, vector<16xi32>], vector<16xf32>,
      %broadcast_in_dim3A_2313 = arith.constant 23 : i32
      %broadcast_in_dim3A_2314 = vector.broadcast %broadcast_in_dim3A_2313 : i32 to vector<16xi32>
      %scatter3A_2315 = arith.constant 2 : i32
      %scatter3A_2316 = arith.constant 0 : i32
      %scatter3A_2317 = arith.constant 0 : i32
      %scatter3A_2318 = tpu.memref_slice %arg5[%scatter3A_2315, %scatter3A_2316, %scatter3A_2317] : memref<3x64x512xf32, #tpu.memory_space<vmem>> -> memref<1x64x512xf32, #tpu.memory_space<vmem>>
      %scatter3A_2319 = tpu.memref_squeeze %scatter3A_2318 : memref<1x64x512xf32, #tpu.memory_space<vmem>> -> memref<64x512xf32, #tpu.memory_space<vmem>>
      tpu.vector_store_idx %scatter3A_2319[%broadcast_in_dim3A_2314, %get3A_3], %broadcast_in_dim3A_4 : memref<64x512xf32, #tpu.memory_space<vmem>>[vector<16xi32>, vector<16xi32>], vector<16xf32>,
      %broadcast_in_dim3A_2320 = arith.constant 24 : i32
      %broadcast_in_dim3A_2321 = vector.broadcast %broadcast_in_dim3A_2320 : i32 to vector<16xi32>
      %scatter3A_2322 = arith.constant 2 : i32
      %scatter3A_2323 = arith.constant 0 : i32
      %scatter3A_2324 = arith.constant 0 : i32
      %scatter3A_2325 = tpu.memref_slice %arg5[%scatter3A_2322, %scatter3A_2323, %scatter3A_2324] : memref<3x64x512xf32, #tpu.memory_space<vmem>> -> memref<1x64x512xf32, #tpu.memory_space<vmem>>
      %scatter3A_2326 = tpu.memref_squeeze %scatter3A_2325 : memref<1x64x512xf32, #tpu.memory_space<vmem>> -> memref<64x512xf32, #tpu.memory_space<vmem>>
      tpu.vector_store_idx %scatter3A_2326[%broadcast_in_dim3A_2321, %get3A_3], %broadcast_in_dim3A_4 : memref<64x512xf32, #tpu.memory_space<vmem>>[vector<16xi32>, vector<16xi32>], vector<16xf32>,
      %broadcast_in_dim3A_2327 = arith.constant 25 : i32
      %broadcast_in_dim3A_2328 = vector.broadcast %broadcast_in_dim3A_2327 : i32 to vector<16xi32>
      %scatter3A_2329 = arith.constant 2 : i32
      %scatter3A_2330 = arith.constant 0 : i32
      %scatter3A_2331 = arith.constant 0 : i32
      %scatter3A_2332 = tpu.memref_slice %arg5[%scatter3A_2329, %scatter3A_2330, %scatter3A_2331] : memref<3x64x512xf32, #tpu.memory_space<vmem>> -> memref<1x64x512xf32, #tpu.memory_space<vmem>>
      %scatter3A_2333 = tpu.memref_squeeze %scatter3A_2332 : memref<1x64x512xf32, #tpu.memory_space<vmem>> -> memref<64x512xf32, #tpu.memory_space<vmem>>
      tpu.vector_store_idx %scatter3A_2333[%broadcast_in_dim3A_2328, %get3A_3], %broadcast_in_dim3A_4 : memref<64x512xf32, #tpu.memory_space<vmem>>[vector<16xi32>, vector<16xi32>], vector<16xf32>,
      %broadcast_in_dim3A_2334 = arith.constant 26 : i32
      %broadcast_in_dim3A_2335 = vector.broadcast %broadcast_in_dim3A_2334 : i32 to vector<16xi32>
      %scatter3A_2336 = arith.constant 2 : i32
      %scatter3A_2337 = arith.constant 0 : i32
      %scatter3A_2338 = arith.constant 0 : i32
      %scatter3A_2339 = tpu.memref_slice %arg5[%scatter3A_2336, %scatter3A_2337, %scatter3A_2338] : memref<3x64x512xf32, #tpu.memory_space<vmem>> -> memref<1x64x512xf32, #tpu.memory_space<vmem>>
      %scatter3A_2340 = tpu.memref_squeeze %scatter3A_2339 : memref<1x64x512xf32, #tpu.memory_space<vmem>> -> memref<64x512xf32, #tpu.memory_space<vmem>>
      tpu.vector_store_idx %scatter3A_2340[%broadcast_in_dim3A_2335, %get3A_3], %broadcast_in_dim3A_4 : memref<64x512xf32, #tpu.memory_space<vmem>>[vector<16xi32>, vector<16xi32>], vector<16xf32>,
      %broadcast_in_dim3A_2341 = arith.constant 27 : i32
      %broadcast_in_dim3A_2342 = vector.broadcast %broadcast_in_dim3A_2341 : i32 to vector<16xi32>
      %scatter3A_2343 = arith.constant 2 : i32
      %scatter3A_2344 = arith.constant 0 : i32
      %scatter3A_2345 = arith.constant 0 : i32
      %scatter3A_2346 = tpu.memref_slice %arg5[%scatter3A_2343, %scatter3A_2344, %scatter3A_2345] : memref<3x64x512xf32, #tpu.memory_space<vmem>> -> memref<1x64x512xf32, #tpu.memory_space<vmem>>
      %scatter3A_2347 = tpu.memref_squeeze %scatter3A_2346 : memref<1x64x512xf32, #tpu.memory_space<vmem>> -> memref<64x512xf32, #tpu.memory_space<vmem>>
      tpu.vector_store_idx %scatter3A_2347[%broadcast_in_dim3A_2342, %get3A_3], %broadcast_in_dim3A_4 : memref<64x512xf32, #tpu.memory_space<vmem>>[vector<16xi32>, vector<16xi32>], vector<16xf32>,
      %broadcast_in_dim3A_2348 = arith.constant 28 : i32
      %broadcast_in_dim3A_2349 = vector.broadcast %broadcast_in_dim3A_2348 : i32 to vector<16xi32>
      %scatter3A_2350 = arith.constant 2 : i32
      %scatter3A_2351 = arith.constant 0 : i32
      %scatter3A_2352 = arith.constant 0 : i32
      %scatter3A_2353 = tpu.memref_slice %arg5[%scatter3A_2350, %scatter3A_2351, %scatter3A_2352] : memref<3x64x512xf32, #tpu.memory_space<vmem>> -> memref<1x64x512xf32, #tpu.memory_space<vmem>>
      %scatter3A_2354 = tpu.memref_squeeze %scatter3A_2353 : memref<1x64x512xf32, #tpu.memory_space<vmem>> -> memref<64x512xf32, #tpu.memory_space<vmem>>
      tpu.vector_store_idx %scatter3A_2354[%broadcast_in_dim3A_2349, %get3A_3], %broadcast_in_dim3A_4 : memref<64x512xf32, #tpu.memory_space<vmem>>[vector<16xi32>, vector<16xi32>], vector<16xf32>,
      %broadcast_in_dim3A_2355 = arith.constant 29 : i32
      %broadcast_in_dim3A_2356 = vector.broadcast %broadcast_in_dim3A_2355 : i32 to vector<16xi32>
      %scatter3A_2357 = arith.constant 2 : i32
      %scatter3A_2358 = arith.constant 0 : i32
      %scatter3A_2359 = arith.constant 0 : i32
      %scatter3A_2360 = tpu.memref_slice %arg5[%scatter3A_2357, %scatter3A_2358, %scatter3A_2359] : memref<3x64x512xf32, #tpu.memory_space<vmem>> -> memref<1x64x512xf32, #tpu.memory_space<vmem>>
      %scatter3A_2361 = tpu.memref_squeeze %scatter3A_2360 : memref<1x64x512xf32, #tpu.memory_space<vmem>> -> memref<64x512xf32, #tpu.memory_space<vmem>>
      tpu.vector_store_idx %scatter3A_2361[%broadcast_in_dim3A_2356, %get3A_3], %broadcast_in_dim3A_4 : memref<64x512xf32, #tpu.memory_space<vmem>>[vector<16xi32>, vector<16xi32>], vector<16xf32>,
      %broadcast_in_dim3A_2362 = arith.constant 30 : i32
      %broadcast_in_dim3A_2363 = vector.broadcast %broadcast_in_dim3A_2362 : i32 to vector<16xi32>
      %scatter3A_2364 = arith.constant 2 : i32
      %scatter3A_2365 = arith.constant 0 : i32
      %scatter3A_2366 = arith.constant 0 : i32
      %scatter3A_2367 = tpu.memref_slice %arg5[%scatter3A_2364, %scatter3A_2365, %scatter3A_2366] : memref<3x64x512xf32, #tpu.memory_space<vmem>> -> memref<1x64x512xf32, #tpu.memory_space<vmem>>
      %scatter3A_2368 = tpu.memref_squeeze %scatter3A_2367 : memref<1x64x512xf32, #tpu.memory_space<vmem>> -> memref<64x512xf32, #tpu.memory_space<vmem>>
      tpu.vector_store_idx %scatter3A_2368[%broadcast_in_dim3A_2363, %get3A_3], %broadcast_in_dim3A_4 : memref<64x512xf32, #tpu.memory_space<vmem>>[vector<16xi32>, vector<16xi32>], vector<16xf32>,
      %broadcast_in_dim3A_2369 = arith.constant 31 : i32
      %broadcast_in_dim3A_2370 = vector.broadcast %broadcast_in_dim3A_2369 : i32 to vector<16xi32>
      %scatter3A_2371 = arith.constant 2 : i32
      %scatter3A_2372 = arith.constant 0 : i32
      %scatter3A_2373 = arith.constant 0 : i32
      %scatter3A_2374 = tpu.memref_slice %arg5[%scatter3A_2371, %scatter3A_2372, %scatter3A_2373] : memref<3x64x512xf32, #tpu.memory_space<vmem>> -> memref<1x64x512xf32, #tpu.memory_space<vmem>>
      %scatter3A_2375 = tpu.memref_squeeze %scatter3A_2374 : memref<1x64x512xf32, #tpu.memory_space<vmem>> -> memref<64x512xf32, #tpu.memory_space<vmem>>
      tpu.vector_store_idx %scatter3A_2375[%broadcast_in_dim3A_2370, %get3A_3], %broadcast_in_dim3A_4 : memref<64x512xf32, #tpu.memory_space<vmem>>[vector<16xi32>, vector<16xi32>], vector<16xf32>,
      %broadcast_in_dim3A_2376 = arith.constant 32 : i32
      %broadcast_in_dim3A_2377 = vector.broadcast %broadcast_in_dim3A_2376 : i32 to vector<16xi32>
      %scatter3A_2378 = arith.constant 2 : i32
      %scatter3A_2379 = arith.constant 0 : i32
      %scatter3A_2380 = arith.constant 0 : i32
      %scatter3A_2381 = tpu.memref_slice %arg5[%scatter3A_2378, %scatter3A_2379, %scatter3A_2380] : memref<3x64x512xf32, #tpu.memory_space<vmem>> -> memref<1x64x512xf32, #tpu.memory_space<vmem>>
      %scatter3A_2382 = tpu.memref_squeeze %scatter3A_2381 : memref<1x64x512xf32, #tpu.memory_space<vmem>> -> memref<64x512xf32, #tpu.memory_space<vmem>>
      tpu.vector_store_idx %scatter3A_2382[%broadcast_in_dim3A_2377, %get3A_3], %broadcast_in_dim3A_4 : memref<64x512xf32, #tpu.memory_space<vmem>>[vector<16xi32>, vector<16xi32>], vector<16xf32>,
      %broadcast_in_dim3A_2383 = arith.constant 33 : i32
      %broadcast_in_dim3A_2384 = vector.broadcast %broadcast_in_dim3A_2383 : i32 to vector<16xi32>
      %scatter3A_2385 = arith.constant 2 : i32
      %scatter3A_2386 = arith.constant 0 : i32
      %scatter3A_2387 = arith.constant 0 : i32
      %scatter3A_2388 = tpu.memref_slice %arg5[%scatter3A_2385, %scatter3A_2386, %scatter3A_2387] : memref<3x64x512xf32, #tpu.memory_space<vmem>> -> memref<1x64x512xf32, #tpu.memory_space<vmem>>
      %scatter3A_2389 = tpu.memref_squeeze %scatter3A_2388 : memref<1x64x512xf32, #tpu.memory_space<vmem>> -> memref<64x512xf32, #tpu.memory_space<vmem>>
      tpu.vector_store_idx %scatter3A_2389[%broadcast_in_dim3A_2384, %get3A_3], %broadcast_in_dim3A_4 : memref<64x512xf32, #tpu.memory_space<vmem>>[vector<16xi32>, vector<16xi32>], vector<16xf32>,
      %broadcast_in_dim3A_2390 = arith.constant 34 : i32
      %broadcast_in_dim3A_2391 = vector.broadcast %broadcast_in_dim3A_2390 : i32 to vector<16xi32>
      %scatter3A_2392 = arith.constant 2 : i32
      %scatter3A_2393 = arith.constant 0 : i32
      %scatter3A_2394 = arith.constant 0 : i32
      %scatter3A_2395 = tpu.memref_slice %arg5[%scatter3A_2392, %scatter3A_2393, %scatter3A_2394] : memref<3x64x512xf32, #tpu.memory_space<vmem>> -> memref<1x64x512xf32, #tpu.memory_space<vmem>>
      %scatter3A_2396 = tpu.memref_squeeze %scatter3A_2395 : memref<1x64x512xf32, #tpu.memory_space<vmem>> -> memref<64x512xf32, #tpu.memory_space<vmem>>
      tpu.vector_store_idx %scatter3A_2396[%broadcast_in_dim3A_2391, %get3A_3], %broadcast_in_dim3A_4 : memref<64x512xf32, #tpu.memory_space<vmem>>[vector<16xi32>, vector<16xi32>], vector<16xf32>,
      %broadcast_in_dim3A_2397 = arith.constant 35 : i32
      %broadcast_in_dim3A_2398 = vector.broadcast %broadcast_in_dim3A_2397 : i32 to vector<16xi32>
      %scatter3A_2399 = arith.constant 2 : i32
      %scatter3A_2400 = arith.constant 0 : i32
      %scatter3A_2401 = arith.constant 0 : i32
      %scatter3A_2402 = tpu.memref_slice %arg5[%scatter3A_2399, %scatter3A_2400, %scatter3A_2401] : memref<3x64x512xf32, #tpu.memory_space<vmem>> -> memref<1x64x512xf32, #tpu.memory_space<vmem>>
      %scatter3A_2403 = tpu.memref_squeeze %scatter3A_2402 : memref<1x64x512xf32, #tpu.memory_space<vmem>> -> memref<64x512xf32, #tpu.memory_space<vmem>>
      tpu.vector_store_idx %scatter3A_2403[%broadcast_in_dim3A_2398, %get3A_3], %broadcast_in_dim3A_4 : memref<64x512xf32, #tpu.memory_space<vmem>>[vector<16xi32>, vector<16xi32>], vector<16xf32>,
      %broadcast_in_dim3A_2404 = arith.constant 36 : i32
      %broadcast_in_dim3A_2405 = vector.broadcast %broadcast_in_dim3A_2404 : i32 to vector<16xi32>
      %scatter3A_2406 = arith.constant 2 : i32
      %scatter3A_2407 = arith.constant 0 : i32
      %scatter3A_2408 = arith.constant 0 : i32
      %scatter3A_2409 = tpu.memref_slice %arg5[%scatter3A_2406, %scatter3A_2407, %scatter3A_2408] : memref<3x64x512xf32, #tpu.memory_space<vmem>> -> memref<1x64x512xf32, #tpu.memory_space<vmem>>
      %scatter3A_2410 = tpu.memref_squeeze %scatter3A_2409 : memref<1x64x512xf32, #tpu.memory_space<vmem>> -> memref<64x512xf32, #tpu.memory_space<vmem>>
      tpu.vector_store_idx %scatter3A_2410[%broadcast_in_dim3A_2405, %get3A_3], %broadcast_in_dim3A_4 : memref<64x512xf32, #tpu.memory_space<vmem>>[vector<16xi32>, vector<16xi32>], vector<16xf32>,
      %broadcast_in_dim3A_2411 = arith.constant 37 : i32
      %broadcast_in_dim3A_2412 = vector.broadcast %broadcast_in_dim3A_2411 : i32 to vector<16xi32>
      %scatter3A_2413 = arith.constant 2 : i32
      %scatter3A_2414 = arith.constant 0 : i32
      %scatter3A_2415 = arith.constant 0 : i32
      %scatter3A_2416 = tpu.memref_slice %arg5[%scatter3A_2413, %scatter3A_2414, %scatter3A_2415] : memref<3x64x512xf32, #tpu.memory_space<vmem>> -> memref<1x64x512xf32, #tpu.memory_space<vmem>>
      %scatter3A_2417 = tpu.memref_squeeze %scatter3A_2416 : memref<1x64x512xf32, #tpu.memory_space<vmem>> -> memref<64x512xf32, #tpu.memory_space<vmem>>
      tpu.vector_store_idx %scatter3A_2417[%broadcast_in_dim3A_2412, %get3A_3], %broadcast_in_dim3A_4 : memref<64x512xf32, #tpu.memory_space<vmem>>[vector<16xi32>, vector<16xi32>], vector<16xf32>,
      %broadcast_in_dim3A_2418 = arith.constant 38 : i32
      %broadcast_in_dim3A_2419 = vector.broadcast %broadcast_in_dim3A_2418 : i32 to vector<16xi32>
      %scatter3A_2420 = arith.constant 2 : i32
      %scatter3A_2421 = arith.constant 0 : i32
      %scatter3A_2422 = arith.constant 0 : i32
      %scatter3A_2423 = tpu.memref_slice %arg5[%scatter3A_2420, %scatter3A_2421, %scatter3A_2422] : memref<3x64x512xf32, #tpu.memory_space<vmem>> -> memref<1x64x512xf32, #tpu.memory_space<vmem>>
      %scatter3A_2424 = tpu.memref_squeeze %scatter3A_2423 : memref<1x64x512xf32, #tpu.memory_space<vmem>> -> memref<64x512xf32, #tpu.memory_space<vmem>>
      tpu.vector_store_idx %scatter3A_2424[%broadcast_in_dim3A_2419, %get3A_3], %broadcast_in_dim3A_4 : memref<64x512xf32, #tpu.memory_space<vmem>>[vector<16xi32>, vector<16xi32>], vector<16xf32>,
      %broadcast_in_dim3A_2425 = arith.constant 39 : i32
      %broadcast_in_dim3A_2426 = vector.broadcast %broadcast_in_dim3A_2425 : i32 to vector<16xi32>
      %scatter3A_2427 = arith.constant 2 : i32
      %scatter3A_2428 = arith.constant 0 : i32
      %scatter3A_2429 = arith.constant 0 : i32
      %scatter3A_2430 = tpu.memref_slice %arg5[%scatter3A_2427, %scatter3A_2428, %scatter3A_2429] : memref<3x64x512xf32, #tpu.memory_space<vmem>> -> memref<1x64x512xf32, #tpu.memory_space<vmem>>
      %scatter3A_2431 = tpu.memref_squeeze %scatter3A_2430 : memref<1x64x512xf32, #tpu.memory_space<vmem>> -> memref<64x512xf32, #tpu.memory_space<vmem>>
      tpu.vector_store_idx %scatter3A_2431[%broadcast_in_dim3A_2426, %get3A_3], %broadcast_in_dim3A_4 : memref<64x512xf32, #tpu.memory_space<vmem>>[vector<16xi32>, vector<16xi32>], vector<16xf32>,
      %broadcast_in_dim3A_2432 = arith.constant 40 : i32
      %broadcast_in_dim3A_2433 = vector.broadcast %broadcast_in_dim3A_2432 : i32 to vector<16xi32>
      %scatter3A_2434 = arith.constant 2 : i32
      %scatter3A_2435 = arith.constant 0 : i32
      %scatter3A_2436 = arith.constant 0 : i32
      %scatter3A_2437 = tpu.memref_slice %arg5[%scatter3A_2434, %scatter3A_2435, %scatter3A_2436] : memref<3x64x512xf32, #tpu.memory_space<vmem>> -> memref<1x64x512xf32, #tpu.memory_space<vmem>>
      %scatter3A_2438 = tpu.memref_squeeze %scatter3A_2437 : memref<1x64x512xf32, #tpu.memory_space<vmem>> -> memref<64x512xf32, #tpu.memory_space<vmem>>
      tpu.vector_store_idx %scatter3A_2438[%broadcast_in_dim3A_2433, %get3A_3], %broadcast_in_dim3A_4 : memref<64x512xf32, #tpu.memory_space<vmem>>[vector<16xi32>, vector<16xi32>], vector<16xf32>,
      %broadcast_in_dim3A_2439 = arith.constant 41 : i32
      %broadcast_in_dim3A_2440 = vector.broadcast %broadcast_in_dim3A_2439 : i32 to vector<16xi32>
      %scatter3A_2441 = arith.constant 2 : i32
      %scatter3A_2442 = arith.constant 0 : i32
      %scatter3A_2443 = arith.constant 0 : i32
      %scatter3A_2444 = tpu.memref_slice %arg5[%scatter3A_2441, %scatter3A_2442, %scatter3A_2443] : memref<3x64x512xf32, #tpu.memory_space<vmem>> -> memref<1x64x512xf32, #tpu.memory_space<vmem>>
      %scatter3A_2445 = tpu.memref_squeeze %scatter3A_2444 : memref<1x64x512xf32, #tpu.memory_space<vmem>> -> memref<64x512xf32, #tpu.memory_space<vmem>>
      tpu.vector_store_idx %scatter3A_2445[%broadcast_in_dim3A_2440, %get3A_3], %broadcast_in_dim3A_4 : memref<64x512xf32, #tpu.memory_space<vmem>>[vector<16xi32>, vector<16xi32>], vector<16xf32>,
      %broadcast_in_dim3A_2446 = arith.constant 42 : i32
      %broadcast_in_dim3A_2447 = vector.broadcast %broadcast_in_dim3A_2446 : i32 to vector<16xi32>
      %scatter3A_2448 = arith.constant 2 : i32
      %scatter3A_2449 = arith.constant 0 : i32
      %scatter3A_2450 = arith.constant 0 : i32
      %scatter3A_2451 = tpu.memref_slice %arg5[%scatter3A_2448, %scatter3A_2449, %scatter3A_2450] : memref<3x64x512xf32, #tpu.memory_space<vmem>> -> memref<1x64x512xf32, #tpu.memory_space<vmem>>
      %scatter3A_2452 = tpu.memref_squeeze %scatter3A_2451 : memref<1x64x512xf32, #tpu.memory_space<vmem>> -> memref<64x512xf32, #tpu.memory_space<vmem>>
      tpu.vector_store_idx %scatter3A_2452[%broadcast_in_dim3A_2447, %get3A_3], %broadcast_in_dim3A_4 : memref<64x512xf32, #tpu.memory_space<vmem>>[vector<16xi32>, vector<16xi32>], vector<16xf32>,
      %broadcast_in_dim3A_2453 = arith.constant 43 : i32
      %broadcast_in_dim3A_2454 = vector.broadcast %broadcast_in_dim3A_2453 : i32 to vector<16xi32>
      %scatter3A_2455 = arith.constant 2 : i32
      %scatter3A_2456 = arith.constant 0 : i32
      %scatter3A_2457 = arith.constant 0 : i32
      %scatter3A_2458 = tpu.memref_slice %arg5[%scatter3A_2455, %scatter3A_2456, %scatter3A_2457] : memref<3x64x512xf32, #tpu.memory_space<vmem>> -> memref<1x64x512xf32, #tpu.memory_space<vmem>>
      %scatter3A_2459 = tpu.memref_squeeze %scatter3A_2458 : memref<1x64x512xf32, #tpu.memory_space<vmem>> -> memref<64x512xf32, #tpu.memory_space<vmem>>
      tpu.vector_store_idx %scatter3A_2459[%broadcast_in_dim3A_2454, %get3A_3], %broadcast_in_dim3A_4 : memref<64x512xf32, #tpu.memory_space<vmem>>[vector<16xi32>, vector<16xi32>], vector<16xf32>,
      %broadcast_in_dim3A_2460 = arith.constant 44 : i32
      %broadcast_in_dim3A_2461 = vector.broadcast %broadcast_in_dim3A_2460 : i32 to vector<16xi32>
      %scatter3A_2462 = arith.constant 2 : i32
      %scatter3A_2463 = arith.constant 0 : i32
      %scatter3A_2464 = arith.constant 0 : i32
      %scatter3A_2465 = tpu.memref_slice %arg5[%scatter3A_2462, %scatter3A_2463, %scatter3A_2464] : memref<3x64x512xf32, #tpu.memory_space<vmem>> -> memref<1x64x512xf32, #tpu.memory_space<vmem>>
      %scatter3A_2466 = tpu.memref_squeeze %scatter3A_2465 : memref<1x64x512xf32, #tpu.memory_space<vmem>> -> memref<64x512xf32, #tpu.memory_space<vmem>>
      tpu.vector_store_idx %scatter3A_2466[%broadcast_in_dim3A_2461, %get3A_3], %broadcast_in_dim3A_4 : memref<64x512xf32, #tpu.memory_space<vmem>>[vector<16xi32>, vector<16xi32>], vector<16xf32>,
      %broadcast_in_dim3A_2467 = arith.constant 45 : i32
      %broadcast_in_dim3A_2468 = vector.broadcast %broadcast_in_dim3A_2467 : i32 to vector<16xi32>
      %scatter3A_2469 = arith.constant 2 : i32
      %scatter3A_2470 = arith.constant 0 : i32
      %scatter3A_2471 = arith.constant 0 : i32
      %scatter3A_2472 = tpu.memref_slice %arg5[%scatter3A_2469, %scatter3A_2470, %scatter3A_2471] : memref<3x64x512xf32, #tpu.memory_space<vmem>> -> memref<1x64x512xf32, #tpu.memory_space<vmem>>
      %scatter3A_2473 = tpu.memref_squeeze %scatter3A_2472 : memref<1x64x512xf32, #tpu.memory_space<vmem>> -> memref<64x512xf32, #tpu.memory_space<vmem>>
      tpu.vector_store_idx %scatter3A_2473[%broadcast_in_dim3A_2468, %get3A_3], %broadcast_in_dim3A_4 : memref<64x512xf32, #tpu.memory_space<vmem>>[vector<16xi32>, vector<16xi32>], vector<16xf32>,
      %broadcast_in_dim3A_2474 = arith.constant 46 : i32
      %broadcast_in_dim3A_2475 = vector.broadcast %broadcast_in_dim3A_2474 : i32 to vector<16xi32>
      %scatter3A_2476 = arith.constant 2 : i32
      %scatter3A_2477 = arith.constant 0 : i32
      %scatter3A_2478 = arith.constant 0 : i32
      %scatter3A_2479 = tpu.memref_slice %arg5[%scatter3A_2476, %scatter3A_2477, %scatter3A_2478] : memref<3x64x512xf32, #tpu.memory_space<vmem>> -> memref<1x64x512xf32, #tpu.memory_space<vmem>>
      %scatter3A_2480 = tpu.memref_squeeze %scatter3A_2479 : memref<1x64x512xf32, #tpu.memory_space<vmem>> -> memref<64x512xf32, #tpu.memory_space<vmem>>
      tpu.vector_store_idx %scatter3A_2480[%broadcast_in_dim3A_2475, %get3A_3], %broadcast_in_dim3A_4 : memref<64x512xf32, #tpu.memory_space<vmem>>[vector<16xi32>, vector<16xi32>], vector<16xf32>,
      %broadcast_in_dim3A_2481 = arith.constant 47 : i32
      %broadcast_in_dim3A_2482 = vector.broadcast %broadcast_in_dim3A_2481 : i32 to vector<16xi32>
      %scatter3A_2483 = arith.constant 2 : i32
      %scatter3A_2484 = arith.constant 0 : i32
      %scatter3A_2485 = arith.constant 0 : i32
      %scatter3A_2486 = tpu.memref_slice %arg5[%scatter3A_2483, %scatter3A_2484, %scatter3A_2485] : memref<3x64x512xf32, #tpu.memory_space<vmem>> -> memref<1x64x512xf32, #tpu.memory_space<vmem>>
      %scatter3A_2487 = tpu.memref_squeeze %scatter3A_2486 : memref<1x64x512xf32, #tpu.memory_space<vmem>> -> memref<64x512xf32, #tpu.memory_space<vmem>>
      tpu.vector_store_idx %scatter3A_2487[%broadcast_in_dim3A_2482, %get3A_3], %broadcast_in_dim3A_4 : memref<64x512xf32, #tpu.memory_space<vmem>>[vector<16xi32>, vector<16xi32>], vector<16xf32>,
      %broadcast_in_dim3A_2488 = arith.constant 48 : i32
      %broadcast_in_dim3A_2489 = vector.broadcast %broadcast_in_dim3A_2488 : i32 to vector<16xi32>
      %scatter3A_2490 = arith.constant 2 : i32
      %scatter3A_2491 = arith.constant 0 : i32
      %scatter3A_2492 = arith.constant 0 : i32
      %scatter3A_2493 = tpu.memref_slice %arg5[%scatter3A_2490, %scatter3A_2491, %scatter3A_2492] : memref<3x64x512xf32, #tpu.memory_space<vmem>> -> memref<1x64x512xf32, #tpu.memory_space<vmem>>
      %scatter3A_2494 = tpu.memref_squeeze %scatter3A_2493 : memref<1x64x512xf32, #tpu.memory_space<vmem>> -> memref<64x512xf32, #tpu.memory_space<vmem>>
      tpu.vector_store_idx %scatter3A_2494[%broadcast_in_dim3A_2489, %get3A_3], %broadcast_in_dim3A_4 : memref<64x512xf32, #tpu.memory_space<vmem>>[vector<16xi32>, vector<16xi32>], vector<16xf32>,
      %broadcast_in_dim3A_2495 = arith.constant 49 : i32
      %broadcast_in_dim3A_2496 = vector.broadcast %broadcast_in_dim3A_2495 : i32 to vector<16xi32>
      %scatter3A_2497 = arith.constant 2 : i32
      %scatter3A_2498 = arith.constant 0 : i32
      %scatter3A_2499 = arith.constant 0 : i32
      %scatter3A_2500 = tpu.memref_slice %arg5[%scatter3A_2497, %scatter3A_2498, %scatter3A_2499] : memref<3x64x512xf32, #tpu.memory_space<vmem>> -> memref<1x64x512xf32, #tpu.memory_space<vmem>>
      %scatter3A_2501 = tpu.memref_squeeze %scatter3A_2500 : memref<1x64x512xf32, #tpu.memory_space<vmem>> -> memref<64x512xf32, #tpu.memory_space<vmem>>
      tpu.vector_store_idx %scatter3A_2501[%broadcast_in_dim3A_2496, %get3A_3], %broadcast_in_dim3A_4 : memref<64x512xf32, #tpu.memory_space<vmem>>[vector<16xi32>, vector<16xi32>], vector<16xf32>,
      %broadcast_in_dim3A_2502 = arith.constant 50 : i32
      %broadcast_in_dim3A_2503 = vector.broadcast %broadcast_in_dim3A_2502 : i32 to vector<16xi32>
      %scatter3A_2504 = arith.constant 2 : i32
      %scatter3A_2505 = arith.constant 0 : i32
      %scatter3A_2506 = arith.constant 0 : i32
      %scatter3A_2507 = tpu.memref_slice %arg5[%scatter3A_2504, %scatter3A_2505, %scatter3A_2506] : memref<3x64x512xf32, #tpu.memory_space<vmem>> -> memref<1x64x512xf32, #tpu.memory_space<vmem>>
      %scatter3A_2508 = tpu.memref_squeeze %scatter3A_2507 : memref<1x64x512xf32, #tpu.memory_space<vmem>> -> memref<64x512xf32, #tpu.memory_space<vmem>>
      tpu.vector_store_idx %scatter3A_2508[%broadcast_in_dim3A_2503, %get3A_3], %broadcast_in_dim3A_4 : memref<64x512xf32, #tpu.memory_space<vmem>>[vector<16xi32>, vector<16xi32>], vector<16xf32>,
      %broadcast_in_dim3A_2509 = arith.constant 51 : i32
      %broadcast_in_dim3A_2510 = vector.broadcast %broadcast_in_dim3A_2509 : i32 to vector<16xi32>
      %scatter3A_2511 = arith.constant 2 : i32
      %scatter3A_2512 = arith.constant 0 : i32
      %scatter3A_2513 = arith.constant 0 : i32
      %scatter3A_2514 = tpu.memref_slice %arg5[%scatter3A_2511, %scatter3A_2512, %scatter3A_2513] : memref<3x64x512xf32, #tpu.memory_space<vmem>> -> memref<1x64x512xf32, #tpu.memory_space<vmem>>
      %scatter3A_2515 = tpu.memref_squeeze %scatter3A_2514 : memref<1x64x512xf32, #tpu.memory_space<vmem>> -> memref<64x512xf32, #tpu.memory_space<vmem>>
      tpu.vector_store_idx %scatter3A_2515[%broadcast_in_dim3A_2510, %get3A_3], %broadcast_in_dim3A_4 : memref<64x512xf32, #tpu.memory_space<vmem>>[vector<16xi32>, vector<16xi32>], vector<16xf32>,
      %broadcast_in_dim3A_2516 = arith.constant 52 : i32
      %broadcast_in_dim3A_2517 = vector.broadcast %broadcast_in_dim3A_2516 : i32 to vector<16xi32>
      %scatter3A_2518 = arith.constant 2 : i32
      %scatter3A_2519 = arith.constant 0 : i32
      %scatter3A_2520 = arith.constant 0 : i32
      %scatter3A_2521 = tpu.memref_slice %arg5[%scatter3A_2518, %scatter3A_2519, %scatter3A_2520] : memref<3x64x512xf32, #tpu.memory_space<vmem>> -> memref<1x64x512xf32, #tpu.memory_space<vmem>>
      %scatter3A_2522 = tpu.memref_squeeze %scatter3A_2521 : memref<1x64x512xf32, #tpu.memory_space<vmem>> -> memref<64x512xf32, #tpu.memory_space<vmem>>
      tpu.vector_store_idx %scatter3A_2522[%broadcast_in_dim3A_2517, %get3A_3], %broadcast_in_dim3A_4 : memref<64x512xf32, #tpu.memory_space<vmem>>[vector<16xi32>, vector<16xi32>], vector<16xf32>,
      %broadcast_in_dim3A_2523 = arith.constant 53 : i32
      %broadcast_in_dim3A_2524 = vector.broadcast %broadcast_in_dim3A_2523 : i32 to vector<16xi32>
      %scatter3A_2525 = arith.constant 2 : i32
      %scatter3A_2526 = arith.constant 0 : i32
      %scatter3A_2527 = arith.constant 0 : i32
      %scatter3A_2528 = tpu.memref_slice %arg5[%scatter3A_2525, %scatter3A_2526, %scatter3A_2527] : memref<3x64x512xf32, #tpu.memory_space<vmem>> -> memref<1x64x512xf32, #tpu.memory_space<vmem>>
      %scatter3A_2529 = tpu.memref_squeeze %scatter3A_2528 : memref<1x64x512xf32, #tpu.memory_space<vmem>> -> memref<64x512xf32, #tpu.memory_space<vmem>>
      tpu.vector_store_idx %scatter3A_2529[%broadcast_in_dim3A_2524, %get3A_3], %broadcast_in_dim3A_4 : memref<64x512xf32, #tpu.memory_space<vmem>>[vector<16xi32>, vector<16xi32>], vector<16xf32>,
      %broadcast_in_dim3A_2530 = arith.constant 54 : i32
      %broadcast_in_dim3A_2531 = vector.broadcast %broadcast_in_dim3A_2530 : i32 to vector<16xi32>
      %scatter3A_2532 = arith.constant 2 : i32
      %scatter3A_2533 = arith.constant 0 : i32
      %scatter3A_2534 = arith.constant 0 : i32
      %scatter3A_2535 = tpu.memref_slice %arg5[%scatter3A_2532, %scatter3A_2533, %scatter3A_2534] : memref<3x64x512xf32, #tpu.memory_space<vmem>> -> memref<1x64x512xf32, #tpu.memory_space<vmem>>
      %scatter3A_2536 = tpu.memref_squeeze %scatter3A_2535 : memref<1x64x512xf32, #tpu.memory_space<vmem>> -> memref<64x512xf32, #tpu.memory_space<vmem>>
      tpu.vector_store_idx %scatter3A_2536[%broadcast_in_dim3A_2531, %get3A_3], %broadcast_in_dim3A_4 : memref<64x512xf32, #tpu.memory_space<vmem>>[vector<16xi32>, vector<16xi32>], vector<16xf32>,
      %broadcast_in_dim3A_2537 = arith.constant 55 : i32
      %broadcast_in_dim3A_2538 = vector.broadcast %broadcast_in_dim3A_2537 : i32 to vector<16xi32>
      %scatter3A_2539 = arith.constant 2 : i32
      %scatter3A_2540 = arith.constant 0 : i32
      %scatter3A_2541 = arith.constant 0 : i32
      %scatter3A_2542 = tpu.memref_slice %arg5[%scatter3A_2539, %scatter3A_2540, %scatter3A_2541] : memref<3x64x512xf32, #tpu.memory_space<vmem>> -> memref<1x64x512xf32, #tpu.memory_space<vmem>>
      %scatter3A_2543 = tpu.memref_squeeze %scatter3A_2542 : memref<1x64x512xf32, #tpu.memory_space<vmem>> -> memref<64x512xf32, #tpu.memory_space<vmem>>
      tpu.vector_store_idx %scatter3A_2543[%broadcast_in_dim3A_2538, %get3A_3], %broadcast_in_dim3A_4 : memref<64x512xf32, #tpu.memory_space<vmem>>[vector<16xi32>, vector<16xi32>], vector<16xf32>,
      %broadcast_in_dim3A_2544 = arith.constant 56 : i32
      %broadcast_in_dim3A_2545 = vector.broadcast %broadcast_in_dim3A_2544 : i32 to vector<16xi32>
      %scatter3A_2546 = arith.constant 2 : i32
      %scatter3A_2547 = arith.constant 0 : i32
      %scatter3A_2548 = arith.constant 0 : i32
      %scatter3A_2549 = tpu.memref_slice %arg5[%scatter3A_2546, %scatter3A_2547, %scatter3A_2548] : memref<3x64x512xf32, #tpu.memory_space<vmem>> -> memref<1x64x512xf32, #tpu.memory_space<vmem>>
      %scatter3A_2550 = tpu.memref_squeeze %scatter3A_2549 : memref<1x64x512xf32, #tpu.memory_space<vmem>> -> memref<64x512xf32, #tpu.memory_space<vmem>>
      tpu.vector_store_idx %scatter3A_2550[%broadcast_in_dim3A_2545, %get3A_3], %broadcast_in_dim3A_4 : memref<64x512xf32, #tpu.memory_space<vmem>>[vector<16xi32>, vector<16xi32>], vector<16xf32>,
      %broadcast_in_dim3A_2551 = arith.constant 57 : i32
      %broadcast_in_dim3A_2552 = vector.broadcast %broadcast_in_dim3A_2551 : i32 to vector<16xi32>
      %scatter3A_2553 = arith.constant 2 : i32
      %scatter3A_2554 = arith.constant 0 : i32
      %scatter3A_2555 = arith.constant 0 : i32
      %scatter3A_2556 = tpu.memref_slice %arg5[%scatter3A_2553, %scatter3A_2554, %scatter3A_2555] : memref<3x64x512xf32, #tpu.memory_space<vmem>> -> memref<1x64x512xf32, #tpu.memory_space<vmem>>
      %scatter3A_2557 = tpu.memref_squeeze %scatter3A_2556 : memref<1x64x512xf32, #tpu.memory_space<vmem>> -> memref<64x512xf32, #tpu.memory_space<vmem>>
      tpu.vector_store_idx %scatter3A_2557[%broadcast_in_dim3A_2552, %get3A_3], %broadcast_in_dim3A_4 : memref<64x512xf32, #tpu.memory_space<vmem>>[vector<16xi32>, vector<16xi32>], vector<16xf32>,
      %broadcast_in_dim3A_2558 = arith.constant 58 : i32
      %broadcast_in_dim3A_2559 = vector.broadcast %broadcast_in_dim3A_2558 : i32 to vector<16xi32>
      %scatter3A_2560 = arith.constant 2 : i32
      %scatter3A_2561 = arith.constant 0 : i32
      %scatter3A_2562 = arith.constant 0 : i32
      %scatter3A_2563 = tpu.memref_slice %arg5[%scatter3A_2560, %scatter3A_2561, %scatter3A_2562] : memref<3x64x512xf32, #tpu.memory_space<vmem>> -> memref<1x64x512xf32, #tpu.memory_space<vmem>>
      %scatter3A_2564 = tpu.memref_squeeze %scatter3A_2563 : memref<1x64x512xf32, #tpu.memory_space<vmem>> -> memref<64x512xf32, #tpu.memory_space<vmem>>
      tpu.vector_store_idx %scatter3A_2564[%broadcast_in_dim3A_2559, %get3A_3], %broadcast_in_dim3A_4 : memref<64x512xf32, #tpu.memory_space<vmem>>[vector<16xi32>, vector<16xi32>], vector<16xf32>,
      %broadcast_in_dim3A_2565 = arith.constant 59 : i32
      %broadcast_in_dim3A_2566 = vector.broadcast %broadcast_in_dim3A_2565 : i32 to vector<16xi32>
      %scatter3A_2567 = arith.constant 2 : i32
      %scatter3A_2568 = arith.constant 0 : i32
      %scatter3A_2569 = arith.constant 0 : i32
      %scatter3A_2570 = tpu.memref_slice %arg5[%scatter3A_2567, %scatter3A_2568, %scatter3A_2569] : memref<3x64x512xf32, #tpu.memory_space<vmem>> -> memref<1x64x512xf32, #tpu.memory_space<vmem>>
      %scatter3A_2571 = tpu.memref_squeeze %scatter3A_2570 : memref<1x64x512xf32, #tpu.memory_space<vmem>> -> memref<64x512xf32, #tpu.memory_space<vmem>>
      tpu.vector_store_idx %scatter3A_2571[%broadcast_in_dim3A_2566, %get3A_3], %broadcast_in_dim3A_4 : memref<64x512xf32, #tpu.memory_space<vmem>>[vector<16xi32>, vector<16xi32>], vector<16xf32>,
      %broadcast_in_dim3A_2572 = arith.constant 60 : i32
      %broadcast_in_dim3A_2573 = vector.broadcast %broadcast_in_dim3A_2572 : i32 to vector<16xi32>
      %scatter3A_2574 = arith.constant 2 : i32
      %scatter3A_2575 = arith.constant 0 : i32
      %scatter3A_2576 = arith.constant 0 : i32
      %scatter3A_2577 = tpu.memref_slice %arg5[%scatter3A_2574, %scatter3A_2575, %scatter3A_2576] : memref<3x64x512xf32, #tpu.memory_space<vmem>> -> memref<1x64x512xf32, #tpu.memory_space<vmem>>
      %scatter3A_2578 = tpu.memref_squeeze %scatter3A_2577 : memref<1x64x512xf32, #tpu.memory_space<vmem>> -> memref<64x512xf32, #tpu.memory_space<vmem>>
      tpu.vector_store_idx %scatter3A_2578[%broadcast_in_dim3A_2573, %get3A_3], %broadcast_in_dim3A_4 : memref<64x512xf32, #tpu.memory_space<vmem>>[vector<16xi32>, vector<16xi32>], vector<16xf32>,
      %broadcast_in_dim3A_2579 = arith.constant 61 : i32
      %broadcast_in_dim3A_2580 = vector.broadcast %broadcast_in_dim3A_2579 : i32 to vector<16xi32>
      %scatter3A_2581 = arith.constant 2 : i32
      %scatter3A_2582 = arith.constant 0 : i32
      %scatter3A_2583 = arith.constant 0 : i32
      %scatter3A_2584 = tpu.memref_slice %arg5[%scatter3A_2581, %scatter3A_2582, %scatter3A_2583] : memref<3x64x512xf32, #tpu.memory_space<vmem>> -> memref<1x64x512xf32, #tpu.memory_space<vmem>>
      %scatter3A_2585 = tpu.memref_squeeze %scatter3A_2584 : memref<1x64x512xf32, #tpu.memory_space<vmem>> -> memref<64x512xf32, #tpu.memory_space<vmem>>
      tpu.vector_store_idx %scatter3A_2585[%broadcast_in_dim3A_2580, %get3A_3], %broadcast_in_dim3A_4 : memref<64x512xf32, #tpu.memory_space<vmem>>[vector<16xi32>, vector<16xi32>], vector<16xf32>,
      %broadcast_in_dim3A_2586 = arith.constant 62 : i32
      %broadcast_in_dim3A_2587 = vector.broadcast %broadcast_in_dim3A_2586 : i32 to vector<16xi32>
      %scatter3A_2588 = arith.constant 2 : i32
      %scatter3A_2589 = arith.constant 0 : i32
      %scatter3A_2590 = arith.constant 0 : i32
      %scatter3A_2591 = tpu.memref_slice %arg5[%scatter3A_2588, %scatter3A_2589, %scatter3A_2590] : memref<3x64x512xf32, #tpu.memory_space<vmem>> -> memref<1x64x512xf32, #tpu.memory_space<vmem>>
      %scatter3A_2592 = tpu.memref_squeeze %scatter3A_2591 : memref<1x64x512xf32, #tpu.memory_space<vmem>> -> memref<64x512xf32, #tpu.memory_space<vmem>>
      tpu.vector_store_idx %scatter3A_2592[%broadcast_in_dim3A_2587, %get3A_3], %broadcast_in_dim3A_4 : memref<64x512xf32, #tpu.memory_space<vmem>>[vector<16xi32>, vector<16xi32>], vector<16xf32>,
      %broadcast_in_dim3A_2593 = arith.constant 63 : i32
      %broadcast_in_dim3A_2594 = vector.broadcast %broadcast_in_dim3A_2593 : i32 to vector<16xi32>
      %scatter3A_2595 = arith.constant 2 : i32
      %scatter3A_2596 = arith.constant 0 : i32
      %scatter3A_2597 = arith.constant 0 : i32
      %scatter3A_2598 = tpu.memref_slice %arg5[%scatter3A_2595, %scatter3A_2596, %scatter3A_2597] : memref<3x64x512xf32, #tpu.memory_space<vmem>> -> memref<1x64x512xf32, #tpu.memory_space<vmem>>
      %scatter3A_2599 = tpu.memref_squeeze %scatter3A_2598 : memref<1x64x512xf32, #tpu.memory_space<vmem>> -> memref<64x512xf32, #tpu.memory_space<vmem>>
      tpu.vector_store_idx %scatter3A_2599[%broadcast_in_dim3A_2594, %get3A_3], %broadcast_in_dim3A_4 : memref<64x512xf32, #tpu.memory_space<vmem>>[vector<16xi32>, vector<16xi32>], vector<16xf32>,
      %mul3A_2600 = arith.constant 64 : i32
      %mul3A_2601 = arith.muli %add3A_2113, %mul3A_2600 : i32
      %add3A_2602 = arith.addi %mul3A_2, %mul3A_2601 : i32
      %dma_start3A_2603 = arith.constant 2 : i32
      %dma_start3A_2604 = arith.constant 0 : i32
      %dma_start3A_2605 = arith.constant 0 : i32
      %dma_start3A_2606 = tpu.memref_slice %arg5[%dma_start3A_2603, %dma_start3A_2604, %dma_start3A_2605] : memref<3x64x512xf32, #tpu.memory_space<vmem>> -> memref<1x64x512xf32, #tpu.memory_space<vmem>>
      %dma_start3A_2607 = tpu.memref_squeeze %dma_start3A_2606 : memref<1x64x512xf32, #tpu.memory_space<vmem>> -> memref<64x512xf32, #tpu.memory_space<vmem>>
      %dma_start3A_2608 = arith.constant 0 : i32
      %dma_start3A_2609 = tpu.memref_slice %arg4[%add3A_2602, %dma_start3A_2608] : memref<65536x512xf32, #tpu.memory_space<hbm>> -> memref<64x512xf32, #tpu.memory_space<hbm>>
      %dma_start3A_2610 = arith.constant 0 : i32
      %dma_start3A_2611 = tpu.memref_slice %arg4[%add3A_2602, %dma_start3A_2610] : memref<65536x512xf32, #tpu.memory_space<hbm>> -> memref<64x512xf32, #tpu.memory_space<hbm>>
      %dma_start3A_2612 = arith.constant 0 : i32
      %dma_start3A_2613 = arith.constant 0 : i32
      %dma_start3A_2614 = tpu.memref_slice %arg5[%dma_start3A_2603, %dma_start3A_2612, %dma_start3A_2613] : memref<3x64x512xf32, #tpu.memory_space<vmem>> -> memref<1x64x512xf32, #tpu.memory_space<vmem>>
      %dma_start3A_2615 = tpu.memref_squeeze %dma_start3A_2614 : memref<1x64x512xf32, #tpu.memory_space<vmem>> -> memref<64x512xf32, #tpu.memory_space<vmem>>
      tpu.enqueue_dma source(%dma_start3A_2615 : memref<64x512xf32, #tpu.memory_space<vmem>>) target(%dma_start3A_2611 : memref<64x512xf32, #tpu.memory_space<hbm>>) target_semaphore(%arg12 : memref<!tpu.dma_semaphore, #tpu.memory_space<semaphore_mem>>)
    }
    %scan3A_38 = arith.constant 10 : i32
    %ge3A = arith.constant 30 : i32
    %ge3A_39 = arith.constant 2 : i32
    %ge3A_40 = arith.cmpi sge, %ge3A, %ge3A_39 : i32
    %add3A_41 = arith.constant 30 : i32
    %add3A_42 = arith.constant 1 : i32
    %add3A_43 = arith.addi %add3A_41, %add3A_42 : i32
    %lt3A = arith.constant 32 : i32
    %lt3A_44 = arith.cmpi slt, %add3A_43, %lt3A : i32
    %and3A = arith.andi %ge3A_40, %lt3A_44 : i1
    %convert_element_type3A = arith.extui %and3A : i1 to i32
    %cond3A = arith.constant 30 : i32
    %cond3A_45 = arith.constant 0 : i32
    %cond3A_46 = arith.cmpi ne, %convert_element_type3A, %cond3A_45 : i32
    scf.if %cond3A_46 {
      %dma_wait3A_1097 = arith.constant 1 : i32
      %dma_wait3A_1098 = arith.constant 0 : i32
      %dma_wait3A_1099 = arith.constant 0 : i32
      %dma_wait3A_1100 = tpu.memref_slice %arg5[%dma_wait3A_1097, %dma_wait3A_1098, %dma_wait3A_1099] : memref<3x64x512xf32, #tpu.memory_space<vmem>> -> memref<1x64x512xf32, #tpu.memory_space<vmem>>
      %dma_wait3A_1101 = tpu.memref_squeeze %dma_wait3A_1100 : memref<1x64x512xf32, #tpu.memory_space<vmem>> -> memref<64x512xf32, #tpu.memory_space<vmem>>
      %dma_wait3A_1102 = arith.constant 0 : i32
      %dma_wait3A_1103 = arith.constant 0 : i32
      %dma_wait3A_1104 = tpu.memref_slice %arg4[%dma_wait3A_1102, %dma_wait3A_1103] : memref<65536x512xf32, #tpu.memory_space<hbm>> -> memref<64x512xf32, #tpu.memory_space<hbm>>
      %dma_wait3A_1105 = arith.constant 0 : i32
      %dma_wait3A_1106 = arith.constant 0 : i32
      %dma_wait3A_1107 = tpu.memref_slice %arg4[%dma_wait3A_1105, %dma_wait3A_1106] : memref<65536x512xf32, #tpu.memory_space<hbm>> -> memref<64x512xf32, #tpu.memory_space<hbm>>
      %dma_wait3A_1108 = arith.constant 0 : i32
      %dma_wait3A_1109 = arith.constant 0 : i32
      %dma_wait3A_1110 = tpu.memref_slice %arg5[%dma_wait3A_1097, %dma_wait3A_1108, %dma_wait3A_1109] : memref<3x64x512xf32, #tpu.memory_space<vmem>> -> memref<1x64x512xf32, #tpu.memory_space<vmem>>
      %dma_wait3A_1111 = tpu.memref_squeeze %dma_wait3A_1110 : memref<1x64x512xf32, #tpu.memory_space<vmem>> -> memref<64x512xf32, #tpu.memory_space<vmem>>
      tpu.wait_dma2 semaphore(%arg11 : memref<!tpu.dma_semaphore, #tpu.memory_space<semaphore_mem>>) src(%dma_wait3A_1111 : memref<64x512xf32, #tpu.memory_space<vmem>>) dst(%dma_wait3A_1107 : memref<64x512xf32, #tpu.memory_space<hbm>>)
      %add3A_1112 = arith.constant 1 : i32
      %add3A_1113 = arith.addi %cond3A, %add3A_1112 : i32
      %mul3A_1114 = arith.constant 64 : i32
      %mul3A_1115 = arith.muli %add3A_1113, %mul3A_1114 : i32
      %add3A_1116 = arith.addi %mul3A_2, %mul3A_1115 : i32
      %dma_start3A_1117 = arith.constant 1 : i32
      %dma_start3A_1118 = arith.constant 0 : i32
      %dma_start3A_1119 = arith.constant 0 : i32
      %dma_start3A_1120 = tpu.memref_slice %arg5[%dma_start3A_1117, %dma_start3A_1118, %dma_start3A_1119] : memref<3x64x512xf32, #tpu.memory_space<vmem>> -> memref<1x64x512xf32, #tpu.memory_space<vmem>>
      %dma_start3A_1121 = tpu.memref_squeeze %dma_start3A_1120 : memref<1x64x512xf32, #tpu.memory_space<vmem>> -> memref<64x512xf32, #tpu.memory_space<vmem>>
      %dma_start3A_1122 = arith.constant 0 : i32
      %dma_start3A_1123 = tpu.memref_slice %arg2[%add3A_1116, %dma_start3A_1122] : memref<65536x512xf32, #tpu.memory_space<hbm>> -> memref<64x512xf32, #tpu.memory_space<hbm>>
      %dma_start3A_1124 = arith.constant 0 : i32
      %dma_start3A_1125 = arith.constant 0 : i32
      %dma_start3A_1126 = tpu.memref_slice %arg5[%dma_start3A_1117, %dma_start3A_1124, %dma_start3A_1125] : memref<3x64x512xf32, #tpu.memory_space<vmem>> -> memref<1x64x512xf32, #tpu.memory_space<vmem>>
      %dma_start3A_1127 = tpu.memref_squeeze %dma_start3A_1126 : memref<1x64x512xf32, #tpu.memory_space<vmem>> -> memref<64x512xf32, #tpu.memory_space<vmem>>
      %dma_start3A_1128 = arith.constant 0 : i32
      %dma_start3A_1129 = tpu.memref_slice %arg2[%add3A_1116, %dma_start3A_1128] : memref<65536x512xf32, #tpu.memory_space<hbm>> -> memref<64x512xf32, #tpu.memory_space<hbm>>
      tpu.enqueue_dma source(%dma_start3A_1129 : memref<64x512xf32, #tpu.memory_space<hbm>>) target(%dma_start3A_1127 : memref<64x512xf32, #tpu.memory_space<vmem>>) target_semaphore(%arg8 : memref<!tpu.dma_semaphore, #tpu.memory_space<semaphore_mem>>)
    } else {
    }
    %ge3A_47 = arith.constant 30 : i32
    %ge3A_48 = arith.constant 1 : i32
    %ge3A_49 = arith.cmpi sge, %ge3A_47, %ge3A_48 : i32
    %lt3A_50 = arith.constant 30 : i32
    %lt3A_51 = arith.constant 2 : i32
    %lt3A_52 = arith.cmpi slt, %lt3A_50, %lt3A_51 : i32
    %and3A_53 = arith.andi %ge3A_49, %lt3A_52 : i1
    %add3A_54 = arith.constant 30 : i32
    %add3A_55 = arith.constant 1 : i32
    %add3A_56 = arith.addi %add3A_54, %add3A_55 : i32
    %lt3A_57 = arith.constant 32 : i32
    %lt3A_58 = arith.cmpi slt, %add3A_56, %lt3A_57 : i32
    %and3A_59 = arith.andi %and3A_53, %lt3A_58 : i1
    %convert_element_type3A_60 = arith.extui %and3A_59 : i1 to i32
    %cond3A_61 = arith.constant 30 : i32
    %cond3A_62 = arith.constant 0 : i32
    %cond3A_63 = arith.cmpi ne, %convert_element_type3A_60, %cond3A_62 : i32
    scf.if %cond3A_63 {
      %add3A_1097 = arith.constant 1 : i32
      %add3A_1098 = arith.addi %cond3A_61, %add3A_1097 : i32
      %mul3A_1099 = arith.constant 64 : i32
      %mul3A_1100 = arith.muli %add3A_1098, %mul3A_1099 : i32
      %add3A_1101 = arith.addi %mul3A_2, %mul3A_1100 : i32
      %dma_start3A_1102 = arith.constant 1 : i32
      %dma_start3A_1103 = arith.constant 0 : i32
      %dma_start3A_1104 = arith.constant 0 : i32
      %dma_start3A_1105 = tpu.memref_slice %arg5[%dma_start3A_1102, %dma_start3A_1103, %dma_start3A_1104] : memref<3x64x512xf32, #tpu.memory_space<vmem>> -> memref<1x64x512xf32, #tpu.memory_space<vmem>>
      %dma_start3A_1106 = tpu.memref_squeeze %dma_start3A_1105 : memref<1x64x512xf32, #tpu.memory_space<vmem>> -> memref<64x512xf32, #tpu.memory_space<vmem>>
      %dma_start3A_1107 = arith.constant 0 : i32
      %dma_start3A_1108 = tpu.memref_slice %arg2[%add3A_1101, %dma_start3A_1107] : memref<65536x512xf32, #tpu.memory_space<hbm>> -> memref<64x512xf32, #tpu.memory_space<hbm>>
      %dma_start3A_1109 = arith.constant 0 : i32
      %dma_start3A_1110 = arith.constant 0 : i32
      %dma_start3A_1111 = tpu.memref_slice %arg5[%dma_start3A_1102, %dma_start3A_1109, %dma_start3A_1110] : memref<3x64x512xf32, #tpu.memory_space<vmem>> -> memref<1x64x512xf32, #tpu.memory_space<vmem>>
      %dma_start3A_1112 = tpu.memref_squeeze %dma_start3A_1111 : memref<1x64x512xf32, #tpu.memory_space<vmem>> -> memref<64x512xf32, #tpu.memory_space<vmem>>
      %dma_start3A_1113 = arith.constant 0 : i32
      %dma_start3A_1114 = tpu.memref_slice %arg2[%add3A_1101, %dma_start3A_1113] : memref<65536x512xf32, #tpu.memory_space<hbm>> -> memref<64x512xf32, #tpu.memory_space<hbm>>
      tpu.enqueue_dma source(%dma_start3A_1114 : memref<64x512xf32, #tpu.memory_space<hbm>>) target(%dma_start3A_1112 : memref<64x512xf32, #tpu.memory_space<vmem>>) target_semaphore(%arg8 : memref<!tpu.dma_semaphore, #tpu.memory_space<semaphore_mem>>)
    } else {
    }
    %dma_wait3A = arith.constant 0 : i32
    %dma_wait3A_64 = arith.constant 0 : i32
    %dma_wait3A_65 = arith.constant 0 : i32
    %dma_wait3A_66 = tpu.memref_slice %arg5[%dma_wait3A, %dma_wait3A_64, %dma_wait3A_65] : memref<3x64x512xf32, #tpu.memory_space<vmem>> -> memref<1x64x512xf32, #tpu.memory_space<vmem>>
    %dma_wait3A_67 = tpu.memref_squeeze %dma_wait3A_66 : memref<1x64x512xf32, #tpu.memory_space<vmem>> -> memref<64x512xf32, #tpu.memory_space<vmem>>
    %dma_wait3A_68 = arith.constant 0 : i32
    %dma_wait3A_69 = arith.constant 0 : i32
    %dma_wait3A_70 = tpu.memref_slice %arg2[%dma_wait3A_68, %dma_wait3A_69] : memref<65536x512xf32, #tpu.memory_space<hbm>> -> memref<64x512xf32, #tpu.memory_space<hbm>>
    %dma_wait3A_71 = arith.constant 0 : i32
    %dma_wait3A_72 = arith.constant 0 : i32
    %dma_wait3A_73 = tpu.memref_slice %arg5[%dma_wait3A, %dma_wait3A_71, %dma_wait3A_72] : memref<3x64x512xf32, #tpu.memory_space<vmem>> -> memref<1x64x512xf32, #tpu.memory_space<vmem>>
    %dma_wait3A_74 = tpu.memref_squeeze %dma_wait3A_73 : memref<1x64x512xf32, #tpu.memory_space<vmem>> -> memref<64x512xf32, #tpu.memory_space<vmem>>
    %dma_wait3A_75 = arith.constant 0 : i32
    %dma_wait3A_76 = arith.constant 0 : i32
    %dma_wait3A_77 = tpu.memref_slice %arg2[%dma_wait3A_75, %dma_wait3A_76] : memref<65536x512xf32, #tpu.memory_space<hbm>> -> memref<64x512xf32, #tpu.memory_space<hbm>>
    tpu.wait_dma2 semaphore(%arg7 : memref<!tpu.dma_semaphore, #tpu.memory_space<semaphore_mem>>) src(%dma_wait3A_77 : memref<64x512xf32, #tpu.memory_space<hbm>>) dst(%dma_wait3A_74 : memref<64x512xf32, #tpu.memory_space<vmem>>)
    %broadcast_in_dim3A_78 = arith.constant 0 : i32
    %broadcast_in_dim3A_79 = vector.broadcast %broadcast_in_dim3A_78 : i32 to vector<16xi32>
    %scatter3A = arith.constant 0 : i32
    %scatter3A_80 = arith.constant 0 : i32
    %scatter3A_81 = arith.constant 0 : i32
    %scatter3A_82 = tpu.memref_slice %arg5[%scatter3A, %scatter3A_80, %scatter3A_81] : memref<3x64x512xf32, #tpu.memory_space<vmem>> -> memref<1x64x512xf32, #tpu.memory_space<vmem>>
    %scatter3A_83 = tpu.memref_squeeze %scatter3A_82 : memref<1x64x512xf32, #tpu.memory_space<vmem>> -> memref<64x512xf32, #tpu.memory_space<vmem>>
    tpu.vector_store_idx %scatter3A_83[%broadcast_in_dim3A_79, %get3A_3], %broadcast_in_dim3A_4 : memref<64x512xf32, #tpu.memory_space<vmem>>[vector<16xi32>, vector<16xi32>], vector<16xf32>,
    %broadcast_in_dim3A_84 = arith.constant 1 : i32
    %broadcast_in_dim3A_85 = vector.broadcast %broadcast_in_dim3A_84 : i32 to vector<16xi32>
    %scatter3A_86 = arith.constant 0 : i32
    %scatter3A_87 = arith.constant 0 : i32
    %scatter3A_88 = arith.constant 0 : i32
    %scatter3A_89 = tpu.memref_slice %arg5[%scatter3A_86, %scatter3A_87, %scatter3A_88] : memref<3x64x512xf32, #tpu.memory_space<vmem>> -> memref<1x64x512xf32, #tpu.memory_space<vmem>>
    %scatter3A_90 = tpu.memref_squeeze %scatter3A_89 : memref<1x64x512xf32, #tpu.memory_space<vmem>> -> memref<64x512xf32, #tpu.memory_space<vmem>>
    tpu.vector_store_idx %scatter3A_90[%broadcast_in_dim3A_85, %get3A_3], %broadcast_in_dim3A_4 : memref<64x512xf32, #tpu.memory_space<vmem>>[vector<16xi32>, vector<16xi32>], vector<16xf32>,
    %broadcast_in_dim3A_91 = arith.constant 2 : i32
    %broadcast_in_dim3A_92 = vector.broadcast %broadcast_in_dim3A_91 : i32 to vector<16xi32>
    %scatter3A_93 = arith.constant 0 : i32
    %scatter3A_94 = arith.constant 0 : i32
    %scatter3A_95 = arith.constant 0 : i32
    %scatter3A_96 = tpu.memref_slice %arg5[%scatter3A_93, %scatter3A_94, %scatter3A_95] : memref<3x64x512xf32, #tpu.memory_space<vmem>> -> memref<1x64x512xf32, #tpu.memory_space<vmem>>
    %scatter3A_97 = tpu.memref_squeeze %scatter3A_96 : memref<1x64x512xf32, #tpu.memory_space<vmem>> -> memref<64x512xf32, #tpu.memory_space<vmem>>
    tpu.vector_store_idx %scatter3A_97[%broadcast_in_dim3A_92, %get3A_3], %broadcast_in_dim3A_4 : memref<64x512xf32, #tpu.memory_space<vmem>>[vector<16xi32>, vector<16xi32>], vector<16xf32>,
    %broadcast_in_dim3A_98 = arith.constant 3 : i32
    %broadcast_in_dim3A_99 = vector.broadcast %broadcast_in_dim3A_98 : i32 to vector<16xi32>
    %scatter3A_100 = arith.constant 0 : i32
    %scatter3A_101 = arith.constant 0 : i32
    %scatter3A_102 = arith.constant 0 : i32
    %scatter3A_103 = tpu.memref_slice %arg5[%scatter3A_100, %scatter3A_101, %scatter3A_102] : memref<3x64x512xf32, #tpu.memory_space<vmem>> -> memref<1x64x512xf32, #tpu.memory_space<vmem>>
    %scatter3A_104 = tpu.memref_squeeze %scatter3A_103 : memref<1x64x512xf32, #tpu.memory_space<vmem>> -> memref<64x512xf32, #tpu.memory_space<vmem>>
    tpu.vector_store_idx %scatter3A_104[%broadcast_in_dim3A_99, %get3A_3], %broadcast_in_dim3A_4 : memref<64x512xf32, #tpu.memory_space<vmem>>[vector<16xi32>, vector<16xi32>], vector<16xf32>,
    %broadcast_in_dim3A_105 = arith.constant 4 : i32
    %broadcast_in_dim3A_106 = vector.broadcast %broadcast_in_dim3A_105 : i32 to vector<16xi32>
    %scatter3A_107 = arith.constant 0 : i32
    %scatter3A_108 = arith.constant 0 : i32
    %scatter3A_109 = arith.constant 0 : i32
    %scatter3A_110 = tpu.memref_slice %arg5[%scatter3A_107, %scatter3A_108, %scatter3A_109] : memref<3x64x512xf32, #tpu.memory_space<vmem>> -> memref<1x64x512xf32, #tpu.memory_space<vmem>>
    %scatter3A_111 = tpu.memref_squeeze %scatter3A_110 : memref<1x64x512xf32, #tpu.memory_space<vmem>> -> memref<64x512xf32, #tpu.memory_space<vmem>>
    tpu.vector_store_idx %scatter3A_111[%broadcast_in_dim3A_106, %get3A_3], %broadcast_in_dim3A_4 : memref<64x512xf32, #tpu.memory_space<vmem>>[vector<16xi32>, vector<16xi32>], vector<16xf32>,
    %broadcast_in_dim3A_112 = arith.constant 5 : i32
    %broadcast_in_dim3A_113 = vector.broadcast %broadcast_in_dim3A_112 : i32 to vector<16xi32>
    %scatter3A_114 = arith.constant 0 : i32
    %scatter3A_115 = arith.constant 0 : i32
    %scatter3A_116 = arith.constant 0 : i32
    %scatter3A_117 = tpu.memref_slice %arg5[%scatter3A_114, %scatter3A_115, %scatter3A_116] : memref<3x64x512xf32, #tpu.memory_space<vmem>> -> memref<1x64x512xf32, #tpu.memory_space<vmem>>
    %scatter3A_118 = tpu.memref_squeeze %scatter3A_117 : memref<1x64x512xf32, #tpu.memory_space<vmem>> -> memref<64x512xf32, #tpu.memory_space<vmem>>
    tpu.vector_store_idx %scatter3A_118[%broadcast_in_dim3A_113, %get3A_3], %broadcast_in_dim3A_4 : memref<64x512xf32, #tpu.memory_space<vmem>>[vector<16xi32>, vector<16xi32>], vector<16xf32>,
    %broadcast_in_dim3A_119 = arith.constant 6 : i32
    %broadcast_in_dim3A_120 = vector.broadcast %broadcast_in_dim3A_119 : i32 to vector<16xi32>
    %scatter3A_121 = arith.constant 0 : i32
    %scatter3A_122 = arith.constant 0 : i32
    %scatter3A_123 = arith.constant 0 : i32
    %scatter3A_124 = tpu.memref_slice %arg5[%scatter3A_121, %scatter3A_122, %scatter3A_123] : memref<3x64x512xf32, #tpu.memory_space<vmem>> -> memref<1x64x512xf32, #tpu.memory_space<vmem>>
    %scatter3A_125 = tpu.memref_squeeze %scatter3A_124 : memref<1x64x512xf32, #tpu.memory_space<vmem>> -> memref<64x512xf32, #tpu.memory_space<vmem>>
    tpu.vector_store_idx %scatter3A_125[%broadcast_in_dim3A_120, %get3A_3], %broadcast_in_dim3A_4 : memref<64x512xf32, #tpu.memory_space<vmem>>[vector<16xi32>, vector<16xi32>], vector<16xf32>,
    %broadcast_in_dim3A_126 = arith.constant 7 : i32
    %broadcast_in_dim3A_127 = vector.broadcast %broadcast_in_dim3A_126 : i32 to vector<16xi32>
    %scatter3A_128 = arith.constant 0 : i32
    %scatter3A_129 = arith.constant 0 : i32
    %scatter3A_130 = arith.constant 0 : i32
    %scatter3A_131 = tpu.memref_slice %arg5[%scatter3A_128, %scatter3A_129, %scatter3A_130] : memref<3x64x512xf32, #tpu.memory_space<vmem>> -> memref<1x64x512xf32, #tpu.memory_space<vmem>>
    %scatter3A_132 = tpu.memref_squeeze %scatter3A_131 : memref<1x64x512xf32, #tpu.memory_space<vmem>> -> memref<64x512xf32, #tpu.memory_space<vmem>>
    tpu.vector_store_idx %scatter3A_132[%broadcast_in_dim3A_127, %get3A_3], %broadcast_in_dim3A_4 : memref<64x512xf32, #tpu.memory_space<vmem>>[vector<16xi32>, vector<16xi32>], vector<16xf32>,
    %broadcast_in_dim3A_133 = arith.constant 8 : i32
    %broadcast_in_dim3A_134 = vector.broadcast %broadcast_in_dim3A_133 : i32 to vector<16xi32>
    %scatter3A_135 = arith.constant 0 : i32
    %scatter3A_136 = arith.constant 0 : i32
    %scatter3A_137 = arith.constant 0 : i32
    %scatter3A_138 = tpu.memref_slice %arg5[%scatter3A_135, %scatter3A_136, %scatter3A_137] : memref<3x64x512xf32, #tpu.memory_space<vmem>> -> memref<1x64x512xf32, #tpu.memory_space<vmem>>
    %scatter3A_139 = tpu.memref_squeeze %scatter3A_138 : memref<1x64x512xf32, #tpu.memory_space<vmem>> -> memref<64x512xf32, #tpu.memory_space<vmem>>
    tpu.vector_store_idx %scatter3A_139[%broadcast_in_dim3A_134, %get3A_3], %broadcast_in_dim3A_4 : memref<64x512xf32, #tpu.memory_space<vmem>>[vector<16xi32>, vector<16xi32>], vector<16xf32>,
    %broadcast_in_dim3A_140 = arith.constant 9 : i32
    %broadcast_in_dim3A_141 = vector.broadcast %broadcast_in_dim3A_140 : i32 to vector<16xi32>
    %scatter3A_142 = arith.constant 0 : i32
    %scatter3A_143 = arith.constant 0 : i32
    %scatter3A_144 = arith.constant 0 : i32
    %scatter3A_145 = tpu.memref_slice %arg5[%scatter3A_142, %scatter3A_143, %scatter3A_144] : memref<3x64x512xf32, #tpu.memory_space<vmem>> -> memref<1x64x512xf32, #tpu.memory_space<vmem>>
    %scatter3A_146 = tpu.memref_squeeze %scatter3A_145 : memref<1x64x512xf32, #tpu.memory_space<vmem>> -> memref<64x512xf32, #tpu.memory_space<vmem>>
    tpu.vector_store_idx %scatter3A_146[%broadcast_in_dim3A_141, %get3A_3], %broadcast_in_dim3A_4 : memref<64x512xf32, #tpu.memory_space<vmem>>[vector<16xi32>, vector<16xi32>], vector<16xf32>,
    %broadcast_in_dim3A_147 = arith.constant 10 : i32
    %broadcast_in_dim3A_148 = vector.broadcast %broadcast_in_dim3A_147 : i32 to vector<16xi32>
    %scatter3A_149 = arith.constant 0 : i32
    %scatter3A_150 = arith.constant 0 : i32
    %scatter3A_151 = arith.constant 0 : i32
    %scatter3A_152 = tpu.memref_slice %arg5[%scatter3A_149, %scatter3A_150, %scatter3A_151] : memref<3x64x512xf32, #tpu.memory_space<vmem>> -> memref<1x64x512xf32, #tpu.memory_space<vmem>>
    %scatter3A_153 = tpu.memref_squeeze %scatter3A_152 : memref<1x64x512xf32, #tpu.memory_space<vmem>> -> memref<64x512xf32, #tpu.memory_space<vmem>>
    tpu.vector_store_idx %scatter3A_153[%broadcast_in_dim3A_148, %get3A_3], %broadcast_in_dim3A_4 : memref<64x512xf32, #tpu.memory_space<vmem>>[vector<16xi32>, vector<16xi32>], vector<16xf32>,
    %broadcast_in_dim3A_154 = arith.constant 11 : i32
    %broadcast_in_dim3A_155 = vector.broadcast %broadcast_in_dim3A_154 : i32 to vector<16xi32>
    %scatter3A_156 = arith.constant 0 : i32
    %scatter3A_157 = arith.constant 0 : i32
    %scatter3A_158 = arith.constant 0 : i32
    %scatter3A_159 = tpu.memref_slice %arg5[%scatter3A_156, %scatter3A_157, %scatter3A_158] : memref<3x64x512xf32, #tpu.memory_space<vmem>> -> memref<1x64x512xf32, #tpu.memory_space<vmem>>
    %scatter3A_160 = tpu.memref_squeeze %scatter3A_159 : memref<1x64x512xf32, #tpu.memory_space<vmem>> -> memref<64x512xf32, #tpu.memory_space<vmem>>
    tpu.vector_store_idx %scatter3A_160[%broadcast_in_dim3A_155, %get3A_3], %broadcast_in_dim3A_4 : memref<64x512xf32, #tpu.memory_space<vmem>>[vector<16xi32>, vector<16xi32>], vector<16xf32>,
    %broadcast_in_dim3A_161 = arith.constant 12 : i32
    %broadcast_in_dim3A_162 = vector.broadcast %broadcast_in_dim3A_161 : i32 to vector<16xi32>
    %scatter3A_163 = arith.constant 0 : i32
    %scatter3A_164 = arith.constant 0 : i32
    %scatter3A_165 = arith.constant 0 : i32
    %scatter3A_166 = tpu.memref_slice %arg5[%scatter3A_163, %scatter3A_164, %scatter3A_165] : memref<3x64x512xf32, #tpu.memory_space<vmem>> -> memref<1x64x512xf32, #tpu.memory_space<vmem>>
    %scatter3A_167 = tpu.memref_squeeze %scatter3A_166 : memref<1x64x512xf32, #tpu.memory_space<vmem>> -> memref<64x512xf32, #tpu.memory_space<vmem>>
    tpu.vector_store_idx %scatter3A_167[%broadcast_in_dim3A_162, %get3A_3], %broadcast_in_dim3A_4 : memref<64x512xf32, #tpu.memory_space<vmem>>[vector<16xi32>, vector<16xi32>], vector<16xf32>,
    %broadcast_in_dim3A_168 = arith.constant 13 : i32
    %broadcast_in_dim3A_169 = vector.broadcast %broadcast_in_dim3A_168 : i32 to vector<16xi32>
    %scatter3A_170 = arith.constant 0 : i32
    %scatter3A_171 = arith.constant 0 : i32
    %scatter3A_172 = arith.constant 0 : i32
    %scatter3A_173 = tpu.memref_slice %arg5[%scatter3A_170, %scatter3A_171, %scatter3A_172] : memref<3x64x512xf32, #tpu.memory_space<vmem>> -> memref<1x64x512xf32, #tpu.memory_space<vmem>>
    %scatter3A_174 = tpu.memref_squeeze %scatter3A_173 : memref<1x64x512xf32, #tpu.memory_space<vmem>> -> memref<64x512xf32, #tpu.memory_space<vmem>>
    tpu.vector_store_idx %scatter3A_174[%broadcast_in_dim3A_169, %get3A_3], %broadcast_in_dim3A_4 : memref<64x512xf32, #tpu.memory_space<vmem>>[vector<16xi32>, vector<16xi32>], vector<16xf32>,
    %broadcast_in_dim3A_175 = arith.constant 14 : i32
    %broadcast_in_dim3A_176 = vector.broadcast %broadcast_in_dim3A_175 : i32 to vector<16xi32>
    %scatter3A_177 = arith.constant 0 : i32
    %scatter3A_178 = arith.constant 0 : i32
    %scatter3A_179 = arith.constant 0 : i32
    %scatter3A_180 = tpu.memref_slice %arg5[%scatter3A_177, %scatter3A_178, %scatter3A_179] : memref<3x64x512xf32, #tpu.memory_space<vmem>> -> memref<1x64x512xf32, #tpu.memory_space<vmem>>
    %scatter3A_181 = tpu.memref_squeeze %scatter3A_180 : memref<1x64x512xf32, #tpu.memory_space<vmem>> -> memref<64x512xf32, #tpu.memory_space<vmem>>
    tpu.vector_store_idx %scatter3A_181[%broadcast_in_dim3A_176, %get3A_3], %broadcast_in_dim3A_4 : memref<64x512xf32, #tpu.memory_space<vmem>>[vector<16xi32>, vector<16xi32>], vector<16xf32>,
    %broadcast_in_dim3A_182 = arith.constant 15 : i32
    %broadcast_in_dim3A_183 = vector.broadcast %broadcast_in_dim3A_182 : i32 to vector<16xi32>
    %scatter3A_184 = arith.constant 0 : i32
    %scatter3A_185 = arith.constant 0 : i32
    %scatter3A_186 = arith.constant 0 : i32
    %scatter3A_187 = tpu.memref_slice %arg5[%scatter3A_184, %scatter3A_185, %scatter3A_186] : memref<3x64x512xf32, #tpu.memory_space<vmem>> -> memref<1x64x512xf32, #tpu.memory_space<vmem>>
    %scatter3A_188 = tpu.memref_squeeze %scatter3A_187 : memref<1x64x512xf32, #tpu.memory_space<vmem>> -> memref<64x512xf32, #tpu.memory_space<vmem>>
    tpu.vector_store_idx %scatter3A_188[%broadcast_in_dim3A_183, %get3A_3], %broadcast_in_dim3A_4 : memref<64x512xf32, #tpu.memory_space<vmem>>[vector<16xi32>, vector<16xi32>], vector<16xf32>,
    %broadcast_in_dim3A_189 = arith.constant 16 : i32
    %broadcast_in_dim3A_190 = vector.broadcast %broadcast_in_dim3A_189 : i32 to vector<16xi32>
    %scatter3A_191 = arith.constant 0 : i32
    %scatter3A_192 = arith.constant 0 : i32
    %scatter3A_193 = arith.constant 0 : i32
    %scatter3A_194 = tpu.memref_slice %arg5[%scatter3A_191, %scatter3A_192, %scatter3A_193] : memref<3x64x512xf32, #tpu.memory_space<vmem>> -> memref<1x64x512xf32, #tpu.memory_space<vmem>>
    %scatter3A_195 = tpu.memref_squeeze %scatter3A_194 : memref<1x64x512xf32, #tpu.memory_space<vmem>> -> memref<64x512xf32, #tpu.memory_space<vmem>>
    tpu.vector_store_idx %scatter3A_195[%broadcast_in_dim3A_190, %get3A_3], %broadcast_in_dim3A_4 : memref<64x512xf32, #tpu.memory_space<vmem>>[vector<16xi32>, vector<16xi32>], vector<16xf32>,
    %broadcast_in_dim3A_196 = arith.constant 17 : i32
    %broadcast_in_dim3A_197 = vector.broadcast %broadcast_in_dim3A_196 : i32 to vector<16xi32>
    %scatter3A_198 = arith.constant 0 : i32
    %scatter3A_199 = arith.constant 0 : i32
    %scatter3A_200 = arith.constant 0 : i32
    %scatter3A_201 = tpu.memref_slice %arg5[%scatter3A_198, %scatter3A_199, %scatter3A_200] : memref<3x64x512xf32, #tpu.memory_space<vmem>> -> memref<1x64x512xf32, #tpu.memory_space<vmem>>
    %scatter3A_202 = tpu.memref_squeeze %scatter3A_201 : memref<1x64x512xf32, #tpu.memory_space<vmem>> -> memref<64x512xf32, #tpu.memory_space<vmem>>
    tpu.vector_store_idx %scatter3A_202[%broadcast_in_dim3A_197, %get3A_3], %broadcast_in_dim3A_4 : memref<64x512xf32, #tpu.memory_space<vmem>>[vector<16xi32>, vector<16xi32>], vector<16xf32>,
    %broadcast_in_dim3A_203 = arith.constant 18 : i32
    %broadcast_in_dim3A_204 = vector.broadcast %broadcast_in_dim3A_203 : i32 to vector<16xi32>
    %scatter3A_205 = arith.constant 0 : i32
    %scatter3A_206 = arith.constant 0 : i32
    %scatter3A_207 = arith.constant 0 : i32
    %scatter3A_208 = tpu.memref_slice %arg5[%scatter3A_205, %scatter3A_206, %scatter3A_207] : memref<3x64x512xf32, #tpu.memory_space<vmem>> -> memref<1x64x512xf32, #tpu.memory_space<vmem>>
    %scatter3A_209 = tpu.memref_squeeze %scatter3A_208 : memref<1x64x512xf32, #tpu.memory_space<vmem>> -> memref<64x512xf32, #tpu.memory_space<vmem>>
    tpu.vector_store_idx %scatter3A_209[%broadcast_in_dim3A_204, %get3A_3], %broadcast_in_dim3A_4 : memref<64x512xf32, #tpu.memory_space<vmem>>[vector<16xi32>, vector<16xi32>], vector<16xf32>,
    %broadcast_in_dim3A_210 = arith.constant 19 : i32
    %broadcast_in_dim3A_211 = vector.broadcast %broadcast_in_dim3A_210 : i32 to vector<16xi32>
    %scatter3A_212 = arith.constant 0 : i32
    %scatter3A_213 = arith.constant 0 : i32
    %scatter3A_214 = arith.constant 0 : i32
    %scatter3A_215 = tpu.memref_slice %arg5[%scatter3A_212, %scatter3A_213, %scatter3A_214] : memref<3x64x512xf32, #tpu.memory_space<vmem>> -> memref<1x64x512xf32, #tpu.memory_space<vmem>>
    %scatter3A_216 = tpu.memref_squeeze %scatter3A_215 : memref<1x64x512xf32, #tpu.memory_space<vmem>> -> memref<64x512xf32, #tpu.memory_space<vmem>>
    tpu.vector_store_idx %scatter3A_216[%broadcast_in_dim3A_211, %get3A_3], %broadcast_in_dim3A_4 : memref<64x512xf32, #tpu.memory_space<vmem>>[vector<16xi32>, vector<16xi32>], vector<16xf32>,
    %broadcast_in_dim3A_217 = arith.constant 20 : i32
    %broadcast_in_dim3A_218 = vector.broadcast %broadcast_in_dim3A_217 : i32 to vector<16xi32>
    %scatter3A_219 = arith.constant 0 : i32
    %scatter3A_220 = arith.constant 0 : i32
    %scatter3A_221 = arith.constant 0 : i32
    %scatter3A_222 = tpu.memref_slice %arg5[%scatter3A_219, %scatter3A_220, %scatter3A_221] : memref<3x64x512xf32, #tpu.memory_space<vmem>> -> memref<1x64x512xf32, #tpu.memory_space<vmem>>
    %scatter3A_223 = tpu.memref_squeeze %scatter3A_222 : memref<1x64x512xf32, #tpu.memory_space<vmem>> -> memref<64x512xf32, #tpu.memory_space<vmem>>
    tpu.vector_store_idx %scatter3A_223[%broadcast_in_dim3A_218, %get3A_3], %broadcast_in_dim3A_4 : memref<64x512xf32, #tpu.memory_space<vmem>>[vector<16xi32>, vector<16xi32>], vector<16xf32>,
    %broadcast_in_dim3A_224 = arith.constant 21 : i32
    %broadcast_in_dim3A_225 = vector.broadcast %broadcast_in_dim3A_224 : i32 to vector<16xi32>
    %scatter3A_226 = arith.constant 0 : i32
    %scatter3A_227 = arith.constant 0 : i32
    %scatter3A_228 = arith.constant 0 : i32
    %scatter3A_229 = tpu.memref_slice %arg5[%scatter3A_226, %scatter3A_227, %scatter3A_228] : memref<3x64x512xf32, #tpu.memory_space<vmem>> -> memref<1x64x512xf32, #tpu.memory_space<vmem>>
    %scatter3A_230 = tpu.memref_squeeze %scatter3A_229 : memref<1x64x512xf32, #tpu.memory_space<vmem>> -> memref<64x512xf32, #tpu.memory_space<vmem>>
    tpu.vector_store_idx %scatter3A_230[%broadcast_in_dim3A_225, %get3A_3], %broadcast_in_dim3A_4 : memref<64x512xf32, #tpu.memory_space<vmem>>[vector<16xi32>, vector<16xi32>], vector<16xf32>,
    %broadcast_in_dim3A_231 = arith.constant 22 : i32
    %broadcast_in_dim3A_232 = vector.broadcast %broadcast_in_dim3A_231 : i32 to vector<16xi32>
    %scatter3A_233 = arith.constant 0 : i32
    %scatter3A_234 = arith.constant 0 : i32
    %scatter3A_235 = arith.constant 0 : i32
    %scatter3A_236 = tpu.memref_slice %arg5[%scatter3A_233, %scatter3A_234, %scatter3A_235] : memref<3x64x512xf32, #tpu.memory_space<vmem>> -> memref<1x64x512xf32, #tpu.memory_space<vmem>>
    %scatter3A_237 = tpu.memref_squeeze %scatter3A_236 : memref<1x64x512xf32, #tpu.memory_space<vmem>> -> memref<64x512xf32, #tpu.memory_space<vmem>>
    tpu.vector_store_idx %scatter3A_237[%broadcast_in_dim3A_232, %get3A_3], %broadcast_in_dim3A_4 : memref<64x512xf32, #tpu.memory_space<vmem>>[vector<16xi32>, vector<16xi32>], vector<16xf32>,
    %broadcast_in_dim3A_238 = arith.constant 23 : i32
    %broadcast_in_dim3A_239 = vector.broadcast %broadcast_in_dim3A_238 : i32 to vector<16xi32>
    %scatter3A_240 = arith.constant 0 : i32
    %scatter3A_241 = arith.constant 0 : i32
    %scatter3A_242 = arith.constant 0 : i32
    %scatter3A_243 = tpu.memref_slice %arg5[%scatter3A_240, %scatter3A_241, %scatter3A_242] : memref<3x64x512xf32, #tpu.memory_space<vmem>> -> memref<1x64x512xf32, #tpu.memory_space<vmem>>
    %scatter3A_244 = tpu.memref_squeeze %scatter3A_243 : memref<1x64x512xf32, #tpu.memory_space<vmem>> -> memref<64x512xf32, #tpu.memory_space<vmem>>
    tpu.vector_store_idx %scatter3A_244[%broadcast_in_dim3A_239, %get3A_3], %broadcast_in_dim3A_4 : memref<64x512xf32, #tpu.memory_space<vmem>>[vector<16xi32>, vector<16xi32>], vector<16xf32>,
    %broadcast_in_dim3A_245 = arith.constant 24 : i32
    %broadcast_in_dim3A_246 = vector.broadcast %broadcast_in_dim3A_245 : i32 to vector<16xi32>
    %scatter3A_247 = arith.constant 0 : i32
    %scatter3A_248 = arith.constant 0 : i32
    %scatter3A_249 = arith.constant 0 : i32
    %scatter3A_250 = tpu.memref_slice %arg5[%scatter3A_247, %scatter3A_248, %scatter3A_249] : memref<3x64x512xf32, #tpu.memory_space<vmem>> -> memref<1x64x512xf32, #tpu.memory_space<vmem>>
    %scatter3A_251 = tpu.memref_squeeze %scatter3A_250 : memref<1x64x512xf32, #tpu.memory_space<vmem>> -> memref<64x512xf32, #tpu.memory_space<vmem>>
    tpu.vector_store_idx %scatter3A_251[%broadcast_in_dim3A_246, %get3A_3], %broadcast_in_dim3A_4 : memref<64x512xf32, #tpu.memory_space<vmem>>[vector<16xi32>, vector<16xi32>], vector<16xf32>,
    %broadcast_in_dim3A_252 = arith.constant 25 : i32
    %broadcast_in_dim3A_253 = vector.broadcast %broadcast_in_dim3A_252 : i32 to vector<16xi32>
    %scatter3A_254 = arith.constant 0 : i32
    %scatter3A_255 = arith.constant 0 : i32
    %scatter3A_256 = arith.constant 0 : i32
    %scatter3A_257 = tpu.memref_slice %arg5[%scatter3A_254, %scatter3A_255, %scatter3A_256] : memref<3x64x512xf32, #tpu.memory_space<vmem>> -> memref<1x64x512xf32, #tpu.memory_space<vmem>>
    %scatter3A_258 = tpu.memref_squeeze %scatter3A_257 : memref<1x64x512xf32, #tpu.memory_space<vmem>> -> memref<64x512xf32, #tpu.memory_space<vmem>>
    tpu.vector_store_idx %scatter3A_258[%broadcast_in_dim3A_253, %get3A_3], %broadcast_in_dim3A_4 : memref<64x512xf32, #tpu.memory_space<vmem>>[vector<16xi32>, vector<16xi32>], vector<16xf32>,
    %broadcast_in_dim3A_259 = arith.constant 26 : i32
    %broadcast_in_dim3A_260 = vector.broadcast %broadcast_in_dim3A_259 : i32 to vector<16xi32>
    %scatter3A_261 = arith.constant 0 : i32
    %scatter3A_262 = arith.constant 0 : i32
    %scatter3A_263 = arith.constant 0 : i32
    %scatter3A_264 = tpu.memref_slice %arg5[%scatter3A_261, %scatter3A_262, %scatter3A_263] : memref<3x64x512xf32, #tpu.memory_space<vmem>> -> memref<1x64x512xf32, #tpu.memory_space<vmem>>
    %scatter3A_265 = tpu.memref_squeeze %scatter3A_264 : memref<1x64x512xf32, #tpu.memory_space<vmem>> -> memref<64x512xf32, #tpu.memory_space<vmem>>
    tpu.vector_store_idx %scatter3A_265[%broadcast_in_dim3A_260, %get3A_3], %broadcast_in_dim3A_4 : memref<64x512xf32, #tpu.memory_space<vmem>>[vector<16xi32>, vector<16xi32>], vector<16xf32>,
    %broadcast_in_dim3A_266 = arith.constant 27 : i32
    %broadcast_in_dim3A_267 = vector.broadcast %broadcast_in_dim3A_266 : i32 to vector<16xi32>
    %scatter3A_268 = arith.constant 0 : i32
    %scatter3A_269 = arith.constant 0 : i32
    %scatter3A_270 = arith.constant 0 : i32
    %scatter3A_271 = tpu.memref_slice %arg5[%scatter3A_268, %scatter3A_269, %scatter3A_270] : memref<3x64x512xf32, #tpu.memory_space<vmem>> -> memref<1x64x512xf32, #tpu.memory_space<vmem>>
    %scatter3A_272 = tpu.memref_squeeze %scatter3A_271 : memref<1x64x512xf32, #tpu.memory_space<vmem>> -> memref<64x512xf32, #tpu.memory_space<vmem>>
    tpu.vector_store_idx %scatter3A_272[%broadcast_in_dim3A_267, %get3A_3], %broadcast_in_dim3A_4 : memref<64x512xf32, #tpu.memory_space<vmem>>[vector<16xi32>, vector<16xi32>], vector<16xf32>,
    %broadcast_in_dim3A_273 = arith.constant 28 : i32
    %broadcast_in_dim3A_274 = vector.broadcast %broadcast_in_dim3A_273 : i32 to vector<16xi32>
    %scatter3A_275 = arith.constant 0 : i32
    %scatter3A_276 = arith.constant 0 : i32
    %scatter3A_277 = arith.constant 0 : i32
    %scatter3A_278 = tpu.memref_slice %arg5[%scatter3A_275, %scatter3A_276, %scatter3A_277] : memref<3x64x512xf32, #tpu.memory_space<vmem>> -> memref<1x64x512xf32, #tpu.memory_space<vmem>>
    %scatter3A_279 = tpu.memref_squeeze %scatter3A_278 : memref<1x64x512xf32, #tpu.memory_space<vmem>> -> memref<64x512xf32, #tpu.memory_space<vmem>>
    tpu.vector_store_idx %scatter3A_279[%broadcast_in_dim3A_274, %get3A_3], %broadcast_in_dim3A_4 : memref<64x512xf32, #tpu.memory_space<vmem>>[vector<16xi32>, vector<16xi32>], vector<16xf32>,
    %broadcast_in_dim3A_280 = arith.constant 29 : i32
    %broadcast_in_dim3A_281 = vector.broadcast %broadcast_in_dim3A_280 : i32 to vector<16xi32>
    %scatter3A_282 = arith.constant 0 : i32
    %scatter3A_283 = arith.constant 0 : i32
    %scatter3A_284 = arith.constant 0 : i32
    %scatter3A_285 = tpu.memref_slice %arg5[%scatter3A_282, %scatter3A_283, %scatter3A_284] : memref<3x64x512xf32, #tpu.memory_space<vmem>> -> memref<1x64x512xf32, #tpu.memory_space<vmem>>
    %scatter3A_286 = tpu.memref_squeeze %scatter3A_285 : memref<1x64x512xf32, #tpu.memory_space<vmem>> -> memref<64x512xf32, #tpu.memory_space<vmem>>
    tpu.vector_store_idx %scatter3A_286[%broadcast_in_dim3A_281, %get3A_3], %broadcast_in_dim3A_4 : memref<64x512xf32, #tpu.memory_space<vmem>>[vector<16xi32>, vector<16xi32>], vector<16xf32>,
    %broadcast_in_dim3A_287 = arith.constant 30 : i32
    %broadcast_in_dim3A_288 = vector.broadcast %broadcast_in_dim3A_287 : i32 to vector<16xi32>
    %scatter3A_289 = arith.constant 0 : i32
    %scatter3A_290 = arith.constant 0 : i32
    %scatter3A_291 = arith.constant 0 : i32
    %scatter3A_292 = tpu.memref_slice %arg5[%scatter3A_289, %scatter3A_290, %scatter3A_291] : memref<3x64x512xf32, #tpu.memory_space<vmem>> -> memref<1x64x512xf32, #tpu.memory_space<vmem>>
    %scatter3A_293 = tpu.memref_squeeze %scatter3A_292 : memref<1x64x512xf32, #tpu.memory_space<vmem>> -> memref<64x512xf32, #tpu.memory_space<vmem>>
    tpu.vector_store_idx %scatter3A_293[%broadcast_in_dim3A_288, %get3A_3], %broadcast_in_dim3A_4 : memref<64x512xf32, #tpu.memory_space<vmem>>[vector<16xi32>, vector<16xi32>], vector<16xf32>,
    %broadcast_in_dim3A_294 = arith.constant 31 : i32
    %broadcast_in_dim3A_295 = vector.broadcast %broadcast_in_dim3A_294 : i32 to vector<16xi32>
    %scatter3A_296 = arith.constant 0 : i32
    %scatter3A_297 = arith.constant 0 : i32
    %scatter3A_298 = arith.constant 0 : i32
    %scatter3A_299 = tpu.memref_slice %arg5[%scatter3A_296, %scatter3A_297, %scatter3A_298] : memref<3x64x512xf32, #tpu.memory_space<vmem>> -> memref<1x64x512xf32, #tpu.memory_space<vmem>>
    %scatter3A_300 = tpu.memref_squeeze %scatter3A_299 : memref<1x64x512xf32, #tpu.memory_space<vmem>> -> memref<64x512xf32, #tpu.memory_space<vmem>>
    tpu.vector_store_idx %scatter3A_300[%broadcast_in_dim3A_295, %get3A_3], %broadcast_in_dim3A_4 : memref<64x512xf32, #tpu.memory_space<vmem>>[vector<16xi32>, vector<16xi32>], vector<16xf32>,
    %broadcast_in_dim3A_301 = arith.constant 32 : i32
    %broadcast_in_dim3A_302 = vector.broadcast %broadcast_in_dim3A_301 : i32 to vector<16xi32>
    %scatter3A_303 = arith.constant 0 : i32
    %scatter3A_304 = arith.constant 0 : i32
    %scatter3A_305 = arith.constant 0 : i32
    %scatter3A_306 = tpu.memref_slice %arg5[%scatter3A_303, %scatter3A_304, %scatter3A_305] : memref<3x64x512xf32, #tpu.memory_space<vmem>> -> memref<1x64x512xf32, #tpu.memory_space<vmem>>
    %scatter3A_307 = tpu.memref_squeeze %scatter3A_306 : memref<1x64x512xf32, #tpu.memory_space<vmem>> -> memref<64x512xf32, #tpu.memory_space<vmem>>
    tpu.vector_store_idx %scatter3A_307[%broadcast_in_dim3A_302, %get3A_3], %broadcast_in_dim3A_4 : memref<64x512xf32, #tpu.memory_space<vmem>>[vector<16xi32>, vector<16xi32>], vector<16xf32>,
    %broadcast_in_dim3A_308 = arith.constant 33 : i32
    %broadcast_in_dim3A_309 = vector.broadcast %broadcast_in_dim3A_308 : i32 to vector<16xi32>
    %scatter3A_310 = arith.constant 0 : i32
    %scatter3A_311 = arith.constant 0 : i32
    %scatter3A_312 = arith.constant 0 : i32
    %scatter3A_313 = tpu.memref_slice %arg5[%scatter3A_310, %scatter3A_311, %scatter3A_312] : memref<3x64x512xf32, #tpu.memory_space<vmem>> -> memref<1x64x512xf32, #tpu.memory_space<vmem>>
    %scatter3A_314 = tpu.memref_squeeze %scatter3A_313 : memref<1x64x512xf32, #tpu.memory_space<vmem>> -> memref<64x512xf32, #tpu.memory_space<vmem>>
    tpu.vector_store_idx %scatter3A_314[%broadcast_in_dim3A_309, %get3A_3], %broadcast_in_dim3A_4 : memref<64x512xf32, #tpu.memory_space<vmem>>[vector<16xi32>, vector<16xi32>], vector<16xf32>,
    %broadcast_in_dim3A_315 = arith.constant 34 : i32
    %broadcast_in_dim3A_316 = vector.broadcast %broadcast_in_dim3A_315 : i32 to vector<16xi32>
    %scatter3A_317 = arith.constant 0 : i32
    %scatter3A_318 = arith.constant 0 : i32
    %scatter3A_319 = arith.constant 0 : i32
    %scatter3A_320 = tpu.memref_slice %arg5[%scatter3A_317, %scatter3A_318, %scatter3A_319] : memref<3x64x512xf32, #tpu.memory_space<vmem>> -> memref<1x64x512xf32, #tpu.memory_space<vmem>>
    %scatter3A_321 = tpu.memref_squeeze %scatter3A_320 : memref<1x64x512xf32, #tpu.memory_space<vmem>> -> memref<64x512xf32, #tpu.memory_space<vmem>>
    tpu.vector_store_idx %scatter3A_321[%broadcast_in_dim3A_316, %get3A_3], %broadcast_in_dim3A_4 : memref<64x512xf32, #tpu.memory_space<vmem>>[vector<16xi32>, vector<16xi32>], vector<16xf32>,
    %broadcast_in_dim3A_322 = arith.constant 35 : i32
    %broadcast_in_dim3A_323 = vector.broadcast %broadcast_in_dim3A_322 : i32 to vector<16xi32>
    %scatter3A_324 = arith.constant 0 : i32
    %scatter3A_325 = arith.constant 0 : i32
    %scatter3A_326 = arith.constant 0 : i32
    %scatter3A_327 = tpu.memref_slice %arg5[%scatter3A_324, %scatter3A_325, %scatter3A_326] : memref<3x64x512xf32, #tpu.memory_space<vmem>> -> memref<1x64x512xf32, #tpu.memory_space<vmem>>
    %scatter3A_328 = tpu.memref_squeeze %scatter3A_327 : memref<1x64x512xf32, #tpu.memory_space<vmem>> -> memref<64x512xf32, #tpu.memory_space<vmem>>
    tpu.vector_store_idx %scatter3A_328[%broadcast_in_dim3A_323, %get3A_3], %broadcast_in_dim3A_4 : memref<64x512xf32, #tpu.memory_space<vmem>>[vector<16xi32>, vector<16xi32>], vector<16xf32>,
    %broadcast_in_dim3A_329 = arith.constant 36 : i32
    %broadcast_in_dim3A_330 = vector.broadcast %broadcast_in_dim3A_329 : i32 to vector<16xi32>
    %scatter3A_331 = arith.constant 0 : i32
    %scatter3A_332 = arith.constant 0 : i32
    %scatter3A_333 = arith.constant 0 : i32
    %scatter3A_334 = tpu.memref_slice %arg5[%scatter3A_331, %scatter3A_332, %scatter3A_333] : memref<3x64x512xf32, #tpu.memory_space<vmem>> -> memref<1x64x512xf32, #tpu.memory_space<vmem>>
    %scatter3A_335 = tpu.memref_squeeze %scatter3A_334 : memref<1x64x512xf32, #tpu.memory_space<vmem>> -> memref<64x512xf32, #tpu.memory_space<vmem>>
    tpu.vector_store_idx %scatter3A_335[%broadcast_in_dim3A_330, %get3A_3], %broadcast_in_dim3A_4 : memref<64x512xf32, #tpu.memory_space<vmem>>[vector<16xi32>, vector<16xi32>], vector<16xf32>,
    %broadcast_in_dim3A_336 = arith.constant 37 : i32
    %broadcast_in_dim3A_337 = vector.broadcast %broadcast_in_dim3A_336 : i32 to vector<16xi32>
    %scatter3A_338 = arith.constant 0 : i32
    %scatter3A_339 = arith.constant 0 : i32
    %scatter3A_340 = arith.constant 0 : i32
    %scatter3A_341 = tpu.memref_slice %arg5[%scatter3A_338, %scatter3A_339, %scatter3A_340] : memref<3x64x512xf32, #tpu.memory_space<vmem>> -> memref<1x64x512xf32, #tpu.memory_space<vmem>>
    %scatter3A_342 = tpu.memref_squeeze %scatter3A_341 : memref<1x64x512xf32, #tpu.memory_space<vmem>> -> memref<64x512xf32, #tpu.memory_space<vmem>>
    tpu.vector_store_idx %scatter3A_342[%broadcast_in_dim3A_337, %get3A_3], %broadcast_in_dim3A_4 : memref<64x512xf32, #tpu.memory_space<vmem>>[vector<16xi32>, vector<16xi32>], vector<16xf32>,
    %broadcast_in_dim3A_343 = arith.constant 38 : i32
    %broadcast_in_dim3A_344 = vector.broadcast %broadcast_in_dim3A_343 : i32 to vector<16xi32>
    %scatter3A_345 = arith.constant 0 : i32
    %scatter3A_346 = arith.constant 0 : i32
    %scatter3A_347 = arith.constant 0 : i32
    %scatter3A_348 = tpu.memref_slice %arg5[%scatter3A_345, %scatter3A_346, %scatter3A_347] : memref<3x64x512xf32, #tpu.memory_space<vmem>> -> memref<1x64x512xf32, #tpu.memory_space<vmem>>
    %scatter3A_349 = tpu.memref_squeeze %scatter3A_348 : memref<1x64x512xf32, #tpu.memory_space<vmem>> -> memref<64x512xf32, #tpu.memory_space<vmem>>
    tpu.vector_store_idx %scatter3A_349[%broadcast_in_dim3A_344, %get3A_3], %broadcast_in_dim3A_4 : memref<64x512xf32, #tpu.memory_space<vmem>>[vector<16xi32>, vector<16xi32>], vector<16xf32>,
    %broadcast_in_dim3A_350 = arith.constant 39 : i32
    %broadcast_in_dim3A_351 = vector.broadcast %broadcast_in_dim3A_350 : i32 to vector<16xi32>
    %scatter3A_352 = arith.constant 0 : i32
    %scatter3A_353 = arith.constant 0 : i32
    %scatter3A_354 = arith.constant 0 : i32
    %scatter3A_355 = tpu.memref_slice %arg5[%scatter3A_352, %scatter3A_353, %scatter3A_354] : memref<3x64x512xf32, #tpu.memory_space<vmem>> -> memref<1x64x512xf32, #tpu.memory_space<vmem>>
    %scatter3A_356 = tpu.memref_squeeze %scatter3A_355 : memref<1x64x512xf32, #tpu.memory_space<vmem>> -> memref<64x512xf32, #tpu.memory_space<vmem>>
    tpu.vector_store_idx %scatter3A_356[%broadcast_in_dim3A_351, %get3A_3], %broadcast_in_dim3A_4 : memref<64x512xf32, #tpu.memory_space<vmem>>[vector<16xi32>, vector<16xi32>], vector<16xf32>,
    %broadcast_in_dim3A_357 = arith.constant 40 : i32
    %broadcast_in_dim3A_358 = vector.broadcast %broadcast_in_dim3A_357 : i32 to vector<16xi32>
    %scatter3A_359 = arith.constant 0 : i32
    %scatter3A_360 = arith.constant 0 : i32
    %scatter3A_361 = arith.constant 0 : i32
    %scatter3A_362 = tpu.memref_slice %arg5[%scatter3A_359, %scatter3A_360, %scatter3A_361] : memref<3x64x512xf32, #tpu.memory_space<vmem>> -> memref<1x64x512xf32, #tpu.memory_space<vmem>>
    %scatter3A_363 = tpu.memref_squeeze %scatter3A_362 : memref<1x64x512xf32, #tpu.memory_space<vmem>> -> memref<64x512xf32, #tpu.memory_space<vmem>>
    tpu.vector_store_idx %scatter3A_363[%broadcast_in_dim3A_358, %get3A_3], %broadcast_in_dim3A_4 : memref<64x512xf32, #tpu.memory_space<vmem>>[vector<16xi32>, vector<16xi32>], vector<16xf32>,
    %broadcast_in_dim3A_364 = arith.constant 41 : i32
    %broadcast_in_dim3A_365 = vector.broadcast %broadcast_in_dim3A_364 : i32 to vector<16xi32>
    %scatter3A_366 = arith.constant 0 : i32
    %scatter3A_367 = arith.constant 0 : i32
    %scatter3A_368 = arith.constant 0 : i32
    %scatter3A_369 = tpu.memref_slice %arg5[%scatter3A_366, %scatter3A_367, %scatter3A_368] : memref<3x64x512xf32, #tpu.memory_space<vmem>> -> memref<1x64x512xf32, #tpu.memory_space<vmem>>
    %scatter3A_370 = tpu.memref_squeeze %scatter3A_369 : memref<1x64x512xf32, #tpu.memory_space<vmem>> -> memref<64x512xf32, #tpu.memory_space<vmem>>
    tpu.vector_store_idx %scatter3A_370[%broadcast_in_dim3A_365, %get3A_3], %broadcast_in_dim3A_4 : memref<64x512xf32, #tpu.memory_space<vmem>>[vector<16xi32>, vector<16xi32>], vector<16xf32>,
    %broadcast_in_dim3A_371 = arith.constant 42 : i32
    %broadcast_in_dim3A_372 = vector.broadcast %broadcast_in_dim3A_371 : i32 to vector<16xi32>
    %scatter3A_373 = arith.constant 0 : i32
    %scatter3A_374 = arith.constant 0 : i32
    %scatter3A_375 = arith.constant 0 : i32
    %scatter3A_376 = tpu.memref_slice %arg5[%scatter3A_373, %scatter3A_374, %scatter3A_375] : memref<3x64x512xf32, #tpu.memory_space<vmem>> -> memref<1x64x512xf32, #tpu.memory_space<vmem>>
    %scatter3A_377 = tpu.memref_squeeze %scatter3A_376 : memref<1x64x512xf32, #tpu.memory_space<vmem>> -> memref<64x512xf32, #tpu.memory_space<vmem>>
    tpu.vector_store_idx %scatter3A_377[%broadcast_in_dim3A_372, %get3A_3], %broadcast_in_dim3A_4 : memref<64x512xf32, #tpu.memory_space<vmem>>[vector<16xi32>, vector<16xi32>], vector<16xf32>,
    %broadcast_in_dim3A_378 = arith.constant 43 : i32
    %broadcast_in_dim3A_379 = vector.broadcast %broadcast_in_dim3A_378 : i32 to vector<16xi32>
    %scatter3A_380 = arith.constant 0 : i32
    %scatter3A_381 = arith.constant 0 : i32
    %scatter3A_382 = arith.constant 0 : i32
    %scatter3A_383 = tpu.memref_slice %arg5[%scatter3A_380, %scatter3A_381, %scatter3A_382] : memref<3x64x512xf32, #tpu.memory_space<vmem>> -> memref<1x64x512xf32, #tpu.memory_space<vmem>>
    %scatter3A_384 = tpu.memref_squeeze %scatter3A_383 : memref<1x64x512xf32, #tpu.memory_space<vmem>> -> memref<64x512xf32, #tpu.memory_space<vmem>>
    tpu.vector_store_idx %scatter3A_384[%broadcast_in_dim3A_379, %get3A_3], %broadcast_in_dim3A_4 : memref<64x512xf32, #tpu.memory_space<vmem>>[vector<16xi32>, vector<16xi32>], vector<16xf32>,
    %broadcast_in_dim3A_385 = arith.constant 44 : i32
    %broadcast_in_dim3A_386 = vector.broadcast %broadcast_in_dim3A_385 : i32 to vector<16xi32>
    %scatter3A_387 = arith.constant 0 : i32
    %scatter3A_388 = arith.constant 0 : i32
    %scatter3A_389 = arith.constant 0 : i32
    %scatter3A_390 = tpu.memref_slice %arg5[%scatter3A_387, %scatter3A_388, %scatter3A_389] : memref<3x64x512xf32, #tpu.memory_space<vmem>> -> memref<1x64x512xf32, #tpu.memory_space<vmem>>
    %scatter3A_391 = tpu.memref_squeeze %scatter3A_390 : memref<1x64x512xf32, #tpu.memory_space<vmem>> -> memref<64x512xf32, #tpu.memory_space<vmem>>
    tpu.vector_store_idx %scatter3A_391[%broadcast_in_dim3A_386, %get3A_3], %broadcast_in_dim3A_4 : memref<64x512xf32, #tpu.memory_space<vmem>>[vector<16xi32>, vector<16xi32>], vector<16xf32>,
    %broadcast_in_dim3A_392 = arith.constant 45 : i32
    %broadcast_in_dim3A_393 = vector.broadcast %broadcast_in_dim3A_392 : i32 to vector<16xi32>
    %scatter3A_394 = arith.constant 0 : i32
    %scatter3A_395 = arith.constant 0 : i32
    %scatter3A_396 = arith.constant 0 : i32
    %scatter3A_397 = tpu.memref_slice %arg5[%scatter3A_394, %scatter3A_395, %scatter3A_396] : memref<3x64x512xf32, #tpu.memory_space<vmem>> -> memref<1x64x512xf32, #tpu.memory_space<vmem>>
    %scatter3A_398 = tpu.memref_squeeze %scatter3A_397 : memref<1x64x512xf32, #tpu.memory_space<vmem>> -> memref<64x512xf32, #tpu.memory_space<vmem>>
    tpu.vector_store_idx %scatter3A_398[%broadcast_in_dim3A_393, %get3A_3], %broadcast_in_dim3A_4 : memref<64x512xf32, #tpu.memory_space<vmem>>[vector<16xi32>, vector<16xi32>], vector<16xf32>,
    %broadcast_in_dim3A_399 = arith.constant 46 : i32
    %broadcast_in_dim3A_400 = vector.broadcast %broadcast_in_dim3A_399 : i32 to vector<16xi32>
    %scatter3A_401 = arith.constant 0 : i32
    %scatter3A_402 = arith.constant 0 : i32
    %scatter3A_403 = arith.constant 0 : i32
    %scatter3A_404 = tpu.memref_slice %arg5[%scatter3A_401, %scatter3A_402, %scatter3A_403] : memref<3x64x512xf32, #tpu.memory_space<vmem>> -> memref<1x64x512xf32, #tpu.memory_space<vmem>>
    %scatter3A_405 = tpu.memref_squeeze %scatter3A_404 : memref<1x64x512xf32, #tpu.memory_space<vmem>> -> memref<64x512xf32, #tpu.memory_space<vmem>>
    tpu.vector_store_idx %scatter3A_405[%broadcast_in_dim3A_400, %get3A_3], %broadcast_in_dim3A_4 : memref<64x512xf32, #tpu.memory_space<vmem>>[vector<16xi32>, vector<16xi32>], vector<16xf32>,
    %broadcast_in_dim3A_406 = arith.constant 47 : i32
    %broadcast_in_dim3A_407 = vector.broadcast %broadcast_in_dim3A_406 : i32 to vector<16xi32>
    %scatter3A_408 = arith.constant 0 : i32
    %scatter3A_409 = arith.constant 0 : i32
    %scatter3A_410 = arith.constant 0 : i32
    %scatter3A_411 = tpu.memref_slice %arg5[%scatter3A_408, %scatter3A_409, %scatter3A_410] : memref<3x64x512xf32, #tpu.memory_space<vmem>> -> memref<1x64x512xf32, #tpu.memory_space<vmem>>
    %scatter3A_412 = tpu.memref_squeeze %scatter3A_411 : memref<1x64x512xf32, #tpu.memory_space<vmem>> -> memref<64x512xf32, #tpu.memory_space<vmem>>
    tpu.vector_store_idx %scatter3A_412[%broadcast_in_dim3A_407, %get3A_3], %broadcast_in_dim3A_4 : memref<64x512xf32, #tpu.memory_space<vmem>>[vector<16xi32>, vector<16xi32>], vector<16xf32>,
    %broadcast_in_dim3A_413 = arith.constant 48 : i32
    %broadcast_in_dim3A_414 = vector.broadcast %broadcast_in_dim3A_413 : i32 to vector<16xi32>
    %scatter3A_415 = arith.constant 0 : i32
    %scatter3A_416 = arith.constant 0 : i32
    %scatter3A_417 = arith.constant 0 : i32
    %scatter3A_418 = tpu.memref_slice %arg5[%scatter3A_415, %scatter3A_416, %scatter3A_417] : memref<3x64x512xf32, #tpu.memory_space<vmem>> -> memref<1x64x512xf32, #tpu.memory_space<vmem>>
    %scatter3A_419 = tpu.memref_squeeze %scatter3A_418 : memref<1x64x512xf32, #tpu.memory_space<vmem>> -> memref<64x512xf32, #tpu.memory_space<vmem>>
    tpu.vector_store_idx %scatter3A_419[%broadcast_in_dim3A_414, %get3A_3], %broadcast_in_dim3A_4 : memref<64x512xf32, #tpu.memory_space<vmem>>[vector<16xi32>, vector<16xi32>], vector<16xf32>,
    %broadcast_in_dim3A_420 = arith.constant 49 : i32
    %broadcast_in_dim3A_421 = vector.broadcast %broadcast_in_dim3A_420 : i32 to vector<16xi32>
    %scatter3A_422 = arith.constant 0 : i32
    %scatter3A_423 = arith.constant 0 : i32
    %scatter3A_424 = arith.constant 0 : i32
    %scatter3A_425 = tpu.memref_slice %arg5[%scatter3A_422, %scatter3A_423, %scatter3A_424] : memref<3x64x512xf32, #tpu.memory_space<vmem>> -> memref<1x64x512xf32, #tpu.memory_space<vmem>>
    %scatter3A_426 = tpu.memref_squeeze %scatter3A_425 : memref<1x64x512xf32, #tpu.memory_space<vmem>> -> memref<64x512xf32, #tpu.memory_space<vmem>>
    tpu.vector_store_idx %scatter3A_426[%broadcast_in_dim3A_421, %get3A_3], %broadcast_in_dim3A_4 : memref<64x512xf32, #tpu.memory_space<vmem>>[vector<16xi32>, vector<16xi32>], vector<16xf32>,
    %broadcast_in_dim3A_427 = arith.constant 50 : i32
    %broadcast_in_dim3A_428 = vector.broadcast %broadcast_in_dim3A_427 : i32 to vector<16xi32>
    %scatter3A_429 = arith.constant 0 : i32
    %scatter3A_430 = arith.constant 0 : i32
    %scatter3A_431 = arith.constant 0 : i32
    %scatter3A_432 = tpu.memref_slice %arg5[%scatter3A_429, %scatter3A_430, %scatter3A_431] : memref<3x64x512xf32, #tpu.memory_space<vmem>> -> memref<1x64x512xf32, #tpu.memory_space<vmem>>
    %scatter3A_433 = tpu.memref_squeeze %scatter3A_432 : memref<1x64x512xf32, #tpu.memory_space<vmem>> -> memref<64x512xf32, #tpu.memory_space<vmem>>
    tpu.vector_store_idx %scatter3A_433[%broadcast_in_dim3A_428, %get3A_3], %broadcast_in_dim3A_4 : memref<64x512xf32, #tpu.memory_space<vmem>>[vector<16xi32>, vector<16xi32>], vector<16xf32>,
    %broadcast_in_dim3A_434 = arith.constant 51 : i32
    %broadcast_in_dim3A_435 = vector.broadcast %broadcast_in_dim3A_434 : i32 to vector<16xi32>
    %scatter3A_436 = arith.constant 0 : i32
    %scatter3A_437 = arith.constant 0 : i32
    %scatter3A_438 = arith.constant 0 : i32
    %scatter3A_439 = tpu.memref_slice %arg5[%scatter3A_436, %scatter3A_437, %scatter3A_438] : memref<3x64x512xf32, #tpu.memory_space<vmem>> -> memref<1x64x512xf32, #tpu.memory_space<vmem>>
    %scatter3A_440 = tpu.memref_squeeze %scatter3A_439 : memref<1x64x512xf32, #tpu.memory_space<vmem>> -> memref<64x512xf32, #tpu.memory_space<vmem>>
    tpu.vector_store_idx %scatter3A_440[%broadcast_in_dim3A_435, %get3A_3], %broadcast_in_dim3A_4 : memref<64x512xf32, #tpu.memory_space<vmem>>[vector<16xi32>, vector<16xi32>], vector<16xf32>,
    %broadcast_in_dim3A_441 = arith.constant 52 : i32
    %broadcast_in_dim3A_442 = vector.broadcast %broadcast_in_dim3A_441 : i32 to vector<16xi32>
    %scatter3A_443 = arith.constant 0 : i32
    %scatter3A_444 = arith.constant 0 : i32
    %scatter3A_445 = arith.constant 0 : i32
    %scatter3A_446 = tpu.memref_slice %arg5[%scatter3A_443, %scatter3A_444, %scatter3A_445] : memref<3x64x512xf32, #tpu.memory_space<vmem>> -> memref<1x64x512xf32, #tpu.memory_space<vmem>>
    %scatter3A_447 = tpu.memref_squeeze %scatter3A_446 : memref<1x64x512xf32, #tpu.memory_space<vmem>> -> memref<64x512xf32, #tpu.memory_space<vmem>>
    tpu.vector_store_idx %scatter3A_447[%broadcast_in_dim3A_442, %get3A_3], %broadcast_in_dim3A_4 : memref<64x512xf32, #tpu.memory_space<vmem>>[vector<16xi32>, vector<16xi32>], vector<16xf32>,
    %broadcast_in_dim3A_448 = arith.constant 53 : i32
    %broadcast_in_dim3A_449 = vector.broadcast %broadcast_in_dim3A_448 : i32 to vector<16xi32>
    %scatter3A_450 = arith.constant 0 : i32
    %scatter3A_451 = arith.constant 0 : i32
    %scatter3A_452 = arith.constant 0 : i32
    %scatter3A_453 = tpu.memref_slice %arg5[%scatter3A_450, %scatter3A_451, %scatter3A_452] : memref<3x64x512xf32, #tpu.memory_space<vmem>> -> memref<1x64x512xf32, #tpu.memory_space<vmem>>
    %scatter3A_454 = tpu.memref_squeeze %scatter3A_453 : memref<1x64x512xf32, #tpu.memory_space<vmem>> -> memref<64x512xf32, #tpu.memory_space<vmem>>
    tpu.vector_store_idx %scatter3A_454[%broadcast_in_dim3A_449, %get3A_3], %broadcast_in_dim3A_4 : memref<64x512xf32, #tpu.memory_space<vmem>>[vector<16xi32>, vector<16xi32>], vector<16xf32>,
    %broadcast_in_dim3A_455 = arith.constant 54 : i32
    %broadcast_in_dim3A_456 = vector.broadcast %broadcast_in_dim3A_455 : i32 to vector<16xi32>
    %scatter3A_457 = arith.constant 0 : i32
    %scatter3A_458 = arith.constant 0 : i32
    %scatter3A_459 = arith.constant 0 : i32
    %scatter3A_460 = tpu.memref_slice %arg5[%scatter3A_457, %scatter3A_458, %scatter3A_459] : memref<3x64x512xf32, #tpu.memory_space<vmem>> -> memref<1x64x512xf32, #tpu.memory_space<vmem>>
    %scatter3A_461 = tpu.memref_squeeze %scatter3A_460 : memref<1x64x512xf32, #tpu.memory_space<vmem>> -> memref<64x512xf32, #tpu.memory_space<vmem>>
    tpu.vector_store_idx %scatter3A_461[%broadcast_in_dim3A_456, %get3A_3], %broadcast_in_dim3A_4 : memref<64x512xf32, #tpu.memory_space<vmem>>[vector<16xi32>, vector<16xi32>], vector<16xf32>,
    %broadcast_in_dim3A_462 = arith.constant 55 : i32
    %broadcast_in_dim3A_463 = vector.broadcast %broadcast_in_dim3A_462 : i32 to vector<16xi32>
    %scatter3A_464 = arith.constant 0 : i32
    %scatter3A_465 = arith.constant 0 : i32
    %scatter3A_466 = arith.constant 0 : i32
    %scatter3A_467 = tpu.memref_slice %arg5[%scatter3A_464, %scatter3A_465, %scatter3A_466] : memref<3x64x512xf32, #tpu.memory_space<vmem>> -> memref<1x64x512xf32, #tpu.memory_space<vmem>>
    %scatter3A_468 = tpu.memref_squeeze %scatter3A_467 : memref<1x64x512xf32, #tpu.memory_space<vmem>> -> memref<64x512xf32, #tpu.memory_space<vmem>>
    tpu.vector_store_idx %scatter3A_468[%broadcast_in_dim3A_463, %get3A_3], %broadcast_in_dim3A_4 : memref<64x512xf32, #tpu.memory_space<vmem>>[vector<16xi32>, vector<16xi32>], vector<16xf32>,
    %broadcast_in_dim3A_469 = arith.constant 56 : i32
    %broadcast_in_dim3A_470 = vector.broadcast %broadcast_in_dim3A_469 : i32 to vector<16xi32>
    %scatter3A_471 = arith.constant 0 : i32
    %scatter3A_472 = arith.constant 0 : i32
    %scatter3A_473 = arith.constant 0 : i32
    %scatter3A_474 = tpu.memref_slice %arg5[%scatter3A_471, %scatter3A_472, %scatter3A_473] : memref<3x64x512xf32, #tpu.memory_space<vmem>> -> memref<1x64x512xf32, #tpu.memory_space<vmem>>
    %scatter3A_475 = tpu.memref_squeeze %scatter3A_474 : memref<1x64x512xf32, #tpu.memory_space<vmem>> -> memref<64x512xf32, #tpu.memory_space<vmem>>
    tpu.vector_store_idx %scatter3A_475[%broadcast_in_dim3A_470, %get3A_3], %broadcast_in_dim3A_4 : memref<64x512xf32, #tpu.memory_space<vmem>>[vector<16xi32>, vector<16xi32>], vector<16xf32>,
    %broadcast_in_dim3A_476 = arith.constant 57 : i32
    %broadcast_in_dim3A_477 = vector.broadcast %broadcast_in_dim3A_476 : i32 to vector<16xi32>
    %scatter3A_478 = arith.constant 0 : i32
    %scatter3A_479 = arith.constant 0 : i32
    %scatter3A_480 = arith.constant 0 : i32
    %scatter3A_481 = tpu.memref_slice %arg5[%scatter3A_478, %scatter3A_479, %scatter3A_480] : memref<3x64x512xf32, #tpu.memory_space<vmem>> -> memref<1x64x512xf32, #tpu.memory_space<vmem>>
    %scatter3A_482 = tpu.memref_squeeze %scatter3A_481 : memref<1x64x512xf32, #tpu.memory_space<vmem>> -> memref<64x512xf32, #tpu.memory_space<vmem>>
    tpu.vector_store_idx %scatter3A_482[%broadcast_in_dim3A_477, %get3A_3], %broadcast_in_dim3A_4 : memref<64x512xf32, #tpu.memory_space<vmem>>[vector<16xi32>, vector<16xi32>], vector<16xf32>,
    %broadcast_in_dim3A_483 = arith.constant 58 : i32
    %broadcast_in_dim3A_484 = vector.broadcast %broadcast_in_dim3A_483 : i32 to vector<16xi32>
    %scatter3A_485 = arith.constant 0 : i32
    %scatter3A_486 = arith.constant 0 : i32
    %scatter3A_487 = arith.constant 0 : i32
    %scatter3A_488 = tpu.memref_slice %arg5[%scatter3A_485, %scatter3A_486, %scatter3A_487] : memref<3x64x512xf32, #tpu.memory_space<vmem>> -> memref<1x64x512xf32, #tpu.memory_space<vmem>>
    %scatter3A_489 = tpu.memref_squeeze %scatter3A_488 : memref<1x64x512xf32, #tpu.memory_space<vmem>> -> memref<64x512xf32, #tpu.memory_space<vmem>>
    tpu.vector_store_idx %scatter3A_489[%broadcast_in_dim3A_484, %get3A_3], %broadcast_in_dim3A_4 : memref<64x512xf32, #tpu.memory_space<vmem>>[vector<16xi32>, vector<16xi32>], vector<16xf32>,
    %broadcast_in_dim3A_490 = arith.constant 59 : i32
    %broadcast_in_dim3A_491 = vector.broadcast %broadcast_in_dim3A_490 : i32 to vector<16xi32>
    %scatter3A_492 = arith.constant 0 : i32
    %scatter3A_493 = arith.constant 0 : i32
    %scatter3A_494 = arith.constant 0 : i32
    %scatter3A_495 = tpu.memref_slice %arg5[%scatter3A_492, %scatter3A_493, %scatter3A_494] : memref<3x64x512xf32, #tpu.memory_space<vmem>> -> memref<1x64x512xf32, #tpu.memory_space<vmem>>
    %scatter3A_496 = tpu.memref_squeeze %scatter3A_495 : memref<1x64x512xf32, #tpu.memory_space<vmem>> -> memref<64x512xf32, #tpu.memory_space<vmem>>
    tpu.vector_store_idx %scatter3A_496[%broadcast_in_dim3A_491, %get3A_3], %broadcast_in_dim3A_4 : memref<64x512xf32, #tpu.memory_space<vmem>>[vector<16xi32>, vector<16xi32>], vector<16xf32>,
    %broadcast_in_dim3A_497 = arith.constant 60 : i32
    %broadcast_in_dim3A_498 = vector.broadcast %broadcast_in_dim3A_497 : i32 to vector<16xi32>
    %scatter3A_499 = arith.constant 0 : i32
    %scatter3A_500 = arith.constant 0 : i32
    %scatter3A_501 = arith.constant 0 : i32
    %scatter3A_502 = tpu.memref_slice %arg5[%scatter3A_499, %scatter3A_500, %scatter3A_501] : memref<3x64x512xf32, #tpu.memory_space<vmem>> -> memref<1x64x512xf32, #tpu.memory_space<vmem>>
    %scatter3A_503 = tpu.memref_squeeze %scatter3A_502 : memref<1x64x512xf32, #tpu.memory_space<vmem>> -> memref<64x512xf32, #tpu.memory_space<vmem>>
    tpu.vector_store_idx %scatter3A_503[%broadcast_in_dim3A_498, %get3A_3], %broadcast_in_dim3A_4 : memref<64x512xf32, #tpu.memory_space<vmem>>[vector<16xi32>, vector<16xi32>], vector<16xf32>,
    %broadcast_in_dim3A_504 = arith.constant 61 : i32
    %broadcast_in_dim3A_505 = vector.broadcast %broadcast_in_dim3A_504 : i32 to vector<16xi32>
    %scatter3A_506 = arith.constant 0 : i32
    %scatter3A_507 = arith.constant 0 : i32
    %scatter3A_508 = arith.constant 0 : i32
    %scatter3A_509 = tpu.memref_slice %arg5[%scatter3A_506, %scatter3A_507, %scatter3A_508] : memref<3x64x512xf32, #tpu.memory_space<vmem>> -> memref<1x64x512xf32, #tpu.memory_space<vmem>>
    %scatter3A_510 = tpu.memref_squeeze %scatter3A_509 : memref<1x64x512xf32, #tpu.memory_space<vmem>> -> memref<64x512xf32, #tpu.memory_space<vmem>>
    tpu.vector_store_idx %scatter3A_510[%broadcast_in_dim3A_505, %get3A_3], %broadcast_in_dim3A_4 : memref<64x512xf32, #tpu.memory_space<vmem>>[vector<16xi32>, vector<16xi32>], vector<16xf32>,
    %broadcast_in_dim3A_511 = arith.constant 62 : i32
    %broadcast_in_dim3A_512 = vector.broadcast %broadcast_in_dim3A_511 : i32 to vector<16xi32>
    %scatter3A_513 = arith.constant 0 : i32
    %scatter3A_514 = arith.constant 0 : i32
    %scatter3A_515 = arith.constant 0 : i32
    %scatter3A_516 = tpu.memref_slice %arg5[%scatter3A_513, %scatter3A_514, %scatter3A_515] : memref<3x64x512xf32, #tpu.memory_space<vmem>> -> memref<1x64x512xf32, #tpu.memory_space<vmem>>
    %scatter3A_517 = tpu.memref_squeeze %scatter3A_516 : memref<1x64x512xf32, #tpu.memory_space<vmem>> -> memref<64x512xf32, #tpu.memory_space<vmem>>
    tpu.vector_store_idx %scatter3A_517[%broadcast_in_dim3A_512, %get3A_3], %broadcast_in_dim3A_4 : memref<64x512xf32, #tpu.memory_space<vmem>>[vector<16xi32>, vector<16xi32>], vector<16xf32>,
    %broadcast_in_dim3A_518 = arith.constant 63 : i32
    %broadcast_in_dim3A_519 = vector.broadcast %broadcast_in_dim3A_518 : i32 to vector<16xi32>
    %scatter3A_520 = arith.constant 0 : i32
    %scatter3A_521 = arith.constant 0 : i32
    %scatter3A_522 = arith.constant 0 : i32
    %scatter3A_523 = tpu.memref_slice %arg5[%scatter3A_520, %scatter3A_521, %scatter3A_522] : memref<3x64x512xf32, #tpu.memory_space<vmem>> -> memref<1x64x512xf32, #tpu.memory_space<vmem>>
    %scatter3A_524 = tpu.memref_squeeze %scatter3A_523 : memref<1x64x512xf32, #tpu.memory_space<vmem>> -> memref<64x512xf32, #tpu.memory_space<vmem>>
    tpu.vector_store_idx %scatter3A_524[%broadcast_in_dim3A_519, %get3A_3], %broadcast_in_dim3A_4 : memref<64x512xf32, #tpu.memory_space<vmem>>[vector<16xi32>, vector<16xi32>], vector<16xf32>,
    %mul3A_525 = arith.constant 30 : i32
    %mul3A_526 = arith.constant 64 : i32
    %mul3A_527 = arith.muli %mul3A_525, %mul3A_526 : i32
    %add3A_528 = arith.addi %mul3A_2, %mul3A_527 : i32
    %dma_start3A_529 = arith.constant 0 : i32
    %dma_start3A_530 = arith.constant 0 : i32
    %dma_start3A_531 = arith.constant 0 : i32
    %dma_start3A_532 = tpu.memref_slice %arg5[%dma_start3A_529, %dma_start3A_530, %dma_start3A_531] : memref<3x64x512xf32, #tpu.memory_space<vmem>> -> memref<1x64x512xf32, #tpu.memory_space<vmem>>
    %dma_start3A_533 = tpu.memref_squeeze %dma_start3A_532 : memref<1x64x512xf32, #tpu.memory_space<vmem>> -> memref<64x512xf32, #tpu.memory_space<vmem>>
    %dma_start3A_534 = arith.constant 0 : i32
    %dma_start3A_535 = tpu.memref_slice %arg4[%add3A_528, %dma_start3A_534] : memref<65536x512xf32, #tpu.memory_space<hbm>> -> memref<64x512xf32, #tpu.memory_space<hbm>>
    %dma_start3A_536 = arith.constant 0 : i32
    %dma_start3A_537 = tpu.memref_slice %arg4[%add3A_528, %dma_start3A_536] : memref<65536x512xf32, #tpu.memory_space<hbm>> -> memref<64x512xf32, #tpu.memory_space<hbm>>
    %dma_start3A_538 = arith.constant 0 : i32
    %dma_start3A_539 = arith.constant 0 : i32
    %dma_start3A_540 = tpu.memref_slice %arg5[%dma_start3A_529, %dma_start3A_538, %dma_start3A_539] : memref<3x64x512xf32, #tpu.memory_space<vmem>> -> memref<1x64x512xf32, #tpu.memory_space<vmem>>
    %dma_start3A_541 = tpu.memref_squeeze %dma_start3A_540 : memref<1x64x512xf32, #tpu.memory_space<vmem>> -> memref<64x512xf32, #tpu.memory_space<vmem>>
    tpu.enqueue_dma source(%dma_start3A_541 : memref<64x512xf32, #tpu.memory_space<vmem>>) target(%dma_start3A_537 : memref<64x512xf32, #tpu.memory_space<hbm>>) target_semaphore(%arg10 : memref<!tpu.dma_semaphore, #tpu.memory_space<semaphore_mem>>)
    %ge3A_542 = arith.constant 31 : i32
    %ge3A_543 = arith.constant 2 : i32
    %ge3A_544 = arith.cmpi sge, %ge3A_542, %ge3A_543 : i32
    %add3A_545 = arith.constant 31 : i32
    %add3A_546 = arith.constant 1 : i32
    %add3A_547 = arith.addi %add3A_545, %add3A_546 : i32
    %lt3A_548 = arith.constant 32 : i32
    %lt3A_549 = arith.cmpi slt, %add3A_547, %lt3A_548 : i32
    %and3A_550 = arith.andi %ge3A_544, %lt3A_549 : i1
    %convert_element_type3A_551 = arith.extui %and3A_550 : i1 to i32
    %cond3A_552 = arith.constant 31 : i32
    %cond3A_553 = arith.constant 0 : i32
    %cond3A_554 = arith.cmpi ne, %convert_element_type3A_551, %cond3A_553 : i32
    scf.if %cond3A_554 {
      %dma_wait3A_1097 = arith.constant 2 : i32
      %dma_wait3A_1098 = arith.constant 0 : i32
      %dma_wait3A_1099 = arith.constant 0 : i32
      %dma_wait3A_1100 = tpu.memref_slice %arg5[%dma_wait3A_1097, %dma_wait3A_1098, %dma_wait3A_1099] : memref<3x64x512xf32, #tpu.memory_space<vmem>> -> memref<1x64x512xf32, #tpu.memory_space<vmem>>
      %dma_wait3A_1101 = tpu.memref_squeeze %dma_wait3A_1100 : memref<1x64x512xf32, #tpu.memory_space<vmem>> -> memref<64x512xf32, #tpu.memory_space<vmem>>
      %dma_wait3A_1102 = arith.constant 0 : i32
      %dma_wait3A_1103 = arith.constant 0 : i32
      %dma_wait3A_1104 = tpu.memref_slice %arg4[%dma_wait3A_1102, %dma_wait3A_1103] : memref<65536x512xf32, #tpu.memory_space<hbm>> -> memref<64x512xf32, #tpu.memory_space<hbm>>
      %dma_wait3A_1105 = arith.constant 0 : i32
      %dma_wait3A_1106 = arith.constant 0 : i32
      %dma_wait3A_1107 = tpu.memref_slice %arg4[%dma_wait3A_1105, %dma_wait3A_1106] : memref<65536x512xf32, #tpu.memory_space<hbm>> -> memref<64x512xf32, #tpu.memory_space<hbm>>
      %dma_wait3A_1108 = arith.constant 0 : i32
      %dma_wait3A_1109 = arith.constant 0 : i32
      %dma_wait3A_1110 = tpu.memref_slice %arg5[%dma_wait3A_1097, %dma_wait3A_1108, %dma_wait3A_1109] : memref<3x64x512xf32, #tpu.memory_space<vmem>> -> memref<1x64x512xf32, #tpu.memory_space<vmem>>
      %dma_wait3A_1111 = tpu.memref_squeeze %dma_wait3A_1110 : memref<1x64x512xf32, #tpu.memory_space<vmem>> -> memref<64x512xf32, #tpu.memory_space<vmem>>
      tpu.wait_dma2 semaphore(%arg12 : memref<!tpu.dma_semaphore, #tpu.memory_space<semaphore_mem>>) src(%dma_wait3A_1111 : memref<64x512xf32, #tpu.memory_space<vmem>>) dst(%dma_wait3A_1107 : memref<64x512xf32, #tpu.memory_space<hbm>>)
      %add3A_1112 = arith.constant 1 : i32
      %add3A_1113 = arith.addi %cond3A_552, %add3A_1112 : i32
      %mul3A_1114 = arith.constant 64 : i32
      %mul3A_1115 = arith.muli %add3A_1113, %mul3A_1114 : i32
      %add3A_1116 = arith.addi %mul3A_2, %mul3A_1115 : i32
      %dma_start3A_1117 = arith.constant 2 : i32
      %dma_start3A_1118 = arith.constant 0 : i32
      %dma_start3A_1119 = arith.constant 0 : i32
      %dma_start3A_1120 = tpu.memref_slice %arg5[%dma_start3A_1117, %dma_start3A_1118, %dma_start3A_1119] : memref<3x64x512xf32, #tpu.memory_space<vmem>> -> memref<1x64x512xf32, #tpu.memory_space<vmem>>
      %dma_start3A_1121 = tpu.memref_squeeze %dma_start3A_1120 : memref<1x64x512xf32, #tpu.memory_space<vmem>> -> memref<64x512xf32, #tpu.memory_space<vmem>>
      %dma_start3A_1122 = arith.constant 0 : i32
      %dma_start3A_1123 = tpu.memref_slice %arg2[%add3A_1116, %dma_start3A_1122] : memref<65536x512xf32, #tpu.memory_space<hbm>> -> memref<64x512xf32, #tpu.memory_space<hbm>>
      %dma_start3A_1124 = arith.constant 0 : i32
      %dma_start3A_1125 = arith.constant 0 : i32
      %dma_start3A_1126 = tpu.memref_slice %arg5[%dma_start3A_1117, %dma_start3A_1124, %dma_start3A_1125] : memref<3x64x512xf32, #tpu.memory_space<vmem>> -> memref<1x64x512xf32, #tpu.memory_space<vmem>>
      %dma_start3A_1127 = tpu.memref_squeeze %dma_start3A_1126 : memref<1x64x512xf32, #tpu.memory_space<vmem>> -> memref<64x512xf32, #tpu.memory_space<vmem>>
      %dma_start3A_1128 = arith.constant 0 : i32
      %dma_start3A_1129 = tpu.memref_slice %arg2[%add3A_1116, %dma_start3A_1128] : memref<65536x512xf32, #tpu.memory_space<hbm>> -> memref<64x512xf32, #tpu.memory_space<hbm>>
      tpu.enqueue_dma source(%dma_start3A_1129 : memref<64x512xf32, #tpu.memory_space<hbm>>) target(%dma_start3A_1127 : memref<64x512xf32, #tpu.memory_space<vmem>>) target_semaphore(%arg9 : memref<!tpu.dma_semaphore, #tpu.memory_space<semaphore_mem>>)
    } else {
    }
    %ge3A_555 = arith.constant 31 : i32
    %ge3A_556 = arith.constant 1 : i32
    %ge3A_557 = arith.cmpi sge, %ge3A_555, %ge3A_556 : i32
    %lt3A_558 = arith.constant 31 : i32
    %lt3A_559 = arith.constant 2 : i32
    %lt3A_560 = arith.cmpi slt, %lt3A_558, %lt3A_559 : i32
    %and3A_561 = arith.andi %ge3A_557, %lt3A_560 : i1
    %add3A_562 = arith.constant 31 : i32
    %add3A_563 = arith.constant 1 : i32
    %add3A_564 = arith.addi %add3A_562, %add3A_563 : i32
    %lt3A_565 = arith.constant 32 : i32
    %lt3A_566 = arith.cmpi slt, %add3A_564, %lt3A_565 : i32
    %and3A_567 = arith.andi %and3A_561, %lt3A_566 : i1
    %convert_element_type3A_568 = arith.extui %and3A_567 : i1 to i32
    %cond3A_569 = arith.constant 31 : i32
    %cond3A_570 = arith.constant 0 : i32
    %cond3A_571 = arith.cmpi ne, %convert_element_type3A_568, %cond3A_570 : i32
    scf.if %cond3A_571 {
      %add3A_1097 = arith.constant 1 : i32
      %add3A_1098 = arith.addi %cond3A_569, %add3A_1097 : i32
      %mul3A_1099 = arith.constant 64 : i32
      %mul3A_1100 = arith.muli %add3A_1098, %mul3A_1099 : i32
      %add3A_1101 = arith.addi %mul3A_2, %mul3A_1100 : i32
      %dma_start3A_1102 = arith.constant 2 : i32
      %dma_start3A_1103 = arith.constant 0 : i32
      %dma_start3A_1104 = arith.constant 0 : i32
      %dma_start3A_1105 = tpu.memref_slice %arg5[%dma_start3A_1102, %dma_start3A_1103, %dma_start3A_1104] : memref<3x64x512xf32, #tpu.memory_space<vmem>> -> memref<1x64x512xf32, #tpu.memory_space<vmem>>
      %dma_start3A_1106 = tpu.memref_squeeze %dma_start3A_1105 : memref<1x64x512xf32, #tpu.memory_space<vmem>> -> memref<64x512xf32, #tpu.memory_space<vmem>>
      %dma_start3A_1107 = arith.constant 0 : i32
      %dma_start3A_1108 = tpu.memref_slice %arg2[%add3A_1101, %dma_start3A_1107] : memref<65536x512xf32, #tpu.memory_space<hbm>> -> memref<64x512xf32, #tpu.memory_space<hbm>>
      %dma_start3A_1109 = arith.constant 0 : i32
      %dma_start3A_1110 = arith.constant 0 : i32
      %dma_start3A_1111 = tpu.memref_slice %arg5[%dma_start3A_1102, %dma_start3A_1109, %dma_start3A_1110] : memref<3x64x512xf32, #tpu.memory_space<vmem>> -> memref<1x64x512xf32, #tpu.memory_space<vmem>>
      %dma_start3A_1112 = tpu.memref_squeeze %dma_start3A_1111 : memref<1x64x512xf32, #tpu.memory_space<vmem>> -> memref<64x512xf32, #tpu.memory_space<vmem>>
      %dma_start3A_1113 = arith.constant 0 : i32
      %dma_start3A_1114 = tpu.memref_slice %arg2[%add3A_1101, %dma_start3A_1113] : memref<65536x512xf32, #tpu.memory_space<hbm>> -> memref<64x512xf32, #tpu.memory_space<hbm>>
      tpu.enqueue_dma source(%dma_start3A_1114 : memref<64x512xf32, #tpu.memory_space<hbm>>) target(%dma_start3A_1112 : memref<64x512xf32, #tpu.memory_space<vmem>>) target_semaphore(%arg9 : memref<!tpu.dma_semaphore, #tpu.memory_space<semaphore_mem>>)
    } else {
    }
    %dma_wait3A_572 = arith.constant 1 : i32
    %dma_wait3A_573 = arith.constant 0 : i32
    %dma_wait3A_574 = arith.constant 0 : i32
    %dma_wait3A_575 = tpu.memref_slice %arg5[%dma_wait3A_572, %dma_wait3A_573, %dma_wait3A_574] : memref<3x64x512xf32, #tpu.memory_space<vmem>> -> memref<1x64x512xf32, #tpu.memory_space<vmem>>
    %dma_wait3A_576 = tpu.memref_squeeze %dma_wait3A_575 : memref<1x64x512xf32, #tpu.memory_space<vmem>> -> memref<64x512xf32, #tpu.memory_space<vmem>>
    %dma_wait3A_577 = arith.constant 0 : i32
    %dma_wait3A_578 = arith.constant 0 : i32
    %dma_wait3A_579 = tpu.memref_slice %arg2[%dma_wait3A_577, %dma_wait3A_578] : memref<65536x512xf32, #tpu.memory_space<hbm>> -> memref<64x512xf32, #tpu.memory_space<hbm>>
    %dma_wait3A_580 = arith.constant 0 : i32
    %dma_wait3A_581 = arith.constant 0 : i32
    %dma_wait3A_582 = tpu.memref_slice %arg5[%dma_wait3A_572, %dma_wait3A_580, %dma_wait3A_581] : memref<3x64x512xf32, #tpu.memory_space<vmem>> -> memref<1x64x512xf32, #tpu.memory_space<vmem>>
    %dma_wait3A_583 = tpu.memref_squeeze %dma_wait3A_582 : memref<1x64x512xf32, #tpu.memory_space<vmem>> -> memref<64x512xf32, #tpu.memory_space<vmem>>
    %dma_wait3A_584 = arith.constant 0 : i32
    %dma_wait3A_585 = arith.constant 0 : i32
    %dma_wait3A_586 = tpu.memref_slice %arg2[%dma_wait3A_584, %dma_wait3A_585] : memref<65536x512xf32, #tpu.memory_space<hbm>> -> memref<64x512xf32, #tpu.memory_space<hbm>>
    tpu.wait_dma2 semaphore(%arg8 : memref<!tpu.dma_semaphore, #tpu.memory_space<semaphore_mem>>) src(%dma_wait3A_586 : memref<64x512xf32, #tpu.memory_space<hbm>>) dst(%dma_wait3A_583 : memref<64x512xf32, #tpu.memory_space<vmem>>)
    %broadcast_in_dim3A_587 = arith.constant 0 : i32
    %broadcast_in_dim3A_588 = vector.broadcast %broadcast_in_dim3A_587 : i32 to vector<16xi32>
    %scatter3A_589 = arith.constant 1 : i32
    %scatter3A_590 = arith.constant 0 : i32
    %scatter3A_591 = arith.constant 0 : i32
    %scatter3A_592 = tpu.memref_slice %arg5[%scatter3A_589, %scatter3A_590, %scatter3A_591] : memref<3x64x512xf32, #tpu.memory_space<vmem>> -> memref<1x64x512xf32, #tpu.memory_space<vmem>>
    %scatter3A_593 = tpu.memref_squeeze %scatter3A_592 : memref<1x64x512xf32, #tpu.memory_space<vmem>> -> memref<64x512xf32, #tpu.memory_space<vmem>>
    tpu.vector_store_idx %scatter3A_593[%broadcast_in_dim3A_588, %get3A_3], %broadcast_in_dim3A_4 : memref<64x512xf32, #tpu.memory_space<vmem>>[vector<16xi32>, vector<16xi32>], vector<16xf32>,
    %broadcast_in_dim3A_594 = arith.constant 1 : i32
    %broadcast_in_dim3A_595 = vector.broadcast %broadcast_in_dim3A_594 : i32 to vector<16xi32>
    %scatter3A_596 = arith.constant 1 : i32
    %scatter3A_597 = arith.constant 0 : i32
    %scatter3A_598 = arith.constant 0 : i32
    %scatter3A_599 = tpu.memref_slice %arg5[%scatter3A_596, %scatter3A_597, %scatter3A_598] : memref<3x64x512xf32, #tpu.memory_space<vmem>> -> memref<1x64x512xf32, #tpu.memory_space<vmem>>
    %scatter3A_600 = tpu.memref_squeeze %scatter3A_599 : memref<1x64x512xf32, #tpu.memory_space<vmem>> -> memref<64x512xf32, #tpu.memory_space<vmem>>
    tpu.vector_store_idx %scatter3A_600[%broadcast_in_dim3A_595, %get3A_3], %broadcast_in_dim3A_4 : memref<64x512xf32, #tpu.memory_space<vmem>>[vector<16xi32>, vector<16xi32>], vector<16xf32>,
    %broadcast_in_dim3A_601 = arith.constant 2 : i32
    %broadcast_in_dim3A_602 = vector.broadcast %broadcast_in_dim3A_601 : i32 to vector<16xi32>
    %scatter3A_603 = arith.constant 1 : i32
    %scatter3A_604 = arith.constant 0 : i32
    %scatter3A_605 = arith.constant 0 : i32
    %scatter3A_606 = tpu.memref_slice %arg5[%scatter3A_603, %scatter3A_604, %scatter3A_605] : memref<3x64x512xf32, #tpu.memory_space<vmem>> -> memref<1x64x512xf32, #tpu.memory_space<vmem>>
    %scatter3A_607 = tpu.memref_squeeze %scatter3A_606 : memref<1x64x512xf32, #tpu.memory_space<vmem>> -> memref<64x512xf32, #tpu.memory_space<vmem>>
    tpu.vector_store_idx %scatter3A_607[%broadcast_in_dim3A_602, %get3A_3], %broadcast_in_dim3A_4 : memref<64x512xf32, #tpu.memory_space<vmem>>[vector<16xi32>, vector<16xi32>], vector<16xf32>,
    %broadcast_in_dim3A_608 = arith.constant 3 : i32
    %broadcast_in_dim3A_609 = vector.broadcast %broadcast_in_dim3A_608 : i32 to vector<16xi32>
    %scatter3A_610 = arith.constant 1 : i32
    %scatter3A_611 = arith.constant 0 : i32
    %scatter3A_612 = arith.constant 0 : i32
    %scatter3A_613 = tpu.memref_slice %arg5[%scatter3A_610, %scatter3A_611, %scatter3A_612] : memref<3x64x512xf32, #tpu.memory_space<vmem>> -> memref<1x64x512xf32, #tpu.memory_space<vmem>>
    %scatter3A_614 = tpu.memref_squeeze %scatter3A_613 : memref<1x64x512xf32, #tpu.memory_space<vmem>> -> memref<64x512xf32, #tpu.memory_space<vmem>>
    tpu.vector_store_idx %scatter3A_614[%broadcast_in_dim3A_609, %get3A_3], %broadcast_in_dim3A_4 : memref<64x512xf32, #tpu.memory_space<vmem>>[vector<16xi32>, vector<16xi32>], vector<16xf32>,
    %broadcast_in_dim3A_615 = arith.constant 4 : i32
    %broadcast_in_dim3A_616 = vector.broadcast %broadcast_in_dim3A_615 : i32 to vector<16xi32>
    %scatter3A_617 = arith.constant 1 : i32
    %scatter3A_618 = arith.constant 0 : i32
    %scatter3A_619 = arith.constant 0 : i32
    %scatter3A_620 = tpu.memref_slice %arg5[%scatter3A_617, %scatter3A_618, %scatter3A_619] : memref<3x64x512xf32, #tpu.memory_space<vmem>> -> memref<1x64x512xf32, #tpu.memory_space<vmem>>
    %scatter3A_621 = tpu.memref_squeeze %scatter3A_620 : memref<1x64x512xf32, #tpu.memory_space<vmem>> -> memref<64x512xf32, #tpu.memory_space<vmem>>
    tpu.vector_store_idx %scatter3A_621[%broadcast_in_dim3A_616, %get3A_3], %broadcast_in_dim3A_4 : memref<64x512xf32, #tpu.memory_space<vmem>>[vector<16xi32>, vector<16xi32>], vector<16xf32>,
    %broadcast_in_dim3A_622 = arith.constant 5 : i32
    %broadcast_in_dim3A_623 = vector.broadcast %broadcast_in_dim3A_622 : i32 to vector<16xi32>
    %scatter3A_624 = arith.constant 1 : i32
    %scatter3A_625 = arith.constant 0 : i32
    %scatter3A_626 = arith.constant 0 : i32
    %scatter3A_627 = tpu.memref_slice %arg5[%scatter3A_624, %scatter3A_625, %scatter3A_626] : memref<3x64x512xf32, #tpu.memory_space<vmem>> -> memref<1x64x512xf32, #tpu.memory_space<vmem>>
    %scatter3A_628 = tpu.memref_squeeze %scatter3A_627 : memref<1x64x512xf32, #tpu.memory_space<vmem>> -> memref<64x512xf32, #tpu.memory_space<vmem>>
    tpu.vector_store_idx %scatter3A_628[%broadcast_in_dim3A_623, %get3A_3], %broadcast_in_dim3A_4 : memref<64x512xf32, #tpu.memory_space<vmem>>[vector<16xi32>, vector<16xi32>], vector<16xf32>,
    %broadcast_in_dim3A_629 = arith.constant 6 : i32
    %broadcast_in_dim3A_630 = vector.broadcast %broadcast_in_dim3A_629 : i32 to vector<16xi32>
    %scatter3A_631 = arith.constant 1 : i32
    %scatter3A_632 = arith.constant 0 : i32
    %scatter3A_633 = arith.constant 0 : i32
    %scatter3A_634 = tpu.memref_slice %arg5[%scatter3A_631, %scatter3A_632, %scatter3A_633] : memref<3x64x512xf32, #tpu.memory_space<vmem>> -> memref<1x64x512xf32, #tpu.memory_space<vmem>>
    %scatter3A_635 = tpu.memref_squeeze %scatter3A_634 : memref<1x64x512xf32, #tpu.memory_space<vmem>> -> memref<64x512xf32, #tpu.memory_space<vmem>>
    tpu.vector_store_idx %scatter3A_635[%broadcast_in_dim3A_630, %get3A_3], %broadcast_in_dim3A_4 : memref<64x512xf32, #tpu.memory_space<vmem>>[vector<16xi32>, vector<16xi32>], vector<16xf32>,
    %broadcast_in_dim3A_636 = arith.constant 7 : i32
    %broadcast_in_dim3A_637 = vector.broadcast %broadcast_in_dim3A_636 : i32 to vector<16xi32>
    %scatter3A_638 = arith.constant 1 : i32
    %scatter3A_639 = arith.constant 0 : i32
    %scatter3A_640 = arith.constant 0 : i32
    %scatter3A_641 = tpu.memref_slice %arg5[%scatter3A_638, %scatter3A_639, %scatter3A_640] : memref<3x64x512xf32, #tpu.memory_space<vmem>> -> memref<1x64x512xf32, #tpu.memory_space<vmem>>
    %scatter3A_642 = tpu.memref_squeeze %scatter3A_641 : memref<1x64x512xf32, #tpu.memory_space<vmem>> -> memref<64x512xf32, #tpu.memory_space<vmem>>
    tpu.vector_store_idx %scatter3A_642[%broadcast_in_dim3A_637, %get3A_3], %broadcast_in_dim3A_4 : memref<64x512xf32, #tpu.memory_space<vmem>>[vector<16xi32>, vector<16xi32>], vector<16xf32>,
    %broadcast_in_dim3A_643 = arith.constant 8 : i32
    %broadcast_in_dim3A_644 = vector.broadcast %broadcast_in_dim3A_643 : i32 to vector<16xi32>
    %scatter3A_645 = arith.constant 1 : i32
    %scatter3A_646 = arith.constant 0 : i32
    %scatter3A_647 = arith.constant 0 : i32
    %scatter3A_648 = tpu.memref_slice %arg5[%scatter3A_645, %scatter3A_646, %scatter3A_647] : memref<3x64x512xf32, #tpu.memory_space<vmem>> -> memref<1x64x512xf32, #tpu.memory_space<vmem>>
    %scatter3A_649 = tpu.memref_squeeze %scatter3A_648 : memref<1x64x512xf32, #tpu.memory_space<vmem>> -> memref<64x512xf32, #tpu.memory_space<vmem>>
    tpu.vector_store_idx %scatter3A_649[%broadcast_in_dim3A_644, %get3A_3], %broadcast_in_dim3A_4 : memref<64x512xf32, #tpu.memory_space<vmem>>[vector<16xi32>, vector<16xi32>], vector<16xf32>,
    %broadcast_in_dim3A_650 = arith.constant 9 : i32
    %broadcast_in_dim3A_651 = vector.broadcast %broadcast_in_dim3A_650 : i32 to vector<16xi32>
    %scatter3A_652 = arith.constant 1 : i32
    %scatter3A_653 = arith.constant 0 : i32
    %scatter3A_654 = arith.constant 0 : i32
    %scatter3A_655 = tpu.memref_slice %arg5[%scatter3A_652, %scatter3A_653, %scatter3A_654] : memref<3x64x512xf32, #tpu.memory_space<vmem>> -> memref<1x64x512xf32, #tpu.memory_space<vmem>>
    %scatter3A_656 = tpu.memref_squeeze %scatter3A_655 : memref<1x64x512xf32, #tpu.memory_space<vmem>> -> memref<64x512xf32, #tpu.memory_space<vmem>>
    tpu.vector_store_idx %scatter3A_656[%broadcast_in_dim3A_651, %get3A_3], %broadcast_in_dim3A_4 : memref<64x512xf32, #tpu.memory_space<vmem>>[vector<16xi32>, vector<16xi32>], vector<16xf32>,
    %broadcast_in_dim3A_657 = arith.constant 10 : i32
    %broadcast_in_dim3A_658 = vector.broadcast %broadcast_in_dim3A_657 : i32 to vector<16xi32>
    %scatter3A_659 = arith.constant 1 : i32
    %scatter3A_660 = arith.constant 0 : i32
    %scatter3A_661 = arith.constant 0 : i32
    %scatter3A_662 = tpu.memref_slice %arg5[%scatter3A_659, %scatter3A_660, %scatter3A_661] : memref<3x64x512xf32, #tpu.memory_space<vmem>> -> memref<1x64x512xf32, #tpu.memory_space<vmem>>
    %scatter3A_663 = tpu.memref_squeeze %scatter3A_662 : memref<1x64x512xf32, #tpu.memory_space<vmem>> -> memref<64x512xf32, #tpu.memory_space<vmem>>
    tpu.vector_store_idx %scatter3A_663[%broadcast_in_dim3A_658, %get3A_3], %broadcast_in_dim3A_4 : memref<64x512xf32, #tpu.memory_space<vmem>>[vector<16xi32>, vector<16xi32>], vector<16xf32>,
    %broadcast_in_dim3A_664 = arith.constant 11 : i32
    %broadcast_in_dim3A_665 = vector.broadcast %broadcast_in_dim3A_664 : i32 to vector<16xi32>
    %scatter3A_666 = arith.constant 1 : i32
    %scatter3A_667 = arith.constant 0 : i32
    %scatter3A_668 = arith.constant 0 : i32
    %scatter3A_669 = tpu.memref_slice %arg5[%scatter3A_666, %scatter3A_667, %scatter3A_668] : memref<3x64x512xf32, #tpu.memory_space<vmem>> -> memref<1x64x512xf32, #tpu.memory_space<vmem>>
    %scatter3A_670 = tpu.memref_squeeze %scatter3A_669 : memref<1x64x512xf32, #tpu.memory_space<vmem>> -> memref<64x512xf32, #tpu.memory_space<vmem>>
    tpu.vector_store_idx %scatter3A_670[%broadcast_in_dim3A_665, %get3A_3], %broadcast_in_dim3A_4 : memref<64x512xf32, #tpu.memory_space<vmem>>[vector<16xi32>, vector<16xi32>], vector<16xf32>,
    %broadcast_in_dim3A_671 = arith.constant 12 : i32
    %broadcast_in_dim3A_672 = vector.broadcast %broadcast_in_dim3A_671 : i32 to vector<16xi32>
    %scatter3A_673 = arith.constant 1 : i32
    %scatter3A_674 = arith.constant 0 : i32
    %scatter3A_675 = arith.constant 0 : i32
    %scatter3A_676 = tpu.memref_slice %arg5[%scatter3A_673, %scatter3A_674, %scatter3A_675] : memref<3x64x512xf32, #tpu.memory_space<vmem>> -> memref<1x64x512xf32, #tpu.memory_space<vmem>>
    %scatter3A_677 = tpu.memref_squeeze %scatter3A_676 : memref<1x64x512xf32, #tpu.memory_space<vmem>> -> memref<64x512xf32, #tpu.memory_space<vmem>>
    tpu.vector_store_idx %scatter3A_677[%broadcast_in_dim3A_672, %get3A_3], %broadcast_in_dim3A_4 : memref<64x512xf32, #tpu.memory_space<vmem>>[vector<16xi32>, vector<16xi32>], vector<16xf32>,
    %broadcast_in_dim3A_678 = arith.constant 13 : i32
    %broadcast_in_dim3A_679 = vector.broadcast %broadcast_in_dim3A_678 : i32 to vector<16xi32>
    %scatter3A_680 = arith.constant 1 : i32
    %scatter3A_681 = arith.constant 0 : i32
    %scatter3A_682 = arith.constant 0 : i32
    %scatter3A_683 = tpu.memref_slice %arg5[%scatter3A_680, %scatter3A_681, %scatter3A_682] : memref<3x64x512xf32, #tpu.memory_space<vmem>> -> memref<1x64x512xf32, #tpu.memory_space<vmem>>
    %scatter3A_684 = tpu.memref_squeeze %scatter3A_683 : memref<1x64x512xf32, #tpu.memory_space<vmem>> -> memref<64x512xf32, #tpu.memory_space<vmem>>
    tpu.vector_store_idx %scatter3A_684[%broadcast_in_dim3A_679, %get3A_3], %broadcast_in_dim3A_4 : memref<64x512xf32, #tpu.memory_space<vmem>>[vector<16xi32>, vector<16xi32>], vector<16xf32>,
    %broadcast_in_dim3A_685 = arith.constant 14 : i32
    %broadcast_in_dim3A_686 = vector.broadcast %broadcast_in_dim3A_685 : i32 to vector<16xi32>
    %scatter3A_687 = arith.constant 1 : i32
    %scatter3A_688 = arith.constant 0 : i32
    %scatter3A_689 = arith.constant 0 : i32
    %scatter3A_690 = tpu.memref_slice %arg5[%scatter3A_687, %scatter3A_688, %scatter3A_689] : memref<3x64x512xf32, #tpu.memory_space<vmem>> -> memref<1x64x512xf32, #tpu.memory_space<vmem>>
    %scatter3A_691 = tpu.memref_squeeze %scatter3A_690 : memref<1x64x512xf32, #tpu.memory_space<vmem>> -> memref<64x512xf32, #tpu.memory_space<vmem>>
    tpu.vector_store_idx %scatter3A_691[%broadcast_in_dim3A_686, %get3A_3], %broadcast_in_dim3A_4 : memref<64x512xf32, #tpu.memory_space<vmem>>[vector<16xi32>, vector<16xi32>], vector<16xf32>,
    %broadcast_in_dim3A_692 = arith.constant 15 : i32
    %broadcast_in_dim3A_693 = vector.broadcast %broadcast_in_dim3A_692 : i32 to vector<16xi32>
    %scatter3A_694 = arith.constant 1 : i32
    %scatter3A_695 = arith.constant 0 : i32
    %scatter3A_696 = arith.constant 0 : i32
    %scatter3A_697 = tpu.memref_slice %arg5[%scatter3A_694, %scatter3A_695, %scatter3A_696] : memref<3x64x512xf32, #tpu.memory_space<vmem>> -> memref<1x64x512xf32, #tpu.memory_space<vmem>>
    %scatter3A_698 = tpu.memref_squeeze %scatter3A_697 : memref<1x64x512xf32, #tpu.memory_space<vmem>> -> memref<64x512xf32, #tpu.memory_space<vmem>>
    tpu.vector_store_idx %scatter3A_698[%broadcast_in_dim3A_693, %get3A_3], %broadcast_in_dim3A_4 : memref<64x512xf32, #tpu.memory_space<vmem>>[vector<16xi32>, vector<16xi32>], vector<16xf32>,
    %broadcast_in_dim3A_699 = arith.constant 16 : i32
    %broadcast_in_dim3A_700 = vector.broadcast %broadcast_in_dim3A_699 : i32 to vector<16xi32>
    %scatter3A_701 = arith.constant 1 : i32
    %scatter3A_702 = arith.constant 0 : i32
    %scatter3A_703 = arith.constant 0 : i32
    %scatter3A_704 = tpu.memref_slice %arg5[%scatter3A_701, %scatter3A_702, %scatter3A_703] : memref<3x64x512xf32, #tpu.memory_space<vmem>> -> memref<1x64x512xf32, #tpu.memory_space<vmem>>
    %scatter3A_705 = tpu.memref_squeeze %scatter3A_704 : memref<1x64x512xf32, #tpu.memory_space<vmem>> -> memref<64x512xf32, #tpu.memory_space<vmem>>
    tpu.vector_store_idx %scatter3A_705[%broadcast_in_dim3A_700, %get3A_3], %broadcast_in_dim3A_4 : memref<64x512xf32, #tpu.memory_space<vmem>>[vector<16xi32>, vector<16xi32>], vector<16xf32>,
    %broadcast_in_dim3A_706 = arith.constant 17 : i32
    %broadcast_in_dim3A_707 = vector.broadcast %broadcast_in_dim3A_706 : i32 to vector<16xi32>
    %scatter3A_708 = arith.constant 1 : i32
    %scatter3A_709 = arith.constant 0 : i32
    %scatter3A_710 = arith.constant 0 : i32
    %scatter3A_711 = tpu.memref_slice %arg5[%scatter3A_708, %scatter3A_709, %scatter3A_710] : memref<3x64x512xf32, #tpu.memory_space<vmem>> -> memref<1x64x512xf32, #tpu.memory_space<vmem>>
    %scatter3A_712 = tpu.memref_squeeze %scatter3A_711 : memref<1x64x512xf32, #tpu.memory_space<vmem>> -> memref<64x512xf32, #tpu.memory_space<vmem>>
    tpu.vector_store_idx %scatter3A_712[%broadcast_in_dim3A_707, %get3A_3], %broadcast_in_dim3A_4 : memref<64x512xf32, #tpu.memory_space<vmem>>[vector<16xi32>, vector<16xi32>], vector<16xf32>,
    %broadcast_in_dim3A_713 = arith.constant 18 : i32
    %broadcast_in_dim3A_714 = vector.broadcast %broadcast_in_dim3A_713 : i32 to vector<16xi32>
    %scatter3A_715 = arith.constant 1 : i32
    %scatter3A_716 = arith.constant 0 : i32
    %scatter3A_717 = arith.constant 0 : i32
    %scatter3A_718 = tpu.memref_slice %arg5[%scatter3A_715, %scatter3A_716, %scatter3A_717] : memref<3x64x512xf32, #tpu.memory_space<vmem>> -> memref<1x64x512xf32, #tpu.memory_space<vmem>>
    %scatter3A_719 = tpu.memref_squeeze %scatter3A_718 : memref<1x64x512xf32, #tpu.memory_space<vmem>> -> memref<64x512xf32, #tpu.memory_space<vmem>>
    tpu.vector_store_idx %scatter3A_719[%broadcast_in_dim3A_714, %get3A_3], %broadcast_in_dim3A_4 : memref<64x512xf32, #tpu.memory_space<vmem>>[vector<16xi32>, vector<16xi32>], vector<16xf32>,
    %broadcast_in_dim3A_720 = arith.constant 19 : i32
    %broadcast_in_dim3A_721 = vector.broadcast %broadcast_in_dim3A_720 : i32 to vector<16xi32>
    %scatter3A_722 = arith.constant 1 : i32
    %scatter3A_723 = arith.constant 0 : i32
    %scatter3A_724 = arith.constant 0 : i32
    %scatter3A_725 = tpu.memref_slice %arg5[%scatter3A_722, %scatter3A_723, %scatter3A_724] : memref<3x64x512xf32, #tpu.memory_space<vmem>> -> memref<1x64x512xf32, #tpu.memory_space<vmem>>
    %scatter3A_726 = tpu.memref_squeeze %scatter3A_725 : memref<1x64x512xf32, #tpu.memory_space<vmem>> -> memref<64x512xf32, #tpu.memory_space<vmem>>
    tpu.vector_store_idx %scatter3A_726[%broadcast_in_dim3A_721, %get3A_3], %broadcast_in_dim3A_4 : memref<64x512xf32, #tpu.memory_space<vmem>>[vector<16xi32>, vector<16xi32>], vector<16xf32>,
    %broadcast_in_dim3A_727 = arith.constant 20 : i32
    %broadcast_in_dim3A_728 = vector.broadcast %broadcast_in_dim3A_727 : i32 to vector<16xi32>
    %scatter3A_729 = arith.constant 1 : i32
    %scatter3A_730 = arith.constant 0 : i32
    %scatter3A_731 = arith.constant 0 : i32
    %scatter3A_732 = tpu.memref_slice %arg5[%scatter3A_729, %scatter3A_730, %scatter3A_731] : memref<3x64x512xf32, #tpu.memory_space<vmem>> -> memref<1x64x512xf32, #tpu.memory_space<vmem>>
    %scatter3A_733 = tpu.memref_squeeze %scatter3A_732 : memref<1x64x512xf32, #tpu.memory_space<vmem>> -> memref<64x512xf32, #tpu.memory_space<vmem>>
    tpu.vector_store_idx %scatter3A_733[%broadcast_in_dim3A_728, %get3A_3], %broadcast_in_dim3A_4 : memref<64x512xf32, #tpu.memory_space<vmem>>[vector<16xi32>, vector<16xi32>], vector<16xf32>,
    %broadcast_in_dim3A_734 = arith.constant 21 : i32
    %broadcast_in_dim3A_735 = vector.broadcast %broadcast_in_dim3A_734 : i32 to vector<16xi32>
    %scatter3A_736 = arith.constant 1 : i32
    %scatter3A_737 = arith.constant 0 : i32
    %scatter3A_738 = arith.constant 0 : i32
    %scatter3A_739 = tpu.memref_slice %arg5[%scatter3A_736, %scatter3A_737, %scatter3A_738] : memref<3x64x512xf32, #tpu.memory_space<vmem>> -> memref<1x64x512xf32, #tpu.memory_space<vmem>>
    %scatter3A_740 = tpu.memref_squeeze %scatter3A_739 : memref<1x64x512xf32, #tpu.memory_space<vmem>> -> memref<64x512xf32, #tpu.memory_space<vmem>>
    tpu.vector_store_idx %scatter3A_740[%broadcast_in_dim3A_735, %get3A_3], %broadcast_in_dim3A_4 : memref<64x512xf32, #tpu.memory_space<vmem>>[vector<16xi32>, vector<16xi32>], vector<16xf32>,
    %broadcast_in_dim3A_741 = arith.constant 22 : i32
    %broadcast_in_dim3A_742 = vector.broadcast %broadcast_in_dim3A_741 : i32 to vector<16xi32>
    %scatter3A_743 = arith.constant 1 : i32
    %scatter3A_744 = arith.constant 0 : i32
    %scatter3A_745 = arith.constant 0 : i32
    %scatter3A_746 = tpu.memref_slice %arg5[%scatter3A_743, %scatter3A_744, %scatter3A_745] : memref<3x64x512xf32, #tpu.memory_space<vmem>> -> memref<1x64x512xf32, #tpu.memory_space<vmem>>
    %scatter3A_747 = tpu.memref_squeeze %scatter3A_746 : memref<1x64x512xf32, #tpu.memory_space<vmem>> -> memref<64x512xf32, #tpu.memory_space<vmem>>
    tpu.vector_store_idx %scatter3A_747[%broadcast_in_dim3A_742, %get3A_3], %broadcast_in_dim3A_4 : memref<64x512xf32, #tpu.memory_space<vmem>>[vector<16xi32>, vector<16xi32>], vector<16xf32>,
    %broadcast_in_dim3A_748 = arith.constant 23 : i32
    %broadcast_in_dim3A_749 = vector.broadcast %broadcast_in_dim3A_748 : i32 to vector<16xi32>
    %scatter3A_750 = arith.constant 1 : i32
    %scatter3A_751 = arith.constant 0 : i32
    %scatter3A_752 = arith.constant 0 : i32
    %scatter3A_753 = tpu.memref_slice %arg5[%scatter3A_750, %scatter3A_751, %scatter3A_752] : memref<3x64x512xf32, #tpu.memory_space<vmem>> -> memref<1x64x512xf32, #tpu.memory_space<vmem>>
    %scatter3A_754 = tpu.memref_squeeze %scatter3A_753 : memref<1x64x512xf32, #tpu.memory_space<vmem>> -> memref<64x512xf32, #tpu.memory_space<vmem>>
    tpu.vector_store_idx %scatter3A_754[%broadcast_in_dim3A_749, %get3A_3], %broadcast_in_dim3A_4 : memref<64x512xf32, #tpu.memory_space<vmem>>[vector<16xi32>, vector<16xi32>], vector<16xf32>,
    %broadcast_in_dim3A_755 = arith.constant 24 : i32
    %broadcast_in_dim3A_756 = vector.broadcast %broadcast_in_dim3A_755 : i32 to vector<16xi32>
    %scatter3A_757 = arith.constant 1 : i32
    %scatter3A_758 = arith.constant 0 : i32
    %scatter3A_759 = arith.constant 0 : i32
    %scatter3A_760 = tpu.memref_slice %arg5[%scatter3A_757, %scatter3A_758, %scatter3A_759] : memref<3x64x512xf32, #tpu.memory_space<vmem>> -> memref<1x64x512xf32, #tpu.memory_space<vmem>>
    %scatter3A_761 = tpu.memref_squeeze %scatter3A_760 : memref<1x64x512xf32, #tpu.memory_space<vmem>> -> memref<64x512xf32, #tpu.memory_space<vmem>>
    tpu.vector_store_idx %scatter3A_761[%broadcast_in_dim3A_756, %get3A_3], %broadcast_in_dim3A_4 : memref<64x512xf32, #tpu.memory_space<vmem>>[vector<16xi32>, vector<16xi32>], vector<16xf32>,
    %broadcast_in_dim3A_762 = arith.constant 25 : i32
    %broadcast_in_dim3A_763 = vector.broadcast %broadcast_in_dim3A_762 : i32 to vector<16xi32>
    %scatter3A_764 = arith.constant 1 : i32
    %scatter3A_765 = arith.constant 0 : i32
    %scatter3A_766 = arith.constant 0 : i32
    %scatter3A_767 = tpu.memref_slice %arg5[%scatter3A_764, %scatter3A_765, %scatter3A_766] : memref<3x64x512xf32, #tpu.memory_space<vmem>> -> memref<1x64x512xf32, #tpu.memory_space<vmem>>
    %scatter3A_768 = tpu.memref_squeeze %scatter3A_767 : memref<1x64x512xf32, #tpu.memory_space<vmem>> -> memref<64x512xf32, #tpu.memory_space<vmem>>
    tpu.vector_store_idx %scatter3A_768[%broadcast_in_dim3A_763, %get3A_3], %broadcast_in_dim3A_4 : memref<64x512xf32, #tpu.memory_space<vmem>>[vector<16xi32>, vector<16xi32>], vector<16xf32>,
    %broadcast_in_dim3A_769 = arith.constant 26 : i32
    %broadcast_in_dim3A_770 = vector.broadcast %broadcast_in_dim3A_769 : i32 to vector<16xi32>
    %scatter3A_771 = arith.constant 1 : i32
    %scatter3A_772 = arith.constant 0 : i32
    %scatter3A_773 = arith.constant 0 : i32
    %scatter3A_774 = tpu.memref_slice %arg5[%scatter3A_771, %scatter3A_772, %scatter3A_773] : memref<3x64x512xf32, #tpu.memory_space<vmem>> -> memref<1x64x512xf32, #tpu.memory_space<vmem>>
    %scatter3A_775 = tpu.memref_squeeze %scatter3A_774 : memref<1x64x512xf32, #tpu.memory_space<vmem>> -> memref<64x512xf32, #tpu.memory_space<vmem>>
    tpu.vector_store_idx %scatter3A_775[%broadcast_in_dim3A_770, %get3A_3], %broadcast_in_dim3A_4 : memref<64x512xf32, #tpu.memory_space<vmem>>[vector<16xi32>, vector<16xi32>], vector<16xf32>,
    %broadcast_in_dim3A_776 = arith.constant 27 : i32
    %broadcast_in_dim3A_777 = vector.broadcast %broadcast_in_dim3A_776 : i32 to vector<16xi32>
    %scatter3A_778 = arith.constant 1 : i32
    %scatter3A_779 = arith.constant 0 : i32
    %scatter3A_780 = arith.constant 0 : i32
    %scatter3A_781 = tpu.memref_slice %arg5[%scatter3A_778, %scatter3A_779, %scatter3A_780] : memref<3x64x512xf32, #tpu.memory_space<vmem>> -> memref<1x64x512xf32, #tpu.memory_space<vmem>>
    %scatter3A_782 = tpu.memref_squeeze %scatter3A_781 : memref<1x64x512xf32, #tpu.memory_space<vmem>> -> memref<64x512xf32, #tpu.memory_space<vmem>>
    tpu.vector_store_idx %scatter3A_782[%broadcast_in_dim3A_777, %get3A_3], %broadcast_in_dim3A_4 : memref<64x512xf32, #tpu.memory_space<vmem>>[vector<16xi32>, vector<16xi32>], vector<16xf32>,
    %broadcast_in_dim3A_783 = arith.constant 28 : i32
    %broadcast_in_dim3A_784 = vector.broadcast %broadcast_in_dim3A_783 : i32 to vector<16xi32>
    %scatter3A_785 = arith.constant 1 : i32
    %scatter3A_786 = arith.constant 0 : i32
    %scatter3A_787 = arith.constant 0 : i32
    %scatter3A_788 = tpu.memref_slice %arg5[%scatter3A_785, %scatter3A_786, %scatter3A_787] : memref<3x64x512xf32, #tpu.memory_space<vmem>> -> memref<1x64x512xf32, #tpu.memory_space<vmem>>
    %scatter3A_789 = tpu.memref_squeeze %scatter3A_788 : memref<1x64x512xf32, #tpu.memory_space<vmem>> -> memref<64x512xf32, #tpu.memory_space<vmem>>
    tpu.vector_store_idx %scatter3A_789[%broadcast_in_dim3A_784, %get3A_3], %broadcast_in_dim3A_4 : memref<64x512xf32, #tpu.memory_space<vmem>>[vector<16xi32>, vector<16xi32>], vector<16xf32>,
    %broadcast_in_dim3A_790 = arith.constant 29 : i32
    %broadcast_in_dim3A_791 = vector.broadcast %broadcast_in_dim3A_790 : i32 to vector<16xi32>
    %scatter3A_792 = arith.constant 1 : i32
    %scatter3A_793 = arith.constant 0 : i32
    %scatter3A_794 = arith.constant 0 : i32
    %scatter3A_795 = tpu.memref_slice %arg5[%scatter3A_792, %scatter3A_793, %scatter3A_794] : memref<3x64x512xf32, #tpu.memory_space<vmem>> -> memref<1x64x512xf32, #tpu.memory_space<vmem>>
    %scatter3A_796 = tpu.memref_squeeze %scatter3A_795 : memref<1x64x512xf32, #tpu.memory_space<vmem>> -> memref<64x512xf32, #tpu.memory_space<vmem>>
    tpu.vector_store_idx %scatter3A_796[%broadcast_in_dim3A_791, %get3A_3], %broadcast_in_dim3A_4 : memref<64x512xf32, #tpu.memory_space<vmem>>[vector<16xi32>, vector<16xi32>], vector<16xf32>,
    %broadcast_in_dim3A_797 = arith.constant 30 : i32
    %broadcast_in_dim3A_798 = vector.broadcast %broadcast_in_dim3A_797 : i32 to vector<16xi32>
    %scatter3A_799 = arith.constant 1 : i32
    %scatter3A_800 = arith.constant 0 : i32
    %scatter3A_801 = arith.constant 0 : i32
    %scatter3A_802 = tpu.memref_slice %arg5[%scatter3A_799, %scatter3A_800, %scatter3A_801] : memref<3x64x512xf32, #tpu.memory_space<vmem>> -> memref<1x64x512xf32, #tpu.memory_space<vmem>>
    %scatter3A_803 = tpu.memref_squeeze %scatter3A_802 : memref<1x64x512xf32, #tpu.memory_space<vmem>> -> memref<64x512xf32, #tpu.memory_space<vmem>>
    tpu.vector_store_idx %scatter3A_803[%broadcast_in_dim3A_798, %get3A_3], %broadcast_in_dim3A_4 : memref<64x512xf32, #tpu.memory_space<vmem>>[vector<16xi32>, vector<16xi32>], vector<16xf32>,
    %broadcast_in_dim3A_804 = arith.constant 31 : i32
    %broadcast_in_dim3A_805 = vector.broadcast %broadcast_in_dim3A_804 : i32 to vector<16xi32>
    %scatter3A_806 = arith.constant 1 : i32
    %scatter3A_807 = arith.constant 0 : i32
    %scatter3A_808 = arith.constant 0 : i32
    %scatter3A_809 = tpu.memref_slice %arg5[%scatter3A_806, %scatter3A_807, %scatter3A_808] : memref<3x64x512xf32, #tpu.memory_space<vmem>> -> memref<1x64x512xf32, #tpu.memory_space<vmem>>
    %scatter3A_810 = tpu.memref_squeeze %scatter3A_809 : memref<1x64x512xf32, #tpu.memory_space<vmem>> -> memref<64x512xf32, #tpu.memory_space<vmem>>
    tpu.vector_store_idx %scatter3A_810[%broadcast_in_dim3A_805, %get3A_3], %broadcast_in_dim3A_4 : memref<64x512xf32, #tpu.memory_space<vmem>>[vector<16xi32>, vector<16xi32>], vector<16xf32>,
    %broadcast_in_dim3A_811 = arith.constant 32 : i32
    %broadcast_in_dim3A_812 = vector.broadcast %broadcast_in_dim3A_811 : i32 to vector<16xi32>
    %scatter3A_813 = arith.constant 1 : i32
    %scatter3A_814 = arith.constant 0 : i32
    %scatter3A_815 = arith.constant 0 : i32
    %scatter3A_816 = tpu.memref_slice %arg5[%scatter3A_813, %scatter3A_814, %scatter3A_815] : memref<3x64x512xf32, #tpu.memory_space<vmem>> -> memref<1x64x512xf32, #tpu.memory_space<vmem>>
    %scatter3A_817 = tpu.memref_squeeze %scatter3A_816 : memref<1x64x512xf32, #tpu.memory_space<vmem>> -> memref<64x512xf32, #tpu.memory_space<vmem>>
    tpu.vector_store_idx %scatter3A_817[%broadcast_in_dim3A_812, %get3A_3], %broadcast_in_dim3A_4 : memref<64x512xf32, #tpu.memory_space<vmem>>[vector<16xi32>, vector<16xi32>], vector<16xf32>,
    %broadcast_in_dim3A_818 = arith.constant 33 : i32
    %broadcast_in_dim3A_819 = vector.broadcast %broadcast_in_dim3A_818 : i32 to vector<16xi32>
    %scatter3A_820 = arith.constant 1 : i32
    %scatter3A_821 = arith.constant 0 : i32
    %scatter3A_822 = arith.constant 0 : i32
    %scatter3A_823 = tpu.memref_slice %arg5[%scatter3A_820, %scatter3A_821, %scatter3A_822] : memref<3x64x512xf32, #tpu.memory_space<vmem>> -> memref<1x64x512xf32, #tpu.memory_space<vmem>>
    %scatter3A_824 = tpu.memref_squeeze %scatter3A_823 : memref<1x64x512xf32, #tpu.memory_space<vmem>> -> memref<64x512xf32, #tpu.memory_space<vmem>>
    tpu.vector_store_idx %scatter3A_824[%broadcast_in_dim3A_819, %get3A_3], %broadcast_in_dim3A_4 : memref<64x512xf32, #tpu.memory_space<vmem>>[vector<16xi32>, vector<16xi32>], vector<16xf32>,
    %broadcast_in_dim3A_825 = arith.constant 34 : i32
    %broadcast_in_dim3A_826 = vector.broadcast %broadcast_in_dim3A_825 : i32 to vector<16xi32>
    %scatter3A_827 = arith.constant 1 : i32
    %scatter3A_828 = arith.constant 0 : i32
    %scatter3A_829 = arith.constant 0 : i32
    %scatter3A_830 = tpu.memref_slice %arg5[%scatter3A_827, %scatter3A_828, %scatter3A_829] : memref<3x64x512xf32, #tpu.memory_space<vmem>> -> memref<1x64x512xf32, #tpu.memory_space<vmem>>
    %scatter3A_831 = tpu.memref_squeeze %scatter3A_830 : memref<1x64x512xf32, #tpu.memory_space<vmem>> -> memref<64x512xf32, #tpu.memory_space<vmem>>
    tpu.vector_store_idx %scatter3A_831[%broadcast_in_dim3A_826, %get3A_3], %broadcast_in_dim3A_4 : memref<64x512xf32, #tpu.memory_space<vmem>>[vector<16xi32>, vector<16xi32>], vector<16xf32>,
    %broadcast_in_dim3A_832 = arith.constant 35 : i32
    %broadcast_in_dim3A_833 = vector.broadcast %broadcast_in_dim3A_832 : i32 to vector<16xi32>
    %scatter3A_834 = arith.constant 1 : i32
    %scatter3A_835 = arith.constant 0 : i32
    %scatter3A_836 = arith.constant 0 : i32
    %scatter3A_837 = tpu.memref_slice %arg5[%scatter3A_834, %scatter3A_835, %scatter3A_836] : memref<3x64x512xf32, #tpu.memory_space<vmem>> -> memref<1x64x512xf32, #tpu.memory_space<vmem>>
    %scatter3A_838 = tpu.memref_squeeze %scatter3A_837 : memref<1x64x512xf32, #tpu.memory_space<vmem>> -> memref<64x512xf32, #tpu.memory_space<vmem>>
    tpu.vector_store_idx %scatter3A_838[%broadcast_in_dim3A_833, %get3A_3], %broadcast_in_dim3A_4 : memref<64x512xf32, #tpu.memory_space<vmem>>[vector<16xi32>, vector<16xi32>], vector<16xf32>,
    %broadcast_in_dim3A_839 = arith.constant 36 : i32
    %broadcast_in_dim3A_840 = vector.broadcast %broadcast_in_dim3A_839 : i32 to vector<16xi32>
    %scatter3A_841 = arith.constant 1 : i32
    %scatter3A_842 = arith.constant 0 : i32
    %scatter3A_843 = arith.constant 0 : i32
    %scatter3A_844 = tpu.memref_slice %arg5[%scatter3A_841, %scatter3A_842, %scatter3A_843] : memref<3x64x512xf32, #tpu.memory_space<vmem>> -> memref<1x64x512xf32, #tpu.memory_space<vmem>>
    %scatter3A_845 = tpu.memref_squeeze %scatter3A_844 : memref<1x64x512xf32, #tpu.memory_space<vmem>> -> memref<64x512xf32, #tpu.memory_space<vmem>>
    tpu.vector_store_idx %scatter3A_845[%broadcast_in_dim3A_840, %get3A_3], %broadcast_in_dim3A_4 : memref<64x512xf32, #tpu.memory_space<vmem>>[vector<16xi32>, vector<16xi32>], vector<16xf32>,
    %broadcast_in_dim3A_846 = arith.constant 37 : i32
    %broadcast_in_dim3A_847 = vector.broadcast %broadcast_in_dim3A_846 : i32 to vector<16xi32>
    %scatter3A_848 = arith.constant 1 : i32
    %scatter3A_849 = arith.constant 0 : i32
    %scatter3A_850 = arith.constant 0 : i32
    %scatter3A_851 = tpu.memref_slice %arg5[%scatter3A_848, %scatter3A_849, %scatter3A_850] : memref<3x64x512xf32, #tpu.memory_space<vmem>> -> memref<1x64x512xf32, #tpu.memory_space<vmem>>
    %scatter3A_852 = tpu.memref_squeeze %scatter3A_851 : memref<1x64x512xf32, #tpu.memory_space<vmem>> -> memref<64x512xf32, #tpu.memory_space<vmem>>
    tpu.vector_store_idx %scatter3A_852[%broadcast_in_dim3A_847, %get3A_3], %broadcast_in_dim3A_4 : memref<64x512xf32, #tpu.memory_space<vmem>>[vector<16xi32>, vector<16xi32>], vector<16xf32>,
    %broadcast_in_dim3A_853 = arith.constant 38 : i32
    %broadcast_in_dim3A_854 = vector.broadcast %broadcast_in_dim3A_853 : i32 to vector<16xi32>
    %scatter3A_855 = arith.constant 1 : i32
    %scatter3A_856 = arith.constant 0 : i32
    %scatter3A_857 = arith.constant 0 : i32
    %scatter3A_858 = tpu.memref_slice %arg5[%scatter3A_855, %scatter3A_856, %scatter3A_857] : memref<3x64x512xf32, #tpu.memory_space<vmem>> -> memref<1x64x512xf32, #tpu.memory_space<vmem>>
    %scatter3A_859 = tpu.memref_squeeze %scatter3A_858 : memref<1x64x512xf32, #tpu.memory_space<vmem>> -> memref<64x512xf32, #tpu.memory_space<vmem>>
    tpu.vector_store_idx %scatter3A_859[%broadcast_in_dim3A_854, %get3A_3], %broadcast_in_dim3A_4 : memref<64x512xf32, #tpu.memory_space<vmem>>[vector<16xi32>, vector<16xi32>], vector<16xf32>,
    %broadcast_in_dim3A_860 = arith.constant 39 : i32
    %broadcast_in_dim3A_861 = vector.broadcast %broadcast_in_dim3A_860 : i32 to vector<16xi32>
    %scatter3A_862 = arith.constant 1 : i32
    %scatter3A_863 = arith.constant 0 : i32
    %scatter3A_864 = arith.constant 0 : i32
    %scatter3A_865 = tpu.memref_slice %arg5[%scatter3A_862, %scatter3A_863, %scatter3A_864] : memref<3x64x512xf32, #tpu.memory_space<vmem>> -> memref<1x64x512xf32, #tpu.memory_space<vmem>>
    %scatter3A_866 = tpu.memref_squeeze %scatter3A_865 : memref<1x64x512xf32, #tpu.memory_space<vmem>> -> memref<64x512xf32, #tpu.memory_space<vmem>>
    tpu.vector_store_idx %scatter3A_866[%broadcast_in_dim3A_861, %get3A_3], %broadcast_in_dim3A_4 : memref<64x512xf32, #tpu.memory_space<vmem>>[vector<16xi32>, vector<16xi32>], vector<16xf32>,
    %broadcast_in_dim3A_867 = arith.constant 40 : i32
    %broadcast_in_dim3A_868 = vector.broadcast %broadcast_in_dim3A_867 : i32 to vector<16xi32>
    %scatter3A_869 = arith.constant 1 : i32
    %scatter3A_870 = arith.constant 0 : i32
    %scatter3A_871 = arith.constant 0 : i32
    %scatter3A_872 = tpu.memref_slice %arg5[%scatter3A_869, %scatter3A_870, %scatter3A_871] : memref<3x64x512xf32, #tpu.memory_space<vmem>> -> memref<1x64x512xf32, #tpu.memory_space<vmem>>
    %scatter3A_873 = tpu.memref_squeeze %scatter3A_872 : memref<1x64x512xf32, #tpu.memory_space<vmem>> -> memref<64x512xf32, #tpu.memory_space<vmem>>
    tpu.vector_store_idx %scatter3A_873[%broadcast_in_dim3A_868, %get3A_3], %broadcast_in_dim3A_4 : memref<64x512xf32, #tpu.memory_space<vmem>>[vector<16xi32>, vector<16xi32>], vector<16xf32>,
    %broadcast_in_dim3A_874 = arith.constant 41 : i32
    %broadcast_in_dim3A_875 = vector.broadcast %broadcast_in_dim3A_874 : i32 to vector<16xi32>
    %scatter3A_876 = arith.constant 1 : i32
    %scatter3A_877 = arith.constant 0 : i32
    %scatter3A_878 = arith.constant 0 : i32
    %scatter3A_879 = tpu.memref_slice %arg5[%scatter3A_876, %scatter3A_877, %scatter3A_878] : memref<3x64x512xf32, #tpu.memory_space<vmem>> -> memref<1x64x512xf32, #tpu.memory_space<vmem>>
    %scatter3A_880 = tpu.memref_squeeze %scatter3A_879 : memref<1x64x512xf32, #tpu.memory_space<vmem>> -> memref<64x512xf32, #tpu.memory_space<vmem>>
    tpu.vector_store_idx %scatter3A_880[%broadcast_in_dim3A_875, %get3A_3], %broadcast_in_dim3A_4 : memref<64x512xf32, #tpu.memory_space<vmem>>[vector<16xi32>, vector<16xi32>], vector<16xf32>,
    %broadcast_in_dim3A_881 = arith.constant 42 : i32
    %broadcast_in_dim3A_882 = vector.broadcast %broadcast_in_dim3A_881 : i32 to vector<16xi32>
    %scatter3A_883 = arith.constant 1 : i32
    %scatter3A_884 = arith.constant 0 : i32
    %scatter3A_885 = arith.constant 0 : i32
    %scatter3A_886 = tpu.memref_slice %arg5[%scatter3A_883, %scatter3A_884, %scatter3A_885] : memref<3x64x512xf32, #tpu.memory_space<vmem>> -> memref<1x64x512xf32, #tpu.memory_space<vmem>>
    %scatter3A_887 = tpu.memref_squeeze %scatter3A_886 : memref<1x64x512xf32, #tpu.memory_space<vmem>> -> memref<64x512xf32, #tpu.memory_space<vmem>>
    tpu.vector_store_idx %scatter3A_887[%broadcast_in_dim3A_882, %get3A_3], %broadcast_in_dim3A_4 : memref<64x512xf32, #tpu.memory_space<vmem>>[vector<16xi32>, vector<16xi32>], vector<16xf32>,
    %broadcast_in_dim3A_888 = arith.constant 43 : i32
    %broadcast_in_dim3A_889 = vector.broadcast %broadcast_in_dim3A_888 : i32 to vector<16xi32>
    %scatter3A_890 = arith.constant 1 : i32
    %scatter3A_891 = arith.constant 0 : i32
    %scatter3A_892 = arith.constant 0 : i32
    %scatter3A_893 = tpu.memref_slice %arg5[%scatter3A_890, %scatter3A_891, %scatter3A_892] : memref<3x64x512xf32, #tpu.memory_space<vmem>> -> memref<1x64x512xf32, #tpu.memory_space<vmem>>
    %scatter3A_894 = tpu.memref_squeeze %scatter3A_893 : memref<1x64x512xf32, #tpu.memory_space<vmem>> -> memref<64x512xf32, #tpu.memory_space<vmem>>
    tpu.vector_store_idx %scatter3A_894[%broadcast_in_dim3A_889, %get3A_3], %broadcast_in_dim3A_4 : memref<64x512xf32, #tpu.memory_space<vmem>>[vector<16xi32>, vector<16xi32>], vector<16xf32>,
    %broadcast_in_dim3A_895 = arith.constant 44 : i32
    %broadcast_in_dim3A_896 = vector.broadcast %broadcast_in_dim3A_895 : i32 to vector<16xi32>
    %scatter3A_897 = arith.constant 1 : i32
    %scatter3A_898 = arith.constant 0 : i32
    %scatter3A_899 = arith.constant 0 : i32
    %scatter3A_900 = tpu.memref_slice %arg5[%scatter3A_897, %scatter3A_898, %scatter3A_899] : memref<3x64x512xf32, #tpu.memory_space<vmem>> -> memref<1x64x512xf32, #tpu.memory_space<vmem>>
    %scatter3A_901 = tpu.memref_squeeze %scatter3A_900 : memref<1x64x512xf32, #tpu.memory_space<vmem>> -> memref<64x512xf32, #tpu.memory_space<vmem>>
    tpu.vector_store_idx %scatter3A_901[%broadcast_in_dim3A_896, %get3A_3], %broadcast_in_dim3A_4 : memref<64x512xf32, #tpu.memory_space<vmem>>[vector<16xi32>, vector<16xi32>], vector<16xf32>,
    %broadcast_in_dim3A_902 = arith.constant 45 : i32
    %broadcast_in_dim3A_903 = vector.broadcast %broadcast_in_dim3A_902 : i32 to vector<16xi32>
    %scatter3A_904 = arith.constant 1 : i32
    %scatter3A_905 = arith.constant 0 : i32
    %scatter3A_906 = arith.constant 0 : i32
    %scatter3A_907 = tpu.memref_slice %arg5[%scatter3A_904, %scatter3A_905, %scatter3A_906] : memref<3x64x512xf32, #tpu.memory_space<vmem>> -> memref<1x64x512xf32, #tpu.memory_space<vmem>>
    %scatter3A_908 = tpu.memref_squeeze %scatter3A_907 : memref<1x64x512xf32, #tpu.memory_space<vmem>> -> memref<64x512xf32, #tpu.memory_space<vmem>>
    tpu.vector_store_idx %scatter3A_908[%broadcast_in_dim3A_903, %get3A_3], %broadcast_in_dim3A_4 : memref<64x512xf32, #tpu.memory_space<vmem>>[vector<16xi32>, vector<16xi32>], vector<16xf32>,
    %broadcast_in_dim3A_909 = arith.constant 46 : i32
    %broadcast_in_dim3A_910 = vector.broadcast %broadcast_in_dim3A_909 : i32 to vector<16xi32>
    %scatter3A_911 = arith.constant 1 : i32
    %scatter3A_912 = arith.constant 0 : i32
    %scatter3A_913 = arith.constant 0 : i32
    %scatter3A_914 = tpu.memref_slice %arg5[%scatter3A_911, %scatter3A_912, %scatter3A_913] : memref<3x64x512xf32, #tpu.memory_space<vmem>> -> memref<1x64x512xf32, #tpu.memory_space<vmem>>
    %scatter3A_915 = tpu.memref_squeeze %scatter3A_914 : memref<1x64x512xf32, #tpu.memory_space<vmem>> -> memref<64x512xf32, #tpu.memory_space<vmem>>
    tpu.vector_store_idx %scatter3A_915[%broadcast_in_dim3A_910, %get3A_3], %broadcast_in_dim3A_4 : memref<64x512xf32, #tpu.memory_space<vmem>>[vector<16xi32>, vector<16xi32>], vector<16xf32>,
    %broadcast_in_dim3A_916 = arith.constant 47 : i32
    %broadcast_in_dim3A_917 = vector.broadcast %broadcast_in_dim3A_916 : i32 to vector<16xi32>
    %scatter3A_918 = arith.constant 1 : i32
    %scatter3A_919 = arith.constant 0 : i32
    %scatter3A_920 = arith.constant 0 : i32
    %scatter3A_921 = tpu.memref_slice %arg5[%scatter3A_918, %scatter3A_919, %scatter3A_920] : memref<3x64x512xf32, #tpu.memory_space<vmem>> -> memref<1x64x512xf32, #tpu.memory_space<vmem>>
    %scatter3A_922 = tpu.memref_squeeze %scatter3A_921 : memref<1x64x512xf32, #tpu.memory_space<vmem>> -> memref<64x512xf32, #tpu.memory_space<vmem>>
    tpu.vector_store_idx %scatter3A_922[%broadcast_in_dim3A_917, %get3A_3], %broadcast_in_dim3A_4 : memref<64x512xf32, #tpu.memory_space<vmem>>[vector<16xi32>, vector<16xi32>], vector<16xf32>,
    %broadcast_in_dim3A_923 = arith.constant 48 : i32
    %broadcast_in_dim3A_924 = vector.broadcast %broadcast_in_dim3A_923 : i32 to vector<16xi32>
    %scatter3A_925 = arith.constant 1 : i32
    %scatter3A_926 = arith.constant 0 : i32
    %scatter3A_927 = arith.constant 0 : i32
    %scatter3A_928 = tpu.memref_slice %arg5[%scatter3A_925, %scatter3A_926, %scatter3A_927] : memref<3x64x512xf32, #tpu.memory_space<vmem>> -> memref<1x64x512xf32, #tpu.memory_space<vmem>>
    %scatter3A_929 = tpu.memref_squeeze %scatter3A_928 : memref<1x64x512xf32, #tpu.memory_space<vmem>> -> memref<64x512xf32, #tpu.memory_space<vmem>>
    tpu.vector_store_idx %scatter3A_929[%broadcast_in_dim3A_924, %get3A_3], %broadcast_in_dim3A_4 : memref<64x512xf32, #tpu.memory_space<vmem>>[vector<16xi32>, vector<16xi32>], vector<16xf32>,
    %broadcast_in_dim3A_930 = arith.constant 49 : i32
    %broadcast_in_dim3A_931 = vector.broadcast %broadcast_in_dim3A_930 : i32 to vector<16xi32>
    %scatter3A_932 = arith.constant 1 : i32
    %scatter3A_933 = arith.constant 0 : i32
    %scatter3A_934 = arith.constant 0 : i32
    %scatter3A_935 = tpu.memref_slice %arg5[%scatter3A_932, %scatter3A_933, %scatter3A_934] : memref<3x64x512xf32, #tpu.memory_space<vmem>> -> memref<1x64x512xf32, #tpu.memory_space<vmem>>
    %scatter3A_936 = tpu.memref_squeeze %scatter3A_935 : memref<1x64x512xf32, #tpu.memory_space<vmem>> -> memref<64x512xf32, #tpu.memory_space<vmem>>
    tpu.vector_store_idx %scatter3A_936[%broadcast_in_dim3A_931, %get3A_3], %broadcast_in_dim3A_4 : memref<64x512xf32, #tpu.memory_space<vmem>>[vector<16xi32>, vector<16xi32>], vector<16xf32>,
    %broadcast_in_dim3A_937 = arith.constant 50 : i32
    %broadcast_in_dim3A_938 = vector.broadcast %broadcast_in_dim3A_937 : i32 to vector<16xi32>
    %scatter3A_939 = arith.constant 1 : i32
    %scatter3A_940 = arith.constant 0 : i32
    %scatter3A_941 = arith.constant 0 : i32
    %scatter3A_942 = tpu.memref_slice %arg5[%scatter3A_939, %scatter3A_940, %scatter3A_941] : memref<3x64x512xf32, #tpu.memory_space<vmem>> -> memref<1x64x512xf32, #tpu.memory_space<vmem>>
    %scatter3A_943 = tpu.memref_squeeze %scatter3A_942 : memref<1x64x512xf32, #tpu.memory_space<vmem>> -> memref<64x512xf32, #tpu.memory_space<vmem>>
    tpu.vector_store_idx %scatter3A_943[%broadcast_in_dim3A_938, %get3A_3], %broadcast_in_dim3A_4 : memref<64x512xf32, #tpu.memory_space<vmem>>[vector<16xi32>, vector<16xi32>], vector<16xf32>,
    %broadcast_in_dim3A_944 = arith.constant 51 : i32
    %broadcast_in_dim3A_945 = vector.broadcast %broadcast_in_dim3A_944 : i32 to vector<16xi32>
    %scatter3A_946 = arith.constant 1 : i32
    %scatter3A_947 = arith.constant 0 : i32
    %scatter3A_948 = arith.constant 0 : i32
    %scatter3A_949 = tpu.memref_slice %arg5[%scatter3A_946, %scatter3A_947, %scatter3A_948] : memref<3x64x512xf32, #tpu.memory_space<vmem>> -> memref<1x64x512xf32, #tpu.memory_space<vmem>>
    %scatter3A_950 = tpu.memref_squeeze %scatter3A_949 : memref<1x64x512xf32, #tpu.memory_space<vmem>> -> memref<64x512xf32, #tpu.memory_space<vmem>>
    tpu.vector_store_idx %scatter3A_950[%broadcast_in_dim3A_945, %get3A_3], %broadcast_in_dim3A_4 : memref<64x512xf32, #tpu.memory_space<vmem>>[vector<16xi32>, vector<16xi32>], vector<16xf32>,
    %broadcast_in_dim3A_951 = arith.constant 52 : i32
    %broadcast_in_dim3A_952 = vector.broadcast %broadcast_in_dim3A_951 : i32 to vector<16xi32>
    %scatter3A_953 = arith.constant 1 : i32
    %scatter3A_954 = arith.constant 0 : i32
    %scatter3A_955 = arith.constant 0 : i32
    %scatter3A_956 = tpu.memref_slice %arg5[%scatter3A_953, %scatter3A_954, %scatter3A_955] : memref<3x64x512xf32, #tpu.memory_space<vmem>> -> memref<1x64x512xf32, #tpu.memory_space<vmem>>
    %scatter3A_957 = tpu.memref_squeeze %scatter3A_956 : memref<1x64x512xf32, #tpu.memory_space<vmem>> -> memref<64x512xf32, #tpu.memory_space<vmem>>
    tpu.vector_store_idx %scatter3A_957[%broadcast_in_dim3A_952, %get3A_3], %broadcast_in_dim3A_4 : memref<64x512xf32, #tpu.memory_space<vmem>>[vector<16xi32>, vector<16xi32>], vector<16xf32>,
    %broadcast_in_dim3A_958 = arith.constant 53 : i32
    %broadcast_in_dim3A_959 = vector.broadcast %broadcast_in_dim3A_958 : i32 to vector<16xi32>
    %scatter3A_960 = arith.constant 1 : i32
    %scatter3A_961 = arith.constant 0 : i32
    %scatter3A_962 = arith.constant 0 : i32
    %scatter3A_963 = tpu.memref_slice %arg5[%scatter3A_960, %scatter3A_961, %scatter3A_962] : memref<3x64x512xf32, #tpu.memory_space<vmem>> -> memref<1x64x512xf32, #tpu.memory_space<vmem>>
    %scatter3A_964 = tpu.memref_squeeze %scatter3A_963 : memref<1x64x512xf32, #tpu.memory_space<vmem>> -> memref<64x512xf32, #tpu.memory_space<vmem>>
    tpu.vector_store_idx %scatter3A_964[%broadcast_in_dim3A_959, %get3A_3], %broadcast_in_dim3A_4 : memref<64x512xf32, #tpu.memory_space<vmem>>[vector<16xi32>, vector<16xi32>], vector<16xf32>,
    %broadcast_in_dim3A_965 = arith.constant 54 : i32
    %broadcast_in_dim3A_966 = vector.broadcast %broadcast_in_dim3A_965 : i32 to vector<16xi32>
    %scatter3A_967 = arith.constant 1 : i32
    %scatter3A_968 = arith.constant 0 : i32
    %scatter3A_969 = arith.constant 0 : i32
    %scatter3A_970 = tpu.memref_slice %arg5[%scatter3A_967, %scatter3A_968, %scatter3A_969] : memref<3x64x512xf32, #tpu.memory_space<vmem>> -> memref<1x64x512xf32, #tpu.memory_space<vmem>>
    %scatter3A_971 = tpu.memref_squeeze %scatter3A_970 : memref<1x64x512xf32, #tpu.memory_space<vmem>> -> memref<64x512xf32, #tpu.memory_space<vmem>>
    tpu.vector_store_idx %scatter3A_971[%broadcast_in_dim3A_966, %get3A_3], %broadcast_in_dim3A_4 : memref<64x512xf32, #tpu.memory_space<vmem>>[vector<16xi32>, vector<16xi32>], vector<16xf32>,
    %broadcast_in_dim3A_972 = arith.constant 55 : i32
    %broadcast_in_dim3A_973 = vector.broadcast %broadcast_in_dim3A_972 : i32 to vector<16xi32>
    %scatter3A_974 = arith.constant 1 : i32
    %scatter3A_975 = arith.constant 0 : i32
    %scatter3A_976 = arith.constant 0 : i32
    %scatter3A_977 = tpu.memref_slice %arg5[%scatter3A_974, %scatter3A_975, %scatter3A_976] : memref<3x64x512xf32, #tpu.memory_space<vmem>> -> memref<1x64x512xf32, #tpu.memory_space<vmem>>
    %scatter3A_978 = tpu.memref_squeeze %scatter3A_977 : memref<1x64x512xf32, #tpu.memory_space<vmem>> -> memref<64x512xf32, #tpu.memory_space<vmem>>
    tpu.vector_store_idx %scatter3A_978[%broadcast_in_dim3A_973, %get3A_3], %broadcast_in_dim3A_4 : memref<64x512xf32, #tpu.memory_space<vmem>>[vector<16xi32>, vector<16xi32>], vector<16xf32>,
    %broadcast_in_dim3A_979 = arith.constant 56 : i32
    %broadcast_in_dim3A_980 = vector.broadcast %broadcast_in_dim3A_979 : i32 to vector<16xi32>
    %scatter3A_981 = arith.constant 1 : i32
    %scatter3A_982 = arith.constant 0 : i32
    %scatter3A_983 = arith.constant 0 : i32
    %scatter3A_984 = tpu.memref_slice %arg5[%scatter3A_981, %scatter3A_982, %scatter3A_983] : memref<3x64x512xf32, #tpu.memory_space<vmem>> -> memref<1x64x512xf32, #tpu.memory_space<vmem>>
    %scatter3A_985 = tpu.memref_squeeze %scatter3A_984 : memref<1x64x512xf32, #tpu.memory_space<vmem>> -> memref<64x512xf32, #tpu.memory_space<vmem>>
    tpu.vector_store_idx %scatter3A_985[%broadcast_in_dim3A_980, %get3A_3], %broadcast_in_dim3A_4 : memref<64x512xf32, #tpu.memory_space<vmem>>[vector<16xi32>, vector<16xi32>], vector<16xf32>,
    %broadcast_in_dim3A_986 = arith.constant 57 : i32
    %broadcast_in_dim3A_987 = vector.broadcast %broadcast_in_dim3A_986 : i32 to vector<16xi32>
    %scatter3A_988 = arith.constant 1 : i32
    %scatter3A_989 = arith.constant 0 : i32
    %scatter3A_990 = arith.constant 0 : i32
    %scatter3A_991 = tpu.memref_slice %arg5[%scatter3A_988, %scatter3A_989, %scatter3A_990] : memref<3x64x512xf32, #tpu.memory_space<vmem>> -> memref<1x64x512xf32, #tpu.memory_space<vmem>>
    %scatter3A_992 = tpu.memref_squeeze %scatter3A_991 : memref<1x64x512xf32, #tpu.memory_space<vmem>> -> memref<64x512xf32, #tpu.memory_space<vmem>>
    tpu.vector_store_idx %scatter3A_992[%broadcast_in_dim3A_987, %get3A_3], %broadcast_in_dim3A_4 : memref<64x512xf32, #tpu.memory_space<vmem>>[vector<16xi32>, vector<16xi32>], vector<16xf32>,
    %broadcast_in_dim3A_993 = arith.constant 58 : i32
    %broadcast_in_dim3A_994 = vector.broadcast %broadcast_in_dim3A_993 : i32 to vector<16xi32>
    %scatter3A_995 = arith.constant 1 : i32
    %scatter3A_996 = arith.constant 0 : i32
    %scatter3A_997 = arith.constant 0 : i32
    %scatter3A_998 = tpu.memref_slice %arg5[%scatter3A_995, %scatter3A_996, %scatter3A_997] : memref<3x64x512xf32, #tpu.memory_space<vmem>> -> memref<1x64x512xf32, #tpu.memory_space<vmem>>
    %scatter3A_999 = tpu.memref_squeeze %scatter3A_998 : memref<1x64x512xf32, #tpu.memory_space<vmem>> -> memref<64x512xf32, #tpu.memory_space<vmem>>
    tpu.vector_store_idx %scatter3A_999[%broadcast_in_dim3A_994, %get3A_3], %broadcast_in_dim3A_4 : memref<64x512xf32, #tpu.memory_space<vmem>>[vector<16xi32>, vector<16xi32>], vector<16xf32>,
    %broadcast_in_dim3A_1000 = arith.constant 59 : i32
    %broadcast_in_dim3A_1001 = vector.broadcast %broadcast_in_dim3A_1000 : i32 to vector<16xi32>
    %scatter3A_1002 = arith.constant 1 : i32
    %scatter3A_1003 = arith.constant 0 : i32
    %scatter3A_1004 = arith.constant 0 : i32
    %scatter3A_1005 = tpu.memref_slice %arg5[%scatter3A_1002, %scatter3A_1003, %scatter3A_1004] : memref<3x64x512xf32, #tpu.memory_space<vmem>> -> memref<1x64x512xf32, #tpu.memory_space<vmem>>
    %scatter3A_1006 = tpu.memref_squeeze %scatter3A_1005 : memref<1x64x512xf32, #tpu.memory_space<vmem>> -> memref<64x512xf32, #tpu.memory_space<vmem>>
    tpu.vector_store_idx %scatter3A_1006[%broadcast_in_dim3A_1001, %get3A_3], %broadcast_in_dim3A_4 : memref<64x512xf32, #tpu.memory_space<vmem>>[vector<16xi32>, vector<16xi32>], vector<16xf32>,
    %broadcast_in_dim3A_1007 = arith.constant 60 : i32
    %broadcast_in_dim3A_1008 = vector.broadcast %broadcast_in_dim3A_1007 : i32 to vector<16xi32>
    %scatter3A_1009 = arith.constant 1 : i32
    %scatter3A_1010 = arith.constant 0 : i32
    %scatter3A_1011 = arith.constant 0 : i32
    %scatter3A_1012 = tpu.memref_slice %arg5[%scatter3A_1009, %scatter3A_1010, %scatter3A_1011] : memref<3x64x512xf32, #tpu.memory_space<vmem>> -> memref<1x64x512xf32, #tpu.memory_space<vmem>>
    %scatter3A_1013 = tpu.memref_squeeze %scatter3A_1012 : memref<1x64x512xf32, #tpu.memory_space<vmem>> -> memref<64x512xf32, #tpu.memory_space<vmem>>
    tpu.vector_store_idx %scatter3A_1013[%broadcast_in_dim3A_1008, %get3A_3], %broadcast_in_dim3A_4 : memref<64x512xf32, #tpu.memory_space<vmem>>[vector<16xi32>, vector<16xi32>], vector<16xf32>,
    %broadcast_in_dim3A_1014 = arith.constant 61 : i32
    %broadcast_in_dim3A_1015 = vector.broadcast %broadcast_in_dim3A_1014 : i32 to vector<16xi32>
    %scatter3A_1016 = arith.constant 1 : i32
    %scatter3A_1017 = arith.constant 0 : i32
    %scatter3A_1018 = arith.constant 0 : i32
    %scatter3A_1019 = tpu.memref_slice %arg5[%scatter3A_1016, %scatter3A_1017, %scatter3A_1018] : memref<3x64x512xf32, #tpu.memory_space<vmem>> -> memref<1x64x512xf32, #tpu.memory_space<vmem>>
    %scatter3A_1020 = tpu.memref_squeeze %scatter3A_1019 : memref<1x64x512xf32, #tpu.memory_space<vmem>> -> memref<64x512xf32, #tpu.memory_space<vmem>>
    tpu.vector_store_idx %scatter3A_1020[%broadcast_in_dim3A_1015, %get3A_3], %broadcast_in_dim3A_4 : memref<64x512xf32, #tpu.memory_space<vmem>>[vector<16xi32>, vector<16xi32>], vector<16xf32>,
    %broadcast_in_dim3A_1021 = arith.constant 62 : i32
    %broadcast_in_dim3A_1022 = vector.broadcast %broadcast_in_dim3A_1021 : i32 to vector<16xi32>
    %scatter3A_1023 = arith.constant 1 : i32
    %scatter3A_1024 = arith.constant 0 : i32
    %scatter3A_1025 = arith.constant 0 : i32
    %scatter3A_1026 = tpu.memref_slice %arg5[%scatter3A_1023, %scatter3A_1024, %scatter3A_1025] : memref<3x64x512xf32, #tpu.memory_space<vmem>> -> memref<1x64x512xf32, #tpu.memory_space<vmem>>
    %scatter3A_1027 = tpu.memref_squeeze %scatter3A_1026 : memref<1x64x512xf32, #tpu.memory_space<vmem>> -> memref<64x512xf32, #tpu.memory_space<vmem>>
    tpu.vector_store_idx %scatter3A_1027[%broadcast_in_dim3A_1022, %get3A_3], %broadcast_in_dim3A_4 : memref<64x512xf32, #tpu.memory_space<vmem>>[vector<16xi32>, vector<16xi32>], vector<16xf32>,
    %broadcast_in_dim3A_1028 = arith.constant 63 : i32
    %broadcast_in_dim3A_1029 = vector.broadcast %broadcast_in_dim3A_1028 : i32 to vector<16xi32>
    %scatter3A_1030 = arith.constant 1 : i32
    %scatter3A_1031 = arith.constant 0 : i32
    %scatter3A_1032 = arith.constant 0 : i32
    %scatter3A_1033 = tpu.memref_slice %arg5[%scatter3A_1030, %scatter3A_1031, %scatter3A_1032] : memref<3x64x512xf32, #tpu.memory_space<vmem>> -> memref<1x64x512xf32, #tpu.memory_space<vmem>>
    %scatter3A_1034 = tpu.memref_squeeze %scatter3A_1033 : memref<1x64x512xf32, #tpu.memory_space<vmem>> -> memref<64x512xf32, #tpu.memory_space<vmem>>
    tpu.vector_store_idx %scatter3A_1034[%broadcast_in_dim3A_1029, %get3A_3], %broadcast_in_dim3A_4 : memref<64x512xf32, #tpu.memory_space<vmem>>[vector<16xi32>, vector<16xi32>], vector<16xf32>,
    %mul3A_1035 = arith.constant 31 : i32
    %mul3A_1036 = arith.constant 64 : i32
    %mul3A_1037 = arith.muli %mul3A_1035, %mul3A_1036 : i32
    %add3A_1038 = arith.addi %mul3A_2, %mul3A_1037 : i32
    %dma_start3A_1039 = arith.constant 1 : i32
    %dma_start3A_1040 = arith.constant 0 : i32
    %dma_start3A_1041 = arith.constant 0 : i32
    %dma_start3A_1042 = tpu.memref_slice %arg5[%dma_start3A_1039, %dma_start3A_1040, %dma_start3A_1041] : memref<3x64x512xf32, #tpu.memory_space<vmem>> -> memref<1x64x512xf32, #tpu.memory_space<vmem>>
    %dma_start3A_1043 = tpu.memref_squeeze %dma_start3A_1042 : memref<1x64x512xf32, #tpu.memory_space<vmem>> -> memref<64x512xf32, #tpu.memory_space<vmem>>
    %dma_start3A_1044 = arith.constant 0 : i32
    %dma_start3A_1045 = tpu.memref_slice %arg4[%add3A_1038, %dma_start3A_1044] : memref<65536x512xf32, #tpu.memory_space<hbm>> -> memref<64x512xf32, #tpu.memory_space<hbm>>
    %dma_start3A_1046 = arith.constant 0 : i32
    %dma_start3A_1047 = tpu.memref_slice %arg4[%add3A_1038, %dma_start3A_1046] : memref<65536x512xf32, #tpu.memory_space<hbm>> -> memref<64x512xf32, #tpu.memory_space<hbm>>
    %dma_start3A_1048 = arith.constant 0 : i32
    %dma_start3A_1049 = arith.constant 0 : i32
    %dma_start3A_1050 = tpu.memref_slice %arg5[%dma_start3A_1039, %dma_start3A_1048, %dma_start3A_1049] : memref<3x64x512xf32, #tpu.memory_space<vmem>> -> memref<1x64x512xf32, #tpu.memory_space<vmem>>
    %dma_start3A_1051 = tpu.memref_squeeze %dma_start3A_1050 : memref<1x64x512xf32, #tpu.memory_space<vmem>> -> memref<64x512xf32, #tpu.memory_space<vmem>>
    tpu.enqueue_dma source(%dma_start3A_1051 : memref<64x512xf32, #tpu.memory_space<vmem>>) target(%dma_start3A_1047 : memref<64x512xf32, #tpu.memory_space<hbm>>) target_semaphore(%arg11 : memref<!tpu.dma_semaphore, #tpu.memory_space<semaphore_mem>>)
    %dma_wait3A_1052 = arith.constant 0 : i32
    %dma_wait3A_1053 = arith.constant 0 : i32
    %dma_wait3A_1054 = arith.constant 0 : i32
    %dma_wait3A_1055 = tpu.memref_slice %arg5[%dma_wait3A_1052, %dma_wait3A_1053, %dma_wait3A_1054] : memref<3x64x512xf32, #tpu.memory_space<vmem>> -> memref<1x64x512xf32, #tpu.memory_space<vmem>>
    %dma_wait3A_1056 = tpu.memref_squeeze %dma_wait3A_1055 : memref<1x64x512xf32, #tpu.memory_space<vmem>> -> memref<64x512xf32, #tpu.memory_space<vmem>>
    %dma_wait3A_1057 = arith.constant 0 : i32
    %dma_wait3A_1058 = arith.constant 0 : i32
    %dma_wait3A_1059 = tpu.memref_slice %arg4[%dma_wait3A_1057, %dma_wait3A_1058] : memref<65536x512xf32, #tpu.memory_space<hbm>> -> memref<64x512xf32, #tpu.memory_space<hbm>>
    %dma_wait3A_1060 = arith.constant 0 : i32
    %dma_wait3A_1061 = arith.constant 0 : i32
    %dma_wait3A_1062 = tpu.memref_slice %arg4[%dma_wait3A_1060, %dma_wait3A_1061] : memref<65536x512xf32, #tpu.memory_space<hbm>> -> memref<64x512xf32, #tpu.memory_space<hbm>>
    %dma_wait3A_1063 = arith.constant 0 : i32
    %dma_wait3A_1064 = arith.constant 0 : i32
    %dma_wait3A_1065 = tpu.memref_slice %arg5[%dma_wait3A_1052, %dma_wait3A_1063, %dma_wait3A_1064] : memref<3x64x512xf32, #tpu.memory_space<vmem>> -> memref<1x64x512xf32, #tpu.memory_space<vmem>>
    %dma_wait3A_1066 = tpu.memref_squeeze %dma_wait3A_1065 : memref<1x64x512xf32, #tpu.memory_space<vmem>> -> memref<64x512xf32, #tpu.memory_space<vmem>>
    tpu.wait_dma2 semaphore(%arg10 : memref<!tpu.dma_semaphore, #tpu.memory_space<semaphore_mem>>) src(%dma_wait3A_1066 : memref<64x512xf32, #tpu.memory_space<vmem>>) dst(%dma_wait3A_1062 : memref<64x512xf32, #tpu.memory_space<hbm>>)
    %dma_wait3A_1067 = arith.constant 1 : i32
    %dma_wait3A_1068 = arith.constant 0 : i32
    %dma_wait3A_1069 = arith.constant 0 : i32
    %dma_wait3A_1070 = tpu.memref_slice %arg5[%dma_wait3A_1067, %dma_wait3A_1068, %dma_wait3A_1069] : memref<3x64x512xf32, #tpu.memory_space<vmem>> -> memref<1x64x512xf32, #tpu.memory_space<vmem>>
    %dma_wait3A_1071 = tpu.memref_squeeze %dma_wait3A_1070 : memref<1x64x512xf32, #tpu.memory_space<vmem>> -> memref<64x512xf32, #tpu.memory_space<vmem>>
    %dma_wait3A_1072 = arith.constant 0 : i32
    %dma_wait3A_1073 = arith.constant 0 : i32
    %dma_wait3A_1074 = tpu.memref_slice %arg4[%dma_wait3A_1072, %dma_wait3A_1073] : memref<65536x512xf32, #tpu.memory_space<hbm>> -> memref<64x512xf32, #tpu.memory_space<hbm>>
    %dma_wait3A_1075 = arith.constant 0 : i32
    %dma_wait3A_1076 = arith.constant 0 : i32
    %dma_wait3A_1077 = tpu.memref_slice %arg4[%dma_wait3A_1075, %dma_wait3A_1076] : memref<65536x512xf32, #tpu.memory_space<hbm>> -> memref<64x512xf32, #tpu.memory_space<hbm>>
    %dma_wait3A_1078 = arith.constant 0 : i32
    %dma_wait3A_1079 = arith.constant 0 : i32
    %dma_wait3A_1080 = tpu.memref_slice %arg5[%dma_wait3A_1067, %dma_wait3A_1078, %dma_wait3A_1079] : memref<3x64x512xf32, #tpu.memory_space<vmem>> -> memref<1x64x512xf32, #tpu.memory_space<vmem>>
    %dma_wait3A_1081 = tpu.memref_squeeze %dma_wait3A_1080 : memref<1x64x512xf32, #tpu.memory_space<vmem>> -> memref<64x512xf32, #tpu.memory_space<vmem>>
    tpu.wait_dma2 semaphore(%arg11 : memref<!tpu.dma_semaphore, #tpu.memory_space<semaphore_mem>>) src(%dma_wait3A_1081 : memref<64x512xf32, #tpu.memory_space<vmem>>) dst(%dma_wait3A_1077 : memref<64x512xf32, #tpu.memory_space<hbm>>)
    %dma_wait3A_1082 = arith.constant 2 : i32
    %dma_wait3A_1083 = arith.constant 0 : i32
    %dma_wait3A_1084 = arith.constant 0 : i32
    %dma_wait3A_1085 = tpu.memref_slice %arg5[%dma_wait3A_1082, %dma_wait3A_1083, %dma_wait3A_1084] : memref<3x64x512xf32, #tpu.memory_space<vmem>> -> memref<1x64x512xf32, #tpu.memory_space<vmem>>
    %dma_wait3A_1086 = tpu.memref_squeeze %dma_wait3A_1085 : memref<1x64x512xf32, #tpu.memory_space<vmem>> -> memref<64x512xf32, #tpu.memory_space<vmem>>
    %dma_wait3A_1087 = arith.constant 0 : i32
    %dma_wait3A_1088 = arith.constant 0 : i32
    %dma_wait3A_1089 = tpu.memref_slice %arg4[%dma_wait3A_1087, %dma_wait3A_1088] : memref<65536x512xf32, #tpu.memory_space<hbm>> -> memref<64x512xf32, #tpu.memory_space<hbm>>
    %dma_wait3A_1090 = arith.constant 0 : i32
    %dma_wait3A_1091 = arith.constant 0 : i32
    %dma_wait3A_1092 = tpu.memref_slice %arg4[%dma_wait3A_1090, %dma_wait3A_1091] : memref<65536x512xf32, #tpu.memory_space<hbm>> -> memref<64x512xf32, #tpu.memory_space<hbm>>
    %dma_wait3A_1093 = arith.constant 0 : i32
    %dma_wait3A_1094 = arith.constant 0 : i32
    %dma_wait3A_1095 = tpu.memref_slice %arg5[%dma_wait3A_1082, %dma_wait3A_1093, %dma_wait3A_1094] : memref<3x64x512xf32, #tpu.memory_space<vmem>> -> memref<1x64x512xf32, #tpu.memory_space<vmem>>
    %dma_wait3A_1096 = tpu.memref_squeeze %dma_wait3A_1095 : memref<1x64x512xf32, #tpu.memory_space<vmem>> -> memref<64x512xf32, #tpu.memory_space<vmem>>
    tpu.wait_dma2 semaphore(%arg12 : memref<!tpu.dma_semaphore, #tpu.memory_space<semaphore_mem>>) src(%dma_wait3A_1096 : memref<64x512xf32, #tpu.memory_space<vmem>>) dst(%dma_wait3A_1092 : memref<64x512xf32, #tpu.memory_space<hbm>>)
    return
  }
}

</mosaic_0001>

<sc_bundles>
// kernel: _disable_tofs_sc.3.cloned.1.call-start
scs
__scs_entry_jumppad:
0x0: {  	(pc) =	sbr.rel $0x88, $3  }
0x1: {  	(tag) =	ssettag $0x0;
	lr =	simm.s32 $0x1  }
0x2: {  	[smem:$0x3F9F] =	sst lr;
	_ =	strace $0xD0000000  }
0x3: {  	_ = 	snop  }
0x4: {  	_ = 	snop  }
0x5: {  	_ = 	snop  }
0x6: {  	_ = 	snop  }
0x7: {  	_ = 	snop  }
__scs_overlays_trampoline_lowered:
0x8: {  	[smem:$0x3FAE] =	sst s0  }
0x9: {  	[smem:$0x3FAF] =	sst s1  }
0xa: {  	[smem:$0x3FB0] =	sst s2  }
0xb: {  	[smem:$0x3FB1] =	sst s3  }
0xc: {  	[smem:$0x3FB2] =	sst s4  }
0xd: {  	[smem:$0x3FB3] =	sst s5  }
0xe: {  	[smem:$0x3FB4] =	sst s6  }
0xf: {  	[smem:$0x3FB5] =	sst s7  }
0x10: {  	[smem:$0x3FB6] =	sst s8  }
0x11: {  	[smem:$0x3FB7] =	sst s9;
	s0 =	simm.s32 @!p0 $0x0  }
0x12: {  	s1 =	sld [smem:$0x3F9D];
	s0 =	simm.s32 @p0 $0x1  }
0x13: {  	[smem:$0x3FB8] =	sst s0;
	s0 =	simm.s32 @!p1 $0x0  }
0x14: {  	s2 =	sld [smem:$0x3F9C];
	s0 =	simm.s32 @p1 $0x1  }
0x15: {  	[smem:$0x3FB9] =	sst s0;
	s0 =	simm.s32 @!p2 $0x0  }
0x16: {  	s3 =	sld [smem:$0x3FDB];
	s0 =	simm.s32 @p2 $0x1  }
0x17: {  	s4 =	simm.s32 $0x1BF5;
	[smem:$0x3FBB] =	sst s0  }
0x18: {  	s0 =	sld [smem:$0x3F9E];
	_ =	swait.ge [sflag:s4], $0x0  }
0x19: {  	s7 =	sld [smem:$0x3F9F]  }
0x1a: {  	s8 =	sadd.s32 $0xFFFFE003, lr  }
0x1b: {  	s9 =	sadd.s32 $0xFFFFFEF7, lr;
	s5 =	simm.s32 $0xFFFFFFFF;
	p2 =	slt.u32 s8, $0xFFFFF086  }
0x1c: {  	p1 =	slt.u32 s9, $0xF7A;
	s5 =	simm.s32 @!p2 $0x0  }
0x1d: {  	s5 =	simm.s32 @p1 $0x1;
	p0 =	seq.s32 s7, s2  }
0x1e: {  	s7 =	smul.u32 @!p0 $0xF7A, s2;
	p2 =	seq.s32 @!p0 s5, $0x0  }
0x1f: {  	s9 =	smul.u32 $0xF7A, s1;
	s8 =	simm.s32 @!p0 $0x1BF5;
	p2 =	por !p2, p0  }
0x20: {  	[sflag:s8] =	ssyncset.s32 @!p0 $0xFFFFF086;
	s6 =	sadd.s32 @!p0 s3, s7;
	s7 =	simm.s32 @!p0 $0x108  }
0x21: {  	s3 =	sadd.s32 s3, s9;
	s6 =	sadd.s32 @!p0 $0x88, s6;
	s7 =	simm.s32 @p2 $0x1082  }
0x22: {  	[simem:s7], [sflag:s8] =	dma.local @!p0 [hbm:s6], $0xF7A  }
0x23: {  	s9 =	sor.u32 $0xD0000000, s2;
	s6 =	simm.s32 $0x108;
	_ =	swait.ge @!p0 [sflag:s8], $0x0  }
0x24: {  	s3 =	sadd.s32 $0x88, s3;
	s6 =	simm.s32 @!p1 $0x1082;
	[sflag:s4] =	ssyncset.s32 $0xFFFFF086  }
0x25: {  	[simem:s6], [sflag:s4] =	dma.local [hbm:s3], $0xF7A  }
0x26: {  	[smem:$0x3F9F] =	sst s1;
	(tag) =	ssettag s2;
	_ =	strace s9  }
0x27: {  	s1 =	sld [smem:$0x3FAF]  }
0x28: {  	s2 =	sld [smem:$0x3FB0]  }
0x29: {  	s4 =	sld [smem:$0x3FB2]  }
0x2a: {  	p0 =	seq.s32 s5, $0x0;
	s5 =	sld [smem:$0x3FB3]  }
0x2b: {  	s6 =	sld [smem:$0x3FB4]  }
0x2c: {  	s7 =	sld [smem:$0x3FB5]  }
0x2d: {  	s3 =	simm.s32 $0x108;
	s8 =	sld [smem:$0x3FB6]  }
0x2e: {  	s3 =	simm.s32 @!p0 $0x1082;
	s9 =	sld [smem:$0x3FB7]  }
0x2f: {  	lr =	sadd.s32 s0, s3;
	s0 =	sld [smem:$0x3FAE]  }
0x30: {  	s3 =	sld [smem:$0x3FB1]  }
0x31: {  	[smem:$0x3FBA] =	sst s10  }
0x32: {  	s10 =	sld [smem:$0x3FB8];
	_ =	sdelay $0x3  }
0x33: {  	p0 =	seq.s32 s10, $0x1;
	s10 =	sld [smem:$0x3FBA];
	_ =	sdelay $0x3  }
0x34: {  	[smem:$0x3FBA] =	sst s10  }
0x35: {  	s10 =	sld [smem:$0x3FB9];
	_ =	sdelay $0x3  }
0x36: {  	p1 =	seq.s32 s10, $0x1;
	s10 =	sld [smem:$0x3FBA];
	_ =	sdelay $0x3  }
0x37: {  	[smem:$0x3FBA] =	sst s10  }
0x38: {  	s10 =	sld [smem:$0x3FBB]  }
0x39: {  	_ = 	snop;
	(pc) =	sbr.ind lr, $3  }
0x3a: {  	_ = 	snop  }
0x3b: {  	_ = 	snop  }
0x3c: {  	p2 =	seq.s32 s10, $0x1;
	s10 =	sld [smem:$0x3FBA]  }
0x3d: {  	_ =	shalt  }
0x3e: {  	_ =	shalt  }
0x3f: {  	_ =	shalt  }
0x40: {  	_ =	shalt  }
0x41: {  	_ =	shalt  }
0x42: {  	_ =	shalt  }
0x43: {  	_ =	shalt  }
0x44: {  	_ =	shalt  }
0x45: {  	_ =	shalt  }
0x46: {  	_ =	shalt  }
0x47: {  	_ =	shalt  }
0x48: {  	_ =	shalt  }
0x49: {  	_ =	shalt  }
0x4a: {  	_ =	shalt  }
0x4b: {  	_ =	shalt  }
0x4c: {  	_ =	shalt  }
0x4d: {  	_ =	shalt  }
0x4e: {  	_ =	shalt  }
0x4f: {  	_ =	shalt  }
0x50: {  	_ =	shalt  }
0x51: {  	_ =	shalt  }
0x52: {  	_ =	shalt  }
0x53: {  	_ =	shalt  }
0x54: {  	_ =	shalt  }
0x55: {  	_ =	shalt  }
0x56: {  	_ =	shalt  }
0x57: {  	_ =	shalt  }
0x58: {  	_ =	shalt  }
0x59: {  	_ =	shalt  }
0x5a: {  	_ =	shalt  }
0x5b: {  	_ =	shalt  }
0x5c: {  	_ =	shalt  }
0x5d: {  	_ =	shalt  }
0x5e: {  	_ =	shalt  }
0x5f: {  	_ =	shalt  }
0x60: {  	_ =	shalt  }
0x61: {  	_ =	shalt  }
0x62: {  	_ =	shalt  }
0x63: {  	_ =	shalt  }
0x64: {  	_ =	shalt  }
0x65: {  	_ =	shalt  }
0x66: {  	_ =	shalt  }
0x67: {  	_ =	shalt  }
0x68: {  	_ =	shalt  }
0x69: {  	_ =	shalt  }
0x6a: {  	_ =	shalt  }
0x6b: {  	_ =	shalt  }
0x6c: {  	_ =	shalt  }
0x6d: {  	_ =	shalt  }
0x6e: {  	_ =	shalt  }
0x6f: {  	_ =	shalt  }
0x70: {  	_ =	shalt  }
0x71: {  	_ =	shalt  }
0x72: {  	_ =	shalt  }
0x73: {  	_ =	shalt  }
0x74: {  	_ =	shalt  }
0x75: {  	_ =	shalt  }
0x76: {  	_ =	shalt  }
0x77: {  	_ =	shalt  }
0x78: {  	_ =	shalt  }
0x79: {  	_ =	shalt  }
0x7a: {  	_ =	shalt  }
0x7b: {  	_ =	shalt  }
0x7c: {  	_ =	shalt  }
0x7d: {  	_ =	shalt  }
0x7e: {  	_ =	shalt  }
0x7f: {  	_ =	shalt  }
0x80: {  	_ =	shalt  }
0x81: {  	_ =	shalt  }
0x82: {  	_ =	shalt  }
0x83: {  	_ =	shalt  }
0x84: {  	_ =	shalt  }
0x85: {  	_ =	shalt  }
0x86: {  	_ =	shalt  }
0x87: {  	_ =	shalt  }
.Lfunc_end0:
.L_simem_size_0:
called_computation_lowered:
.L_overlay_start_0:
0x88: {  	s2 =	sld [smem:$0x3FD9]  }
0x89: {  	s3 =	sld [smem:$0x3FFE];
	_ =	sdelay $0x1  }
0x8a: {  	s1 =	srdreg.scid  }
0x8b: {  	s0 =	sand.u32 $0x1, s1  }
0x8c: {  	s18 =	sshll.u32 s0, $0xA;
	s2 =	sadd.s32 s3, s2  }
0x8d: {  	s2 =	sadd.s32 s2, s18  }
0x8e: {  	[smem:$0x3FC6] =	sst s2  }
0x8f: {  	_ = 	snop  }
0x90: {  	s2 =	sld [smem:$0x3FC9]  }
0x91: {  	s19 =	sld [smem:$0x3FC8]  }
0x92: {  	s4 =	sld [smem:$0x3FD0];
	(tm) =	ssettm $0x1  }
0x93: {  	s5 =	sld [smem:$0x3FFB];
	_ =	sdelay $0x3  }
0x94: {  	_ =	strace s5  }
0x95: {  	s5 =	sld [smem:$0x3FFC];
	_ =	sdelay $0x3  }
0x96: {  	_ =	strace s5  }
0x97: {  	s5 =	sld [smem:$0x3FFD];
	_ =	sdelay $0x3  }
0x98: {  	_ =	strace s5  }
0x99: {  	_ =	strace $0x8FFFFFFF  }
0x9a: {  	s20 =	sld [smem:$0x3FDB];
	_ =	sdelay $0x1  }
0x9b: {  	s6 =	simm.s32 $_scs_section_size  }
0x9c: {  	s7 =	simm.s32 $_size__tile_overlayer_lowered;
	s8 =	simm.s32 $_tile_overlayer_lowered  }
0x9d: {  	s23 =	simm.s32 $0x1BFF;
	s22 =	sshll.u32 s8, $0x1;
	s5 =	sadd.s32 s6, s20  }
0x9e: {  	s9 =	simm.s32 $0x0;
	s21 =	sshll.u32 s7, $0x1;
	s7 =	sadd.s32 s22, s5  }
0x9f: {  	[timem:s9], [sflag:s23] =	dma.local [hbm:s7], s21  }
0xa0: {  	_ =	swait.ge [sflag:s23], s21  }
0xa1: {  	s6 =	ssub.s32 $0x0, s21;
	[sflag:s23] =	ssyncset.done $0x0  }
0xa2: {  	[sflag:s23] =	ssyncadd.s32 s6;
	_ =	sdelay $0x1  }
0xa3: {  	s24 =	simm.s32 $0x1B8B  }
0xa4: {  	_ =	swait.ge [sflag:s24], $0x1  }
0xa5: {  	[sflag:s24] =	ssyncset.done $0x0  }
0xa6: {  	s25 =	simm.s32 $0x1B8E;
	[sflag:s24] =	ssyncadd.s32 $0xFFFFFFFF  }
0xa7: {  	s26 =	simm.s32 $execute0_lowered;
	[smem:$0x3FD2] =	sst s25  }
0xa8: {  	s6 =	sshll.u32 s26, $0x1;
	_ =	strace $0x80000046;
	[dreg:$0x1] =	wrdreg $0xFFFFFFFF  }
0xa9: {  	s28 =	simm.s32 $_size_execute0_lowered;
	s5 =	sadd.s32 s5, s6;
	[dreg:$0x0] =	wrdreg $0x0  }
0xaa: {  	s6 =	sshll.u32 s28, $0x1;
	[dreg:$0x2] =	wrdreg s5  }
0xab: {  	[dreg:$0x3] =	wrdreg s6  }
0xac: {  	[dreg:$0x4] =	wrdreg $0xC0  }
0xad: {  	_ =	task [dreg:s9], $0x5FFFF  }
0xae: {  	[dreg:$0x1] =	wrdreg $0xFFFFFFFF  }
0xaf: {  	[dreg:$0x0] =	wrdreg $0x60  }
0xb0: {  	[dreg:$0x2] =	wrdreg s2  }
0xb1: {  	[dreg:$0x3] =	wrdreg s19  }
0xb2: {  	[dreg:$0x4] =	wrdreg s4  }
0xb3: {  	[dreg:$0x5] =	wrdreg $0x9  }
0xb4: {  	_ =	task.clear_ibuf [dreg:s9], $0x6FFFF;
	_ =	strace $0x90000046  }
0xb5: {  	s29 =	simm.s32 $0x9;
	_ =	strace $0x80000048  }
0xb6: {  	_ =	swait.ge [sflag:s29], $0x1  }
0xb7: {  	[sflag:s29] =	ssyncadd.s32 $0xFFFFFFFF  }
0xb8: {  	_ =	strace $0x90000048  }
0xb9: {  	_ =	sfence  }
0xba: {  	s30 =	sld [smem:$0x0];
	_ =	sdelay $0x2  }
0xbb: {  	s31 =	sshll.u32 s1, $0xD;
	s1 =	sshrl.u32 s1, $0x2  }
0xbc: {  	s3 =	sand.u32 $0x4000, s31;
	s1 =	sadd.s32 s1, s30  }
0xbd: {  	s0 =	sor.u32 s3, s0;
	s1 =	sshll.u32 s1, $0x11  }
0xbe: {  	s0 =	sor.u32 s1, s0  }
0xbf: {  	s0 =	sadd.s32 $0x8F2B, s0  }
0xc0: {  	[sflag:s0] =	ssyncadd.remote.s32 $0x1  }
0xc1: {  	_ =	sfence.sel $0xFFFF  }
0xc2: {  	[dreg:$0x0] =	wrdreg $0xFFFFFFFF;
	(pc) =	sbr.abs _section_cstart, $3  }
0xc3: {  	[dreg:$0x1] =	wrdreg $0xFFFFFFFF  }
0xc4: {  	_ =	task.clear_ibuf [dreg:s9], $0x2FFFF;
	_ =	strace $0x9FFFFFFF  }
0xc5: {  	(tm) =	ssettm $0x7FFFFFFF  }
tec
execute0_lowered:
.L_overlay_start_1:
0x0: {  	(tag) =	ssettag $0x1  }
0x1: {  	s14 =	rddreg [dreg:$0x0]  }
0x2: {  	s2 =	rddreg [dreg:$0x1]  }
0x3: {  	s12 =	rddreg [dreg:$0x2]  }
0x4: {  	s3 =	srdreg.scid;
	s0 =	stileid.u32;
	s19 =	simm.s32 $0x10000  }
0x5: {  	s20 =	simm.s32 $0x2;
	s21 =	simm.s32 $0x4;
	s22 =	simm.s32 $0x3  }
0x6: {  	s23 =	simm.s32 $0x5;
	s24 =	simm.s32 $0x6;
	s25 =	simm.s32 $0x0  }
0x7: {  	s10 =	sand.u32 $0x1, s3;
	s3 =	simm.s32 $0x0;
	s13 =	sshll.u32 s0, $0x12  }
0x8: {  	s17 =	sshll.u32 s0, $0x15;
	s15 =	sshll.u32 s10, $0x11;
	[smem:$0x7FF] =	sst s3  }
0x9: {  	s5 =	ssub.s32 $0x2, s10;
	s18 =	sshll.u32 s10, $0x14;
	s30 =	sadd.s32 s13, s14  }
0xa: {  	s7 =	sor.u32 s15, s13;
	_ =	strace $0x80000047;
	s6 =	sshrl.u32 s5, $0x1  }
0xb: {  	s29 =	sor.u32 s18, s17;
	s13 =	sadd.s32 s13, s12;
	s17 =	simm.s32 $0x8000  }
0xc: {  	s18 =	simm.s32 $0x1;
	s4 =	sadd.s32 s14, s7;
	s11 =	ssub.s32 s5, s6  }
0xd: {  	s16 =	sor.u32 $0x1F000, s7;
	s7 =	sadd.s32 s12, s7;
	s13 =	sadd.s32 s15, s13  }
0xe: {  	s5 =	sadd.s32 $0x1000, s4;
	s6 =	sadd.s32 $0x2000, s4;
	s8 =	sadd.s32 s14, s16  }
0xf: {  	s9 =	sadd.s32 $0x1E000, s7;
	s10 =	sadd.s32 s12, s16;
	s16 =	sor.u32 $0x18000, s29  }
0x10: {  	s11 =	smax.u32 s11, $0x1;
	s12 =	sadd.s32 s15, s30;
	s31 =	sshrl.u32 s16, $0x3  }
0x11: {  	v2 =	vimm.f32 $0.0e+00;
	s15 =	simm.s32 $0x18000;
	s16 =	simm.s32 $0x7;
	s14 =	sadd.s32 s31, s14  }
.LBB2_1:
0x12: {  	[tilespmem:s15], [sflag:$0x7] =	stream.linear.gather [hbm4b:s2+s3], $0x80, $0x38;
	[tilespmem:$0x18080] =	vst v63  }
0x13: {  	_ =	swait.ge [sflag:s16], $0x80  }
0x14: {  	[sflag:s16] =	ssyncset.done $0x0  }
0x15: {  	[sflag:s16] =	ssyncadd.s32 $0xFFFFFF80  }
0x16: {  	v1 =	vld [tilespmem:$0x18000]  }
0x17: {  	p0 =	por $0x1, $0x1  }
0x18: {  	[tilespmem:s3], [sflag:$0x1] =	stream.linear.gather [hbm4b:s4+s3], $0x8000, $0x38;
	[tilespmem:$0x18080] =	vst v63  }
0x19: {  	s26 =	simm.s32 @!p0 $0x5  }
0x1a: {  	[tilespmem:s17], [sflag:$0x2] =	stream.linear.gather [hbm4b:s5+s3], $0x8000, $0x38;
	[tilespmem:$0x18080] =	vst v63  }
0x1b: {  	_ =	swait.ge @!p0 [sflag:s26], $0x8000;
	v0 =	vshll.u32 v1, $0x3  }
0x1c: {  	s28 =	sadd.s32 @!p0 $0x0, s12;
	s29 =	simm.s32 @!p0 $0x8000;
	[sflag:s26] =	ssyncset.done @!p0 $0x0;
	v1 =	vand.u32 $0x7F, v1;
	v0 =	vand.u32 $0xFFFFFC00, v0  }
0x1d: {  	[sflag:s26] =	ssyncadd.s32 @!p0 $0xFFFF8000;
	s26 =	sadd.s32 @!p0 $0x1000, s28;
	s28 =	simm.s32 @!p0 $0x0;
	v22 =	vor.u32 v1, v0  }
0x1e: {  	[tilespmem:s29], [sflag:$0x2] =	stream.linear.gather @!p0 [hbm4b:s26+s28], $0x8000, $0x38;
	v1 =	vor.u32 $0x100, v22;
	[tilespmem:$0x18080] =	vst v63  }
0x1f: {  	[tilespmem:$0x1FC00] =	vst v1  }
0x20: {  	v54 =	vor.u32 $0x80, v22;
	v3 =	vor.u32 $0x180, v22;
	_ =	swait.ge [sflag:s18], $0x8000  }
0x21: {  	v4 =	vor.u32 $0x200, v22;
	[tilespmem:$0x1FC10] =	vst v3  }
0x22: {  	v5 =	vadd.s32 $0x6280, v22;
	[sflag:s18] =	ssyncset.done $0x0;
	[tilespmem:$0x1FC20] =	vst v4  }
0x23: {  	[tilespmem:$0x1FC30] =	vst v5;
	[sflag:s18] =	ssyncadd.s32 $0xFFFF8000  }
0x24: {  	[tilespmem:v22+s3+$0x0] =	vst.idx.msk $0xffff, v2  }
0x25: {  	v6 =	vor.u32 $0x280, v22;
	[tilespmem:v54+s3+$0x0] =	vst.idx.msk $0xffff, v2  }
0x26: {  	v7 =	vor.u32 $0x300, v22;
	[tilespmem:v1+s3+$0x0] =	vst.idx.msk $0xffff, v2  }
0x27: {  	v8 =	vor.u32 $0x380, v22;
	[tilespmem:v3+s3+$0x0] =	vst.idx.msk $0xffff, v2  }
0x28: {  	v9 =	vadd.s32 $0x1000, v22;
	v3 =	vadd.s32 $0x6200, v22;
	[tilespmem:v4+s3+$0x0] =	vst.idx.msk $0xffff, v2  }
0x29: {  	v10 =	vadd.s32 $0x1080, v22;
	[tilespmem:$0x1FF60] =	vst v3  }
0x2a: {  	v11 =	vadd.s32 $0x1100, v22;
	[tilespmem:v6+s3+$0x0] =	vst.idx.msk $0xffff, v2  }
0x2b: {  	v12 =	vadd.s32 $0x1180, v22;
	[tilespmem:v7+s3+$0x0] =	vst.idx.msk $0xffff, v2  }
0x2c: {  	v13 =	vadd.s32 $0x1200, v22;
	[tilespmem:v8+s3+$0x0] =	vst.idx.msk $0xffff, v2  }
0x2d: {  	v14 =	vadd.s32 $0x1280, v22;
	[tilespmem:v9+s3+$0x0] =	vst.idx.msk $0xffff, v2  }
0x2e: {  	v15 =	vadd.s32 $0x1300, v22;
	[tilespmem:v10+s3+$0x0] =	vst.idx.msk $0xffff, v2  }
0x2f: {  	v16 =	vadd.s32 $0x1380, v22;
	[tilespmem:v11+s3+$0x0] =	vst.idx.msk $0xffff, v2  }
0x30: {  	v17 =	vadd.s32 $0x2000, v22;
	[tilespmem:v12+s3+$0x0] =	vst.idx.msk $0xffff, v2  }
0x31: {  	v18 =	vadd.s32 $0x2080, v22;
	[tilespmem:v13+s3+$0x0] =	vst.idx.msk $0xffff, v2  }
0x32: {  	v19 =	vadd.s32 $0x2100, v22;
	[tilespmem:v14+s3+$0x0] =	vst.idx.msk $0xffff, v2  }
0x33: {  	v20 =	vadd.s32 $0x2180, v22;
	[tilespmem:v15+s3+$0x0] =	vst.idx.msk $0xffff, v2  }
0x34: {  	v21 =	vadd.s32 $0x2200, v22;
	[tilespmem:v16+s3+$0x0] =	vst.idx.msk $0xffff, v2  }
0x35: {  	v23 =	vadd.s32 $0x2280, v22;
	[tilespmem:v17+s3+$0x0] =	vst.idx.msk $0xffff, v2  }
0x36: {  	v24 =	vadd.s32 $0x2300, v22;
	[tilespmem:v18+s3+$0x0] =	vst.idx.msk $0xffff, v2  }
0x37: {  	v25 =	vadd.s32 $0x2380, v22;
	[tilespmem:v19+s3+$0x0] =	vst.idx.msk $0xffff, v2  }
0x38: {  	v26 =	vadd.s32 $0x3000, v22;
	[tilespmem:v20+s3+$0x0] =	vst.idx.msk $0xffff, v2  }
0x39: {  	v27 =	vadd.s32 $0x3080, v22;
	[tilespmem:v21+s3+$0x0] =	vst.idx.msk $0xffff, v2  }
0x3a: {  	v28 =	vadd.s32 $0x3100, v22;
	[tilespmem:v23+s3+$0x0] =	vst.idx.msk $0xffff, v2  }
0x3b: {  	v29 =	vadd.s32 $0x3180, v22;
	[tilespmem:v24+s3+$0x0] =	vst.idx.msk $0xffff, v2  }
0x3c: {  	v30 =	vadd.s32 $0x3200, v22;
	[tilespmem:v25+s3+$0x0] =	vst.idx.msk $0xffff, v2  }
0x3d: {  	v31 =	vadd.s32 $0x3280, v22;
	[tilespmem:v26+s3+$0x0] =	vst.idx.msk $0xffff, v2  }
0x3e: {  	v32 =	vadd.s32 $0x3300, v22;
	[tilespmem:v27+s3+$0x0] =	vst.idx.msk $0xffff, v2  }
0x3f: {  	v33 =	vadd.s32 $0x3380, v22;
	[tilespmem:v28+s3+$0x0] =	vst.idx.msk $0xffff, v2  }
0x40: {  	v34 =	vadd.s32 $0x4000, v22;
	[tilespmem:v29+s3+$0x0] =	vst.idx.msk $0xffff, v2  }
0x41: {  	v35 =	vadd.s32 $0x4080, v22;
	[tilespmem:v30+s3+$0x0] =	vst.idx.msk $0xffff, v2  }
0x42: {  	v36 =	vadd.s32 $0x4100, v22;
	[tilespmem:v31+s3+$0x0] =	vst.idx.msk $0xffff, v2  }
0x43: {  	v37 =	vadd.s32 $0x4180, v22;
	[tilespmem:v32+s3+$0x0] =	vst.idx.msk $0xffff, v2  }
0x44: {  	v38 =	vadd.s32 $0x4200, v22;
	[tilespmem:v33+s3+$0x0] =	vst.idx.msk $0xffff, v2  }
0x45: {  	v39 =	vadd.s32 $0x4280, v22;
	[tilespmem:v34+s3+$0x0] =	vst.idx.msk $0xffff, v2  }
0x46: {  	v40 =	vadd.s32 $0x4300, v22;
	[tilespmem:v35+s3+$0x0] =	vst.idx.msk $0xffff, v2  }
0x47: {  	v41 =	vadd.s32 $0x4380, v22;
	[tilespmem:v36+s3+$0x0] =	vst.idx.msk $0xffff, v2  }
0x48: {  	v42 =	vadd.s32 $0x5000, v22;
	[tilespmem:v37+s3+$0x0] =	vst.idx.msk $0xffff, v2  }
0x49: {  	v43 =	vadd.s32 $0x5080, v22;
	[tilespmem:v38+s3+$0x0] =	vst.idx.msk $0xffff, v2  }
0x4a: {  	v44 =	vadd.s32 $0x5100, v22;
	[tilespmem:v39+s3+$0x0] =	vst.idx.msk $0xffff, v2  }
0x4b: {  	v45 =	vadd.s32 $0x5180, v22;
	[tilespmem:v40+s3+$0x0] =	vst.idx.msk $0xffff, v2  }
0x4c: {  	v46 =	vadd.s32 $0x5200, v22;
	[tilespmem:v41+s3+$0x0] =	vst.idx.msk $0xffff, v2  }
0x4d: {  	v47 =	vadd.s32 $0x5280, v22;
	[tilespmem:v42+s3+$0x0] =	vst.idx.msk $0xffff, v2  }
0x4e: {  	v48 =	vadd.s32 $0x5300, v22;
	[tilespmem:v43+s3+$0x0] =	vst.idx.msk $0xffff, v2  }
0x4f: {  	v49 =	vadd.s32 $0x5380, v22;
	[tilespmem:v44+s3+$0x0] =	vst.idx.msk $0xffff, v2  }
0x50: {  	v50 =	vadd.s32 $0x6000, v22;
	[tilespmem:v45+s3+$0x0] =	vst.idx.msk $0xffff, v2  }
0x51: {  	v51 =	vadd.s32 $0x6080, v22;
	[tilespmem:v46+s3+$0x0] =	vst.idx.msk $0xffff, v2  }
0x52: {  	v52 =	vadd.s32 $0x6100, v22;
	[tilespmem:v47+s3+$0x0] =	vst.idx.msk $0xffff, v2  }
0x53: {  	v53 =	vadd.s32 $0x6180, v22;
	[tilespmem:v48+s3+$0x0] =	vst.idx.msk $0xffff, v2  }
0x54: {  	[tilespmem:v49+s3+$0x0] =	vst.idx.msk $0xffff, v2  }
0x55: {  	[tilespmem:v50+s3+$0x0] =	vst.idx.msk $0xffff, v2  }
0x56: {  	v56 =	vadd.s32 $0x6300, v22;
	[tilespmem:v51+s3+$0x0] =	vst.idx.msk $0xffff, v2  }
0x57: {  	v57 =	vadd.s32 $0x6380, v22;
	[tilespmem:v52+s3+$0x0] =	vst.idx.msk $0xffff, v2  }
0x58: {  	v58 =	vadd.s32 $0x7000, v22;
	[tilespmem:v53+s3+$0x0] =	vst.idx.msk $0xffff, v2  }
0x59: {  	v59 =	vadd.s32 $0x7080, v22;
	[tilespmem:v3+s3+$0x0] =	vst.idx.msk $0xffff, v2  }
0x5a: {  	v60 =	vadd.s32 $0x7100, v22;
	[tilespmem:v5+s3+$0x0] =	vst.idx.msk $0xffff, v2  }
0x5b: {  	v61 =	vadd.s32 $0x7180, v22;
	[tilespmem:v56+s3+$0x0] =	vst.idx.msk $0xffff, v2  }
0x5c: {  	v62 =	vadd.s32 $0x7200, v22;
	[tilespmem:v57+s3+$0x0] =	vst.idx.msk $0xffff, v2  }
0x5d: {  	v63 =	vadd.s32 $0x7280, v22;
	[tilespmem:v58+s3+$0x0] =	vst.idx.msk $0xffff, v2  }
0x5e: {  	v55 =	vadd.s32 $0x7300, v22;
	[tilespmem:v59+s3+$0x0] =	vst.idx.msk $0xffff, v2  }
0x5f: {  	v1 =	vadd.s32 $0x7380, v22;
	[tilespmem:v60+s3+$0x0] =	vst.idx.msk $0xffff, v2  }
0x60: {  	[tilespmem:v61+s3+$0x0] =	vst.idx.msk $0xffff, v2  }
0x61: {  	[tilespmem:v62+s3+$0x0] =	vst.idx.msk $0xffff, v2  }
0x62: {  	[tilespmem:v63+s3+$0x0] =	vst.idx.msk $0xffff, v2  }
0x63: {  	[tilespmem:v55+s3+$0x0] =	vst.idx.msk $0xffff, v2  }
0x64: {  	s1 =	sadd.s32 $0x0, s13;
	s28 =	simm.s32 @!p0 $0x6;
	[tilespmem:v1+s3+$0x0] =	vst.idx.msk $0xffff, v2  }
0x65: {  	[hbm4b:s1+s3] =	stream.linear.scatter [tilespmem:s3], [sflag:$0x4], $0x8000, $0x38;
	[tilespmem:$0x18080] =	vst v63  }
0x66: {  	_ =	swait.ge @!p0 [sflag:s28], $0x8000  }
0x67: {  	s29 =	sadd.s32 @!p0 $0x2000, s12;
	[sflag:s28] =	ssyncset.done @!p0 $0x0  }
0x68: {  	s29 =	smov.u32 @p0 s6;
	[sflag:s28] =	ssyncadd.s32 @!p0 $0xFFFF8000  }
0x69: {  	[tilespmem:s19], [sflag:$0x3] =	stream.linear.gather [hbm4b:s29+s3], $0x8000, $0x38;
	[tilespmem:$0x18080] =	vst v63  }
0x6a: {  	_ =	swait.ge [sflag:s20], $0x8000  }
0x6b: {  	[sflag:s20] =	ssyncset.done $0x0  }
0x6c: {  	[sflag:s20] =	ssyncadd.s32 $0xFFFF8000  }
0x6d: {  	[tilespmem:v22+s17+$0x0] =	vst.idx.msk $0xffff, v2  }
0x6e: {  	v0 =	vmov v54;
	[tilespmem:v54+s17+$0x0] =	vst.idx.msk $0xffff, v2;
	v54 =	vld [tilespmem:$0x1FC00]  }
0x6f: {  	v4 =	vld [tilespmem:$0x1FC10]  }
0x70: {  	v5 =	vld [tilespmem:$0x1FC20];
	_ =	sdelay $0x5  }
0x71: {  	[tilespmem:v54+s17+$0x0] =	vst.idx.msk $0xffff, v2  }
0x72: {  	[tilespmem:v4+s17+$0x0] =	vst.idx.msk $0xffff, v2  }
0x73: {  	[tilespmem:v5+s17+$0x0] =	vst.idx.msk $0xffff, v2  }
0x74: {  	[tilespmem:v6+s17+$0x0] =	vst.idx.msk $0xffff, v2  }
0x75: {  	[tilespmem:v7+s17+$0x0] =	vst.idx.msk $0xffff, v2  }
0x76: {  	[tilespmem:v8+s17+$0x0] =	vst.idx.msk $0xffff, v2  }
0x77: {  	[tilespmem:v9+s17+$0x0] =	vst.idx.msk $0xffff, v2  }
0x78: {  	[tilespmem:v10+s17+$0x0] =	vst.idx.msk $0xffff, v2  }
0x79: {  	[tilespmem:v11+s17+$0x0] =	vst.idx.msk $0xffff, v2  }
0x7a: {  	[tilespmem:v12+s17+$0x0] =	vst.idx.msk $0xffff, v2  }
0x7b: {  	[tilespmem:v13+s17+$0x0] =	vst.idx.msk $0xffff, v2  }
0x7c: {  	[tilespmem:v14+s17+$0x0] =	vst.idx.msk $0xffff, v2  }
0x7d: {  	[tilespmem:v15+s17+$0x0] =	vst.idx.msk $0xffff, v2  }
0x7e: {  	[tilespmem:v16+s17+$0x0] =	vst.idx.msk $0xffff, v2  }
0x7f: {  	[tilespmem:v17+s17+$0x0] =	vst.idx.msk $0xffff, v2  }
0x80: {  	[tilespmem:v18+s17+$0x0] =	vst.idx.msk $0xffff, v2  }
0x81: {  	[tilespmem:v19+s17+$0x0] =	vst.idx.msk $0xffff, v2  }
0x82: {  	[tilespmem:v20+s17+$0x0] =	vst.idx.msk $0xffff, v2  }
0x83: {  	[tilespmem:v21+s17+$0x0] =	vst.idx.msk $0xffff, v2  }
0x84: {  	[tilespmem:v23+s17+$0x0] =	vst.idx.msk $0xffff, v2  }
0x85: {  	[tilespmem:v24+s17+$0x0] =	vst.idx.msk $0xffff, v2  }
0x86: {  	[tilespmem:v25+s17+$0x0] =	vst.idx.msk $0xffff, v2  }
0x87: {  	[tilespmem:v26+s17+$0x0] =	vst.idx.msk $0xffff, v2  }
0x88: {  	[tilespmem:v27+s17+$0x0] =	vst.idx.msk $0xffff, v2  }
0x89: {  	[tilespmem:v28+s17+$0x0] =	vst.idx.msk $0xffff, v2  }
0x8a: {  	[tilespmem:v29+s17+$0x0] =	vst.idx.msk $0xffff, v2  }
0x8b: {  	[tilespmem:v30+s17+$0x0] =	vst.idx.msk $0xffff, v2  }
0x8c: {  	[tilespmem:v31+s17+$0x0] =	vst.idx.msk $0xffff, v2  }
0x8d: {  	[tilespmem:v32+s17+$0x0] =	vst.idx.msk $0xffff, v2  }
0x8e: {  	[tilespmem:v33+s17+$0x0] =	vst.idx.msk $0xffff, v2  }
0x8f: {  	[tilespmem:v34+s17+$0x0] =	vst.idx.msk $0xffff, v2  }
0x90: {  	[tilespmem:v35+s17+$0x0] =	vst.idx.msk $0xffff, v2  }
0x91: {  	[tilespmem:v36+s17+$0x0] =	vst.idx.msk $0xffff, v2  }
0x92: {  	[tilespmem:v37+s17+$0x0] =	vst.idx.msk $0xffff, v2  }
0x93: {  	[tilespmem:v38+s17+$0x0] =	vst.idx.msk $0xffff, v2  }
0x94: {  	[tilespmem:v39+s17+$0x0] =	vst.idx.msk $0xffff, v2  }
0x95: {  	[tilespmem:v40+s17+$0x0] =	vst.idx.msk $0xffff, v2  }
0x96: {  	[tilespmem:v41+s17+$0x0] =	vst.idx.msk $0xffff, v2  }
0x97: {  	[tilespmem:v42+s17+$0x0] =	vst.idx.msk $0xffff, v2  }
0x98: {  	[tilespmem:v43+s17+$0x0] =	vst.idx.msk $0xffff, v2  }
0x99: {  	[tilespmem:v44+s17+$0x0] =	vst.idx.msk $0xffff, v2  }
0x9a: {  	[tilespmem:v45+s17+$0x0] =	vst.idx.msk $0xffff, v2  }
0x9b: {  	[tilespmem:v46+s17+$0x0] =	vst.idx.msk $0xffff, v2  }
0x9c: {  	[tilespmem:v47+s17+$0x0] =	vst.idx.msk $0xffff, v2  }
0x9d: {  	[tilespmem:v48+s17+$0x0] =	vst.idx.msk $0xffff, v2  }
0x9e: {  	[tilespmem:v49+s17+$0x0] =	vst.idx.msk $0xffff, v2  }
0x9f: {  	[tilespmem:v50+s17+$0x0] =	vst.idx.msk $0xffff, v2  }
0xa0: {  	[tilespmem:v51+s17+$0x0] =	vst.idx.msk $0xffff, v2  }
0xa1: {  	[tilespmem:v52+s17+$0x0] =	vst.idx.msk $0xffff, v2  }
0xa2: {  	[tilespmem:v53+s17+$0x0] =	vst.idx.msk $0xffff, v2  }
0xa3: {  	[tilespmem:v3+s17+$0x0] =	vst.idx.msk $0xffff, v2;
	v3 =	vld [tilespmem:$0x1FC30];
	_ =	sdelay $0x6  }
0xa4: {  	[tilespmem:$0x1FC40] =	vst v1  }
0xa5: {  	[tilespmem:v3+s17+$0x0] =	vst.idx.msk $0xffff, v2  }
0xa6: {  	[tilespmem:v56+s17+$0x0] =	vst.idx.msk $0xffff, v2  }
0xa7: {  	[tilespmem:v57+s17+$0x0] =	vst.idx.msk $0xffff, v2  }
0xa8: {  	[tilespmem:v58+s17+$0x0] =	vst.idx.msk $0xffff, v2  }
0xa9: {  	[tilespmem:v59+s17+$0x0] =	vst.idx.msk $0xffff, v2  }
0xaa: {  	[tilespmem:v60+s17+$0x0] =	vst.idx.msk $0xffff, v2  }
0xab: {  	[tilespmem:v61+s17+$0x0] =	vst.idx.msk $0xffff, v2  }
0xac: {  	[tilespmem:v62+s17+$0x0] =	vst.idx.msk $0xffff, v2  }
0xad: {  	[tilespmem:v63+s17+$0x0] =	vst.idx.msk $0xffff, v2  }
0xae: {  	[tilespmem:v55+s17+$0x0] =	vst.idx.msk $0xffff, v2  }
0xaf: {  	s26 =	sadd.s32 $0x1000, s1;
	[tilespmem:v1+s17+$0x0] =	vst.idx.msk $0xffff, v2  }
0xb0: {  	[hbm4b:s26+s3] =	stream.linear.scatter [tilespmem:s17], [sflag:$0x5], $0x8000, $0x38;
	[tilespmem:$0x18080] =	vst v63  }
0xb1: {  	_ =	swait.ge [sflag:s21], $0x8000  }
0xb2: {  	[sflag:s21] =	ssyncset.done $0x0  }
0xb3: {  	s31 =	sadd.s32 $0x0, s14;
	[sflag:s21] =	ssyncadd.s32 $0xFFFF8000  }
0xb4: {  	[tilespmem:s3], [sflag:$0x1] =	stream.linear.gather [hbm4b:s31+s3], $0x8000, $0x38;
	[tilespmem:$0x18080] =	vst v63  }
0xb5: {  	_ =	swait.ge [sflag:s22], $0x8000  }
0xb6: {  	[tilespmem:$0x1FC50] =	vst v22  }
0xb7: {  	[tilespmem:$0x1FC60] =	vst v0  }
0xb8: {  	[tilespmem:$0x1FC70] =	vst v6  }
0xb9: {  	[tilespmem:$0x1FC80] =	vst v7  }
0xba: {  	[tilespmem:$0x1FC90] =	vst v8  }
0xbb: {  	[tilespmem:$0x1FCA0] =	vst v9  }
0xbc: {  	[tilespmem:$0x1FCB0] =	vst v10  }
0xbd: {  	[tilespmem:$0x1FCC0] =	vst v11  }
0xbe: {  	[tilespmem:$0x1FCD0] =	vst v12  }
0xbf: {  	[tilespmem:$0x1FCE0] =	vst v13  }
0xc0: {  	[tilespmem:$0x1FCF0] =	vst v14  }
0xc1: {  	[tilespmem:$0x1FD00] =	vst v15  }
0xc2: {  	[tilespmem:$0x1FD10] =	vst v16  }
0xc3: {  	[tilespmem:$0x1FD20] =	vst v17  }
0xc4: {  	[tilespmem:$0x1FD30] =	vst v18  }
0xc5: {  	[tilespmem:$0x1FD40] =	vst v19  }
0xc6: {  	[tilespmem:$0x1FD50] =	vst v20  }
0xc7: {  	[tilespmem:$0x1FD60] =	vst v21  }
0xc8: {  	[tilespmem:$0x1FD70] =	vst v23  }
0xc9: {  	[tilespmem:$0x1FD80] =	vst v24  }
0xca: {  	[tilespmem:$0x1FD90] =	vst v25  }
0xcb: {  	[tilespmem:$0x1FDA0] =	vst v26  }
0xcc: {  	[tilespmem:$0x1FDB0] =	vst v27  }
0xcd: {  	[tilespmem:$0x1FDC0] =	vst v28  }
0xce: {  	[tilespmem:$0x1FDD0] =	vst v29  }
0xcf: {  	[tilespmem:$0x1FDE0] =	vst v30  }
0xd0: {  	[tilespmem:$0x1FDF0] =	vst v31  }
0xd1: {  	[tilespmem:$0x1FE00] =	vst v32  }
0xd2: {  	[tilespmem:$0x1FE10] =	vst v33  }
0xd3: {  	[tilespmem:$0x1FE20] =	vst v34  }
0xd4: {  	[tilespmem:$0x1FE30] =	vst v35  }
0xd5: {  	[tilespmem:$0x1FE40] =	vst v36  }
0xd6: {  	[tilespmem:$0x1FE50] =	vst v37  }
0xd7: {  	[tilespmem:$0x1FE60] =	vst v38  }
0xd8: {  	[tilespmem:$0x1FE70] =	vst v39  }
0xd9: {  	[tilespmem:$0x1FE80] =	vst v40  }
0xda: {  	[tilespmem:$0x1FE90] =	vst v41  }
0xdb: {  	[tilespmem:$0x1FEA0] =	vst v42  }
0xdc: {  	[tilespmem:$0x1FEB0] =	vst v43  }
0xdd: {  	[tilespmem:$0x1FEC0] =	vst v44  }
0xde: {  	[tilespmem:$0x1FED0] =	vst v45  }
0xdf: {  	[tilespmem:$0x1FEE0] =	vst v46  }
0xe0: {  	[tilespmem:$0x1FEF0] =	vst v47  }
0xe1: {  	[tilespmem:$0x1FF00] =	vst v48  }
0xe2: {  	[tilespmem:$0x1FF10] =	vst v49  }
0xe3: {  	[tilespmem:$0x1FF20] =	vst v50  }
0xe4: {  	[tilespmem:$0x1FF30] =	vst v51  }
0xe5: {  	[tilespmem:$0x1FF40] =	vst v52  }
0xe6: {  	[tilespmem:$0x1FF50] =	vst v53  }
0xe7: {  	[tilespmem:$0x1FF70] =	vst v56  }
0xe8: {  	[tilespmem:$0x1FF80] =	vst v57  }
0xe9: {  	[tilespmem:$0x1FF90] =	vst v58  }
0xea: {  	[tilespmem:$0x1FFA0] =	vst v59  }
0xeb: {  	[tilespmem:$0x1FFB0] =	vst v60  }
0xec: {  	[tilespmem:$0x1FFC0] =	vst v61  }
0xed: {  	[tilespmem:$0x1FFD0] =	vst v62  }
0xee: {  	[sflag:s22] =	ssyncset.done $0x0;
	[tilespmem:$0x1FFE0] =	vst v63  }
0xef: {  	[tilespmem:$0x1FFF0] =	vst v55;
	[sflag:s22] =	ssyncadd.s32 $0xFFFF8000  }
0xf0: {  	[tilespmem:v22+s19+$0x0] =	vst.idx.msk $0xffff, v2  }
0xf1: {  	[tilespmem:v0+s19+$0x0] =	vst.idx.msk $0xffff, v2  }
0xf2: {  	[tilespmem:v54+s19+$0x0] =	vst.idx.msk $0xffff, v2  }
0xf3: {  	[tilespmem:v4+s19+$0x0] =	vst.idx.msk $0xffff, v2  }
0xf4: {  	[tilespmem:v5+s19+$0x0] =	vst.idx.msk $0xffff, v2  }
0xf5: {  	[tilespmem:v6+s19+$0x0] =	vst.idx.msk $0xffff, v2  }
0xf6: {  	[tilespmem:v7+s19+$0x0] =	vst.idx.msk $0xffff, v2  }
0xf7: {  	[tilespmem:v8+s19+$0x0] =	vst.idx.msk $0xffff, v2  }
0xf8: {  	[tilespmem:v9+s19+$0x0] =	vst.idx.msk $0xffff, v2  }
0xf9: {  	[tilespmem:v10+s19+$0x0] =	vst.idx.msk $0xffff, v2  }
0xfa: {  	[tilespmem:v11+s19+$0x0] =	vst.idx.msk $0xffff, v2  }
0xfb: {  	[tilespmem:v12+s19+$0x0] =	vst.idx.msk $0xffff, v2  }
0xfc: {  	[tilespmem:v13+s19+$0x0] =	vst.idx.msk $0xffff, v2  }
0xfd: {  	[tilespmem:v14+s19+$0x0] =	vst.idx.msk $0xffff, v2  }
0xfe: {  	[tilespmem:v15+s19+$0x0] =	vst.idx.msk $0xffff, v2  }
0xff: {  	[tilespmem:v16+s19+$0x0] =	vst.idx.msk $0xffff, v2  }
0x100: {  	[tilespmem:v17+s19+$0x0] =	vst.idx.msk $0xffff, v2  }
0x101: {  	[tilespmem:v18+s19+$0x0] =	vst.idx.msk $0xffff, v2  }
0x102: {  	[tilespmem:v19+s19+$0x0] =	vst.idx.msk $0xffff, v2  }
0x103: {  	[tilespmem:v20+s19+$0x0] =	vst.idx.msk $0xffff, v2  }
0x104: {  	[tilespmem:v21+s19+$0x0] =	vst.idx.msk $0xffff, v2  }
0x105: {  	[tilespmem:v23+s19+$0x0] =	vst.idx.msk $0xffff, v2  }
0x106: {  	[tilespmem:v24+s19+$0x0] =	vst.idx.msk $0xffff, v2  }
0x107: {  	[tilespmem:v25+s19+$0x0] =	vst.idx.msk $0xffff, v2  }
0x108: {  	[tilespmem:v26+s19+$0x0] =	vst.idx.msk $0xffff, v2  }
0x109: {  	[tilespmem:v27+s19+$0x0] =	vst.idx.msk $0xffff, v2  }
0x10a: {  	[tilespmem:v28+s19+$0x0] =	vst.idx.msk $0xffff, v2  }
0x10b: {  	[tilespmem:v29+s19+$0x0] =	vst.idx.msk $0xffff, v2  }
0x10c: {  	[tilespmem:v30+s19+$0x0] =	vst.idx.msk $0xffff, v2  }
0x10d: {  	[tilespmem:v31+s19+$0x0] =	vst.idx.msk $0xffff, v2  }
0x10e: {  	[tilespmem:v32+s19+$0x0] =	vst.idx.msk $0xffff, v2  }
0x10f: {  	[tilespmem:v33+s19+$0x0] =	vst.idx.msk $0xffff, v2  }
0x110: {  	[tilespmem:v34+s19+$0x0] =	vst.idx.msk $0xffff, v2  }
0x111: {  	[tilespmem:v35+s19+$0x0] =	vst.idx.msk $0xffff, v2  }
0x112: {  	[tilespmem:v36+s19+$0x0] =	vst.idx.msk $0xffff, v2  }
0x113: {  	[tilespmem:v37+s19+$0x0] =	vst.idx.msk $0xffff, v2  }
0x114: {  	[tilespmem:v38+s19+$0x0] =	vst.idx.msk $0xffff, v2  }
0x115: {  	[tilespmem:v39+s19+$0x0] =	vst.idx.msk $0xffff, v2  }
0x116: {  	[tilespmem:v40+s19+$0x0] =	vst.idx.msk $0xffff, v2  }
0x117: {  	[tilespmem:v41+s19+$0x0] =	vst.idx.msk $0xffff, v2  }
0x118: {  	[tilespmem:v42+s19+$0x0] =	vst.idx.msk $0xffff, v2  }
0x119: {  	[tilespmem:v43+s19+$0x0] =	vst.idx.msk $0xffff, v2  }
0x11a: {  	[tilespmem:v44+s19+$0x0] =	vst.idx.msk $0xffff, v2  }
0x11b: {  	[tilespmem:v45+s19+$0x0] =	vst.idx.msk $0xffff, v2  }
0x11c: {  	v0 =	vld [tilespmem:$0x1FF60];
	[tilespmem:v46+s19+$0x0] =	vst.idx.msk $0xffff, v2  }
0x11d: {  	[tilespmem:v47+s19+$0x0] =	vst.idx.msk $0xffff, v2  }
0x11e: {  	[tilespmem:v48+s19+$0x0] =	vst.idx.msk $0xffff, v2  }
0x11f: {  	[tilespmem:v49+s19+$0x0] =	vst.idx.msk $0xffff, v2  }
0x120: {  	[tilespmem:v50+s19+$0x0] =	vst.idx.msk $0xffff, v2  }
0x121: {  	[tilespmem:v51+s19+$0x0] =	vst.idx.msk $0xffff, v2  }
0x122: {  	[tilespmem:v52+s19+$0x0] =	vst.idx.msk $0xffff, v2  }
0x123: {  	[tilespmem:v53+s19+$0x0] =	vst.idx.msk $0xffff, v2  }
0x124: {  	[tilespmem:v0+s19+$0x0] =	vst.idx.msk $0xffff, v2  }
0x125: {  	[tilespmem:v3+s19+$0x0] =	vst.idx.msk $0xffff, v2  }
0x126: {  	[tilespmem:v56+s19+$0x0] =	vst.idx.msk $0xffff, v2  }
0x127: {  	[tilespmem:v57+s19+$0x0] =	vst.idx.msk $0xffff, v2  }
0x128: {  	[tilespmem:v58+s19+$0x0] =	vst.idx.msk $0xffff, v2  }
0x129: {  	[tilespmem:v59+s19+$0x0] =	vst.idx.msk $0xffff, v2  }
0x12a: {  	[tilespmem:v60+s19+$0x0] =	vst.idx.msk $0xffff, v2  }
0x12b: {  	[tilespmem:v61+s19+$0x0] =	vst.idx.msk $0xffff, v2  }
0x12c: {  	s29 =	simm.s32 @!p0 $0x2000;
	[tilespmem:v62+s19+$0x0] =	vst.idx.msk $0xffff, v2  }
0x12d: {  	p1 =	por $0x0, $0x0;
	s29 =	simm.s32 @p0 $0x2000;
	[tilespmem:v63+s19+$0x0] =	vst.idx.msk $0xffff, v2  }
0x12e: {  	s28 =	simm.s32 $0x6000;
	s30 =	sadd.s32 s29, s7;
	s26 =	simm.s32 $0x3000;
	[tilespmem:v55+s19+$0x0] =	vst.idx.msk $0xffff, v2  }
.LBB2_2:
0x12f: {  	v1 =	vld [tilespmem:$0x1FC40];
	_ =	sdelay $0x7  }
0x130: {  	s31 =	simm.s32 @!p1 $0x5;
	[tilespmem:v1+s19+$0x0] =	vst.idx.msk $0xffff, v2  }
0x131: {  	[hbm4b:s30+s3] =	stream.linear.scatter [tilespmem:s19], [sflag:$0x6], $0x8000, $0x38;
	[tilespmem:$0x18080] =	vst v63  }
0x132: {  	_ =	swait.ge @!p1 [sflag:s31], $0x8000  }
0x133: {  	s0 =	simm.s32 @!p1 $0x8000;
	s30 =	sadd.s32 @!p1 s26, s12;
	[sflag:s31] =	ssyncset.done @!p1 $0x0  }
0x134: {  	s30 =	sadd.s32 @!p1 $0x1000, s30;
	[sflag:s31] =	ssyncadd.s32 @!p1 $0xFFFF8000;
	s31 =	simm.s32 @!p1 $0x0  }
0x135: {  	[tilespmem:s0], [sflag:$0x2] =	stream.linear.gather @!p1 [hbm4b:s30+s31], $0x8000, $0x38;
	[tilespmem:$0x18080] =	vst v63  }
0x136: {  	_ =	swait.ge [sflag:s18], $0x8000  }
0x137: {  	v22 =	vld [tilespmem:$0x1FC50]  }
0x138: {  	v3 =	vld [tilespmem:$0x1FC60]  }
0x139: {  	v4 =	vld [tilespmem:$0x1FC00]  }
0x13a: {  	v5 =	vld [tilespmem:$0x1FC10]  }
0x13b: {  	v6 =	vld [tilespmem:$0x1FC20]  }
0x13c: {  	v7 =	vld [tilespmem:$0x1FC70]  }
0x13d: {  	[sflag:s18] =	ssyncset.done $0x0;
	v8 =	vld [tilespmem:$0x1FC80]  }
0x13e: {  	v9 =	vld [tilespmem:$0x1FC90];
	[sflag:s18] =	ssyncadd.s32 $0xFFFF8000  }
0x13f: {  	v10 =	vld [tilespmem:$0x1FCA0];
	[tilespmem:v22+s3+$0x0] =	vst.idx.msk $0xffff, v2  }
0x140: {  	v11 =	vld [tilespmem:$0x1FCB0];
	[tilespmem:v3+s3+$0x0] =	vst.idx.msk $0xffff, v2  }
0x141: {  	v12 =	vld [tilespmem:$0x1FCC0];
	[tilespmem:v4+s3+$0x0] =	vst.idx.msk $0xffff, v2  }
0x142: {  	v13 =	vld [tilespmem:$0x1FCD0];
	[tilespmem:v5+s3+$0x0] =	vst.idx.msk $0xffff, v2  }
0x143: {  	v14 =	vld [tilespmem:$0x1FCE0];
	[tilespmem:v6+s3+$0x0] =	vst.idx.msk $0xffff, v2  }
0x144: {  	v15 =	vld [tilespmem:$0x1FCF0];
	[tilespmem:v7+s3+$0x0] =	vst.idx.msk $0xffff, v2  }
0x145: {  	v16 =	vld [tilespmem:$0x1FD00];
	[tilespmem:v8+s3+$0x0] =	vst.idx.msk $0xffff, v2  }
0x146: {  	v17 =	vld [tilespmem:$0x1FD10];
	[tilespmem:v9+s3+$0x0] =	vst.idx.msk $0xffff, v2  }
0x147: {  	v18 =	vld [tilespmem:$0x1FD20];
	[tilespmem:v10+s3+$0x0] =	vst.idx.msk $0xffff, v2  }
0x148: {  	v19 =	vld [tilespmem:$0x1FD30];
	[tilespmem:v11+s3+$0x0] =	vst.idx.msk $0xffff, v2  }
0x149: {  	v20 =	vld [tilespmem:$0x1FD40];
	[tilespmem:v12+s3+$0x0] =	vst.idx.msk $0xffff, v2  }
0x14a: {  	v21 =	vld [tilespmem:$0x1FD50];
	[tilespmem:v13+s3+$0x0] =	vst.idx.msk $0xffff, v2  }
0x14b: {  	v0 =	vld [tilespmem:$0x1FD60];
	[tilespmem:v14+s3+$0x0] =	vst.idx.msk $0xffff, v2  }
0x14c: {  	v23 =	vld [tilespmem:$0x1FD70];
	[tilespmem:v15+s3+$0x0] =	vst.idx.msk $0xffff, v2  }
0x14d: {  	v24 =	vld [tilespmem:$0x1FD80];
	[tilespmem:v16+s3+$0x0] =	vst.idx.msk $0xffff, v2  }
0x14e: {  	v25 =	vld [tilespmem:$0x1FD90];
	[tilespmem:v17+s3+$0x0] =	vst.idx.msk $0xffff, v2  }
0x14f: {  	v26 =	vld [tilespmem:$0x1FDA0];
	[tilespmem:v18+s3+$0x0] =	vst.idx.msk $0xffff, v2  }
0x150: {  	v27 =	vld [tilespmem:$0x1FDB0];
	[tilespmem:v19+s3+$0x0] =	vst.idx.msk $0xffff, v2  }
0x151: {  	v28 =	vld [tilespmem:$0x1FDC0];
	[tilespmem:v20+s3+$0x0] =	vst.idx.msk $0xffff, v2  }
0x152: {  	v29 =	vld [tilespmem:$0x1FDD0];
	[tilespmem:v21+s3+$0x0] =	vst.idx.msk $0xffff, v2  }
0x153: {  	v30 =	vld [tilespmem:$0x1FDE0];
	[tilespmem:v0+s3+$0x0] =	vst.idx.msk $0xffff, v2  }
0x154: {  	v31 =	vld [tilespmem:$0x1FDF0];
	[tilespmem:v23+s3+$0x0] =	vst.idx.msk $0xffff, v2  }
0x155: {  	v32 =	vld [tilespmem:$0x1FE00];
	[tilespmem:v24+s3+$0x0] =	vst.idx.msk $0xffff, v2  }
0x156: {  	v33 =	vld [tilespmem:$0x1FE10];
	[tilespmem:v25+s3+$0x0] =	vst.idx.msk $0xffff, v2  }
0x157: {  	v34 =	vld [tilespmem:$0x1FE20];
	[tilespmem:v26+s3+$0x0] =	vst.idx.msk $0xffff, v2  }
0x158: {  	v35 =	vld [tilespmem:$0x1FE30];
	[tilespmem:v27+s3+$0x0] =	vst.idx.msk $0xffff, v2  }
0x159: {  	v36 =	vld [tilespmem:$0x1FE40];
	[tilespmem:v28+s3+$0x0] =	vst.idx.msk $0xffff, v2  }
0x15a: {  	v37 =	vld [tilespmem:$0x1FE50];
	[tilespmem:v29+s3+$0x0] =	vst.idx.msk $0xffff, v2  }
0x15b: {  	v38 =	vld [tilespmem:$0x1FE60];
	[tilespmem:v30+s3+$0x0] =	vst.idx.msk $0xffff, v2  }
0x15c: {  	v39 =	vld [tilespmem:$0x1FE70];
	[tilespmem:v31+s3+$0x0] =	vst.idx.msk $0xffff, v2  }
0x15d: {  	v40 =	vld [tilespmem:$0x1FE80];
	[tilespmem:v32+s3+$0x0] =	vst.idx.msk $0xffff, v2  }
0x15e: {  	v41 =	vld [tilespmem:$0x1FE90];
	[tilespmem:v33+s3+$0x0] =	vst.idx.msk $0xffff, v2  }
0x15f: {  	v42 =	vld [tilespmem:$0x1FEA0];
	[tilespmem:v34+s3+$0x0] =	vst.idx.msk $0xffff, v2  }
0x160: {  	v43 =	vld [tilespmem:$0x1FEB0];
	[tilespmem:v35+s3+$0x0] =	vst.idx.msk $0xffff, v2  }
0x161: {  	v44 =	vld [tilespmem:$0x1FEC0];
	[tilespmem:v36+s3+$0x0] =	vst.idx.msk $0xffff, v2  }
0x162: {  	v45 =	vld [tilespmem:$0x1FED0];
	[tilespmem:v37+s3+$0x0] =	vst.idx.msk $0xffff, v2  }
0x163: {  	v46 =	vld [tilespmem:$0x1FEE0];
	[tilespmem:v38+s3+$0x0] =	vst.idx.msk $0xffff, v2  }
0x164: {  	v47 =	vld [tilespmem:$0x1FEF0];
	[tilespmem:v39+s3+$0x0] =	vst.idx.msk $0xffff, v2  }
0x165: {  	v48 =	vld [tilespmem:$0x1FF00];
	[tilespmem:v40+s3+$0x0] =	vst.idx.msk $0xffff, v2  }
0x166: {  	v49 =	vld [tilespmem:$0x1FF10];
	[tilespmem:v41+s3+$0x0] =	vst.idx.msk $0xffff, v2  }
0x167: {  	v50 =	vld [tilespmem:$0x1FF20];
	[tilespmem:v42+s3+$0x0] =	vst.idx.msk $0xffff, v2  }
0x168: {  	v51 =	vld [tilespmem:$0x1FF30];
	[tilespmem:v43+s3+$0x0] =	vst.idx.msk $0xffff, v2  }
0x169: {  	v52 =	vld [tilespmem:$0x1FF40];
	[tilespmem:v44+s3+$0x0] =	vst.idx.msk $0xffff, v2  }
0x16a: {  	v53 =	vld [tilespmem:$0x1FF50];
	[tilespmem:v45+s3+$0x0] =	vst.idx.msk $0xffff, v2  }
0x16b: {  	v54 =	vld [tilespmem:$0x1FF60];
	[tilespmem:v46+s3+$0x0] =	vst.idx.msk $0xffff, v2  }
0x16c: {  	v55 =	vld [tilespmem:$0x1FC30];
	[tilespmem:v47+s3+$0x0] =	vst.idx.msk $0xffff, v2  }
0x16d: {  	v56 =	vld [tilespmem:$0x1FF70];
	[tilespmem:v48+s3+$0x0] =	vst.idx.msk $0xffff, v2  }
0x16e: {  	v57 =	vld [tilespmem:$0x1FF80];
	[tilespmem:v49+s3+$0x0] =	vst.idx.msk $0xffff, v2  }
0x16f: {  	v58 =	vld [tilespmem:$0x1FF90];
	[tilespmem:v50+s3+$0x0] =	vst.idx.msk $0xffff, v2  }
0x170: {  	v59 =	vld [tilespmem:$0x1FFA0];
	[tilespmem:v51+s3+$0x0] =	vst.idx.msk $0xffff, v2  }
0x171: {  	v60 =	vld [tilespmem:$0x1FFB0];
	[tilespmem:v52+s3+$0x0] =	vst.idx.msk $0xffff, v2  }
0x172: {  	v61 =	vld [tilespmem:$0x1FFC0];
	[tilespmem:v53+s3+$0x0] =	vst.idx.msk $0xffff, v2  }
0x173: {  	v62 =	vld [tilespmem:$0x1FFD0];
	[tilespmem:v54+s3+$0x0] =	vst.idx.msk $0xffff, v2  }
0x174: {  	v63 =	vld [tilespmem:$0x1FFE0];
	[tilespmem:v55+s3+$0x0] =	vst.idx.msk $0xffff, v2  }
0x175: {  	v0 =	vld [tilespmem:$0x1FFF0];
	[tilespmem:v56+s3+$0x0] =	vst.idx.msk $0xffff, v2  }
0x176: {  	[tilespmem:v57+s3+$0x0] =	vst.idx.msk $0xffff, v2  }
0x177: {  	[tilespmem:v58+s3+$0x0] =	vst.idx.msk $0xffff, v2  }
0x178: {  	[tilespmem:v59+s3+$0x0] =	vst.idx.msk $0xffff, v2  }
0x179: {  	[tilespmem:v60+s3+$0x0] =	vst.idx.msk $0xffff, v2  }
0x17a: {  	[tilespmem:v61+s3+$0x0] =	vst.idx.msk $0xffff, v2  }
0x17b: {  	[tilespmem:v62+s3+$0x0] =	vst.idx.msk $0xffff, v2  }
0x17c: {  	[tilespmem:v63+s3+$0x0] =	vst.idx.msk $0xffff, v2  }
0x17d: {  	[tilespmem:v0+s3+$0x0] =	vst.idx.msk $0xffff, v2  }
0x17e: {  	s31 =	sadd.s32 s26, s13;
	s0 =	simm.s32 @!p1 $0x6;
	[tilespmem:v1+s3+$0x0] =	vst.idx.msk $0xffff, v2  }
0x17f: {  	[hbm4b:s31+s3] =	stream.linear.scatter [tilespmem:s3], [sflag:$0x4], $0x8000, $0x38;
	[tilespmem:$0x18080] =	vst v63  }
0x180: {  	s30 =	sadd.s32 @!p1 $0x2000, s26;
	_ =	swait.ge @!p1 [sflag:s0], $0x8000  }
0x181: {  	s1 =	sadd.s32 @!p1 s12, s30;
	[sflag:s0] =	ssyncset.done @!p1 $0x0  }
0x182: {  	s1 =	smov.u32 @p1 s6;
	[sflag:s0] =	ssyncadd.s32 @!p1 $0xFFFF8000  }
0x183: {  	[tilespmem:s19], [sflag:$0x3] =	stream.linear.gather [hbm4b:s1+s3], $0x8000, $0x38;
	[tilespmem:$0x18080] =	vst v63  }
0x184: {  	_ =	swait.ge [sflag:s20], $0x8000  }
0x185: {  	[sflag:s20] =	ssyncset.done $0x0  }
0x186: {  	[sflag:s20] =	ssyncadd.s32 $0xFFFF8000  }
0x187: {  	[tilespmem:v22+s17+$0x0] =	vst.idx.msk $0xffff, v2  }
0x188: {  	[tilespmem:v3+s17+$0x0] =	vst.idx.msk $0xffff, v2  }
0x189: {  	[tilespmem:v4+s17+$0x0] =	vst.idx.msk $0xffff, v2  }
0x18a: {  	[tilespmem:v5+s17+$0x0] =	vst.idx.msk $0xffff, v2  }
0x18b: {  	[tilespmem:v6+s17+$0x0] =	vst.idx.msk $0xffff, v2  }
0x18c: {  	[tilespmem:v7+s17+$0x0] =	vst.idx.msk $0xffff, v2  }
0x18d: {  	[tilespmem:v8+s17+$0x0] =	vst.idx.msk $0xffff, v2  }
0x18e: {  	[tilespmem:v9+s17+$0x0] =	vst.idx.msk $0xffff, v2  }
0x18f: {  	[tilespmem:v10+s17+$0x0] =	vst.idx.msk $0xffff, v2  }
0x190: {  	[tilespmem:v11+s17+$0x0] =	vst.idx.msk $0xffff, v2  }
0x191: {  	[tilespmem:v12+s17+$0x0] =	vst.idx.msk $0xffff, v2  }
0x192: {  	[tilespmem:v13+s17+$0x0] =	vst.idx.msk $0xffff, v2  }
0x193: {  	v0 =	vld [tilespmem:$0x1FD60];
	[tilespmem:v14+s17+$0x0] =	vst.idx.msk $0xffff, v2  }
0x194: {  	[tilespmem:v15+s17+$0x0] =	vst.idx.msk $0xffff, v2  }
0x195: {  	[tilespmem:v16+s17+$0x0] =	vst.idx.msk $0xffff, v2  }
0x196: {  	[tilespmem:v17+s17+$0x0] =	vst.idx.msk $0xffff, v2  }
0x197: {  	[tilespmem:v18+s17+$0x0] =	vst.idx.msk $0xffff, v2  }
0x198: {  	[tilespmem:v19+s17+$0x0] =	vst.idx.msk $0xffff, v2  }
0x199: {  	[tilespmem:v20+s17+$0x0] =	vst.idx.msk $0xffff, v2  }
0x19a: {  	[tilespmem:v21+s17+$0x0] =	vst.idx.msk $0xffff, v2  }
0x19b: {  	[tilespmem:v0+s17+$0x0] =	vst.idx.msk $0xffff, v2  }
0x19c: {  	[tilespmem:v23+s17+$0x0] =	vst.idx.msk $0xffff, v2  }
0x19d: {  	[tilespmem:v24+s17+$0x0] =	vst.idx.msk $0xffff, v2  }
0x19e: {  	[tilespmem:v25+s17+$0x0] =	vst.idx.msk $0xffff, v2  }
0x19f: {  	[tilespmem:v26+s17+$0x0] =	vst.idx.msk $0xffff, v2  }
0x1a0: {  	[tilespmem:v27+s17+$0x0] =	vst.idx.msk $0xffff, v2  }
0x1a1: {  	[tilespmem:v28+s17+$0x0] =	vst.idx.msk $0xffff, v2  }
0x1a2: {  	[tilespmem:v29+s17+$0x0] =	vst.idx.msk $0xffff, v2  }
0x1a3: {  	[tilespmem:v30+s17+$0x0] =	vst.idx.msk $0xffff, v2  }
0x1a4: {  	[tilespmem:v31+s17+$0x0] =	vst.idx.msk $0xffff, v2  }
0x1a5: {  	[tilespmem:v32+s17+$0x0] =	vst.idx.msk $0xffff, v2  }
0x1a6: {  	[tilespmem:v33+s17+$0x0] =	vst.idx.msk $0xffff, v2  }
0x1a7: {  	[tilespmem:v34+s17+$0x0] =	vst.idx.msk $0xffff, v2  }
0x1a8: {  	[tilespmem:v35+s17+$0x0] =	vst.idx.msk $0xffff, v2  }
0x1a9: {  	[tilespmem:v36+s17+$0x0] =	vst.idx.msk $0xffff, v2  }
0x1aa: {  	[tilespmem:v37+s17+$0x0] =	vst.idx.msk $0xffff, v2  }
0x1ab: {  	[tilespmem:v38+s17+$0x0] =	vst.idx.msk $0xffff, v2  }
0x1ac: {  	[tilespmem:v39+s17+$0x0] =	vst.idx.msk $0xffff, v2  }
0x1ad: {  	[tilespmem:v40+s17+$0x0] =	vst.idx.msk $0xffff, v2  }
0x1ae: {  	[tilespmem:v41+s17+$0x0] =	vst.idx.msk $0xffff, v2  }
0x1af: {  	[tilespmem:v42+s17+$0x0] =	vst.idx.msk $0xffff, v2  }
0x1b0: {  	[tilespmem:v43+s17+$0x0] =	vst.idx.msk $0xffff, v2  }
0x1b1: {  	[tilespmem:v44+s17+$0x0] =	vst.idx.msk $0xffff, v2  }
0x1b2: {  	[tilespmem:v45+s17+$0x0] =	vst.idx.msk $0xffff, v2  }
0x1b3: {  	[tilespmem:v46+s17+$0x0] =	vst.idx.msk $0xffff, v2  }
0x1b4: {  	[tilespmem:v47+s17+$0x0] =	vst.idx.msk $0xffff, v2  }
0x1b5: {  	[tilespmem:v48+s17+$0x0] =	vst.idx.msk $0xffff, v2  }
0x1b6: {  	[tilespmem:v49+s17+$0x0] =	vst.idx.msk $0xffff, v2  }
0x1b7: {  	[tilespmem:v50+s17+$0x0] =	vst.idx.msk $0xffff, v2  }
0x1b8: {  	[tilespmem:v51+s17+$0x0] =	vst.idx.msk $0xffff, v2  }
0x1b9: {  	[tilespmem:v52+s17+$0x0] =	vst.idx.msk $0xffff, v2  }
0x1ba: {  	[tilespmem:v53+s17+$0x0] =	vst.idx.msk $0xffff, v2  }
0x1bb: {  	[tilespmem:v54+s17+$0x0] =	vst.idx.msk $0xffff, v2  }
0x1bc: {  	[tilespmem:v55+s17+$0x0] =	vst.idx.msk $0xffff, v2  }
0x1bd: {  	v1 =	vld [tilespmem:$0x1FFF0];
	[tilespmem:v56+s17+$0x0] =	vst.idx.msk $0xffff, v2  }
0x1be: {  	v3 =	vld [tilespmem:$0x1FC40];
	[tilespmem:v57+s17+$0x0] =	vst.idx.msk $0xffff, v2  }
0x1bf: {  	[tilespmem:v58+s17+$0x0] =	vst.idx.msk $0xffff, v2  }
0x1c0: {  	[tilespmem:v59+s17+$0x0] =	vst.idx.msk $0xffff, v2  }
0x1c1: {  	[tilespmem:v60+s17+$0x0] =	vst.idx.msk $0xffff, v2  }
0x1c2: {  	[tilespmem:v61+s17+$0x0] =	vst.idx.msk $0xffff, v2  }
0x1c3: {  	[tilespmem:v62+s17+$0x0] =	vst.idx.msk $0xffff, v2  }
0x1c4: {  	[tilespmem:v63+s17+$0x0] =	vst.idx.msk $0xffff, v2  }
0x1c5: {  	[tilespmem:v1+s17+$0x0] =	vst.idx.msk $0xffff, v2  }
0x1c6: {  	s1 =	sadd.s32 $0x1000, s31;
	[tilespmem:v3+s17+$0x0] =	vst.idx.msk $0xffff, v2  }
0x1c7: {  	[hbm4b:s1+s3] =	stream.linear.scatter [tilespmem:s17], [sflag:$0x5], $0x8000, $0x38;
	[tilespmem:$0x18080] =	vst v63  }
0x1c8: {  	_ =	swait.ge [sflag:s21], $0x8000  }
0x1c9: {  	[sflag:s21] =	ssyncset.done $0x0  }
0x1ca: {  	s31 =	sadd.s32 s26, s14;
	[sflag:s21] =	ssyncadd.s32 $0xFFFF8000  }
0x1cb: {  	[tilespmem:s3], [sflag:$0x1] =	stream.linear.gather [hbm4b:s31+s3], $0x8000, $0x38;
	[tilespmem:$0x18080] =	vst v63  }
0x1cc: {  	_ =	swait.ge [sflag:s22], $0x8000  }
0x1cd: {  	v3 =	vld [tilespmem:$0x1FC60];
	_ =	sdelay $0x4  }
0x1ce: {  	[sflag:s22] =	ssyncset.done $0x0  }
0x1cf: {  	[sflag:s22] =	ssyncadd.s32 $0xFFFF8000  }
0x1d0: {  	[tilespmem:v22+s19+$0x0] =	vst.idx.msk $0xffff, v2  }
0x1d1: {  	[tilespmem:v3+s19+$0x0] =	vst.idx.msk $0xffff, v2  }
0x1d2: {  	[tilespmem:v4+s19+$0x0] =	vst.idx.msk $0xffff, v2  }
0x1d3: {  	[tilespmem:v5+s19+$0x0] =	vst.idx.msk $0xffff, v2  }
0x1d4: {  	[tilespmem:v6+s19+$0x0] =	vst.idx.msk $0xffff, v2  }
0x1d5: {  	[tilespmem:v7+s19+$0x0] =	vst.idx.msk $0xffff, v2  }
0x1d6: {  	[tilespmem:v8+s19+$0x0] =	vst.idx.msk $0xffff, v2  }
0x1d7: {  	[tilespmem:v9+s19+$0x0] =	vst.idx.msk $0xffff, v2  }
0x1d8: {  	[tilespmem:v10+s19+$0x0] =	vst.idx.msk $0xffff, v2  }
0x1d9: {  	[tilespmem:v11+s19+$0x0] =	vst.idx.msk $0xffff, v2  }
0x1da: {  	[tilespmem:v12+s19+$0x0] =	vst.idx.msk $0xffff, v2  }
0x1db: {  	[tilespmem:v13+s19+$0x0] =	vst.idx.msk $0xffff, v2  }
0x1dc: {  	[tilespmem:v14+s19+$0x0] =	vst.idx.msk $0xffff, v2  }
0x1dd: {  	[tilespmem:v15+s19+$0x0] =	vst.idx.msk $0xffff, v2  }
0x1de: {  	[tilespmem:v16+s19+$0x0] =	vst.idx.msk $0xffff, v2  }
0x1df: {  	[tilespmem:v17+s19+$0x0] =	vst.idx.msk $0xffff, v2  }
0x1e0: {  	[tilespmem:v18+s19+$0x0] =	vst.idx.msk $0xffff, v2  }
0x1e1: {  	[tilespmem:v19+s19+$0x0] =	vst.idx.msk $0xffff, v2  }
0x1e2: {  	[tilespmem:v20+s19+$0x0] =	vst.idx.msk $0xffff, v2  }
0x1e3: {  	[tilespmem:v21+s19+$0x0] =	vst.idx.msk $0xffff, v2  }
0x1e4: {  	[tilespmem:v0+s19+$0x0] =	vst.idx.msk $0xffff, v2  }
0x1e5: {  	[tilespmem:v23+s19+$0x0] =	vst.idx.msk $0xffff, v2  }
0x1e6: {  	[tilespmem:v24+s19+$0x0] =	vst.idx.msk $0xffff, v2  }
0x1e7: {  	[tilespmem:v25+s19+$0x0] =	vst.idx.msk $0xffff, v2  }
0x1e8: {  	[tilespmem:v26+s19+$0x0] =	vst.idx.msk $0xffff, v2  }
0x1e9: {  	[tilespmem:v27+s19+$0x0] =	vst.idx.msk $0xffff, v2  }
0x1ea: {  	[tilespmem:v28+s19+$0x0] =	vst.idx.msk $0xffff, v2  }
0x1eb: {  	[tilespmem:v29+s19+$0x0] =	vst.idx.msk $0xffff, v2  }
0x1ec: {  	[tilespmem:v30+s19+$0x0] =	vst.idx.msk $0xffff, v2  }
0x1ed: {  	[tilespmem:v31+s19+$0x0] =	vst.idx.msk $0xffff, v2  }
0x1ee: {  	[tilespmem:v32+s19+$0x0] =	vst.idx.msk $0xffff, v2  }
0x1ef: {  	[tilespmem:v33+s19+$0x0] =	vst.idx.msk $0xffff, v2  }
0x1f0: {  	[tilespmem:v34+s19+$0x0] =	vst.idx.msk $0xffff, v2  }
0x1f1: {  	[tilespmem:v35+s19+$0x0] =	vst.idx.msk $0xffff, v2  }
0x1f2: {  	[tilespmem:v36+s19+$0x0] =	vst.idx.msk $0xffff, v2  }
0x1f3: {  	[tilespmem:v37+s19+$0x0] =	vst.idx.msk $0xffff, v2  }
0x1f4: {  	[tilespmem:v38+s19+$0x0] =	vst.idx.msk $0xffff, v2  }
0x1f5: {  	[tilespmem:v39+s19+$0x0] =	vst.idx.msk $0xffff, v2  }
0x1f6: {  	[tilespmem:v40+s19+$0x0] =	vst.idx.msk $0xffff, v2  }
0x1f7: {  	[tilespmem:v41+s19+$0x0] =	vst.idx.msk $0xffff, v2  }
0x1f8: {  	[tilespmem:v42+s19+$0x0] =	vst.idx.msk $0xffff, v2  }
0x1f9: {  	[tilespmem:v43+s19+$0x0] =	vst.idx.msk $0xffff, v2  }
0x1fa: {  	[tilespmem:v44+s19+$0x0] =	vst.idx.msk $0xffff, v2  }
0x1fb: {  	[tilespmem:v45+s19+$0x0] =	vst.idx.msk $0xffff, v2  }
0x1fc: {  	[tilespmem:v46+s19+$0x0] =	vst.idx.msk $0xffff, v2  }
0x1fd: {  	[tilespmem:v47+s19+$0x0] =	vst.idx.msk $0xffff, v2  }
0x1fe: {  	[tilespmem:v48+s19+$0x0] =	vst.idx.msk $0xffff, v2  }
0x1ff: {  	[tilespmem:v49+s19+$0x0] =	vst.idx.msk $0xffff, v2  }
0x200: {  	[tilespmem:v50+s19+$0x0] =	vst.idx.msk $0xffff, v2  }
0x201: {  	[tilespmem:v51+s19+$0x0] =	vst.idx.msk $0xffff, v2  }
0x202: {  	[tilespmem:v52+s19+$0x0] =	vst.idx.msk $0xffff, v2  }
0x203: {  	[tilespmem:v53+s19+$0x0] =	vst.idx.msk $0xffff, v2  }
0x204: {  	[tilespmem:v54+s19+$0x0] =	vst.idx.msk $0xffff, v2  }
0x205: {  	[tilespmem:v55+s19+$0x0] =	vst.idx.msk $0xffff, v2  }
0x206: {  	[tilespmem:v56+s19+$0x0] =	vst.idx.msk $0xffff, v2  }
0x207: {  	[tilespmem:v57+s19+$0x0] =	vst.idx.msk $0xffff, v2  }
0x208: {  	s29 =	smov.u32 s28;
	s28 =	sadd.s32 $0x3000, s28;
	[tilespmem:v58+s19+$0x0] =	vst.idx.msk $0xffff, v2  }
0x209: {  	p0 =	sne.s32 s28, $0x1E000;
	[tilespmem:v59+s19+$0x0] =	vst.idx.msk $0xffff, v2  }
.Ltmp0:
0x20a: {  	[tilespmem:v60+s19+$0x0] =	vst.idx.msk $0xffff, v2;
	(pc) =	sbr.rel @p0 .LBB2_2-.Ltmp0, $4  }
0x20b: {  	[tilespmem:v61+s19+$0x0] =	vst.idx.msk $0xffff, v2  }
0x20c: {  	[tilespmem:v62+s19+$0x0] =	vst.idx.msk $0xffff, v2  }
0x20d: {  	s30 =	simm.s32 @p1 $0x2000;
	s26 =	smov.u32 s29;
	[tilespmem:v63+s19+$0x0] =	vst.idx.msk $0xffff, v2  }
0x20e: {  	s30 =	sadd.s32 s30, s7;
	p1 =	seq.s32 s26, $0x0;
	[tilespmem:v1+s19+$0x0] =	vst.idx.msk $0xffff, v2  }
0x20f: {  	v3 =	vld [tilespmem:$0x1FC40];
	_ =	sdelay $0x7  }
0x210: {  	s0 =	simm.s32 @!p1 $0x5;
	[tilespmem:v3+s19+$0x0] =	vst.idx.msk $0xffff, v2  }
0x211: {  	[hbm4b:s30+s3] =	stream.linear.scatter [tilespmem:s19], [sflag:$0x6], $0x8000, $0x38;
	[tilespmem:$0x18080] =	vst v63  }
0x212: {  	_ =	swait.ge @!p1 [sflag:s0], $0x8000  }
0x213: {  	s1 =	sadd.s32 @!p1 s26, s12;
	s28 =	simm.s32 @!p1 $0x8000;
	[sflag:s0] =	ssyncset.done @!p1 $0x0  }
0x214: {  	[sflag:s0] =	ssyncadd.s32 @!p1 $0xFFFF8000;
	s0 =	sadd.s32 @!p1 $0x1000, s1;
	s1 =	simm.s32 @!p1 $0x0  }
0x215: {  	[tilespmem:s28], [sflag:$0x2] =	stream.linear.gather @!p1 [hbm4b:s0+s1], $0x8000, $0x38;
	[tilespmem:$0x18080] =	vst v63  }
0x216: {  	_ =	swait.ge [sflag:s18], $0x8000  }
0x217: {  	v23 =	vld [tilespmem:$0x1FC50]  }
0x218: {  	v4 =	vld [tilespmem:$0x1FC60]  }
0x219: {  	v5 =	vld [tilespmem:$0x1FC00]  }
0x21a: {  	v6 =	vld [tilespmem:$0x1FC10]  }
0x21b: {  	v7 =	vld [tilespmem:$0x1FC20]  }
0x21c: {  	v8 =	vld [tilespmem:$0x1FC70]  }
0x21d: {  	[sflag:s18] =	ssyncset.done $0x0;
	v9 =	vld [tilespmem:$0x1FC80]  }
0x21e: {  	v10 =	vld [tilespmem:$0x1FC90];
	[sflag:s18] =	ssyncadd.s32 $0xFFFF8000  }
0x21f: {  	v11 =	vld [tilespmem:$0x1FCA0];
	[tilespmem:v23+s3+$0x0] =	vst.idx.msk $0xffff, v2  }
0x220: {  	v12 =	vld [tilespmem:$0x1FCB0];
	[tilespmem:v4+s3+$0x0] =	vst.idx.msk $0xffff, v2  }
0x221: {  	v13 =	vld [tilespmem:$0x1FCC0];
	[tilespmem:v5+s3+$0x0] =	vst.idx.msk $0xffff, v2  }
0x222: {  	v14 =	vld [tilespmem:$0x1FCD0];
	[tilespmem:v6+s3+$0x0] =	vst.idx.msk $0xffff, v2  }
0x223: {  	v15 =	vld [tilespmem:$0x1FCE0];
	[tilespmem:v7+s3+$0x0] =	vst.idx.msk $0xffff, v2  }
0x224: {  	v16 =	vld [tilespmem:$0x1FCF0];
	[tilespmem:v8+s3+$0x0] =	vst.idx.msk $0xffff, v2  }
0x225: {  	v17 =	vld [tilespmem:$0x1FD00];
	[tilespmem:v9+s3+$0x0] =	vst.idx.msk $0xffff, v2  }
0x226: {  	v18 =	vld [tilespmem:$0x1FD10];
	[tilespmem:v10+s3+$0x0] =	vst.idx.msk $0xffff, v2  }
0x227: {  	v19 =	vld [tilespmem:$0x1FD20];
	[tilespmem:v11+s3+$0x0] =	vst.idx.msk $0xffff, v2  }
0x228: {  	v20 =	vld [tilespmem:$0x1FD30];
	[tilespmem:v12+s3+$0x0] =	vst.idx.msk $0xffff, v2  }
0x229: {  	v21 =	vld [tilespmem:$0x1FD40];
	[tilespmem:v13+s3+$0x0] =	vst.idx.msk $0xffff, v2  }
0x22a: {  	v22 =	vld [tilespmem:$0x1FD50];
	[tilespmem:v14+s3+$0x0] =	vst.idx.msk $0xffff, v2  }
0x22b: {  	v0 =	vld [tilespmem:$0x1FD60];
	[tilespmem:v15+s3+$0x0] =	vst.idx.msk $0xffff, v2  }
0x22c: {  	v24 =	vld [tilespmem:$0x1FD70];
	[tilespmem:v16+s3+$0x0] =	vst.idx.msk $0xffff, v2  }
0x22d: {  	v25 =	vld [tilespmem:$0x1FD80];
	[tilespmem:v17+s3+$0x0] =	vst.idx.msk $0xffff, v2  }
0x22e: {  	v26 =	vld [tilespmem:$0x1FD90];
	[tilespmem:v18+s3+$0x0] =	vst.idx.msk $0xffff, v2  }
0x22f: {  	v27 =	vld [tilespmem:$0x1FDA0];
	[tilespmem:v19+s3+$0x0] =	vst.idx.msk $0xffff, v2  }
0x230: {  	v28 =	vld [tilespmem:$0x1FDB0];
	[tilespmem:v20+s3+$0x0] =	vst.idx.msk $0xffff, v2  }
0x231: {  	v29 =	vld [tilespmem:$0x1FDC0];
	[tilespmem:v21+s3+$0x0] =	vst.idx.msk $0xffff, v2  }
0x232: {  	v30 =	vld [tilespmem:$0x1FDD0];
	[tilespmem:v22+s3+$0x0] =	vst.idx.msk $0xffff, v2  }
0x233: {  	v31 =	vld [tilespmem:$0x1FDE0];
	[tilespmem:v0+s3+$0x0] =	vst.idx.msk $0xffff, v2  }
0x234: {  	v32 =	vld [tilespmem:$0x1FDF0];
	[tilespmem:v24+s3+$0x0] =	vst.idx.msk $0xffff, v2  }
0x235: {  	v33 =	vld [tilespmem:$0x1FE00];
	[tilespmem:v25+s3+$0x0] =	vst.idx.msk $0xffff, v2  }
0x236: {  	v34 =	vld [tilespmem:$0x1FE10];
	[tilespmem:v26+s3+$0x0] =	vst.idx.msk $0xffff, v2  }
0x237: {  	v35 =	vld [tilespmem:$0x1FE20];
	[tilespmem:v27+s3+$0x0] =	vst.idx.msk $0xffff, v2  }
0x238: {  	v36 =	vld [tilespmem:$0x1FE30];
	[tilespmem:v28+s3+$0x0] =	vst.idx.msk $0xffff, v2  }
0x239: {  	v37 =	vld [tilespmem:$0x1FE40];
	[tilespmem:v29+s3+$0x0] =	vst.idx.msk $0xffff, v2  }
0x23a: {  	v38 =	vld [tilespmem:$0x1FE50];
	[tilespmem:v30+s3+$0x0] =	vst.idx.msk $0xffff, v2  }
0x23b: {  	v39 =	vld [tilespmem:$0x1FE60];
	[tilespmem:v31+s3+$0x0] =	vst.idx.msk $0xffff, v2  }
0x23c: {  	v40 =	vld [tilespmem:$0x1FE70];
	[tilespmem:v32+s3+$0x0] =	vst.idx.msk $0xffff, v2  }
0x23d: {  	v41 =	vld [tilespmem:$0x1FE80];
	[tilespmem:v33+s3+$0x0] =	vst.idx.msk $0xffff, v2  }
0x23e: {  	v42 =	vld [tilespmem:$0x1FE90];
	[tilespmem:v34+s3+$0x0] =	vst.idx.msk $0xffff, v2  }
0x23f: {  	v43 =	vld [tilespmem:$0x1FEA0];
	[tilespmem:v35+s3+$0x0] =	vst.idx.msk $0xffff, v2  }
0x240: {  	v44 =	vld [tilespmem:$0x1FEB0];
	[tilespmem:v36+s3+$0x0] =	vst.idx.msk $0xffff, v2  }
0x241: {  	v45 =	vld [tilespmem:$0x1FEC0];
	[tilespmem:v37+s3+$0x0] =	vst.idx.msk $0xffff, v2  }
0x242: {  	v46 =	vld [tilespmem:$0x1FED0];
	[tilespmem:v38+s3+$0x0] =	vst.idx.msk $0xffff, v2  }
0x243: {  	v47 =	vld [tilespmem:$0x1FEE0];
	[tilespmem:v39+s3+$0x0] =	vst.idx.msk $0xffff, v2  }
0x244: {  	v48 =	vld [tilespmem:$0x1FEF0];
	[tilespmem:v40+s3+$0x0] =	vst.idx.msk $0xffff, v2  }
0x245: {  	v49 =	vld [tilespmem:$0x1FF00];
	[tilespmem:v41+s3+$0x0] =	vst.idx.msk $0xffff, v2  }
0x246: {  	v50 =	vld [tilespmem:$0x1FF10];
	[tilespmem:v42+s3+$0x0] =	vst.idx.msk $0xffff, v2  }
0x247: {  	v51 =	vld [tilespmem:$0x1FF20];
	[tilespmem:v43+s3+$0x0] =	vst.idx.msk $0xffff, v2  }
0x248: {  	v52 =	vld [tilespmem:$0x1FF30];
	[tilespmem:v44+s3+$0x0] =	vst.idx.msk $0xffff, v2  }
0x249: {  	v53 =	vld [tilespmem:$0x1FF40];
	[tilespmem:v45+s3+$0x0] =	vst.idx.msk $0xffff, v2  }
0x24a: {  	v54 =	vld [tilespmem:$0x1FF50];
	[tilespmem:v46+s3+$0x0] =	vst.idx.msk $0xffff, v2  }
0x24b: {  	v55 =	vld [tilespmem:$0x1FF60];
	[tilespmem:v47+s3+$0x0] =	vst.idx.msk $0xffff, v2  }
0x24c: {  	v56 =	vld [tilespmem:$0x1FC30];
	[tilespmem:v48+s3+$0x0] =	vst.idx.msk $0xffff, v2  }
0x24d: {  	v57 =	vld [tilespmem:$0x1FF70];
	[tilespmem:v49+s3+$0x0] =	vst.idx.msk $0xffff, v2  }
0x24e: {  	v58 =	vld [tilespmem:$0x1FF80];
	[tilespmem:v50+s3+$0x0] =	vst.idx.msk $0xffff, v2  }
0x24f: {  	v59 =	vld [tilespmem:$0x1FF90];
	[tilespmem:v51+s3+$0x0] =	vst.idx.msk $0xffff, v2  }
0x250: {  	v60 =	vld [tilespmem:$0x1FFA0];
	[tilespmem:v52+s3+$0x0] =	vst.idx.msk $0xffff, v2  }
0x251: {  	v61 =	vld [tilespmem:$0x1FFB0];
	[tilespmem:v53+s3+$0x0] =	vst.idx.msk $0xffff, v2  }
0x252: {  	v62 =	vld [tilespmem:$0x1FFC0];
	[tilespmem:v54+s3+$0x0] =	vst.idx.msk $0xffff, v2  }
0x253: {  	v63 =	vld [tilespmem:$0x1FFD0];
	[tilespmem:v55+s3+$0x0] =	vst.idx.msk $0xffff, v2  }
0x254: {  	v0 =	vld [tilespmem:$0x1FFE0];
	[tilespmem:v56+s3+$0x0] =	vst.idx.msk $0xffff, v2  }
0x255: {  	[tilespmem:v57+s3+$0x0] =	vst.idx.msk $0xffff, v2  }
0x256: {  	[tilespmem:v58+s3+$0x0] =	vst.idx.msk $0xffff, v2  }
0x257: {  	[tilespmem:v59+s3+$0x0] =	vst.idx.msk $0xffff, v2  }
0x258: {  	[tilespmem:v60+s3+$0x0] =	vst.idx.msk $0xffff, v2  }
0x259: {  	[tilespmem:v61+s3+$0x0] =	vst.idx.msk $0xffff, v2  }
0x25a: {  	[tilespmem:v62+s3+$0x0] =	vst.idx.msk $0xffff, v2  }
0x25b: {  	[tilespmem:v63+s3+$0x0] =	vst.idx.msk $0xffff, v2  }
0x25c: {  	[tilespmem:v0+s3+$0x0] =	vst.idx.msk $0xffff, v2;
	v0 =	vld [tilespmem:$0x1FFF0];
	_ =	sdelay $0x7  }
0x25d: {  	[tilespmem:v0+s3+$0x0] =	vst.idx.msk $0xffff, v2  }
0x25e: {  	s29 =	sadd.s32 s26, s13;
	s0 =	simm.s32 @!p1 $0x6;
	[tilespmem:v3+s3+$0x0] =	vst.idx.msk $0xffff, v2  }
0x25f: {  	[hbm4b:s29+s3] =	stream.linear.scatter [tilespmem:s3], [sflag:$0x4], $0x8000, $0x38;
	[tilespmem:$0x18080] =	vst v63  }
0x260: {  	s28 =	sadd.s32 @!p1 $0x2000, s26;
	_ =	swait.ge @!p1 [sflag:s0], $0x8000  }
0x261: {  	s1 =	sadd.s32 @!p1 s12, s28;
	[sflag:s0] =	ssyncset.done @!p1 $0x0  }
0x262: {  	s1 =	smov.u32 @p1 s6;
	[sflag:s0] =	ssyncadd.s32 @!p1 $0xFFFF8000  }
0x263: {  	[tilespmem:s19], [sflag:$0x3] =	stream.linear.gather [hbm4b:s1+s3], $0x8000, $0x38;
	[tilespmem:$0x18080] =	vst v63  }
0x264: {  	_ =	swait.ge [sflag:s20], $0x8000  }
0x265: {  	[sflag:s20] =	ssyncset.done $0x0  }
0x266: {  	[sflag:s20] =	ssyncadd.s32 $0xFFFF8000  }
0x267: {  	[tilespmem:v23+s17+$0x0] =	vst.idx.msk $0xffff, v2  }
0x268: {  	[tilespmem:v4+s17+$0x0] =	vst.idx.msk $0xffff, v2  }
0x269: {  	[tilespmem:v5+s17+$0x0] =	vst.idx.msk $0xffff, v2  }
0x26a: {  	[tilespmem:v6+s17+$0x0] =	vst.idx.msk $0xffff, v2  }
0x26b: {  	[tilespmem:v7+s17+$0x0] =	vst.idx.msk $0xffff, v2  }
0x26c: {  	[tilespmem:v8+s17+$0x0] =	vst.idx.msk $0xffff, v2  }
0x26d: {  	[tilespmem:v9+s17+$0x0] =	vst.idx.msk $0xffff, v2  }
0x26e: {  	[tilespmem:v10+s17+$0x0] =	vst.idx.msk $0xffff, v2  }
0x26f: {  	[tilespmem:v11+s17+$0x0] =	vst.idx.msk $0xffff, v2  }
0x270: {  	[tilespmem:v12+s17+$0x0] =	vst.idx.msk $0xffff, v2  }
0x271: {  	[tilespmem:v13+s17+$0x0] =	vst.idx.msk $0xffff, v2  }
0x272: {  	[tilespmem:v14+s17+$0x0] =	vst.idx.msk $0xffff, v2  }
0x273: {  	v0 =	vld [tilespmem:$0x1FD60];
	[tilespmem:v15+s17+$0x0] =	vst.idx.msk $0xffff, v2  }
0x274: {  	[tilespmem:v16+s17+$0x0] =	vst.idx.msk $0xffff, v2  }
0x275: {  	[tilespmem:v17+s17+$0x0] =	vst.idx.msk $0xffff, v2  }
0x276: {  	[tilespmem:v18+s17+$0x0] =	vst.idx.msk $0xffff, v2  }
0x277: {  	[tilespmem:v19+s17+$0x0] =	vst.idx.msk $0xffff, v2  }
0x278: {  	[tilespmem:v20+s17+$0x0] =	vst.idx.msk $0xffff, v2  }
0x279: {  	[tilespmem:v21+s17+$0x0] =	vst.idx.msk $0xffff, v2  }
0x27a: {  	[tilespmem:v22+s17+$0x0] =	vst.idx.msk $0xffff, v2  }
0x27b: {  	[tilespmem:v0+s17+$0x0] =	vst.idx.msk $0xffff, v2  }
0x27c: {  	[tilespmem:v24+s17+$0x0] =	vst.idx.msk $0xffff, v2  }
0x27d: {  	[tilespmem:v25+s17+$0x0] =	vst.idx.msk $0xffff, v2  }
0x27e: {  	[tilespmem:v26+s17+$0x0] =	vst.idx.msk $0xffff, v2  }
0x27f: {  	[tilespmem:v27+s17+$0x0] =	vst.idx.msk $0xffff, v2  }
0x280: {  	[tilespmem:v28+s17+$0x0] =	vst.idx.msk $0xffff, v2  }
0x281: {  	[tilespmem:v29+s17+$0x0] =	vst.idx.msk $0xffff, v2  }
0x282: {  	[tilespmem:v30+s17+$0x0] =	vst.idx.msk $0xffff, v2  }
0x283: {  	[tilespmem:v31+s17+$0x0] =	vst.idx.msk $0xffff, v2  }
0x284: {  	[tilespmem:v32+s17+$0x0] =	vst.idx.msk $0xffff, v2  }
0x285: {  	[tilespmem:v33+s17+$0x0] =	vst.idx.msk $0xffff, v2  }
0x286: {  	[tilespmem:v34+s17+$0x0] =	vst.idx.msk $0xffff, v2  }
0x287: {  	[tilespmem:v35+s17+$0x0] =	vst.idx.msk $0xffff, v2  }
0x288: {  	[tilespmem:v36+s17+$0x0] =	vst.idx.msk $0xffff, v2  }
0x289: {  	[tilespmem:v37+s17+$0x0] =	vst.idx.msk $0xffff, v2  }
0x28a: {  	[tilespmem:v38+s17+$0x0] =	vst.idx.msk $0xffff, v2  }
0x28b: {  	[tilespmem:v39+s17+$0x0] =	vst.idx.msk $0xffff, v2  }
0x28c: {  	[tilespmem:v40+s17+$0x0] =	vst.idx.msk $0xffff, v2  }
0x28d: {  	[tilespmem:v41+s17+$0x0] =	vst.idx.msk $0xffff, v2  }
0x28e: {  	[tilespmem:v42+s17+$0x0] =	vst.idx.msk $0xffff, v2  }
0x28f: {  	[tilespmem:v43+s17+$0x0] =	vst.idx.msk $0xffff, v2  }
0x290: {  	[tilespmem:v44+s17+$0x0] =	vst.idx.msk $0xffff, v2  }
0x291: {  	[tilespmem:v45+s17+$0x0] =	vst.idx.msk $0xffff, v2  }
0x292: {  	[tilespmem:v46+s17+$0x0] =	vst.idx.msk $0xffff, v2  }
0x293: {  	[tilespmem:v47+s17+$0x0] =	vst.idx.msk $0xffff, v2  }
0x294: {  	[tilespmem:v48+s17+$0x0] =	vst.idx.msk $0xffff, v2  }
0x295: {  	[tilespmem:v49+s17+$0x0] =	vst.idx.msk $0xffff, v2  }
0x296: {  	[tilespmem:v50+s17+$0x0] =	vst.idx.msk $0xffff, v2  }
0x297: {  	[tilespmem:v51+s17+$0x0] =	vst.idx.msk $0xffff, v2  }
0x298: {  	[tilespmem:v52+s17+$0x0] =	vst.idx.msk $0xffff, v2  }
0x299: {  	[tilespmem:v53+s17+$0x0] =	vst.idx.msk $0xffff, v2  }
0x29a: {  	[tilespmem:v54+s17+$0x0] =	vst.idx.msk $0xffff, v2  }
0x29b: {  	[tilespmem:v55+s17+$0x0] =	vst.idx.msk $0xffff, v2  }
0x29c: {  	v1 =	vld [tilespmem:$0x1FFE0];
	[tilespmem:v56+s17+$0x0] =	vst.idx.msk $0xffff, v2  }
0x29d: {  	v5 =	vld [tilespmem:$0x1FFF0];
	[tilespmem:v57+s17+$0x0] =	vst.idx.msk $0xffff, v2  }
0x29e: {  	[tilespmem:v58+s17+$0x0] =	vst.idx.msk $0xffff, v2  }
0x29f: {  	[tilespmem:v59+s17+$0x0] =	vst.idx.msk $0xffff, v2  }
0x2a0: {  	[tilespmem:v60+s17+$0x0] =	vst.idx.msk $0xffff, v2  }
0x2a1: {  	[tilespmem:v61+s17+$0x0] =	vst.idx.msk $0xffff, v2  }
0x2a2: {  	[tilespmem:v62+s17+$0x0] =	vst.idx.msk $0xffff, v2  }
0x2a3: {  	[tilespmem:v63+s17+$0x0] =	vst.idx.msk $0xffff, v2  }
0x2a4: {  	[tilespmem:v1+s17+$0x0] =	vst.idx.msk $0xffff, v2  }
0x2a5: {  	[tilespmem:v5+s17+$0x0] =	vst.idx.msk $0xffff, v2  }
0x2a6: {  	s29 =	sadd.s32 $0x1000, s29;
	[tilespmem:v3+s17+$0x0] =	vst.idx.msk $0xffff, v2  }
0x2a7: {  	[hbm4b:s29+s3] =	stream.linear.scatter [tilespmem:s17], [sflag:$0x5], $0x8000, $0x38;
	[tilespmem:$0x18080] =	vst v63  }
0x2a8: {  	_ =	swait.ge [sflag:s21], $0x8000  }
0x2a9: {  	[sflag:s21] =	ssyncset.done $0x0  }
0x2aa: {  	s30 =	sadd.s32 s26, s14;
	[sflag:s21] =	ssyncadd.s32 $0xFFFF8000  }
0x2ab: {  	[tilespmem:s3], [sflag:$0x1] =	stream.linear.gather [hbm4b:s30+s3], $0x8000, $0x38;
	[tilespmem:$0x18080] =	vst v63  }
0x2ac: {  	_ =	swait.ge [sflag:s22], $0x8000  }
0x2ad: {  	[sflag:s22] =	ssyncset.done $0x0  }
0x2ae: {  	[sflag:s22] =	ssyncadd.s32 $0xFFFF8000  }
0x2af: {  	[tilespmem:v23+s19+$0x0] =	vst.idx.msk $0xffff, v2  }
0x2b0: {  	v23 =	vmov v4;
	[tilespmem:v4+s19+$0x0] =	vst.idx.msk $0xffff, v2;
	v4 =	vld [tilespmem:$0x1FC00];
	_ =	sdelay $0x7  }
0x2b1: {  	[tilespmem:v4+s19+$0x0] =	vst.idx.msk $0xffff, v2  }
0x2b2: {  	[tilespmem:v6+s19+$0x0] =	vst.idx.msk $0xffff, v2  }
0x2b3: {  	[tilespmem:v7+s19+$0x0] =	vst.idx.msk $0xffff, v2  }
0x2b4: {  	[tilespmem:v8+s19+$0x0] =	vst.idx.msk $0xffff, v2  }
0x2b5: {  	[tilespmem:v9+s19+$0x0] =	vst.idx.msk $0xffff, v2  }
0x2b6: {  	[tilespmem:v10+s19+$0x0] =	vst.idx.msk $0xffff, v2  }
0x2b7: {  	[tilespmem:v11+s19+$0x0] =	vst.idx.msk $0xffff, v2  }
0x2b8: {  	[tilespmem:v12+s19+$0x0] =	vst.idx.msk $0xffff, v2  }
0x2b9: {  	[tilespmem:v13+s19+$0x0] =	vst.idx.msk $0xffff, v2  }
0x2ba: {  	[tilespmem:v14+s19+$0x0] =	vst.idx.msk $0xffff, v2  }
0x2bb: {  	[tilespmem:v15+s19+$0x0] =	vst.idx.msk $0xffff, v2  }
0x2bc: {  	[tilespmem:v16+s19+$0x0] =	vst.idx.msk $0xffff, v2  }
0x2bd: {  	[tilespmem:v17+s19+$0x0] =	vst.idx.msk $0xffff, v2  }
0x2be: {  	[tilespmem:v18+s19+$0x0] =	vst.idx.msk $0xffff, v2  }
0x2bf: {  	[tilespmem:v19+s19+$0x0] =	vst.idx.msk $0xffff, v2  }
0x2c0: {  	[tilespmem:v20+s19+$0x0] =	vst.idx.msk $0xffff, v2  }
0x2c1: {  	[tilespmem:v21+s19+$0x0] =	vst.idx.msk $0xffff, v2  }
0x2c2: {  	[tilespmem:v22+s19+$0x0] =	vst.idx.msk $0xffff, v2  }
0x2c3: {  	[tilespmem:v0+s19+$0x0] =	vst.idx.msk $0xffff, v2  }
0x2c4: {  	[tilespmem:v24+s19+$0x0] =	vst.idx.msk $0xffff, v2  }
0x2c5: {  	[tilespmem:v25+s19+$0x0] =	vst.idx.msk $0xffff, v2  }
0x2c6: {  	[tilespmem:v26+s19+$0x0] =	vst.idx.msk $0xffff, v2  }
0x2c7: {  	[tilespmem:v27+s19+$0x0] =	vst.idx.msk $0xffff, v2  }
0x2c8: {  	[tilespmem:v28+s19+$0x0] =	vst.idx.msk $0xffff, v2  }
0x2c9: {  	[tilespmem:v29+s19+$0x0] =	vst.idx.msk $0xffff, v2  }
0x2ca: {  	[tilespmem:v30+s19+$0x0] =	vst.idx.msk $0xffff, v2  }
0x2cb: {  	[tilespmem:v31+s19+$0x0] =	vst.idx.msk $0xffff, v2  }
0x2cc: {  	[tilespmem:v32+s19+$0x0] =	vst.idx.msk $0xffff, v2  }
0x2cd: {  	[tilespmem:v33+s19+$0x0] =	vst.idx.msk $0xffff, v2  }
0x2ce: {  	[tilespmem:v34+s19+$0x0] =	vst.idx.msk $0xffff, v2  }
0x2cf: {  	[tilespmem:v35+s19+$0x0] =	vst.idx.msk $0xffff, v2  }
0x2d0: {  	[tilespmem:v36+s19+$0x0] =	vst.idx.msk $0xffff, v2  }
0x2d1: {  	[tilespmem:v37+s19+$0x0] =	vst.idx.msk $0xffff, v2  }
0x2d2: {  	[tilespmem:v38+s19+$0x0] =	vst.idx.msk $0xffff, v2  }
0x2d3: {  	[tilespmem:v39+s19+$0x0] =	vst.idx.msk $0xffff, v2  }
0x2d4: {  	[tilespmem:v40+s19+$0x0] =	vst.idx.msk $0xffff, v2  }
0x2d5: {  	[tilespmem:v41+s19+$0x0] =	vst.idx.msk $0xffff, v2  }
0x2d6: {  	[tilespmem:v42+s19+$0x0] =	vst.idx.msk $0xffff, v2  }
0x2d7: {  	[tilespmem:v43+s19+$0x0] =	vst.idx.msk $0xffff, v2  }
0x2d8: {  	[tilespmem:v44+s19+$0x0] =	vst.idx.msk $0xffff, v2  }
0x2d9: {  	[tilespmem:v45+s19+$0x0] =	vst.idx.msk $0xffff, v2  }
0x2da: {  	[tilespmem:v46+s19+$0x0] =	vst.idx.msk $0xffff, v2  }
0x2db: {  	[tilespmem:v47+s19+$0x0] =	vst.idx.msk $0xffff, v2  }
0x2dc: {  	[tilespmem:v48+s19+$0x0] =	vst.idx.msk $0xffff, v2  }
0x2dd: {  	[tilespmem:v49+s19+$0x0] =	vst.idx.msk $0xffff, v2  }
0x2de: {  	[tilespmem:v50+s19+$0x0] =	vst.idx.msk $0xffff, v2  }
0x2df: {  	[tilespmem:v51+s19+$0x0] =	vst.idx.msk $0xffff, v2  }
0x2e0: {  	[tilespmem:v52+s19+$0x0] =	vst.idx.msk $0xffff, v2  }
0x2e1: {  	[tilespmem:v53+s19+$0x0] =	vst.idx.msk $0xffff, v2  }
0x2e2: {  	[tilespmem:v54+s19+$0x0] =	vst.idx.msk $0xffff, v2  }
0x2e3: {  	[tilespmem:v55+s19+$0x0] =	vst.idx.msk $0xffff, v2  }
0x2e4: {  	[tilespmem:v56+s19+$0x0] =	vst.idx.msk $0xffff, v2  }
0x2e5: {  	[tilespmem:v57+s19+$0x0] =	vst.idx.msk $0xffff, v2  }
0x2e6: {  	v3 =	vmov v0;
	v0 =	vld [tilespmem:$0x1FC40];
	[tilespmem:v58+s19+$0x0] =	vst.idx.msk $0xffff, v2  }
0x2e7: {  	[tilespmem:v59+s19+$0x0] =	vst.idx.msk $0xffff, v2  }
0x2e8: {  	[tilespmem:v60+s19+$0x0] =	vst.idx.msk $0xffff, v2  }
0x2e9: {  	[tilespmem:v61+s19+$0x0] =	vst.idx.msk $0xffff, v2  }
0x2ea: {  	[tilespmem:v62+s19+$0x0] =	vst.idx.msk $0xffff, v2  }
0x2eb: {  	[tilespmem:v63+s19+$0x0] =	vst.idx.msk $0xffff, v2  }
0x2ec: {  	[tilespmem:v1+s19+$0x0] =	vst.idx.msk $0xffff, v2  }
0x2ed: {  	s28 =	simm.s32 @p1 $0x2000;
	[tilespmem:v5+s19+$0x0] =	vst.idx.msk $0xffff, v2  }
0x2ee: {  	s31 =	sadd.s32 s28, s7;
	[tilespmem:v0+s19+$0x0] =	vst.idx.msk $0xffff, v2  }
0x2ef: {  	[hbm4b:s31+s3] =	stream.linear.scatter [tilespmem:s19], [sflag:$0x6], $0x8000, $0x38;
	[tilespmem:$0x18080] =	vst v63  }
0x2f0: {  	_ =	swait.ge [sflag:s23], $0x8000  }
0x2f1: {  	[sflag:s23] =	ssyncset.done $0x0  }
0x2f2: {  	[sflag:s23] =	ssyncadd.s32 $0xFFFF8000  }
0x2f3: {  	[tilespmem:s17], [sflag:$0x2] =	stream.linear.gather [hbm4b:s8+s3], $0x8000, $0x38;
	[tilespmem:$0x18080] =	vst v63  }
0x2f4: {  	_ =	swait.ge [sflag:s18], $0x8000  }
0x2f5: {  	v5 =	vld [tilespmem:$0x1FC50];
	_ =	sdelay $0x2  }
0x2f6: {  	v6 =	vmov v1;
	v1 =	vld [tilespmem:$0x1FC10];
	_ =	sdelay $0x2  }
0x2f7: {  	[sflag:s18] =	ssyncset.done $0x0  }
0x2f8: {  	[sflag:s18] =	ssyncadd.s32 $0xFFFF8000  }
0x2f9: {  	[tilespmem:v5+s3+$0x0] =	vst.idx.msk $0xffff, v2  }
0x2fa: {  	[tilespmem:v23+s3+$0x0] =	vst.idx.msk $0xffff, v2  }
0x2fb: {  	[tilespmem:v4+s3+$0x0] =	vst.idx.msk $0xffff, v2  }
0x2fc: {  	[tilespmem:v1+s3+$0x0] =	vst.idx.msk $0xffff, v2  }
0x2fd: {  	[tilespmem:v7+s3+$0x0] =	vst.idx.msk $0xffff, v2  }
0x2fe: {  	[tilespmem:v8+s3+$0x0] =	vst.idx.msk $0xffff, v2  }
0x2ff: {  	[tilespmem:v9+s3+$0x0] =	vst.idx.msk $0xffff, v2  }
0x300: {  	[tilespmem:v10+s3+$0x0] =	vst.idx.msk $0xffff, v2  }
0x301: {  	[tilespmem:v11+s3+$0x0] =	vst.idx.msk $0xffff, v2  }
0x302: {  	[tilespmem:v12+s3+$0x0] =	vst.idx.msk $0xffff, v2  }
0x303: {  	[tilespmem:v13+s3+$0x0] =	vst.idx.msk $0xffff, v2  }
0x304: {  	[tilespmem:v14+s3+$0x0] =	vst.idx.msk $0xffff, v2  }
0x305: {  	[tilespmem:v15+s3+$0x0] =	vst.idx.msk $0xffff, v2  }
0x306: {  	[tilespmem:v16+s3+$0x0] =	vst.idx.msk $0xffff, v2  }
0x307: {  	[tilespmem:v17+s3+$0x0] =	vst.idx.msk $0xffff, v2  }
0x308: {  	[tilespmem:v18+s3+$0x0] =	vst.idx.msk $0xffff, v2  }
0x309: {  	[tilespmem:v19+s3+$0x0] =	vst.idx.msk $0xffff, v2  }
0x30a: {  	[tilespmem:v20+s3+$0x0] =	vst.idx.msk $0xffff, v2  }
0x30b: {  	[tilespmem:v21+s3+$0x0] =	vst.idx.msk $0xffff, v2  }
0x30c: {  	[tilespmem:v22+s3+$0x0] =	vst.idx.msk $0xffff, v2  }
0x30d: {  	[tilespmem:v3+s3+$0x0] =	vst.idx.msk $0xffff, v2  }
0x30e: {  	[tilespmem:v24+s3+$0x0] =	vst.idx.msk $0xffff, v2  }
0x30f: {  	[tilespmem:v25+s3+$0x0] =	vst.idx.msk $0xffff, v2  }
0x310: {  	[tilespmem:v26+s3+$0x0] =	vst.idx.msk $0xffff, v2  }
0x311: {  	[tilespmem:v27+s3+$0x0] =	vst.idx.msk $0xffff, v2  }
0x312: {  	[tilespmem:v28+s3+$0x0] =	vst.idx.msk $0xffff, v2  }
0x313: {  	[tilespmem:v29+s3+$0x0] =	vst.idx.msk $0xffff, v2  }
0x314: {  	[tilespmem:v30+s3+$0x0] =	vst.idx.msk $0xffff, v2  }
0x315: {  	[tilespmem:v31+s3+$0x0] =	vst.idx.msk $0xffff, v2  }
0x316: {  	[tilespmem:v32+s3+$0x0] =	vst.idx.msk $0xffff, v2  }
0x317: {  	[tilespmem:v33+s3+$0x0] =	vst.idx.msk $0xffff, v2  }
0x318: {  	[tilespmem:v34+s3+$0x0] =	vst.idx.msk $0xffff, v2  }
0x319: {  	[tilespmem:v35+s3+$0x0] =	vst.idx.msk $0xffff, v2  }
0x31a: {  	[tilespmem:v36+s3+$0x0] =	vst.idx.msk $0xffff, v2  }
0x31b: {  	[tilespmem:v37+s3+$0x0] =	vst.idx.msk $0xffff, v2  }
0x31c: {  	[tilespmem:v38+s3+$0x0] =	vst.idx.msk $0xffff, v2  }
0x31d: {  	[tilespmem:v39+s3+$0x0] =	vst.idx.msk $0xffff, v2  }
0x31e: {  	[tilespmem:v40+s3+$0x0] =	vst.idx.msk $0xffff, v2  }
0x31f: {  	[tilespmem:v41+s3+$0x0] =	vst.idx.msk $0xffff, v2  }
0x320: {  	[tilespmem:v42+s3+$0x0] =	vst.idx.msk $0xffff, v2  }
0x321: {  	[tilespmem:v43+s3+$0x0] =	vst.idx.msk $0xffff, v2  }
0x322: {  	[tilespmem:v44+s3+$0x0] =	vst.idx.msk $0xffff, v2  }
0x323: {  	[tilespmem:v45+s3+$0x0] =	vst.idx.msk $0xffff, v2  }
0x324: {  	[tilespmem:v46+s3+$0x0] =	vst.idx.msk $0xffff, v2  }
0x325: {  	[tilespmem:v47+s3+$0x0] =	vst.idx.msk $0xffff, v2  }
0x326: {  	[tilespmem:v48+s3+$0x0] =	vst.idx.msk $0xffff, v2  }
0x327: {  	[tilespmem:v49+s3+$0x0] =	vst.idx.msk $0xffff, v2  }
0x328: {  	[tilespmem:v50+s3+$0x0] =	vst.idx.msk $0xffff, v2  }
0x329: {  	[tilespmem:v51+s3+$0x0] =	vst.idx.msk $0xffff, v2  }
0x32a: {  	[tilespmem:v52+s3+$0x0] =	vst.idx.msk $0xffff, v2  }
0x32b: {  	[tilespmem:v53+s3+$0x0] =	vst.idx.msk $0xffff, v2  }
0x32c: {  	[tilespmem:v54+s3+$0x0] =	vst.idx.msk $0xffff, v2  }
0x32d: {  	[tilespmem:v55+s3+$0x0] =	vst.idx.msk $0xffff, v2  }
0x32e: {  	[tilespmem:v56+s3+$0x0] =	vst.idx.msk $0xffff, v2  }
0x32f: {  	v4 =	vld [tilespmem:$0x1FFF0];
	[tilespmem:v57+s3+$0x0] =	vst.idx.msk $0xffff, v2  }
0x330: {  	[tilespmem:v58+s3+$0x0] =	vst.idx.msk $0xffff, v2  }
0x331: {  	[tilespmem:v59+s3+$0x0] =	vst.idx.msk $0xffff, v2  }
0x332: {  	[tilespmem:v60+s3+$0x0] =	vst.idx.msk $0xffff, v2  }
0x333: {  	[tilespmem:v61+s3+$0x0] =	vst.idx.msk $0xffff, v2  }
0x334: {  	[tilespmem:v62+s3+$0x0] =	vst.idx.msk $0xffff, v2  }
0x335: {  	[tilespmem:v63+s3+$0x0] =	vst.idx.msk $0xffff, v2  }
0x336: {  	[tilespmem:v6+s3+$0x0] =	vst.idx.msk $0xffff, v2  }
0x337: {  	[tilespmem:v4+s3+$0x0] =	vst.idx.msk $0xffff, v2  }
0x338: {  	[tilespmem:v0+s3+$0x0] =	vst.idx.msk $0xffff, v2  }
0x339: {  	[hbm4b:s9+s3] =	stream.linear.scatter [tilespmem:s3], [sflag:$0x4], $0x8000, $0x38;
	[tilespmem:$0x18080] =	vst v63  }
0x33a: {  	_ =	swait.ge [sflag:s20], $0x8000  }
0x33b: {  	[sflag:s20] =	ssyncset.done $0x0  }
0x33c: {  	[sflag:s20] =	ssyncadd.s32 $0xFFFF8000  }
0x33d: {  	[tilespmem:v5+s17+$0x0] =	vst.idx.msk $0xffff, v2  }
0x33e: {  	[tilespmem:v23+s17+$0x0] =	vst.idx.msk $0xffff, v2;
	v23 =	vld [tilespmem:$0x1FC00];
	_ =	sdelay $0x7  }
0x33f: {  	[tilespmem:v23+s17+$0x0] =	vst.idx.msk $0xffff, v2  }
0x340: {  	[tilespmem:v1+s17+$0x0] =	vst.idx.msk $0xffff, v2  }
0x341: {  	[tilespmem:v7+s17+$0x0] =	vst.idx.msk $0xffff, v2  }
0x342: {  	[tilespmem:v8+s17+$0x0] =	vst.idx.msk $0xffff, v2  }
0x343: {  	[tilespmem:v9+s17+$0x0] =	vst.idx.msk $0xffff, v2  }
0x344: {  	[tilespmem:v10+s17+$0x0] =	vst.idx.msk $0xffff, v2  }
0x345: {  	[tilespmem:v11+s17+$0x0] =	vst.idx.msk $0xffff, v2  }
0x346: {  	[tilespmem:v12+s17+$0x0] =	vst.idx.msk $0xffff, v2  }
0x347: {  	[tilespmem:v13+s17+$0x0] =	vst.idx.msk $0xffff, v2  }
0x348: {  	[tilespmem:v14+s17+$0x0] =	vst.idx.msk $0xffff, v2  }
0x349: {  	[tilespmem:v15+s17+$0x0] =	vst.idx.msk $0xffff, v2  }
0x34a: {  	[tilespmem:v16+s17+$0x0] =	vst.idx.msk $0xffff, v2  }
0x34b: {  	[tilespmem:v17+s17+$0x0] =	vst.idx.msk $0xffff, v2  }
0x34c: {  	[tilespmem:v18+s17+$0x0] =	vst.idx.msk $0xffff, v2  }
0x34d: {  	[tilespmem:v19+s17+$0x0] =	vst.idx.msk $0xffff, v2  }
0x34e: {  	[tilespmem:v20+s17+$0x0] =	vst.idx.msk $0xffff, v2  }
0x34f: {  	[tilespmem:v21+s17+$0x0] =	vst.idx.msk $0xffff, v2  }
0x350: {  	[tilespmem:v22+s17+$0x0] =	vst.idx.msk $0xffff, v2  }
0x351: {  	[tilespmem:v3+s17+$0x0] =	vst.idx.msk $0xffff, v2  }
0x352: {  	[tilespmem:v24+s17+$0x0] =	vst.idx.msk $0xffff, v2  }
0x353: {  	[tilespmem:v25+s17+$0x0] =	vst.idx.msk $0xffff, v2  }
0x354: {  	[tilespmem:v26+s17+$0x0] =	vst.idx.msk $0xffff, v2  }
0x355: {  	[tilespmem:v27+s17+$0x0] =	vst.idx.msk $0xffff, v2  }
0x356: {  	[tilespmem:v28+s17+$0x0] =	vst.idx.msk $0xffff, v2  }
0x357: {  	[tilespmem:v29+s17+$0x0] =	vst.idx.msk $0xffff, v2  }
0x358: {  	[tilespmem:v30+s17+$0x0] =	vst.idx.msk $0xffff, v2  }
0x359: {  	[tilespmem:v31+s17+$0x0] =	vst.idx.msk $0xffff, v2  }
0x35a: {  	[tilespmem:v32+s17+$0x0] =	vst.idx.msk $0xffff, v2  }
0x35b: {  	[tilespmem:v33+s17+$0x0] =	vst.idx.msk $0xffff, v2  }
0x35c: {  	[tilespmem:v34+s17+$0x0] =	vst.idx.msk $0xffff, v2  }
0x35d: {  	[tilespmem:v35+s17+$0x0] =	vst.idx.msk $0xffff, v2  }
0x35e: {  	[tilespmem:v36+s17+$0x0] =	vst.idx.msk $0xffff, v2  }
0x35f: {  	[tilespmem:v37+s17+$0x0] =	vst.idx.msk $0xffff, v2  }
0x360: {  	[tilespmem:v38+s17+$0x0] =	vst.idx.msk $0xffff, v2  }
0x361: {  	[tilespmem:v39+s17+$0x0] =	vst.idx.msk $0xffff, v2  }
0x362: {  	[tilespmem:v40+s17+$0x0] =	vst.idx.msk $0xffff, v2  }
0x363: {  	[tilespmem:v41+s17+$0x0] =	vst.idx.msk $0xffff, v2  }
0x364: {  	[tilespmem:v42+s17+$0x0] =	vst.idx.msk $0xffff, v2  }
0x365: {  	[tilespmem:v43+s17+$0x0] =	vst.idx.msk $0xffff, v2  }
0x366: {  	[tilespmem:v44+s17+$0x0] =	vst.idx.msk $0xffff, v2  }
0x367: {  	[tilespmem:v45+s17+$0x0] =	vst.idx.msk $0xffff, v2  }
0x368: {  	[tilespmem:v46+s17+$0x0] =	vst.idx.msk $0xffff, v2  }
0x369: {  	[tilespmem:v47+s17+$0x0] =	vst.idx.msk $0xffff, v2  }
0x36a: {  	[tilespmem:v48+s17+$0x0] =	vst.idx.msk $0xffff, v2  }
0x36b: {  	[tilespmem:v49+s17+$0x0] =	vst.idx.msk $0xffff, v2  }
0x36c: {  	[tilespmem:v50+s17+$0x0] =	vst.idx.msk $0xffff, v2  }
0x36d: {  	[tilespmem:v51+s17+$0x0] =	vst.idx.msk $0xffff, v2  }
0x36e: {  	[tilespmem:v52+s17+$0x0] =	vst.idx.msk $0xffff, v2  }
0x36f: {  	[tilespmem:v53+s17+$0x0] =	vst.idx.msk $0xffff, v2  }
0x370: {  	[tilespmem:v54+s17+$0x0] =	vst.idx.msk $0xffff, v2  }
0x371: {  	[tilespmem:v55+s17+$0x0] =	vst.idx.msk $0xffff, v2  }
0x372: {  	[tilespmem:v56+s17+$0x0] =	vst.idx.msk $0xffff, v2  }
0x373: {  	[tilespmem:v57+s17+$0x0] =	vst.idx.msk $0xffff, v2  }
0x374: {  	[tilespmem:v58+s17+$0x0] =	vst.idx.msk $0xffff, v2  }
0x375: {  	[tilespmem:v59+s17+$0x0] =	vst.idx.msk $0xffff, v2  }
0x376: {  	[tilespmem:v60+s17+$0x0] =	vst.idx.msk $0xffff, v2  }
0x377: {  	[tilespmem:v61+s17+$0x0] =	vst.idx.msk $0xffff, v2  }
0x378: {  	[tilespmem:v62+s17+$0x0] =	vst.idx.msk $0xffff, v2  }
0x379: {  	[tilespmem:v63+s17+$0x0] =	vst.idx.msk $0xffff, v2  }
0x37a: {  	[tilespmem:v6+s17+$0x0] =	vst.idx.msk $0xffff, v2  }
0x37b: {  	[tilespmem:v4+s17+$0x0] =	vst.idx.msk $0xffff, v2  }
0x37c: {  	[tilespmem:v0+s17+$0x0] =	vst.idx.msk $0xffff, v2  }
0x37d: {  	[hbm4b:s10+s3] =	stream.linear.scatter [tilespmem:s17], [sflag:$0x5], $0x8000, $0x38;
	[tilespmem:$0x18080] =	vst v63  }
0x37e: {  	_ =	swait.ge [sflag:s21], $0x8000  }
0x37f: {  	[sflag:s21] =	ssyncset.done $0x0  }
0x380: {  	s25 =	sadd.s32 $0x1, s25;
	[sflag:s21] =	ssyncadd.s32 $0xFFFF8000  }
0x381: {  	p0 =	sne.s32 s25, s11;
	_ =	swait.ge [sflag:s23], $0x8000  }
.Ltmp1:
0x382: {  	[sflag:s23] =	ssyncset.done $0x0;
	(pc) =	sbr.rel @p0 .LBB2_1-.Ltmp1, $4  }
0x383: {  	[sflag:s23] =	ssyncadd.s32 $0xFFFF8000  }
0x384: {  	_ =	swait.ge [sflag:s24], $0x8000  }
0x385: {  	[sflag:s24] =	ssyncset.done $0x0  }
0x386: {  	[sflag:s24] =	ssyncadd.s32 $0xFFFF8000  }
0x387: {  	_ =	sfence.sel $0x180000  }
0x388: {  	[bflag:$0x0] =	sbarrier.arrive $0xFFFF  }
0x389: {  	_ =	strace $0x90000047  }
0x38a: {  	s0 =	stileid.u32;
	[bflag:$0x2] =	sbarrier.arrive $0xFFFF  }
0x38b: {  	p0 =	sne.s32 s0, $0x0;
	s0 =	rddreg [dreg:$0x3]  }
0x38c: {  	s0 =	sadd.s32 @!p0 $0x100000, s0  }
0x38d: {  	[sflag:s0] =	ssyncadd.tile.s32 @!p0 $0x1;
	_ =	shalt  }
.Lfunc_end2:
_tile_overlayer_lowered:
.L_overlay_start_2:
0x38e: {  	(tag) =	ssettag $0x2  }
0x38f: {  	s0 =	rddreg [dreg:$0x0];
	s2 =	stileid.u32  }
0x390: {  	s1 =	rddreg [dreg:$0x1];
	p0 =	sne.s32 s2, $0x0  }
0x391: {  	s3 =	rddreg [dreg:$0x2];
	[bflag:$0x3] =	sbarrier.arrive $0xFFFF;
	s2 =	simm.s32 @!p0 $0x1C07  }
0x392: {  	[timem:s3], [sflag:s2] =	dma.local @!p0 [hbm:s0], s1  }
0x393: {  	s0 =	simm.s32 @!p0 $0x7  }
0x394: {  	_ =	swait.ge @!p0 [sflag:s0], s1  }
0x395: {  	s1 =	ssub.s32 @!p0 $0x0, s1;
	[sflag:s0] =	ssyncset.done @!p0 $0x0  }
0x396: {  	[sflag:s0] =	ssyncadd.s32 @!p0 s1  }
0x397: {  	[bflag:$0x3] =	sbarrier.arrive $0xFFFF  }
0x398: {  	_ =	shalt  }

</sc_bundles>
